<compile_context>
chip_gen: v7x
topology: tpu7x:2x2x1
jax: 0.10.2.dev20260603
libtpu: 0.0.44.dev20260713+nightly
codegen_flags: <defaults>
</compile_context>

<pallas_src>
import functools

import jax
import jax.numpy as jnp
from jax import lax
from jax.experimental import pallas as pl
from jax.experimental.pallas import tpu as pltpu
from jax.experimental.pallas import tpu_sc as plsc

DIM = 64
LANES = 16
NC, NS = 2, 16
NW = NC * NS
C = 128

def _rsqrt(x):
    i = plsc.bitcast(x, jnp.int32)
    i = jnp.full((LANES,), 0x5F3759DF, jnp.int32) - lax.shift_right_logical(i, 1)
    y = plsc.bitcast(i, jnp.float32)
    for _ in range(3):
        y = y * (1.5 - 0.5 * x * y * y)
    return y


def _score_pass(h_rows, t_rows, r_rows, out_ref, out_base):
    def group_body(g, carry):
        rows = g * LANES + lax.iota(jnp.int32, LANES)
        zero = jnp.zeros((LANES,), jnp.float32)
        hh = zero; tt = zero; rr = zero
        hr = zero; ht = zero; rt = zero
        for d in range(DIM):
            col = jnp.full((LANES,), d, jnp.int32)
            hv = plsc.load_gather(h_rows, [rows, col])
            tv = plsc.load_gather(t_rows, [rows, col])
            rv = plsc.load_gather(r_rows, [rows, col])
            hh = hh + hv * hv
            tt = tt + tv * tv
            rr = rr + rv * rv
            hr = hr + hv * rv
            ht = ht + hv * tv
            rt = rt + rv * tv
        ih = _rsqrt(jnp.maximum(hh, 1e-24))
        it = _rsqrt(jnp.maximum(tt, 1e-24))
        g2 = ((hh * ih) * ih + rr + (tt * it) * it
              + 2.0 * ((hr * ih) - (ht * ih) * it - (rt * it)))
        g2 = jnp.maximum(g2, 0.0)
        res = g2 * _rsqrt(jnp.maximum(g2, 1e-24))
        out_ref[pl.ds(out_base + g * LANES, LANES)] = -res
        return carry

    lax.fori_loop(0, C // LANES, group_body, jnp.int32(0))


def _make_sc_call(batch):
    assert batch % NW == 0
    pw = batch // NW
    assert pw % C == 0
    n_chunks = pw // C
    mesh = plsc.VectorSubcoreMesh(core_axis_name="c", subcore_axis_name="s")

    @functools.partial(
        pl.kernel,
        mesh=mesh,
        compiler_params=pltpu.CompilerParams(
            use_tc_tiling_on_sc=False, needs_layout_passes=False),
        out_type=(
            jax.ShapeDtypeStruct((batch,), jnp.float32),
            jax.ShapeDtypeStruct((batch,), jnp.float32),
        ),
        scratch_types=[
            pltpu.VMEM((pw,), jnp.int32),
            pltpu.VMEM((pw,), jnp.int32),
            pltpu.VMEM((pw,), jnp.int32),
            pltpu.VMEM((pw,), jnp.int32),
            pltpu.VMEM((pw,), jnp.int32),
            pltpu.VMEM((C, DIM), jnp.float32),
            pltpu.VMEM((C, DIM), jnp.float32),
            pltpu.VMEM((C, DIM), jnp.float32),
            pltpu.VMEM((C, DIM), jnp.float32),
            pltpu.VMEM((C, DIM), jnp.float32),
            pltpu.VMEM((pw,), jnp.float32),
            pltpu.VMEM((pw,), jnp.float32),
            pltpu.SemaphoreType.DMA,
            pltpu.SemaphoreType.DMA,
        ],
    )
    def sc_call(heads, tails, nheads, ntails, rels, ent, rel_emb,
                out_g, out_n,
                hidx, tidx, nhidx, ntidx, ridx,
                h_rows, t_rows, r_rows, nh_rows, nt_rows,
                og, on, sem_a, sem_b):
        wid = lax.axis_index("s") * NC + lax.axis_index("c")
        base = pl.multiple_of(wid * pw, pw)
        pltpu.sync_copy(heads.at[pl.ds(base, pw)], hidx)
        pltpu.sync_copy(tails.at[pl.ds(base, pw)], tidx)
        pltpu.sync_copy(nheads.at[pl.ds(base, pw)], nhidx)
        pltpu.sync_copy(ntails.at[pl.ds(base, pw)], ntidx)
        pltpu.sync_copy(rels.at[pl.ds(base, pw)], ridx)

        def chunk_body(ch, carry):
            off = pl.multiple_of(ch * C, C)
            a1 = pltpu.async_copy(ent.at[hidx.at[pl.ds(off, C)]], h_rows, sem_a)
            a2 = pltpu.async_copy(ent.at[tidx.at[pl.ds(off, C)]], t_rows, sem_a)
            a3 = pltpu.async_copy(rel_emb.at[ridx.at[pl.ds(off, C)]], r_rows, sem_a)
            a4 = pltpu.async_copy(ent.at[nhidx.at[pl.ds(off, C)]], nh_rows, sem_b)
            a5 = pltpu.async_copy(ent.at[ntidx.at[pl.ds(off, C)]], nt_rows, sem_b)
            a1.wait()
            a2.wait()
            a3.wait()
            _score_pass(h_rows, t_rows, r_rows, og, off)
            a4.wait()
            a5.wait()
            _score_pass(nh_rows, nt_rows, r_rows, on, off)
            return carry

        lax.fori_loop(0, n_chunks, chunk_body, jnp.int32(0))
        pltpu.sync_copy(og, out_g.at[pl.ds(base, pw)])
        pltpu.sync_copy(on, out_n.at[pl.ds(base, pw)])

    return sc_call


def kernel(heads, tails, negative_heads, negative_tails, relations,
           entity_embeddings, relation_embeddings):
    batch = heads.shape[0]
    sc_call = _make_sc_call(batch)
    return sc_call(heads, tails, negative_heads, negative_tails, relations,
                   entity_embeddings, relation_embeddings)

# --- scband reference (transcript-rebuilt; emitter-appended) ---
"""Pipeline reference for scband-trans-dmodel-16415365005433 (READ-ONLY COPY).

The authoritative reference and input builder live on the scoring server;
editing this copy changes nothing except your own understanding.
"""

import jax, jax.numpy as jnp
import numpy as np

N_ENT = 1000000
N_REL = 1000
DIM = 64
BATCH = 16384


def _l2_normalize(x, eps=1e-12):
    n = jnp.linalg.norm(x, ord=2, axis=1, keepdims=True)
    return x / jnp.maximum(n, eps)


def _xavier_uniform(key, shape):
    fan_in, fan_out = shape[0], shape[1]
    bound = np.sqrt(6.0 / (fan_in + fan_out))
    return jax.random.uniform(key, shape, dtype=jnp.float32, minval=-bound, maxval=bound)


def setup_inputs(seed: int = 0) -> dict:
    key = jax.random.key(seed)
    k1, k2, k3, k4, k5, k6, k7 = jax.random.split(key, 7)
    heads = jax.random.randint(k1, (BATCH,), 0, N_ENT, dtype=jnp.int64 if jax.config.jax_enable_x64 else jnp.int32).astype(jnp.int32)
    tails = jax.random.randint(k2, (BATCH,), 0, N_ENT).astype(jnp.int32)
    negative_heads = jax.random.randint(k3, (BATCH,), 0, N_ENT).astype(jnp.int32)
    negative_tails = jax.random.randint(k4, (BATCH,), 0, N_ENT).astype(jnp.int32)
    relations = jax.random.randint(k5, (BATCH,), 0, N_REL).astype(jnp.int32)
    # Learned parameters: xavier-uniform init then L2-normalized rows (as in __init__)
    entity_embeddings = _l2_normalize(_xavier_uniform(k6, (N_ENT, DIM)))
    relation_embeddings = _l2_normalize(_xavier_uniform(k7, (N_REL, DIM)))
    return {
        'heads': heads,
        'tails': tails,
        'negative_heads': negative_heads,
        'negative_tails': negative_tails,
        'relations': relations,
        'entity_embeddings': entity_embeddings,
        'relation_embeddings': relation_embeddings,
    }


def _dissimilarity_l2(a, b):
    return jnp.linalg.norm(a - b, ord=2, axis=1)


def reference(heads, tails, negative_heads, negative_tails, relations,
              entity_embeddings, relation_embeddings):
    # recover_project_normalize: gather + row-wise L2 normalize
    h_emb = _l2_normalize(jnp.take(entity_embeddings, heads, axis=0))
    t_emb = _l2_normalize(jnp.take(entity_embeddings, tails, axis=0))
    n_h_emb = _l2_normalize(jnp.take(entity_embeddings, negative_heads, axis=0))
    n_t_emb = _l2_normalize(jnp.take(entity_embeddings, negative_tails, axis=0))
    r_emb = jnp.take(relation_embeddings, relations, axis=0)
    golden_triplets = _dissimilarity_l2(h_emb + r_emb, t_emb)
    negative_triplets = _dissimilarity_l2(n_h_emb + r_emb, n_t_emb)
    return (-golden_triplets, -negative_triplets)

if __name__ == "__main__":
    import jax
    _d = setup_inputs()
    print(jax.jit(kernel)(*tuple(_d.values())))

</pallas_src>

<mosaic_0001>
#map = affine_map<(d0, d1) -> (0)>
#map1 = affine_map<(d0, d1) -> (0, 0)>
module attributes {stable_mosaic.version = 14 : i64} {
  func.func @sc_call(%arg0: i32, %arg1: i32, %arg2: memref<16384xi32, #tpu.memory_space<hbm>>, %arg3: memref<16384xi32, #tpu.memory_space<hbm>>, %arg4: memref<16384xi32, #tpu.memory_space<hbm>>, %arg5: memref<16384xi32, #tpu.memory_space<hbm>>, %arg6: memref<16384xi32, #tpu.memory_space<hbm>>, %arg7: memref<1000000x64xf32, #tpu.memory_space<hbm>>, %arg8: memref<1000x64xf32, #tpu.memory_space<hbm>>, %arg9: memref<16384xf32, #tpu.memory_space<hbm>>, %arg10: memref<16384xf32, #tpu.memory_space<hbm>>, %arg11: memref<512xi32, #tpu.memory_space<vmem>>, %arg12: memref<512xi32, #tpu.memory_space<vmem>>, %arg13: memref<512xi32, #tpu.memory_space<vmem>>, %arg14: memref<512xi32, #tpu.memory_space<vmem>>, %arg15: memref<512xi32, #tpu.memory_space<vmem>>, %arg16: memref<128x64xf32, #tpu.memory_space<vmem>>, %arg17: memref<128x64xf32, #tpu.memory_space<vmem>>, %arg18: memref<128x64xf32, #tpu.memory_space<vmem>>, %arg19: memref<128x64xf32, #tpu.memory_space<vmem>>, %arg20: memref<128x64xf32, #tpu.memory_space<vmem>>, %arg21: memref<512xf32, #tpu.memory_space<vmem>>, %arg22: memref<512xf32, #tpu.memory_space<vmem>>, %arg23: memref<!tpu.dma_semaphore, #tpu.memory_space<semaphore_mem>>, %arg24: memref<!tpu.dma_semaphore, #tpu.memory_space<semaphore_mem>>) attributes {dimension_semantics = [#tpu.dimension_semantics<core_parallel>, #tpu.dimension_semantics<subcore_parallel>], iteration_bounds = array<i64: 2, 16>, scalar_prefetch = 0 : i64, scratch_operands = 14 : i64, tpu.core_type = #tpu.core_type<sc_vector_subcore>, window_params = [{transform_indices = #map}, {transform_indices = #map}, {transform_indices = #map}, {transform_indices = #map}, {transform_indices = #map}, {transform_indices = #map1}, {transform_indices = #map1}, {transform_indices = #map}, {transform_indices = #map}]} {
    %mul3A = arith.constant 2 : i32
    %mul3A_0 = arith.muli %arg1, %mul3A : i32
    %add3A = arith.addi %mul3A_0, %arg0 : i32
    %mul3A_1 = arith.constant 512 : i32
    %mul3A_2 = arith.muli %add3A, %mul3A_1 : i32
    %multiple_of3A = tpu.assume_multiple %mul3A_2, 512 : i32
    "tpu.region"() ({
      %run_scoped3A = tpu.sem_alloc : memref<!tpu.dma_semaphore, #tpu.memory_space<semaphore_mem>>
      %dma_start3A = tpu.memref_slice %arg2[%multiple_of3A] : memref<16384xi32, #tpu.memory_space<hbm>> -> memref<512xi32, #tpu.memory_space<hbm>>
      %dma_start3A_8 = tpu.memref_slice %arg2[%multiple_of3A] : memref<16384xi32, #tpu.memory_space<hbm>> -> memref<512xi32, #tpu.memory_space<hbm>>
      tpu.enqueue_dma source(%dma_start3A_8 : memref<512xi32, #tpu.memory_space<hbm>>) target(%arg11 : memref<512xi32, #tpu.memory_space<vmem>>) target_semaphore(%run_scoped3A : memref<!tpu.dma_semaphore, #tpu.memory_space<semaphore_mem>>)
      %dma_wait3A = tpu.memref_slice %arg2[%multiple_of3A] : memref<16384xi32, #tpu.memory_space<hbm>> -> memref<512xi32, #tpu.memory_space<hbm>>
      %dma_wait3A_9 = tpu.memref_slice %arg2[%multiple_of3A] : memref<16384xi32, #tpu.memory_space<hbm>> -> memref<512xi32, #tpu.memory_space<hbm>>
      tpu.wait_dma2 semaphore(%run_scoped3A : memref<!tpu.dma_semaphore, #tpu.memory_space<semaphore_mem>>) src(%dma_wait3A_9 : memref<512xi32, #tpu.memory_space<hbm>>) dst(%arg11 : memref<512xi32, #tpu.memory_space<vmem>>)
      tpu.yield
    }) : () -> ()
    "tpu.region"() ({
      %run_scoped3A = tpu.sem_alloc : memref<!tpu.dma_semaphore, #tpu.memory_space<semaphore_mem>>
      %dma_start3A = tpu.memref_slice %arg3[%multiple_of3A] : memref<16384xi32, #tpu.memory_space<hbm>> -> memref<512xi32, #tpu.memory_space<hbm>>
      %dma_start3A_8 = tpu.memref_slice %arg3[%multiple_of3A] : memref<16384xi32, #tpu.memory_space<hbm>> -> memref<512xi32, #tpu.memory_space<hbm>>
      tpu.enqueue_dma source(%dma_start3A_8 : memref<512xi32, #tpu.memory_space<hbm>>) target(%arg12 : memref<512xi32, #tpu.memory_space<vmem>>) target_semaphore(%run_scoped3A : memref<!tpu.dma_semaphore, #tpu.memory_space<semaphore_mem>>)
      %dma_wait3A = tpu.memref_slice %arg3[%multiple_of3A] : memref<16384xi32, #tpu.memory_space<hbm>> -> memref<512xi32, #tpu.memory_space<hbm>>
      %dma_wait3A_9 = tpu.memref_slice %arg3[%multiple_of3A] : memref<16384xi32, #tpu.memory_space<hbm>> -> memref<512xi32, #tpu.memory_space<hbm>>
      tpu.wait_dma2 semaphore(%run_scoped3A : memref<!tpu.dma_semaphore, #tpu.memory_space<semaphore_mem>>) src(%dma_wait3A_9 : memref<512xi32, #tpu.memory_space<hbm>>) dst(%arg12 : memref<512xi32, #tpu.memory_space<vmem>>)
      tpu.yield
    }) : () -> ()
    "tpu.region"() ({
      %run_scoped3A = tpu.sem_alloc : memref<!tpu.dma_semaphore, #tpu.memory_space<semaphore_mem>>
      %dma_start3A = tpu.memref_slice %arg4[%multiple_of3A] : memref<16384xi32, #tpu.memory_space<hbm>> -> memref<512xi32, #tpu.memory_space<hbm>>
      %dma_start3A_8 = tpu.memref_slice %arg4[%multiple_of3A] : memref<16384xi32, #tpu.memory_space<hbm>> -> memref<512xi32, #tpu.memory_space<hbm>>
      tpu.enqueue_dma source(%dma_start3A_8 : memref<512xi32, #tpu.memory_space<hbm>>) target(%arg13 : memref<512xi32, #tpu.memory_space<vmem>>) target_semaphore(%run_scoped3A : memref<!tpu.dma_semaphore, #tpu.memory_space<semaphore_mem>>)
      %dma_wait3A = tpu.memref_slice %arg4[%multiple_of3A] : memref<16384xi32, #tpu.memory_space<hbm>> -> memref<512xi32, #tpu.memory_space<hbm>>
      %dma_wait3A_9 = tpu.memref_slice %arg4[%multiple_of3A] : memref<16384xi32, #tpu.memory_space<hbm>> -> memref<512xi32, #tpu.memory_space<hbm>>
      tpu.wait_dma2 semaphore(%run_scoped3A : memref<!tpu.dma_semaphore, #tpu.memory_space<semaphore_mem>>) src(%dma_wait3A_9 : memref<512xi32, #tpu.memory_space<hbm>>) dst(%arg13 : memref<512xi32, #tpu.memory_space<vmem>>)
      tpu.yield
    }) : () -> ()
    "tpu.region"() ({
      %run_scoped3A = tpu.sem_alloc : memref<!tpu.dma_semaphore, #tpu.memory_space<semaphore_mem>>
      %dma_start3A = tpu.memref_slice %arg5[%multiple_of3A] : memref<16384xi32, #tpu.memory_space<hbm>> -> memref<512xi32, #tpu.memory_space<hbm>>
      %dma_start3A_8 = tpu.memref_slice %arg5[%multiple_of3A] : memref<16384xi32, #tpu.memory_space<hbm>> -> memref<512xi32, #tpu.memory_space<hbm>>
      tpu.enqueue_dma source(%dma_start3A_8 : memref<512xi32, #tpu.memory_space<hbm>>) target(%arg14 : memref<512xi32, #tpu.memory_space<vmem>>) target_semaphore(%run_scoped3A : memref<!tpu.dma_semaphore, #tpu.memory_space<semaphore_mem>>)
      %dma_wait3A = tpu.memref_slice %arg5[%multiple_of3A] : memref<16384xi32, #tpu.memory_space<hbm>> -> memref<512xi32, #tpu.memory_space<hbm>>
      %dma_wait3A_9 = tpu.memref_slice %arg5[%multiple_of3A] : memref<16384xi32, #tpu.memory_space<hbm>> -> memref<512xi32, #tpu.memory_space<hbm>>
      tpu.wait_dma2 semaphore(%run_scoped3A : memref<!tpu.dma_semaphore, #tpu.memory_space<semaphore_mem>>) src(%dma_wait3A_9 : memref<512xi32, #tpu.memory_space<hbm>>) dst(%arg14 : memref<512xi32, #tpu.memory_space<vmem>>)
      tpu.yield
    }) : () -> ()
    "tpu.region"() ({
      %run_scoped3A = tpu.sem_alloc : memref<!tpu.dma_semaphore, #tpu.memory_space<semaphore_mem>>
      %dma_start3A = tpu.memref_slice %arg6[%multiple_of3A] : memref<16384xi32, #tpu.memory_space<hbm>> -> memref<512xi32, #tpu.memory_space<hbm>>
      %dma_start3A_8 = tpu.memref_slice %arg6[%multiple_of3A] : memref<16384xi32, #tpu.memory_space<hbm>> -> memref<512xi32, #tpu.memory_space<hbm>>
      tpu.enqueue_dma source(%dma_start3A_8 : memref<512xi32, #tpu.memory_space<hbm>>) target(%arg15 : memref<512xi32, #tpu.memory_space<vmem>>) target_semaphore(%run_scoped3A : memref<!tpu.dma_semaphore, #tpu.memory_space<semaphore_mem>>)
      %dma_wait3A = tpu.memref_slice %arg6[%multiple_of3A] : memref<16384xi32, #tpu.memory_space<hbm>> -> memref<512xi32, #tpu.memory_space<hbm>>
      %dma_wait3A_9 = tpu.memref_slice %arg6[%multiple_of3A] : memref<16384xi32, #tpu.memory_space<hbm>> -> memref<512xi32, #tpu.memory_space<hbm>>
      tpu.wait_dma2 semaphore(%run_scoped3A : memref<!tpu.dma_semaphore, #tpu.memory_space<semaphore_mem>>) src(%dma_wait3A_9 : memref<512xi32, #tpu.memory_space<hbm>>) dst(%arg15 : memref<512xi32, #tpu.memory_space<vmem>>)
      tpu.yield
    }) : () -> ()
    %scan3A = arith.constant 0 : i32
    %scan3A_3 = arith.constant 0 : i32
    %scan3A_4 = arith.constant 4 : i32
    %scan3A_5 = arith.addi %scan3A_3, %scan3A_4 : i32
    %scan3A_6 = arith.constant 1 : i32
    scf.for %scan3A_8 = %scan3A_3 to %scan3A_5 step %scan3A_6  : i32 {
      %mul3A_9 = arith.constant 128 : i32
      %mul3A_10 = arith.muli %scan3A_8, %mul3A_9 : i32
      %multiple_of3A_11 = tpu.assume_multiple %mul3A_10, 128 : i32
      %dma_start3A = tpu.memref_slice %arg11[%multiple_of3A_11] : memref<512xi32, #tpu.memory_space<vmem>> -> memref<128xi32, #tpu.memory_space<vmem>>
      %dma_start3A_12 = arith.constant 0 : i32
      %dma_start3A_13 = arith.constant 0 : i32
      %dma_start3A_14 = tpu.memref_slice %arg7[%dma_start3A_12, %dma_start3A_13] : memref<1000000x64xf32, #tpu.memory_space<hbm>> -> memref<1000000x64xf32, #tpu.memory_space<hbm>>
      tpu.enqueue_indirect_dma source(%dma_start3A_14 : memref<1000000x64xf32, #tpu.memory_space<hbm>>) target(%arg16 : memref<128x64xf32, #tpu.memory_space<vmem>>) offsets(%dma_start3A : memref<128xi32, #tpu.memory_space<vmem>>) semaphore(%arg23 : memref<!tpu.dma_semaphore, #tpu.memory_space<semaphore_mem>>)
      %dma_start3A_15 = tpu.memref_slice %arg12[%multiple_of3A_11] : memref<512xi32, #tpu.memory_space<vmem>> -> memref<128xi32, #tpu.memory_space<vmem>>
      %dma_start3A_16 = arith.constant 0 : i32
      %dma_start3A_17 = arith.constant 0 : i32
      %dma_start3A_18 = tpu.memref_slice %arg7[%dma_start3A_16, %dma_start3A_17] : memref<1000000x64xf32, #tpu.memory_space<hbm>> -> memref<1000000x64xf32, #tpu.memory_space<hbm>>
      tpu.enqueue_indirect_dma source(%dma_start3A_18 : memref<1000000x64xf32, #tpu.memory_space<hbm>>) target(%arg17 : memref<128x64xf32, #tpu.memory_space<vmem>>) offsets(%dma_start3A_15 : memref<128xi32, #tpu.memory_space<vmem>>) semaphore(%arg23 : memref<!tpu.dma_semaphore, #tpu.memory_space<semaphore_mem>>)
      %dma_start3A_19 = tpu.memref_slice %arg15[%multiple_of3A_11] : memref<512xi32, #tpu.memory_space<vmem>> -> memref<128xi32, #tpu.memory_space<vmem>>
      %dma_start3A_20 = arith.constant 0 : i32
      %dma_start3A_21 = arith.constant 0 : i32
      %dma_start3A_22 = tpu.memref_slice %arg8[%dma_start3A_20, %dma_start3A_21] : memref<1000x64xf32, #tpu.memory_space<hbm>> -> memref<1000x64xf32, #tpu.memory_space<hbm>>
      tpu.enqueue_indirect_dma source(%dma_start3A_22 : memref<1000x64xf32, #tpu.memory_space<hbm>>) target(%arg18 : memref<128x64xf32, #tpu.memory_space<vmem>>) offsets(%dma_start3A_19 : memref<128xi32, #tpu.memory_space<vmem>>) semaphore(%arg23 : memref<!tpu.dma_semaphore, #tpu.memory_space<semaphore_mem>>)
      %dma_start3A_23 = tpu.memref_slice %arg13[%multiple_of3A_11] : memref<512xi32, #tpu.memory_space<vmem>> -> memref<128xi32, #tpu.memory_space<vmem>>
      %dma_start3A_24 = arith.constant 0 : i32
      %dma_start3A_25 = arith.constant 0 : i32
      %dma_start3A_26 = tpu.memref_slice %arg7[%dma_start3A_24, %dma_start3A_25] : memref<1000000x64xf32, #tpu.memory_space<hbm>> -> memref<1000000x64xf32, #tpu.memory_space<hbm>>
      tpu.enqueue_indirect_dma source(%dma_start3A_26 : memref<1000000x64xf32, #tpu.memory_space<hbm>>) target(%arg19 : memref<128x64xf32, #tpu.memory_space<vmem>>) offsets(%dma_start3A_23 : memref<128xi32, #tpu.memory_space<vmem>>) semaphore(%arg24 : memref<!tpu.dma_semaphore, #tpu.memory_space<semaphore_mem>>)
      %dma_start3A_27 = tpu.memref_slice %arg14[%multiple_of3A_11] : memref<512xi32, #tpu.memory_space<vmem>> -> memref<128xi32, #tpu.memory_space<vmem>>
      %dma_start3A_28 = arith.constant 0 : i32
      %dma_start3A_29 = arith.constant 0 : i32
      %dma_start3A_30 = tpu.memref_slice %arg7[%dma_start3A_28, %dma_start3A_29] : memref<1000000x64xf32, #tpu.memory_space<hbm>> -> memref<1000000x64xf32, #tpu.memory_space<hbm>>
      tpu.enqueue_indirect_dma source(%dma_start3A_30 : memref<1000000x64xf32, #tpu.memory_space<hbm>>) target(%arg20 : memref<128x64xf32, #tpu.memory_space<vmem>>) offsets(%dma_start3A_27 : memref<128xi32, #tpu.memory_space<vmem>>) semaphore(%arg24 : memref<!tpu.dma_semaphore, #tpu.memory_space<semaphore_mem>>)
      %dma_wait3A = tpu.memref_slice %arg11[%multiple_of3A_11] : memref<512xi32, #tpu.memory_space<vmem>> -> memref<128xi32, #tpu.memory_space<vmem>>
      %dma_wait3A_31 = arith.constant 0 : i32
      %dma_wait3A_32 = arith.constant 0 : i32
      %dma_wait3A_33 = tpu.memref_slice %arg7[%dma_wait3A_31, %dma_wait3A_32] : memref<1000000x64xf32, #tpu.memory_space<hbm>> -> memref<1000000x64xf32, #tpu.memory_space<hbm>>
      tpu.wait_indirect_dma semaphore(%arg23 : memref<!tpu.dma_semaphore, #tpu.memory_space<semaphore_mem>>) src(%dma_wait3A_33 : memref<1000000x64xf32, #tpu.memory_space<hbm>>) dst(%arg16 : memref<128x64xf32, #tpu.memory_space<vmem>>)
      %dma_wait3A_34 = tpu.memref_slice %arg12[%multiple_of3A_11] : memref<512xi32, #tpu.memory_space<vmem>> -> memref<128xi32, #tpu.memory_space<vmem>>
      %dma_wait3A_35 = arith.constant 0 : i32
      %dma_wait3A_36 = arith.constant 0 : i32
      %dma_wait3A_37 = tpu.memref_slice %arg7[%dma_wait3A_35, %dma_wait3A_36] : memref<1000000x64xf32, #tpu.memory_space<hbm>> -> memref<1000000x64xf32, #tpu.memory_space<hbm>>
      tpu.wait_indirect_dma semaphore(%arg23 : memref<!tpu.dma_semaphore, #tpu.memory_space<semaphore_mem>>) src(%dma_wait3A_37 : memref<1000000x64xf32, #tpu.memory_space<hbm>>) dst(%arg17 : memref<128x64xf32, #tpu.memory_space<vmem>>)
      %dma_wait3A_38 = tpu.memref_slice %arg15[%multiple_of3A_11] : memref<512xi32, #tpu.memory_space<vmem>> -> memref<128xi32, #tpu.memory_space<vmem>>
      %dma_wait3A_39 = arith.constant 0 : i32
      %dma_wait3A_40 = arith.constant 0 : i32
      %dma_wait3A_41 = tpu.memref_slice %arg8[%dma_wait3A_39, %dma_wait3A_40] : memref<1000x64xf32, #tpu.memory_space<hbm>> -> memref<1000x64xf32, #tpu.memory_space<hbm>>
      tpu.wait_indirect_dma semaphore(%arg23 : memref<!tpu.dma_semaphore, #tpu.memory_space<semaphore_mem>>) src(%dma_wait3A_41 : memref<1000x64xf32, #tpu.memory_space<hbm>>) dst(%arg18 : memref<128x64xf32, #tpu.memory_space<vmem>>)
      %scan3A_42 = arith.constant 0 : i32
      %scan3A_43 = arith.constant 0 : i32
      %scan3A_44 = arith.constant 8 : i32
      %scan3A_45 = arith.addi %scan3A_43, %scan3A_44 : i32
      %scan3A_46 = arith.constant 1 : i32
      scf.for %scan3A_62 = %scan3A_43 to %scan3A_45 step %scan3A_46  : i32 {
        %mul3A_63 = arith.constant 16 : i32
        %mul3A_64 = arith.muli %scan3A_62, %mul3A_63 : i32
        %iota3A = tpu.iota {dimensions = array<i32: 0>} : vector<16xi32>
        %add3A_65 = vector.broadcast %mul3A_64 : i32 to vector<16xi32>
        %add3A_66 = arith.addi %add3A_65, %iota3A : vector<16xi32>
        %broadcast_in_dim3A = arith.constant 0.000000e+00 : f32
        %broadcast_in_dim3A_67 = vector.broadcast %broadcast_in_dim3A : f32 to vector<16xf32>
        %broadcast_in_dim3A_68 = arith.constant 0 : i32
        %broadcast_in_dim3A_69 = vector.broadcast %broadcast_in_dim3A_68 : i32 to vector<16xi32>
        %gather3A = tpu.vector_load_idx %arg16[%add3A_66, %broadcast_in_dim3A_69] : memref<128x64xf32, #tpu.memory_space<vmem>>[vector<16xi32>, vector<16xi32>], vector<16xf32>,
        %gather3A_70 = tpu.vector_load_idx %arg17[%add3A_66, %broadcast_in_dim3A_69] : memref<128x64xf32, #tpu.memory_space<vmem>>[vector<16xi32>, vector<16xi32>], vector<16xf32>,
        %gather3A_71 = tpu.vector_load_idx %arg18[%add3A_66, %broadcast_in_dim3A_69] : memref<128x64xf32, #tpu.memory_space<vmem>>[vector<16xi32>, vector<16xi32>], vector<16xf32>,
        %mul3A_72 = arith.mulf %gather3A, %gather3A : vector<16xf32>
        %add3A_73 = arith.addf %broadcast_in_dim3A_67, %mul3A_72 : vector<16xf32>
        %mul3A_74 = arith.mulf %gather3A_70, %gather3A_70 : vector<16xf32>
        %add3A_75 = arith.addf %broadcast_in_dim3A_67, %mul3A_74 : vector<16xf32>
        %mul3A_76 = arith.mulf %gather3A_71, %gather3A_71 : vector<16xf32>
        %add3A_77 = arith.addf %broadcast_in_dim3A_67, %mul3A_76 : vector<16xf32>
        %mul3A_78 = arith.mulf %gather3A, %gather3A_71 : vector<16xf32>
        %add3A_79 = arith.addf %broadcast_in_dim3A_67, %mul3A_78 : vector<16xf32>
        %mul3A_80 = arith.mulf %gather3A, %gather3A_70 : vector<16xf32>
        %add3A_81 = arith.addf %broadcast_in_dim3A_67, %mul3A_80 : vector<16xf32>
        %mul3A_82 = arith.mulf %gather3A_71, %gather3A_70 : vector<16xf32>
        %add3A_83 = arith.addf %broadcast_in_dim3A_67, %mul3A_82 : vector<16xf32>
        %broadcast_in_dim3A_84 = arith.constant 1 : i32
        %broadcast_in_dim3A_85 = vector.broadcast %broadcast_in_dim3A_84 : i32 to vector<16xi32>
        %gather3A_86 = tpu.vector_load_idx %arg16[%add3A_66, %broadcast_in_dim3A_85] : memref<128x64xf32, #tpu.memory_space<vmem>>[vector<16xi32>, vector<16xi32>], vector<16xf32>,
        %gather3A_87 = tpu.vector_load_idx %arg17[%add3A_66, %broadcast_in_dim3A_85] : memref<128x64xf32, #tpu.memory_space<vmem>>[vector<16xi32>, vector<16xi32>], vector<16xf32>,
        %gather3A_88 = tpu.vector_load_idx %arg18[%add3A_66, %broadcast_in_dim3A_85] : memref<128x64xf32, #tpu.memory_space<vmem>>[vector<16xi32>, vector<16xi32>], vector<16xf32>,
        %mul3A_89 = arith.mulf %gather3A_86, %gather3A_86 : vector<16xf32>
        %add3A_90 = arith.addf %add3A_73, %mul3A_89 : vector<16xf32>
        %mul3A_91 = arith.mulf %gather3A_87, %gather3A_87 : vector<16xf32>
        %add3A_92 = arith.addf %add3A_75, %mul3A_91 : vector<16xf32>
        %mul3A_93 = arith.mulf %gather3A_88, %gather3A_88 : vector<16xf32>
        %add3A_94 = arith.addf %add3A_77, %mul3A_93 : vector<16xf32>
        %mul3A_95 = arith.mulf %gather3A_86, %gather3A_88 : vector<16xf32>
        %add3A_96 = arith.addf %add3A_79, %mul3A_95 : vector<16xf32>
        %mul3A_97 = arith.mulf %gather3A_86, %gather3A_87 : vector<16xf32>
        %add3A_98 = arith.addf %add3A_81, %mul3A_97 : vector<16xf32>
        %mul3A_99 = arith.mulf %gather3A_88, %gather3A_87 : vector<16xf32>
        %add3A_100 = arith.addf %add3A_83, %mul3A_99 : vector<16xf32>
        %broadcast_in_dim3A_101 = arith.constant 2 : i32
        %broadcast_in_dim3A_102 = vector.broadcast %broadcast_in_dim3A_101 : i32 to vector<16xi32>
        %gather3A_103 = tpu.vector_load_idx %arg16[%add3A_66, %broadcast_in_dim3A_102] : memref<128x64xf32, #tpu.memory_space<vmem>>[vector<16xi32>, vector<16xi32>], vector<16xf32>,
        %gather3A_104 = tpu.vector_load_idx %arg17[%add3A_66, %broadcast_in_dim3A_102] : memref<128x64xf32, #tpu.memory_space<vmem>>[vector<16xi32>, vector<16xi32>], vector<16xf32>,
        %gather3A_105 = tpu.vector_load_idx %arg18[%add3A_66, %broadcast_in_dim3A_102] : memref<128x64xf32, #tpu.memory_space<vmem>>[vector<16xi32>, vector<16xi32>], vector<16xf32>,
        %mul3A_106 = arith.mulf %gather3A_103, %gather3A_103 : vector<16xf32>
        %add3A_107 = arith.addf %add3A_90, %mul3A_106 : vector<16xf32>
        %mul3A_108 = arith.mulf %gather3A_104, %gather3A_104 : vector<16xf32>
        %add3A_109 = arith.addf %add3A_92, %mul3A_108 : vector<16xf32>
        %mul3A_110 = arith.mulf %gather3A_105, %gather3A_105 : vector<16xf32>
        %add3A_111 = arith.addf %add3A_94, %mul3A_110 : vector<16xf32>
        %mul3A_112 = arith.mulf %gather3A_103, %gather3A_105 : vector<16xf32>
        %add3A_113 = arith.addf %add3A_96, %mul3A_112 : vector<16xf32>
        %mul3A_114 = arith.mulf %gather3A_103, %gather3A_104 : vector<16xf32>
        %add3A_115 = arith.addf %add3A_98, %mul3A_114 : vector<16xf32>
        %mul3A_116 = arith.mulf %gather3A_105, %gather3A_104 : vector<16xf32>
        %add3A_117 = arith.addf %add3A_100, %mul3A_116 : vector<16xf32>
        %broadcast_in_dim3A_118 = arith.constant 3 : i32
        %broadcast_in_dim3A_119 = vector.broadcast %broadcast_in_dim3A_118 : i32 to vector<16xi32>
        %gather3A_120 = tpu.vector_load_idx %arg16[%add3A_66, %broadcast_in_dim3A_119] : memref<128x64xf32, #tpu.memory_space<vmem>>[vector<16xi32>, vector<16xi32>], vector<16xf32>,
        %gather3A_121 = tpu.vector_load_idx %arg17[%add3A_66, %broadcast_in_dim3A_119] : memref<128x64xf32, #tpu.memory_space<vmem>>[vector<16xi32>, vector<16xi32>], vector<16xf32>,
        %gather3A_122 = tpu.vector_load_idx %arg18[%add3A_66, %broadcast_in_dim3A_119] : memref<128x64xf32, #tpu.memory_space<vmem>>[vector<16xi32>, vector<16xi32>], vector<16xf32>,
        %mul3A_123 = arith.mulf %gather3A_120, %gather3A_120 : vector<16xf32>
        %add3A_124 = arith.addf %add3A_107, %mul3A_123 : vector<16xf32>
        %mul3A_125 = arith.mulf %gather3A_121, %gather3A_121 : vector<16xf32>
        %add3A_126 = arith.addf %add3A_109, %mul3A_125 : vector<16xf32>
        %mul3A_127 = arith.mulf %gather3A_122, %gather3A_122 : vector<16xf32>
        %add3A_128 = arith.addf %add3A_111, %mul3A_127 : vector<16xf32>
        %mul3A_129 = arith.mulf %gather3A_120, %gather3A_122 : vector<16xf32>
        %add3A_130 = arith.addf %add3A_113, %mul3A_129 : vector<16xf32>
        %mul3A_131 = arith.mulf %gather3A_120, %gather3A_121 : vector<16xf32>
        %add3A_132 = arith.addf %add3A_115, %mul3A_131 : vector<16xf32>
        %mul3A_133 = arith.mulf %gather3A_122, %gather3A_121 : vector<16xf32>
        %add3A_134 = arith.addf %add3A_117, %mul3A_133 : vector<16xf32>
        %broadcast_in_dim3A_135 = arith.constant 4 : i32
        %broadcast_in_dim3A_136 = vector.broadcast %broadcast_in_dim3A_135 : i32 to vector<16xi32>
        %gather3A_137 = tpu.vector_load_idx %arg16[%add3A_66, %broadcast_in_dim3A_136] : memref<128x64xf32, #tpu.memory_space<vmem>>[vector<16xi32>, vector<16xi32>], vector<16xf32>,
        %gather3A_138 = tpu.vector_load_idx %arg17[%add3A_66, %broadcast_in_dim3A_136] : memref<128x64xf32, #tpu.memory_space<vmem>>[vector<16xi32>, vector<16xi32>], vector<16xf32>,
        %gather3A_139 = tpu.vector_load_idx %arg18[%add3A_66, %broadcast_in_dim3A_136] : memref<128x64xf32, #tpu.memory_space<vmem>>[vector<16xi32>, vector<16xi32>], vector<16xf32>,
        %mul3A_140 = arith.mulf %gather3A_137, %gather3A_137 : vector<16xf32>
        %add3A_141 = arith.addf %add3A_124, %mul3A_140 : vector<16xf32>
        %mul3A_142 = arith.mulf %gather3A_138, %gather3A_138 : vector<16xf32>
        %add3A_143 = arith.addf %add3A_126, %mul3A_142 : vector<16xf32>
        %mul3A_144 = arith.mulf %gather3A_139, %gather3A_139 : vector<16xf32>
        %add3A_145 = arith.addf %add3A_128, %mul3A_144 : vector<16xf32>
        %mul3A_146 = arith.mulf %gather3A_137, %gather3A_139 : vector<16xf32>
        %add3A_147 = arith.addf %add3A_130, %mul3A_146 : vector<16xf32>
        %mul3A_148 = arith.mulf %gather3A_137, %gather3A_138 : vector<16xf32>
        %add3A_149 = arith.addf %add3A_132, %mul3A_148 : vector<16xf32>
        %mul3A_150 = arith.mulf %gather3A_139, %gather3A_138 : vector<16xf32>
        %add3A_151 = arith.addf %add3A_134, %mul3A_150 : vector<16xf32>
        %broadcast_in_dim3A_152 = arith.constant 5 : i32
        %broadcast_in_dim3A_153 = vector.broadcast %broadcast_in_dim3A_152 : i32 to vector<16xi32>
        %gather3A_154 = tpu.vector_load_idx %arg16[%add3A_66, %broadcast_in_dim3A_153] : memref<128x64xf32, #tpu.memory_space<vmem>>[vector<16xi32>, vector<16xi32>], vector<16xf32>,
        %gather3A_155 = tpu.vector_load_idx %arg17[%add3A_66, %broadcast_in_dim3A_153] : memref<128x64xf32, #tpu.memory_space<vmem>>[vector<16xi32>, vector<16xi32>], vector<16xf32>,
        %gather3A_156 = tpu.vector_load_idx %arg18[%add3A_66, %broadcast_in_dim3A_153] : memref<128x64xf32, #tpu.memory_space<vmem>>[vector<16xi32>, vector<16xi32>], vector<16xf32>,
        %mul3A_157 = arith.mulf %gather3A_154, %gather3A_154 : vector<16xf32>
        %add3A_158 = arith.addf %add3A_141, %mul3A_157 : vector<16xf32>
        %mul3A_159 = arith.mulf %gather3A_155, %gather3A_155 : vector<16xf32>
        %add3A_160 = arith.addf %add3A_143, %mul3A_159 : vector<16xf32>
        %mul3A_161 = arith.mulf %gather3A_156, %gather3A_156 : vector<16xf32>
        %add3A_162 = arith.addf %add3A_145, %mul3A_161 : vector<16xf32>
        %mul3A_163 = arith.mulf %gather3A_154, %gather3A_156 : vector<16xf32>
        %add3A_164 = arith.addf %add3A_147, %mul3A_163 : vector<16xf32>
        %mul3A_165 = arith.mulf %gather3A_154, %gather3A_155 : vector<16xf32>
        %add3A_166 = arith.addf %add3A_149, %mul3A_165 : vector<16xf32>
        %mul3A_167 = arith.mulf %gather3A_156, %gather3A_155 : vector<16xf32>
        %add3A_168 = arith.addf %add3A_151, %mul3A_167 : vector<16xf32>
        %broadcast_in_dim3A_169 = arith.constant 6 : i32
        %broadcast_in_dim3A_170 = vector.broadcast %broadcast_in_dim3A_169 : i32 to vector<16xi32>
        %gather3A_171 = tpu.vector_load_idx %arg16[%add3A_66, %broadcast_in_dim3A_170] : memref<128x64xf32, #tpu.memory_space<vmem>>[vector<16xi32>, vector<16xi32>], vector<16xf32>,
        %gather3A_172 = tpu.vector_load_idx %arg17[%add3A_66, %broadcast_in_dim3A_170] : memref<128x64xf32, #tpu.memory_space<vmem>>[vector<16xi32>, vector<16xi32>], vector<16xf32>,
        %gather3A_173 = tpu.vector_load_idx %arg18[%add3A_66, %broadcast_in_dim3A_170] : memref<128x64xf32, #tpu.memory_space<vmem>>[vector<16xi32>, vector<16xi32>], vector<16xf32>,
        %mul3A_174 = arith.mulf %gather3A_171, %gather3A_171 : vector<16xf32>
        %add3A_175 = arith.addf %add3A_158, %mul3A_174 : vector<16xf32>
        %mul3A_176 = arith.mulf %gather3A_172, %gather3A_172 : vector<16xf32>
        %add3A_177 = arith.addf %add3A_160, %mul3A_176 : vector<16xf32>
        %mul3A_178 = arith.mulf %gather3A_173, %gather3A_173 : vector<16xf32>
        %add3A_179 = arith.addf %add3A_162, %mul3A_178 : vector<16xf32>
        %mul3A_180 = arith.mulf %gather3A_171, %gather3A_173 : vector<16xf32>
        %add3A_181 = arith.addf %add3A_164, %mul3A_180 : vector<16xf32>
        %mul3A_182 = arith.mulf %gather3A_171, %gather3A_172 : vector<16xf32>
        %add3A_183 = arith.addf %add3A_166, %mul3A_182 : vector<16xf32>
        %mul3A_184 = arith.mulf %gather3A_173, %gather3A_172 : vector<16xf32>
        %add3A_185 = arith.addf %add3A_168, %mul3A_184 : vector<16xf32>
        %broadcast_in_dim3A_186 = arith.constant 7 : i32
        %broadcast_in_dim3A_187 = vector.broadcast %broadcast_in_dim3A_186 : i32 to vector<16xi32>
        %gather3A_188 = tpu.vector_load_idx %arg16[%add3A_66, %broadcast_in_dim3A_187] : memref<128x64xf32, #tpu.memory_space<vmem>>[vector<16xi32>, vector<16xi32>], vector<16xf32>,
        %gather3A_189 = tpu.vector_load_idx %arg17[%add3A_66, %broadcast_in_dim3A_187] : memref<128x64xf32, #tpu.memory_space<vmem>>[vector<16xi32>, vector<16xi32>], vector<16xf32>,
        %gather3A_190 = tpu.vector_load_idx %arg18[%add3A_66, %broadcast_in_dim3A_187] : memref<128x64xf32, #tpu.memory_space<vmem>>[vector<16xi32>, vector<16xi32>], vector<16xf32>,
        %mul3A_191 = arith.mulf %gather3A_188, %gather3A_188 : vector<16xf32>
        %add3A_192 = arith.addf %add3A_175, %mul3A_191 : vector<16xf32>
        %mul3A_193 = arith.mulf %gather3A_189, %gather3A_189 : vector<16xf32>
        %add3A_194 = arith.addf %add3A_177, %mul3A_193 : vector<16xf32>
        %mul3A_195 = arith.mulf %gather3A_190, %gather3A_190 : vector<16xf32>
        %add3A_196 = arith.addf %add3A_179, %mul3A_195 : vector<16xf32>
        %mul3A_197 = arith.mulf %gather3A_188, %gather3A_190 : vector<16xf32>
        %add3A_198 = arith.addf %add3A_181, %mul3A_197 : vector<16xf32>
        %mul3A_199 = arith.mulf %gather3A_188, %gather3A_189 : vector<16xf32>
        %add3A_200 = arith.addf %add3A_183, %mul3A_199 : vector<16xf32>
        %mul3A_201 = arith.mulf %gather3A_190, %gather3A_189 : vector<16xf32>
        %add3A_202 = arith.addf %add3A_185, %mul3A_201 : vector<16xf32>
        %broadcast_in_dim3A_203 = arith.constant 8 : i32
        %broadcast_in_dim3A_204 = vector.broadcast %broadcast_in_dim3A_203 : i32 to vector<16xi32>
        %gather3A_205 = tpu.vector_load_idx %arg16[%add3A_66, %broadcast_in_dim3A_204] : memref<128x64xf32, #tpu.memory_space<vmem>>[vector<16xi32>, vector<16xi32>], vector<16xf32>,
        %gather3A_206 = tpu.vector_load_idx %arg17[%add3A_66, %broadcast_in_dim3A_204] : memref<128x64xf32, #tpu.memory_space<vmem>>[vector<16xi32>, vector<16xi32>], vector<16xf32>,
        %gather3A_207 = tpu.vector_load_idx %arg18[%add3A_66, %broadcast_in_dim3A_204] : memref<128x64xf32, #tpu.memory_space<vmem>>[vector<16xi32>, vector<16xi32>], vector<16xf32>,
        %mul3A_208 = arith.mulf %gather3A_205, %gather3A_205 : vector<16xf32>
        %add3A_209 = arith.addf %add3A_192, %mul3A_208 : vector<16xf32>
        %mul3A_210 = arith.mulf %gather3A_206, %gather3A_206 : vector<16xf32>
        %add3A_211 = arith.addf %add3A_194, %mul3A_210 : vector<16xf32>
        %mul3A_212 = arith.mulf %gather3A_207, %gather3A_207 : vector<16xf32>
        %add3A_213 = arith.addf %add3A_196, %mul3A_212 : vector<16xf32>
        %mul3A_214 = arith.mulf %gather3A_205, %gather3A_207 : vector<16xf32>
        %add3A_215 = arith.addf %add3A_198, %mul3A_214 : vector<16xf32>
        %mul3A_216 = arith.mulf %gather3A_205, %gather3A_206 : vector<16xf32>
        %add3A_217 = arith.addf %add3A_200, %mul3A_216 : vector<16xf32>
        %mul3A_218 = arith.mulf %gather3A_207, %gather3A_206 : vector<16xf32>
        %add3A_219 = arith.addf %add3A_202, %mul3A_218 : vector<16xf32>
        %broadcast_in_dim3A_220 = arith.constant 9 : i32
        %broadcast_in_dim3A_221 = vector.broadcast %broadcast_in_dim3A_220 : i32 to vector<16xi32>
        %gather3A_222 = tpu.vector_load_idx %arg16[%add3A_66, %broadcast_in_dim3A_221] : memref<128x64xf32, #tpu.memory_space<vmem>>[vector<16xi32>, vector<16xi32>], vector<16xf32>,
        %gather3A_223 = tpu.vector_load_idx %arg17[%add3A_66, %broadcast_in_dim3A_221] : memref<128x64xf32, #tpu.memory_space<vmem>>[vector<16xi32>, vector<16xi32>], vector<16xf32>,
        %gather3A_224 = tpu.vector_load_idx %arg18[%add3A_66, %broadcast_in_dim3A_221] : memref<128x64xf32, #tpu.memory_space<vmem>>[vector<16xi32>, vector<16xi32>], vector<16xf32>,
        %mul3A_225 = arith.mulf %gather3A_222, %gather3A_222 : vector<16xf32>
        %add3A_226 = arith.addf %add3A_209, %mul3A_225 : vector<16xf32>
        %mul3A_227 = arith.mulf %gather3A_223, %gather3A_223 : vector<16xf32>
        %add3A_228 = arith.addf %add3A_211, %mul3A_227 : vector<16xf32>
        %mul3A_229 = arith.mulf %gather3A_224, %gather3A_224 : vector<16xf32>
        %add3A_230 = arith.addf %add3A_213, %mul3A_229 : vector<16xf32>
        %mul3A_231 = arith.mulf %gather3A_222, %gather3A_224 : vector<16xf32>
        %add3A_232 = arith.addf %add3A_215, %mul3A_231 : vector<16xf32>
        %mul3A_233 = arith.mulf %gather3A_222, %gather3A_223 : vector<16xf32>
        %add3A_234 = arith.addf %add3A_217, %mul3A_233 : vector<16xf32>
        %mul3A_235 = arith.mulf %gather3A_224, %gather3A_223 : vector<16xf32>
        %add3A_236 = arith.addf %add3A_219, %mul3A_235 : vector<16xf32>
        %broadcast_in_dim3A_237 = arith.constant 10 : i32
        %broadcast_in_dim3A_238 = vector.broadcast %broadcast_in_dim3A_237 : i32 to vector<16xi32>
        %gather3A_239 = tpu.vector_load_idx %arg16[%add3A_66, %broadcast_in_dim3A_238] : memref<128x64xf32, #tpu.memory_space<vmem>>[vector<16xi32>, vector<16xi32>], vector<16xf32>,
        %gather3A_240 = tpu.vector_load_idx %arg17[%add3A_66, %broadcast_in_dim3A_238] : memref<128x64xf32, #tpu.memory_space<vmem>>[vector<16xi32>, vector<16xi32>], vector<16xf32>,
        %gather3A_241 = tpu.vector_load_idx %arg18[%add3A_66, %broadcast_in_dim3A_238] : memref<128x64xf32, #tpu.memory_space<vmem>>[vector<16xi32>, vector<16xi32>], vector<16xf32>,
        %mul3A_242 = arith.mulf %gather3A_239, %gather3A_239 : vector<16xf32>
        %add3A_243 = arith.addf %add3A_226, %mul3A_242 : vector<16xf32>
        %mul3A_244 = arith.mulf %gather3A_240, %gather3A_240 : vector<16xf32>
        %add3A_245 = arith.addf %add3A_228, %mul3A_244 : vector<16xf32>
        %mul3A_246 = arith.mulf %gather3A_241, %gather3A_241 : vector<16xf32>
        %add3A_247 = arith.addf %add3A_230, %mul3A_246 : vector<16xf32>
        %mul3A_248 = arith.mulf %gather3A_239, %gather3A_241 : vector<16xf32>
        %add3A_249 = arith.addf %add3A_232, %mul3A_248 : vector<16xf32>
        %mul3A_250 = arith.mulf %gather3A_239, %gather3A_240 : vector<16xf32>
        %add3A_251 = arith.addf %add3A_234, %mul3A_250 : vector<16xf32>
        %mul3A_252 = arith.mulf %gather3A_241, %gather3A_240 : vector<16xf32>
        %add3A_253 = arith.addf %add3A_236, %mul3A_252 : vector<16xf32>
        %broadcast_in_dim3A_254 = arith.constant 11 : i32
        %broadcast_in_dim3A_255 = vector.broadcast %broadcast_in_dim3A_254 : i32 to vector<16xi32>
        %gather3A_256 = tpu.vector_load_idx %arg16[%add3A_66, %broadcast_in_dim3A_255] : memref<128x64xf32, #tpu.memory_space<vmem>>[vector<16xi32>, vector<16xi32>], vector<16xf32>,
        %gather3A_257 = tpu.vector_load_idx %arg17[%add3A_66, %broadcast_in_dim3A_255] : memref<128x64xf32, #tpu.memory_space<vmem>>[vector<16xi32>, vector<16xi32>], vector<16xf32>,
        %gather3A_258 = tpu.vector_load_idx %arg18[%add3A_66, %broadcast_in_dim3A_255] : memref<128x64xf32, #tpu.memory_space<vmem>>[vector<16xi32>, vector<16xi32>], vector<16xf32>,
        %mul3A_259 = arith.mulf %gather3A_256, %gather3A_256 : vector<16xf32>
        %add3A_260 = arith.addf %add3A_243, %mul3A_259 : vector<16xf32>
        %mul3A_261 = arith.mulf %gather3A_257, %gather3A_257 : vector<16xf32>
        %add3A_262 = arith.addf %add3A_245, %mul3A_261 : vector<16xf32>
        %mul3A_263 = arith.mulf %gather3A_258, %gather3A_258 : vector<16xf32>
        %add3A_264 = arith.addf %add3A_247, %mul3A_263 : vector<16xf32>
        %mul3A_265 = arith.mulf %gather3A_256, %gather3A_258 : vector<16xf32>
        %add3A_266 = arith.addf %add3A_249, %mul3A_265 : vector<16xf32>
        %mul3A_267 = arith.mulf %gather3A_256, %gather3A_257 : vector<16xf32>
        %add3A_268 = arith.addf %add3A_251, %mul3A_267 : vector<16xf32>
        %mul3A_269 = arith.mulf %gather3A_258, %gather3A_257 : vector<16xf32>
        %add3A_270 = arith.addf %add3A_253, %mul3A_269 : vector<16xf32>
        %broadcast_in_dim3A_271 = arith.constant 12 : i32
        %broadcast_in_dim3A_272 = vector.broadcast %broadcast_in_dim3A_271 : i32 to vector<16xi32>
        %gather3A_273 = tpu.vector_load_idx %arg16[%add3A_66, %broadcast_in_dim3A_272] : memref<128x64xf32, #tpu.memory_space<vmem>>[vector<16xi32>, vector<16xi32>], vector<16xf32>,
        %gather3A_274 = tpu.vector_load_idx %arg17[%add3A_66, %broadcast_in_dim3A_272] : memref<128x64xf32, #tpu.memory_space<vmem>>[vector<16xi32>, vector<16xi32>], vector<16xf32>,
        %gather3A_275 = tpu.vector_load_idx %arg18[%add3A_66, %broadcast_in_dim3A_272] : memref<128x64xf32, #tpu.memory_space<vmem>>[vector<16xi32>, vector<16xi32>], vector<16xf32>,
        %mul3A_276 = arith.mulf %gather3A_273, %gather3A_273 : vector<16xf32>
        %add3A_277 = arith.addf %add3A_260, %mul3A_276 : vector<16xf32>
        %mul3A_278 = arith.mulf %gather3A_274, %gather3A_274 : vector<16xf32>
        %add3A_279 = arith.addf %add3A_262, %mul3A_278 : vector<16xf32>
        %mul3A_280 = arith.mulf %gather3A_275, %gather3A_275 : vector<16xf32>
        %add3A_281 = arith.addf %add3A_264, %mul3A_280 : vector<16xf32>
        %mul3A_282 = arith.mulf %gather3A_273, %gather3A_275 : vector<16xf32>
        %add3A_283 = arith.addf %add3A_266, %mul3A_282 : vector<16xf32>
        %mul3A_284 = arith.mulf %gather3A_273, %gather3A_274 : vector<16xf32>
        %add3A_285 = arith.addf %add3A_268, %mul3A_284 : vector<16xf32>
        %mul3A_286 = arith.mulf %gather3A_275, %gather3A_274 : vector<16xf32>
        %add3A_287 = arith.addf %add3A_270, %mul3A_286 : vector<16xf32>
        %broadcast_in_dim3A_288 = arith.constant 13 : i32
        %broadcast_in_dim3A_289 = vector.broadcast %broadcast_in_dim3A_288 : i32 to vector<16xi32>
        %gather3A_290 = tpu.vector_load_idx %arg16[%add3A_66, %broadcast_in_dim3A_289] : memref<128x64xf32, #tpu.memory_space<vmem>>[vector<16xi32>, vector<16xi32>], vector<16xf32>,
        %gather3A_291 = tpu.vector_load_idx %arg17[%add3A_66, %broadcast_in_dim3A_289] : memref<128x64xf32, #tpu.memory_space<vmem>>[vector<16xi32>, vector<16xi32>], vector<16xf32>,
        %gather3A_292 = tpu.vector_load_idx %arg18[%add3A_66, %broadcast_in_dim3A_289] : memref<128x64xf32, #tpu.memory_space<vmem>>[vector<16xi32>, vector<16xi32>], vector<16xf32>,
        %mul3A_293 = arith.mulf %gather3A_290, %gather3A_290 : vector<16xf32>
        %add3A_294 = arith.addf %add3A_277, %mul3A_293 : vector<16xf32>
        %mul3A_295 = arith.mulf %gather3A_291, %gather3A_291 : vector<16xf32>
        %add3A_296 = arith.addf %add3A_279, %mul3A_295 : vector<16xf32>
        %mul3A_297 = arith.mulf %gather3A_292, %gather3A_292 : vector<16xf32>
        %add3A_298 = arith.addf %add3A_281, %mul3A_297 : vector<16xf32>
        %mul3A_299 = arith.mulf %gather3A_290, %gather3A_292 : vector<16xf32>
        %add3A_300 = arith.addf %add3A_283, %mul3A_299 : vector<16xf32>
        %mul3A_301 = arith.mulf %gather3A_290, %gather3A_291 : vector<16xf32>
        %add3A_302 = arith.addf %add3A_285, %mul3A_301 : vector<16xf32>
        %mul3A_303 = arith.mulf %gather3A_292, %gather3A_291 : vector<16xf32>
        %add3A_304 = arith.addf %add3A_287, %mul3A_303 : vector<16xf32>
        %broadcast_in_dim3A_305 = arith.constant 14 : i32
        %broadcast_in_dim3A_306 = vector.broadcast %broadcast_in_dim3A_305 : i32 to vector<16xi32>
        %gather3A_307 = tpu.vector_load_idx %arg16[%add3A_66, %broadcast_in_dim3A_306] : memref<128x64xf32, #tpu.memory_space<vmem>>[vector<16xi32>, vector<16xi32>], vector<16xf32>,
        %gather3A_308 = tpu.vector_load_idx %arg17[%add3A_66, %broadcast_in_dim3A_306] : memref<128x64xf32, #tpu.memory_space<vmem>>[vector<16xi32>, vector<16xi32>], vector<16xf32>,
        %gather3A_309 = tpu.vector_load_idx %arg18[%add3A_66, %broadcast_in_dim3A_306] : memref<128x64xf32, #tpu.memory_space<vmem>>[vector<16xi32>, vector<16xi32>], vector<16xf32>,
        %mul3A_310 = arith.mulf %gather3A_307, %gather3A_307 : vector<16xf32>
        %add3A_311 = arith.addf %add3A_294, %mul3A_310 : vector<16xf32>
        %mul3A_312 = arith.mulf %gather3A_308, %gather3A_308 : vector<16xf32>
        %add3A_313 = arith.addf %add3A_296, %mul3A_312 : vector<16xf32>
        %mul3A_314 = arith.mulf %gather3A_309, %gather3A_309 : vector<16xf32>
        %add3A_315 = arith.addf %add3A_298, %mul3A_314 : vector<16xf32>
        %mul3A_316 = arith.mulf %gather3A_307, %gather3A_309 : vector<16xf32>
        %add3A_317 = arith.addf %add3A_300, %mul3A_316 : vector<16xf32>
        %mul3A_318 = arith.mulf %gather3A_307, %gather3A_308 : vector<16xf32>
        %add3A_319 = arith.addf %add3A_302, %mul3A_318 : vector<16xf32>
        %mul3A_320 = arith.mulf %gather3A_309, %gather3A_308 : vector<16xf32>
        %add3A_321 = arith.addf %add3A_304, %mul3A_320 : vector<16xf32>
        %broadcast_in_dim3A_322 = arith.constant 15 : i32
        %broadcast_in_dim3A_323 = vector.broadcast %broadcast_in_dim3A_322 : i32 to vector<16xi32>
        %gather3A_324 = tpu.vector_load_idx %arg16[%add3A_66, %broadcast_in_dim3A_323] : memref<128x64xf32, #tpu.memory_space<vmem>>[vector<16xi32>, vector<16xi32>], vector<16xf32>,
        %gather3A_325 = tpu.vector_load_idx %arg17[%add3A_66, %broadcast_in_dim3A_323] : memref<128x64xf32, #tpu.memory_space<vmem>>[vector<16xi32>, vector<16xi32>], vector<16xf32>,
        %gather3A_326 = tpu.vector_load_idx %arg18[%add3A_66, %broadcast_in_dim3A_323] : memref<128x64xf32, #tpu.memory_space<vmem>>[vector<16xi32>, vector<16xi32>], vector<16xf32>,
        %mul3A_327 = arith.mulf %gather3A_324, %gather3A_324 : vector<16xf32>
        %add3A_328 = arith.addf %add3A_311, %mul3A_327 : vector<16xf32>
        %mul3A_329 = arith.mulf %gather3A_325, %gather3A_325 : vector<16xf32>
        %add3A_330 = arith.addf %add3A_313, %mul3A_329 : vector<16xf32>
        %mul3A_331 = arith.mulf %gather3A_326, %gather3A_326 : vector<16xf32>
        %add3A_332 = arith.addf %add3A_315, %mul3A_331 : vector<16xf32>
        %mul3A_333 = arith.mulf %gather3A_324, %gather3A_326 : vector<16xf32>
        %add3A_334 = arith.addf %add3A_317, %mul3A_333 : vector<16xf32>
        %mul3A_335 = arith.mulf %gather3A_324, %gather3A_325 : vector<16xf32>
        %add3A_336 = arith.addf %add3A_319, %mul3A_335 : vector<16xf32>
        %mul3A_337 = arith.mulf %gather3A_326, %gather3A_325 : vector<16xf32>
        %add3A_338 = arith.addf %add3A_321, %mul3A_337 : vector<16xf32>
        %broadcast_in_dim3A_339 = arith.constant 16 : i32
        %broadcast_in_dim3A_340 = vector.broadcast %broadcast_in_dim3A_339 : i32 to vector<16xi32>
        %gather3A_341 = tpu.vector_load_idx %arg16[%add3A_66, %broadcast_in_dim3A_340] : memref<128x64xf32, #tpu.memory_space<vmem>>[vector<16xi32>, vector<16xi32>], vector<16xf32>,
        %gather3A_342 = tpu.vector_load_idx %arg17[%add3A_66, %broadcast_in_dim3A_340] : memref<128x64xf32, #tpu.memory_space<vmem>>[vector<16xi32>, vector<16xi32>], vector<16xf32>,
        %gather3A_343 = tpu.vector_load_idx %arg18[%add3A_66, %broadcast_in_dim3A_340] : memref<128x64xf32, #tpu.memory_space<vmem>>[vector<16xi32>, vector<16xi32>], vector<16xf32>,
        %mul3A_344 = arith.mulf %gather3A_341, %gather3A_341 : vector<16xf32>
        %add3A_345 = arith.addf %add3A_328, %mul3A_344 : vector<16xf32>
        %mul3A_346 = arith.mulf %gather3A_342, %gather3A_342 : vector<16xf32>
        %add3A_347 = arith.addf %add3A_330, %mul3A_346 : vector<16xf32>
        %mul3A_348 = arith.mulf %gather3A_343, %gather3A_343 : vector<16xf32>
        %add3A_349 = arith.addf %add3A_332, %mul3A_348 : vector<16xf32>
        %mul3A_350 = arith.mulf %gather3A_341, %gather3A_343 : vector<16xf32>
        %add3A_351 = arith.addf %add3A_334, %mul3A_350 : vector<16xf32>
        %mul3A_352 = arith.mulf %gather3A_341, %gather3A_342 : vector<16xf32>
        %add3A_353 = arith.addf %add3A_336, %mul3A_352 : vector<16xf32>
        %mul3A_354 = arith.mulf %gather3A_343, %gather3A_342 : vector<16xf32>
        %add3A_355 = arith.addf %add3A_338, %mul3A_354 : vector<16xf32>
        %broadcast_in_dim3A_356 = arith.constant 17 : i32
        %broadcast_in_dim3A_357 = vector.broadcast %broadcast_in_dim3A_356 : i32 to vector<16xi32>
        %gather3A_358 = tpu.vector_load_idx %arg16[%add3A_66, %broadcast_in_dim3A_357] : memref<128x64xf32, #tpu.memory_space<vmem>>[vector<16xi32>, vector<16xi32>], vector<16xf32>,
        %gather3A_359 = tpu.vector_load_idx %arg17[%add3A_66, %broadcast_in_dim3A_357] : memref<128x64xf32, #tpu.memory_space<vmem>>[vector<16xi32>, vector<16xi32>], vector<16xf32>,
        %gather3A_360 = tpu.vector_load_idx %arg18[%add3A_66, %broadcast_in_dim3A_357] : memref<128x64xf32, #tpu.memory_space<vmem>>[vector<16xi32>, vector<16xi32>], vector<16xf32>,
        %mul3A_361 = arith.mulf %gather3A_358, %gather3A_358 : vector<16xf32>
        %add3A_362 = arith.addf %add3A_345, %mul3A_361 : vector<16xf32>
        %mul3A_363 = arith.mulf %gather3A_359, %gather3A_359 : vector<16xf32>
        %add3A_364 = arith.addf %add3A_347, %mul3A_363 : vector<16xf32>
        %mul3A_365 = arith.mulf %gather3A_360, %gather3A_360 : vector<16xf32>
        %add3A_366 = arith.addf %add3A_349, %mul3A_365 : vector<16xf32>
        %mul3A_367 = arith.mulf %gather3A_358, %gather3A_360 : vector<16xf32>
        %add3A_368 = arith.addf %add3A_351, %mul3A_367 : vector<16xf32>
        %mul3A_369 = arith.mulf %gather3A_358, %gather3A_359 : vector<16xf32>
        %add3A_370 = arith.addf %add3A_353, %mul3A_369 : vector<16xf32>
        %mul3A_371 = arith.mulf %gather3A_360, %gather3A_359 : vector<16xf32>
        %add3A_372 = arith.addf %add3A_355, %mul3A_371 : vector<16xf32>
        %broadcast_in_dim3A_373 = arith.constant 18 : i32
        %broadcast_in_dim3A_374 = vector.broadcast %broadcast_in_dim3A_373 : i32 to vector<16xi32>
        %gather3A_375 = tpu.vector_load_idx %arg16[%add3A_66, %broadcast_in_dim3A_374] : memref<128x64xf32, #tpu.memory_space<vmem>>[vector<16xi32>, vector<16xi32>], vector<16xf32>,
        %gather3A_376 = tpu.vector_load_idx %arg17[%add3A_66, %broadcast_in_dim3A_374] : memref<128x64xf32, #tpu.memory_space<vmem>>[vector<16xi32>, vector<16xi32>], vector<16xf32>,
        %gather3A_377 = tpu.vector_load_idx %arg18[%add3A_66, %broadcast_in_dim3A_374] : memref<128x64xf32, #tpu.memory_space<vmem>>[vector<16xi32>, vector<16xi32>], vector<16xf32>,
        %mul3A_378 = arith.mulf %gather3A_375, %gather3A_375 : vector<16xf32>
        %add3A_379 = arith.addf %add3A_362, %mul3A_378 : vector<16xf32>
        %mul3A_380 = arith.mulf %gather3A_376, %gather3A_376 : vector<16xf32>
        %add3A_381 = arith.addf %add3A_364, %mul3A_380 : vector<16xf32>
        %mul3A_382 = arith.mulf %gather3A_377, %gather3A_377 : vector<16xf32>
        %add3A_383 = arith.addf %add3A_366, %mul3A_382 : vector<16xf32>
        %mul3A_384 = arith.mulf %gather3A_375, %gather3A_377 : vector<16xf32>
        %add3A_385 = arith.addf %add3A_368, %mul3A_384 : vector<16xf32>
        %mul3A_386 = arith.mulf %gather3A_375, %gather3A_376 : vector<16xf32>
        %add3A_387 = arith.addf %add3A_370, %mul3A_386 : vector<16xf32>
        %mul3A_388 = arith.mulf %gather3A_377, %gather3A_376 : vector<16xf32>
        %add3A_389 = arith.addf %add3A_372, %mul3A_388 : vector<16xf32>
        %broadcast_in_dim3A_390 = arith.constant 19 : i32
        %broadcast_in_dim3A_391 = vector.broadcast %broadcast_in_dim3A_390 : i32 to vector<16xi32>
        %gather3A_392 = tpu.vector_load_idx %arg16[%add3A_66, %broadcast_in_dim3A_391] : memref<128x64xf32, #tpu.memory_space<vmem>>[vector<16xi32>, vector<16xi32>], vector<16xf32>,
        %gather3A_393 = tpu.vector_load_idx %arg17[%add3A_66, %broadcast_in_dim3A_391] : memref<128x64xf32, #tpu.memory_space<vmem>>[vector<16xi32>, vector<16xi32>], vector<16xf32>,
        %gather3A_394 = tpu.vector_load_idx %arg18[%add3A_66, %broadcast_in_dim3A_391] : memref<128x64xf32, #tpu.memory_space<vmem>>[vector<16xi32>, vector<16xi32>], vector<16xf32>,
        %mul3A_395 = arith.mulf %gather3A_392, %gather3A_392 : vector<16xf32>
        %add3A_396 = arith.addf %add3A_379, %mul3A_395 : vector<16xf32>
        %mul3A_397 = arith.mulf %gather3A_393, %gather3A_393 : vector<16xf32>
        %add3A_398 = arith.addf %add3A_381, %mul3A_397 : vector<16xf32>
        %mul3A_399 = arith.mulf %gather3A_394, %gather3A_394 : vector<16xf32>
        %add3A_400 = arith.addf %add3A_383, %mul3A_399 : vector<16xf32>
        %mul3A_401 = arith.mulf %gather3A_392, %gather3A_394 : vector<16xf32>
        %add3A_402 = arith.addf %add3A_385, %mul3A_401 : vector<16xf32>
        %mul3A_403 = arith.mulf %gather3A_392, %gather3A_393 : vector<16xf32>
        %add3A_404 = arith.addf %add3A_387, %mul3A_403 : vector<16xf32>
        %mul3A_405 = arith.mulf %gather3A_394, %gather3A_393 : vector<16xf32>
        %add3A_406 = arith.addf %add3A_389, %mul3A_405 : vector<16xf32>
        %broadcast_in_dim3A_407 = arith.constant 20 : i32
        %broadcast_in_dim3A_408 = vector.broadcast %broadcast_in_dim3A_407 : i32 to vector<16xi32>
        %gather3A_409 = tpu.vector_load_idx %arg16[%add3A_66, %broadcast_in_dim3A_408] : memref<128x64xf32, #tpu.memory_space<vmem>>[vector<16xi32>, vector<16xi32>], vector<16xf32>,
        %gather3A_410 = tpu.vector_load_idx %arg17[%add3A_66, %broadcast_in_dim3A_408] : memref<128x64xf32, #tpu.memory_space<vmem>>[vector<16xi32>, vector<16xi32>], vector<16xf32>,
        %gather3A_411 = tpu.vector_load_idx %arg18[%add3A_66, %broadcast_in_dim3A_408] : memref<128x64xf32, #tpu.memory_space<vmem>>[vector<16xi32>, vector<16xi32>], vector<16xf32>,
        %mul3A_412 = arith.mulf %gather3A_409, %gather3A_409 : vector<16xf32>
        %add3A_413 = arith.addf %add3A_396, %mul3A_412 : vector<16xf32>
        %mul3A_414 = arith.mulf %gather3A_410, %gather3A_410 : vector<16xf32>
        %add3A_415 = arith.addf %add3A_398, %mul3A_414 : vector<16xf32>
        %mul3A_416 = arith.mulf %gather3A_411, %gather3A_411 : vector<16xf32>
        %add3A_417 = arith.addf %add3A_400, %mul3A_416 : vector<16xf32>
        %mul3A_418 = arith.mulf %gather3A_409, %gather3A_411 : vector<16xf32>
        %add3A_419 = arith.addf %add3A_402, %mul3A_418 : vector<16xf32>
        %mul3A_420 = arith.mulf %gather3A_409, %gather3A_410 : vector<16xf32>
        %add3A_421 = arith.addf %add3A_404, %mul3A_420 : vector<16xf32>
        %mul3A_422 = arith.mulf %gather3A_411, %gather3A_410 : vector<16xf32>
        %add3A_423 = arith.addf %add3A_406, %mul3A_422 : vector<16xf32>
        %broadcast_in_dim3A_424 = arith.constant 21 : i32
        %broadcast_in_dim3A_425 = vector.broadcast %broadcast_in_dim3A_424 : i32 to vector<16xi32>
        %gather3A_426 = tpu.vector_load_idx %arg16[%add3A_66, %broadcast_in_dim3A_425] : memref<128x64xf32, #tpu.memory_space<vmem>>[vector<16xi32>, vector<16xi32>], vector<16xf32>,
        %gather3A_427 = tpu.vector_load_idx %arg17[%add3A_66, %broadcast_in_dim3A_425] : memref<128x64xf32, #tpu.memory_space<vmem>>[vector<16xi32>, vector<16xi32>], vector<16xf32>,
        %gather3A_428 = tpu.vector_load_idx %arg18[%add3A_66, %broadcast_in_dim3A_425] : memref<128x64xf32, #tpu.memory_space<vmem>>[vector<16xi32>, vector<16xi32>], vector<16xf32>,
        %mul3A_429 = arith.mulf %gather3A_426, %gather3A_426 : vector<16xf32>
        %add3A_430 = arith.addf %add3A_413, %mul3A_429 : vector<16xf32>
        %mul3A_431 = arith.mulf %gather3A_427, %gather3A_427 : vector<16xf32>
        %add3A_432 = arith.addf %add3A_415, %mul3A_431 : vector<16xf32>
        %mul3A_433 = arith.mulf %gather3A_428, %gather3A_428 : vector<16xf32>
        %add3A_434 = arith.addf %add3A_417, %mul3A_433 : vector<16xf32>
        %mul3A_435 = arith.mulf %gather3A_426, %gather3A_428 : vector<16xf32>
        %add3A_436 = arith.addf %add3A_419, %mul3A_435 : vector<16xf32>
        %mul3A_437 = arith.mulf %gather3A_426, %gather3A_427 : vector<16xf32>
        %add3A_438 = arith.addf %add3A_421, %mul3A_437 : vector<16xf32>
        %mul3A_439 = arith.mulf %gather3A_428, %gather3A_427 : vector<16xf32>
        %add3A_440 = arith.addf %add3A_423, %mul3A_439 : vector<16xf32>
        %broadcast_in_dim3A_441 = arith.constant 22 : i32
        %broadcast_in_dim3A_442 = vector.broadcast %broadcast_in_dim3A_441 : i32 to vector<16xi32>
        %gather3A_443 = tpu.vector_load_idx %arg16[%add3A_66, %broadcast_in_dim3A_442] : memref<128x64xf32, #tpu.memory_space<vmem>>[vector<16xi32>, vector<16xi32>], vector<16xf32>,
        %gather3A_444 = tpu.vector_load_idx %arg17[%add3A_66, %broadcast_in_dim3A_442] : memref<128x64xf32, #tpu.memory_space<vmem>>[vector<16xi32>, vector<16xi32>], vector<16xf32>,
        %gather3A_445 = tpu.vector_load_idx %arg18[%add3A_66, %broadcast_in_dim3A_442] : memref<128x64xf32, #tpu.memory_space<vmem>>[vector<16xi32>, vector<16xi32>], vector<16xf32>,
        %mul3A_446 = arith.mulf %gather3A_443, %gather3A_443 : vector<16xf32>
        %add3A_447 = arith.addf %add3A_430, %mul3A_446 : vector<16xf32>
        %mul3A_448 = arith.mulf %gather3A_444, %gather3A_444 : vector<16xf32>
        %add3A_449 = arith.addf %add3A_432, %mul3A_448 : vector<16xf32>
        %mul3A_450 = arith.mulf %gather3A_445, %gather3A_445 : vector<16xf32>
        %add3A_451 = arith.addf %add3A_434, %mul3A_450 : vector<16xf32>
        %mul3A_452 = arith.mulf %gather3A_443, %gather3A_445 : vector<16xf32>
        %add3A_453 = arith.addf %add3A_436, %mul3A_452 : vector<16xf32>
        %mul3A_454 = arith.mulf %gather3A_443, %gather3A_444 : vector<16xf32>
        %add3A_455 = arith.addf %add3A_438, %mul3A_454 : vector<16xf32>
        %mul3A_456 = arith.mulf %gather3A_445, %gather3A_444 : vector<16xf32>
        %add3A_457 = arith.addf %add3A_440, %mul3A_456 : vector<16xf32>
        %broadcast_in_dim3A_458 = arith.constant 23 : i32
        %broadcast_in_dim3A_459 = vector.broadcast %broadcast_in_dim3A_458 : i32 to vector<16xi32>
        %gather3A_460 = tpu.vector_load_idx %arg16[%add3A_66, %broadcast_in_dim3A_459] : memref<128x64xf32, #tpu.memory_space<vmem>>[vector<16xi32>, vector<16xi32>], vector<16xf32>,
        %gather3A_461 = tpu.vector_load_idx %arg17[%add3A_66, %broadcast_in_dim3A_459] : memref<128x64xf32, #tpu.memory_space<vmem>>[vector<16xi32>, vector<16xi32>], vector<16xf32>,
        %gather3A_462 = tpu.vector_load_idx %arg18[%add3A_66, %broadcast_in_dim3A_459] : memref<128x64xf32, #tpu.memory_space<vmem>>[vector<16xi32>, vector<16xi32>], vector<16xf32>,
        %mul3A_463 = arith.mulf %gather3A_460, %gather3A_460 : vector<16xf32>
        %add3A_464 = arith.addf %add3A_447, %mul3A_463 : vector<16xf32>
        %mul3A_465 = arith.mulf %gather3A_461, %gather3A_461 : vector<16xf32>
        %add3A_466 = arith.addf %add3A_449, %mul3A_465 : vector<16xf32>
        %mul3A_467 = arith.mulf %gather3A_462, %gather3A_462 : vector<16xf32>
        %add3A_468 = arith.addf %add3A_451, %mul3A_467 : vector<16xf32>
        %mul3A_469 = arith.mulf %gather3A_460, %gather3A_462 : vector<16xf32>
        %add3A_470 = arith.addf %add3A_453, %mul3A_469 : vector<16xf32>
        %mul3A_471 = arith.mulf %gather3A_460, %gather3A_461 : vector<16xf32>
        %add3A_472 = arith.addf %add3A_455, %mul3A_471 : vector<16xf32>
        %mul3A_473 = arith.mulf %gather3A_462, %gather3A_461 : vector<16xf32>
        %add3A_474 = arith.addf %add3A_457, %mul3A_473 : vector<16xf32>
        %broadcast_in_dim3A_475 = arith.constant 24 : i32
        %broadcast_in_dim3A_476 = vector.broadcast %broadcast_in_dim3A_475 : i32 to vector<16xi32>
        %gather3A_477 = tpu.vector_load_idx %arg16[%add3A_66, %broadcast_in_dim3A_476] : memref<128x64xf32, #tpu.memory_space<vmem>>[vector<16xi32>, vector<16xi32>], vector<16xf32>,
        %gather3A_478 = tpu.vector_load_idx %arg17[%add3A_66, %broadcast_in_dim3A_476] : memref<128x64xf32, #tpu.memory_space<vmem>>[vector<16xi32>, vector<16xi32>], vector<16xf32>,
        %gather3A_479 = tpu.vector_load_idx %arg18[%add3A_66, %broadcast_in_dim3A_476] : memref<128x64xf32, #tpu.memory_space<vmem>>[vector<16xi32>, vector<16xi32>], vector<16xf32>,
        %mul3A_480 = arith.mulf %gather3A_477, %gather3A_477 : vector<16xf32>
        %add3A_481 = arith.addf %add3A_464, %mul3A_480 : vector<16xf32>
        %mul3A_482 = arith.mulf %gather3A_478, %gather3A_478 : vector<16xf32>
        %add3A_483 = arith.addf %add3A_466, %mul3A_482 : vector<16xf32>
        %mul3A_484 = arith.mulf %gather3A_479, %gather3A_479 : vector<16xf32>
        %add3A_485 = arith.addf %add3A_468, %mul3A_484 : vector<16xf32>
        %mul3A_486 = arith.mulf %gather3A_477, %gather3A_479 : vector<16xf32>
        %add3A_487 = arith.addf %add3A_470, %mul3A_486 : vector<16xf32>
        %mul3A_488 = arith.mulf %gather3A_477, %gather3A_478 : vector<16xf32>
        %add3A_489 = arith.addf %add3A_472, %mul3A_488 : vector<16xf32>
        %mul3A_490 = arith.mulf %gather3A_479, %gather3A_478 : vector<16xf32>
        %add3A_491 = arith.addf %add3A_474, %mul3A_490 : vector<16xf32>
        %broadcast_in_dim3A_492 = arith.constant 25 : i32
        %broadcast_in_dim3A_493 = vector.broadcast %broadcast_in_dim3A_492 : i32 to vector<16xi32>
        %gather3A_494 = tpu.vector_load_idx %arg16[%add3A_66, %broadcast_in_dim3A_493] : memref<128x64xf32, #tpu.memory_space<vmem>>[vector<16xi32>, vector<16xi32>], vector<16xf32>,
        %gather3A_495 = tpu.vector_load_idx %arg17[%add3A_66, %broadcast_in_dim3A_493] : memref<128x64xf32, #tpu.memory_space<vmem>>[vector<16xi32>, vector<16xi32>], vector<16xf32>,
        %gather3A_496 = tpu.vector_load_idx %arg18[%add3A_66, %broadcast_in_dim3A_493] : memref<128x64xf32, #tpu.memory_space<vmem>>[vector<16xi32>, vector<16xi32>], vector<16xf32>,
        %mul3A_497 = arith.mulf %gather3A_494, %gather3A_494 : vector<16xf32>
        %add3A_498 = arith.addf %add3A_481, %mul3A_497 : vector<16xf32>
        %mul3A_499 = arith.mulf %gather3A_495, %gather3A_495 : vector<16xf32>
        %add3A_500 = arith.addf %add3A_483, %mul3A_499 : vector<16xf32>
        %mul3A_501 = arith.mulf %gather3A_496, %gather3A_496 : vector<16xf32>
        %add3A_502 = arith.addf %add3A_485, %mul3A_501 : vector<16xf32>
        %mul3A_503 = arith.mulf %gather3A_494, %gather3A_496 : vector<16xf32>
        %add3A_504 = arith.addf %add3A_487, %mul3A_503 : vector<16xf32>
        %mul3A_505 = arith.mulf %gather3A_494, %gather3A_495 : vector<16xf32>
        %add3A_506 = arith.addf %add3A_489, %mul3A_505 : vector<16xf32>
        %mul3A_507 = arith.mulf %gather3A_496, %gather3A_495 : vector<16xf32>
        %add3A_508 = arith.addf %add3A_491, %mul3A_507 : vector<16xf32>
        %broadcast_in_dim3A_509 = arith.constant 26 : i32
        %broadcast_in_dim3A_510 = vector.broadcast %broadcast_in_dim3A_509 : i32 to vector<16xi32>
        %gather3A_511 = tpu.vector_load_idx %arg16[%add3A_66, %broadcast_in_dim3A_510] : memref<128x64xf32, #tpu.memory_space<vmem>>[vector<16xi32>, vector<16xi32>], vector<16xf32>,
        %gather3A_512 = tpu.vector_load_idx %arg17[%add3A_66, %broadcast_in_dim3A_510] : memref<128x64xf32, #tpu.memory_space<vmem>>[vector<16xi32>, vector<16xi32>], vector<16xf32>,
        %gather3A_513 = tpu.vector_load_idx %arg18[%add3A_66, %broadcast_in_dim3A_510] : memref<128x64xf32, #tpu.memory_space<vmem>>[vector<16xi32>, vector<16xi32>], vector<16xf32>,
        %mul3A_514 = arith.mulf %gather3A_511, %gather3A_511 : vector<16xf32>
        %add3A_515 = arith.addf %add3A_498, %mul3A_514 : vector<16xf32>
        %mul3A_516 = arith.mulf %gather3A_512, %gather3A_512 : vector<16xf32>
        %add3A_517 = arith.addf %add3A_500, %mul3A_516 : vector<16xf32>
        %mul3A_518 = arith.mulf %gather3A_513, %gather3A_513 : vector<16xf32>
        %add3A_519 = arith.addf %add3A_502, %mul3A_518 : vector<16xf32>
        %mul3A_520 = arith.mulf %gather3A_511, %gather3A_513 : vector<16xf32>
        %add3A_521 = arith.addf %add3A_504, %mul3A_520 : vector<16xf32>
        %mul3A_522 = arith.mulf %gather3A_511, %gather3A_512 : vector<16xf32>
        %add3A_523 = arith.addf %add3A_506, %mul3A_522 : vector<16xf32>
        %mul3A_524 = arith.mulf %gather3A_513, %gather3A_512 : vector<16xf32>
        %add3A_525 = arith.addf %add3A_508, %mul3A_524 : vector<16xf32>
        %broadcast_in_dim3A_526 = arith.constant 27 : i32
        %broadcast_in_dim3A_527 = vector.broadcast %broadcast_in_dim3A_526 : i32 to vector<16xi32>
        %gather3A_528 = tpu.vector_load_idx %arg16[%add3A_66, %broadcast_in_dim3A_527] : memref<128x64xf32, #tpu.memory_space<vmem>>[vector<16xi32>, vector<16xi32>], vector<16xf32>,
        %gather3A_529 = tpu.vector_load_idx %arg17[%add3A_66, %broadcast_in_dim3A_527] : memref<128x64xf32, #tpu.memory_space<vmem>>[vector<16xi32>, vector<16xi32>], vector<16xf32>,
        %gather3A_530 = tpu.vector_load_idx %arg18[%add3A_66, %broadcast_in_dim3A_527] : memref<128x64xf32, #tpu.memory_space<vmem>>[vector<16xi32>, vector<16xi32>], vector<16xf32>,
        %mul3A_531 = arith.mulf %gather3A_528, %gather3A_528 : vector<16xf32>
        %add3A_532 = arith.addf %add3A_515, %mul3A_531 : vector<16xf32>
        %mul3A_533 = arith.mulf %gather3A_529, %gather3A_529 : vector<16xf32>
        %add3A_534 = arith.addf %add3A_517, %mul3A_533 : vector<16xf32>
        %mul3A_535 = arith.mulf %gather3A_530, %gather3A_530 : vector<16xf32>
        %add3A_536 = arith.addf %add3A_519, %mul3A_535 : vector<16xf32>
        %mul3A_537 = arith.mulf %gather3A_528, %gather3A_530 : vector<16xf32>
        %add3A_538 = arith.addf %add3A_521, %mul3A_537 : vector<16xf32>
        %mul3A_539 = arith.mulf %gather3A_528, %gather3A_529 : vector<16xf32>
        %add3A_540 = arith.addf %add3A_523, %mul3A_539 : vector<16xf32>
        %mul3A_541 = arith.mulf %gather3A_530, %gather3A_529 : vector<16xf32>
        %add3A_542 = arith.addf %add3A_525, %mul3A_541 : vector<16xf32>
        %broadcast_in_dim3A_543 = arith.constant 28 : i32
        %broadcast_in_dim3A_544 = vector.broadcast %broadcast_in_dim3A_543 : i32 to vector<16xi32>
        %gather3A_545 = tpu.vector_load_idx %arg16[%add3A_66, %broadcast_in_dim3A_544] : memref<128x64xf32, #tpu.memory_space<vmem>>[vector<16xi32>, vector<16xi32>], vector<16xf32>,
        %gather3A_546 = tpu.vector_load_idx %arg17[%add3A_66, %broadcast_in_dim3A_544] : memref<128x64xf32, #tpu.memory_space<vmem>>[vector<16xi32>, vector<16xi32>], vector<16xf32>,
        %gather3A_547 = tpu.vector_load_idx %arg18[%add3A_66, %broadcast_in_dim3A_544] : memref<128x64xf32, #tpu.memory_space<vmem>>[vector<16xi32>, vector<16xi32>], vector<16xf32>,
        %mul3A_548 = arith.mulf %gather3A_545, %gather3A_545 : vector<16xf32>
        %add3A_549 = arith.addf %add3A_532, %mul3A_548 : vector<16xf32>
        %mul3A_550 = arith.mulf %gather3A_546, %gather3A_546 : vector<16xf32>
        %add3A_551 = arith.addf %add3A_534, %mul3A_550 : vector<16xf32>
        %mul3A_552 = arith.mulf %gather3A_547, %gather3A_547 : vector<16xf32>
        %add3A_553 = arith.addf %add3A_536, %mul3A_552 : vector<16xf32>
        %mul3A_554 = arith.mulf %gather3A_545, %gather3A_547 : vector<16xf32>
        %add3A_555 = arith.addf %add3A_538, %mul3A_554 : vector<16xf32>
        %mul3A_556 = arith.mulf %gather3A_545, %gather3A_546 : vector<16xf32>
        %add3A_557 = arith.addf %add3A_540, %mul3A_556 : vector<16xf32>
        %mul3A_558 = arith.mulf %gather3A_547, %gather3A_546 : vector<16xf32>
        %add3A_559 = arith.addf %add3A_542, %mul3A_558 : vector<16xf32>
        %broadcast_in_dim3A_560 = arith.constant 29 : i32
        %broadcast_in_dim3A_561 = vector.broadcast %broadcast_in_dim3A_560 : i32 to vector<16xi32>
        %gather3A_562 = tpu.vector_load_idx %arg16[%add3A_66, %broadcast_in_dim3A_561] : memref<128x64xf32, #tpu.memory_space<vmem>>[vector<16xi32>, vector<16xi32>], vector<16xf32>,
        %gather3A_563 = tpu.vector_load_idx %arg17[%add3A_66, %broadcast_in_dim3A_561] : memref<128x64xf32, #tpu.memory_space<vmem>>[vector<16xi32>, vector<16xi32>], vector<16xf32>,
        %gather3A_564 = tpu.vector_load_idx %arg18[%add3A_66, %broadcast_in_dim3A_561] : memref<128x64xf32, #tpu.memory_space<vmem>>[vector<16xi32>, vector<16xi32>], vector<16xf32>,
        %mul3A_565 = arith.mulf %gather3A_562, %gather3A_562 : vector<16xf32>
        %add3A_566 = arith.addf %add3A_549, %mul3A_565 : vector<16xf32>
        %mul3A_567 = arith.mulf %gather3A_563, %gather3A_563 : vector<16xf32>
        %add3A_568 = arith.addf %add3A_551, %mul3A_567 : vector<16xf32>
        %mul3A_569 = arith.mulf %gather3A_564, %gather3A_564 : vector<16xf32>
        %add3A_570 = arith.addf %add3A_553, %mul3A_569 : vector<16xf32>
        %mul3A_571 = arith.mulf %gather3A_562, %gather3A_564 : vector<16xf32>
        %add3A_572 = arith.addf %add3A_555, %mul3A_571 : vector<16xf32>
        %mul3A_573 = arith.mulf %gather3A_562, %gather3A_563 : vector<16xf32>
        %add3A_574 = arith.addf %add3A_557, %mul3A_573 : vector<16xf32>
        %mul3A_575 = arith.mulf %gather3A_564, %gather3A_563 : vector<16xf32>
        %add3A_576 = arith.addf %add3A_559, %mul3A_575 : vector<16xf32>
        %broadcast_in_dim3A_577 = arith.constant 30 : i32
        %broadcast_in_dim3A_578 = vector.broadcast %broadcast_in_dim3A_577 : i32 to vector<16xi32>
        %gather3A_579 = tpu.vector_load_idx %arg16[%add3A_66, %broadcast_in_dim3A_578] : memref<128x64xf32, #tpu.memory_space<vmem>>[vector<16xi32>, vector<16xi32>], vector<16xf32>,
        %gather3A_580 = tpu.vector_load_idx %arg17[%add3A_66, %broadcast_in_dim3A_578] : memref<128x64xf32, #tpu.memory_space<vmem>>[vector<16xi32>, vector<16xi32>], vector<16xf32>,
        %gather3A_581 = tpu.vector_load_idx %arg18[%add3A_66, %broadcast_in_dim3A_578] : memref<128x64xf32, #tpu.memory_space<vmem>>[vector<16xi32>, vector<16xi32>], vector<16xf32>,
        %mul3A_582 = arith.mulf %gather3A_579, %gather3A_579 : vector<16xf32>
        %add3A_583 = arith.addf %add3A_566, %mul3A_582 : vector<16xf32>
        %mul3A_584 = arith.mulf %gather3A_580, %gather3A_580 : vector<16xf32>
        %add3A_585 = arith.addf %add3A_568, %mul3A_584 : vector<16xf32>
        %mul3A_586 = arith.mulf %gather3A_581, %gather3A_581 : vector<16xf32>
        %add3A_587 = arith.addf %add3A_570, %mul3A_586 : vector<16xf32>
        %mul3A_588 = arith.mulf %gather3A_579, %gather3A_581 : vector<16xf32>
        %add3A_589 = arith.addf %add3A_572, %mul3A_588 : vector<16xf32>
        %mul3A_590 = arith.mulf %gather3A_579, %gather3A_580 : vector<16xf32>
        %add3A_591 = arith.addf %add3A_574, %mul3A_590 : vector<16xf32>
        %mul3A_592 = arith.mulf %gather3A_581, %gather3A_580 : vector<16xf32>
        %add3A_593 = arith.addf %add3A_576, %mul3A_592 : vector<16xf32>
        %broadcast_in_dim3A_594 = arith.constant 31 : i32
        %broadcast_in_dim3A_595 = vector.broadcast %broadcast_in_dim3A_594 : i32 to vector<16xi32>
        %gather3A_596 = tpu.vector_load_idx %arg16[%add3A_66, %broadcast_in_dim3A_595] : memref<128x64xf32, #tpu.memory_space<vmem>>[vector<16xi32>, vector<16xi32>], vector<16xf32>,
        %gather3A_597 = tpu.vector_load_idx %arg17[%add3A_66, %broadcast_in_dim3A_595] : memref<128x64xf32, #tpu.memory_space<vmem>>[vector<16xi32>, vector<16xi32>], vector<16xf32>,
        %gather3A_598 = tpu.vector_load_idx %arg18[%add3A_66, %broadcast_in_dim3A_595] : memref<128x64xf32, #tpu.memory_space<vmem>>[vector<16xi32>, vector<16xi32>], vector<16xf32>,
        %mul3A_599 = arith.mulf %gather3A_596, %gather3A_596 : vector<16xf32>
        %add3A_600 = arith.addf %add3A_583, %mul3A_599 : vector<16xf32>
        %mul3A_601 = arith.mulf %gather3A_597, %gather3A_597 : vector<16xf32>
        %add3A_602 = arith.addf %add3A_585, %mul3A_601 : vector<16xf32>
        %mul3A_603 = arith.mulf %gather3A_598, %gather3A_598 : vector<16xf32>
        %add3A_604 = arith.addf %add3A_587, %mul3A_603 : vector<16xf32>
        %mul3A_605 = arith.mulf %gather3A_596, %gather3A_598 : vector<16xf32>
        %add3A_606 = arith.addf %add3A_589, %mul3A_605 : vector<16xf32>
        %mul3A_607 = arith.mulf %gather3A_596, %gather3A_597 : vector<16xf32>
        %add3A_608 = arith.addf %add3A_591, %mul3A_607 : vector<16xf32>
        %mul3A_609 = arith.mulf %gather3A_598, %gather3A_597 : vector<16xf32>
        %add3A_610 = arith.addf %add3A_593, %mul3A_609 : vector<16xf32>
        %broadcast_in_dim3A_611 = arith.constant 32 : i32
        %broadcast_in_dim3A_612 = vector.broadcast %broadcast_in_dim3A_611 : i32 to vector<16xi32>
        %gather3A_613 = tpu.vector_load_idx %arg16[%add3A_66, %broadcast_in_dim3A_612] : memref<128x64xf32, #tpu.memory_space<vmem>>[vector<16xi32>, vector<16xi32>], vector<16xf32>,
        %gather3A_614 = tpu.vector_load_idx %arg17[%add3A_66, %broadcast_in_dim3A_612] : memref<128x64xf32, #tpu.memory_space<vmem>>[vector<16xi32>, vector<16xi32>], vector<16xf32>,
        %gather3A_615 = tpu.vector_load_idx %arg18[%add3A_66, %broadcast_in_dim3A_612] : memref<128x64xf32, #tpu.memory_space<vmem>>[vector<16xi32>, vector<16xi32>], vector<16xf32>,
        %mul3A_616 = arith.mulf %gather3A_613, %gather3A_613 : vector<16xf32>
        %add3A_617 = arith.addf %add3A_600, %mul3A_616 : vector<16xf32>
        %mul3A_618 = arith.mulf %gather3A_614, %gather3A_614 : vector<16xf32>
        %add3A_619 = arith.addf %add3A_602, %mul3A_618 : vector<16xf32>
        %mul3A_620 = arith.mulf %gather3A_615, %gather3A_615 : vector<16xf32>
        %add3A_621 = arith.addf %add3A_604, %mul3A_620 : vector<16xf32>
        %mul3A_622 = arith.mulf %gather3A_613, %gather3A_615 : vector<16xf32>
        %add3A_623 = arith.addf %add3A_606, %mul3A_622 : vector<16xf32>
        %mul3A_624 = arith.mulf %gather3A_613, %gather3A_614 : vector<16xf32>
        %add3A_625 = arith.addf %add3A_608, %mul3A_624 : vector<16xf32>
        %mul3A_626 = arith.mulf %gather3A_615, %gather3A_614 : vector<16xf32>
        %add3A_627 = arith.addf %add3A_610, %mul3A_626 : vector<16xf32>
        %broadcast_in_dim3A_628 = arith.constant 33 : i32
        %broadcast_in_dim3A_629 = vector.broadcast %broadcast_in_dim3A_628 : i32 to vector<16xi32>
        %gather3A_630 = tpu.vector_load_idx %arg16[%add3A_66, %broadcast_in_dim3A_629] : memref<128x64xf32, #tpu.memory_space<vmem>>[vector<16xi32>, vector<16xi32>], vector<16xf32>,
        %gather3A_631 = tpu.vector_load_idx %arg17[%add3A_66, %broadcast_in_dim3A_629] : memref<128x64xf32, #tpu.memory_space<vmem>>[vector<16xi32>, vector<16xi32>], vector<16xf32>,
        %gather3A_632 = tpu.vector_load_idx %arg18[%add3A_66, %broadcast_in_dim3A_629] : memref<128x64xf32, #tpu.memory_space<vmem>>[vector<16xi32>, vector<16xi32>], vector<16xf32>,
        %mul3A_633 = arith.mulf %gather3A_630, %gather3A_630 : vector<16xf32>
        %add3A_634 = arith.addf %add3A_617, %mul3A_633 : vector<16xf32>
        %mul3A_635 = arith.mulf %gather3A_631, %gather3A_631 : vector<16xf32>
        %add3A_636 = arith.addf %add3A_619, %mul3A_635 : vector<16xf32>
        %mul3A_637 = arith.mulf %gather3A_632, %gather3A_632 : vector<16xf32>
        %add3A_638 = arith.addf %add3A_621, %mul3A_637 : vector<16xf32>
        %mul3A_639 = arith.mulf %gather3A_630, %gather3A_632 : vector<16xf32>
        %add3A_640 = arith.addf %add3A_623, %mul3A_639 : vector<16xf32>
        %mul3A_641 = arith.mulf %gather3A_630, %gather3A_631 : vector<16xf32>
        %add3A_642 = arith.addf %add3A_625, %mul3A_641 : vector<16xf32>
        %mul3A_643 = arith.mulf %gather3A_632, %gather3A_631 : vector<16xf32>
        %add3A_644 = arith.addf %add3A_627, %mul3A_643 : vector<16xf32>
        %broadcast_in_dim3A_645 = arith.constant 34 : i32
        %broadcast_in_dim3A_646 = vector.broadcast %broadcast_in_dim3A_645 : i32 to vector<16xi32>
        %gather3A_647 = tpu.vector_load_idx %arg16[%add3A_66, %broadcast_in_dim3A_646] : memref<128x64xf32, #tpu.memory_space<vmem>>[vector<16xi32>, vector<16xi32>], vector<16xf32>,
        %gather3A_648 = tpu.vector_load_idx %arg17[%add3A_66, %broadcast_in_dim3A_646] : memref<128x64xf32, #tpu.memory_space<vmem>>[vector<16xi32>, vector<16xi32>], vector<16xf32>,
        %gather3A_649 = tpu.vector_load_idx %arg18[%add3A_66, %broadcast_in_dim3A_646] : memref<128x64xf32, #tpu.memory_space<vmem>>[vector<16xi32>, vector<16xi32>], vector<16xf32>,
        %mul3A_650 = arith.mulf %gather3A_647, %gather3A_647 : vector<16xf32>
        %add3A_651 = arith.addf %add3A_634, %mul3A_650 : vector<16xf32>
        %mul3A_652 = arith.mulf %gather3A_648, %gather3A_648 : vector<16xf32>
        %add3A_653 = arith.addf %add3A_636, %mul3A_652 : vector<16xf32>
        %mul3A_654 = arith.mulf %gather3A_649, %gather3A_649 : vector<16xf32>
        %add3A_655 = arith.addf %add3A_638, %mul3A_654 : vector<16xf32>
        %mul3A_656 = arith.mulf %gather3A_647, %gather3A_649 : vector<16xf32>
        %add3A_657 = arith.addf %add3A_640, %mul3A_656 : vector<16xf32>
        %mul3A_658 = arith.mulf %gather3A_647, %gather3A_648 : vector<16xf32>
        %add3A_659 = arith.addf %add3A_642, %mul3A_658 : vector<16xf32>
        %mul3A_660 = arith.mulf %gather3A_649, %gather3A_648 : vector<16xf32>
        %add3A_661 = arith.addf %add3A_644, %mul3A_660 : vector<16xf32>
        %broadcast_in_dim3A_662 = arith.constant 35 : i32
        %broadcast_in_dim3A_663 = vector.broadcast %broadcast_in_dim3A_662 : i32 to vector<16xi32>
        %gather3A_664 = tpu.vector_load_idx %arg16[%add3A_66, %broadcast_in_dim3A_663] : memref<128x64xf32, #tpu.memory_space<vmem>>[vector<16xi32>, vector<16xi32>], vector<16xf32>,
        %gather3A_665 = tpu.vector_load_idx %arg17[%add3A_66, %broadcast_in_dim3A_663] : memref<128x64xf32, #tpu.memory_space<vmem>>[vector<16xi32>, vector<16xi32>], vector<16xf32>,
        %gather3A_666 = tpu.vector_load_idx %arg18[%add3A_66, %broadcast_in_dim3A_663] : memref<128x64xf32, #tpu.memory_space<vmem>>[vector<16xi32>, vector<16xi32>], vector<16xf32>,
        %mul3A_667 = arith.mulf %gather3A_664, %gather3A_664 : vector<16xf32>
        %add3A_668 = arith.addf %add3A_651, %mul3A_667 : vector<16xf32>
        %mul3A_669 = arith.mulf %gather3A_665, %gather3A_665 : vector<16xf32>
        %add3A_670 = arith.addf %add3A_653, %mul3A_669 : vector<16xf32>
        %mul3A_671 = arith.mulf %gather3A_666, %gather3A_666 : vector<16xf32>
        %add3A_672 = arith.addf %add3A_655, %mul3A_671 : vector<16xf32>
        %mul3A_673 = arith.mulf %gather3A_664, %gather3A_666 : vector<16xf32>
        %add3A_674 = arith.addf %add3A_657, %mul3A_673 : vector<16xf32>
        %mul3A_675 = arith.mulf %gather3A_664, %gather3A_665 : vector<16xf32>
        %add3A_676 = arith.addf %add3A_659, %mul3A_675 : vector<16xf32>
        %mul3A_677 = arith.mulf %gather3A_666, %gather3A_665 : vector<16xf32>
        %add3A_678 = arith.addf %add3A_661, %mul3A_677 : vector<16xf32>
        %broadcast_in_dim3A_679 = arith.constant 36 : i32
        %broadcast_in_dim3A_680 = vector.broadcast %broadcast_in_dim3A_679 : i32 to vector<16xi32>
        %gather3A_681 = tpu.vector_load_idx %arg16[%add3A_66, %broadcast_in_dim3A_680] : memref<128x64xf32, #tpu.memory_space<vmem>>[vector<16xi32>, vector<16xi32>], vector<16xf32>,
        %gather3A_682 = tpu.vector_load_idx %arg17[%add3A_66, %broadcast_in_dim3A_680] : memref<128x64xf32, #tpu.memory_space<vmem>>[vector<16xi32>, vector<16xi32>], vector<16xf32>,
        %gather3A_683 = tpu.vector_load_idx %arg18[%add3A_66, %broadcast_in_dim3A_680] : memref<128x64xf32, #tpu.memory_space<vmem>>[vector<16xi32>, vector<16xi32>], vector<16xf32>,
        %mul3A_684 = arith.mulf %gather3A_681, %gather3A_681 : vector<16xf32>
        %add3A_685 = arith.addf %add3A_668, %mul3A_684 : vector<16xf32>
        %mul3A_686 = arith.mulf %gather3A_682, %gather3A_682 : vector<16xf32>
        %add3A_687 = arith.addf %add3A_670, %mul3A_686 : vector<16xf32>
        %mul3A_688 = arith.mulf %gather3A_683, %gather3A_683 : vector<16xf32>
        %add3A_689 = arith.addf %add3A_672, %mul3A_688 : vector<16xf32>
        %mul3A_690 = arith.mulf %gather3A_681, %gather3A_683 : vector<16xf32>
        %add3A_691 = arith.addf %add3A_674, %mul3A_690 : vector<16xf32>
        %mul3A_692 = arith.mulf %gather3A_681, %gather3A_682 : vector<16xf32>
        %add3A_693 = arith.addf %add3A_676, %mul3A_692 : vector<16xf32>
        %mul3A_694 = arith.mulf %gather3A_683, %gather3A_682 : vector<16xf32>
        %add3A_695 = arith.addf %add3A_678, %mul3A_694 : vector<16xf32>
        %broadcast_in_dim3A_696 = arith.constant 37 : i32
        %broadcast_in_dim3A_697 = vector.broadcast %broadcast_in_dim3A_696 : i32 to vector<16xi32>
        %gather3A_698 = tpu.vector_load_idx %arg16[%add3A_66, %broadcast_in_dim3A_697] : memref<128x64xf32, #tpu.memory_space<vmem>>[vector<16xi32>, vector<16xi32>], vector<16xf32>,
        %gather3A_699 = tpu.vector_load_idx %arg17[%add3A_66, %broadcast_in_dim3A_697] : memref<128x64xf32, #tpu.memory_space<vmem>>[vector<16xi32>, vector<16xi32>], vector<16xf32>,
        %gather3A_700 = tpu.vector_load_idx %arg18[%add3A_66, %broadcast_in_dim3A_697] : memref<128x64xf32, #tpu.memory_space<vmem>>[vector<16xi32>, vector<16xi32>], vector<16xf32>,
        %mul3A_701 = arith.mulf %gather3A_698, %gather3A_698 : vector<16xf32>
        %add3A_702 = arith.addf %add3A_685, %mul3A_701 : vector<16xf32>
        %mul3A_703 = arith.mulf %gather3A_699, %gather3A_699 : vector<16xf32>
        %add3A_704 = arith.addf %add3A_687, %mul3A_703 : vector<16xf32>
        %mul3A_705 = arith.mulf %gather3A_700, %gather3A_700 : vector<16xf32>
        %add3A_706 = arith.addf %add3A_689, %mul3A_705 : vector<16xf32>
        %mul3A_707 = arith.mulf %gather3A_698, %gather3A_700 : vector<16xf32>
        %add3A_708 = arith.addf %add3A_691, %mul3A_707 : vector<16xf32>
        %mul3A_709 = arith.mulf %gather3A_698, %gather3A_699 : vector<16xf32>
        %add3A_710 = arith.addf %add3A_693, %mul3A_709 : vector<16xf32>
        %mul3A_711 = arith.mulf %gather3A_700, %gather3A_699 : vector<16xf32>
        %add3A_712 = arith.addf %add3A_695, %mul3A_711 : vector<16xf32>
        %broadcast_in_dim3A_713 = arith.constant 38 : i32
        %broadcast_in_dim3A_714 = vector.broadcast %broadcast_in_dim3A_713 : i32 to vector<16xi32>
        %gather3A_715 = tpu.vector_load_idx %arg16[%add3A_66, %broadcast_in_dim3A_714] : memref<128x64xf32, #tpu.memory_space<vmem>>[vector<16xi32>, vector<16xi32>], vector<16xf32>,
        %gather3A_716 = tpu.vector_load_idx %arg17[%add3A_66, %broadcast_in_dim3A_714] : memref<128x64xf32, #tpu.memory_space<vmem>>[vector<16xi32>, vector<16xi32>], vector<16xf32>,
        %gather3A_717 = tpu.vector_load_idx %arg18[%add3A_66, %broadcast_in_dim3A_714] : memref<128x64xf32, #tpu.memory_space<vmem>>[vector<16xi32>, vector<16xi32>], vector<16xf32>,
        %mul3A_718 = arith.mulf %gather3A_715, %gather3A_715 : vector<16xf32>
        %add3A_719 = arith.addf %add3A_702, %mul3A_718 : vector<16xf32>
        %mul3A_720 = arith.mulf %gather3A_716, %gather3A_716 : vector<16xf32>
        %add3A_721 = arith.addf %add3A_704, %mul3A_720 : vector<16xf32>
        %mul3A_722 = arith.mulf %gather3A_717, %gather3A_717 : vector<16xf32>
        %add3A_723 = arith.addf %add3A_706, %mul3A_722 : vector<16xf32>
        %mul3A_724 = arith.mulf %gather3A_715, %gather3A_717 : vector<16xf32>
        %add3A_725 = arith.addf %add3A_708, %mul3A_724 : vector<16xf32>
        %mul3A_726 = arith.mulf %gather3A_715, %gather3A_716 : vector<16xf32>
        %add3A_727 = arith.addf %add3A_710, %mul3A_726 : vector<16xf32>
        %mul3A_728 = arith.mulf %gather3A_717, %gather3A_716 : vector<16xf32>
        %add3A_729 = arith.addf %add3A_712, %mul3A_728 : vector<16xf32>
        %broadcast_in_dim3A_730 = arith.constant 39 : i32
        %broadcast_in_dim3A_731 = vector.broadcast %broadcast_in_dim3A_730 : i32 to vector<16xi32>
        %gather3A_732 = tpu.vector_load_idx %arg16[%add3A_66, %broadcast_in_dim3A_731] : memref<128x64xf32, #tpu.memory_space<vmem>>[vector<16xi32>, vector<16xi32>], vector<16xf32>,
        %gather3A_733 = tpu.vector_load_idx %arg17[%add3A_66, %broadcast_in_dim3A_731] : memref<128x64xf32, #tpu.memory_space<vmem>>[vector<16xi32>, vector<16xi32>], vector<16xf32>,
        %gather3A_734 = tpu.vector_load_idx %arg18[%add3A_66, %broadcast_in_dim3A_731] : memref<128x64xf32, #tpu.memory_space<vmem>>[vector<16xi32>, vector<16xi32>], vector<16xf32>,
        %mul3A_735 = arith.mulf %gather3A_732, %gather3A_732 : vector<16xf32>
        %add3A_736 = arith.addf %add3A_719, %mul3A_735 : vector<16xf32>
        %mul3A_737 = arith.mulf %gather3A_733, %gather3A_733 : vector<16xf32>
        %add3A_738 = arith.addf %add3A_721, %mul3A_737 : vector<16xf32>
        %mul3A_739 = arith.mulf %gather3A_734, %gather3A_734 : vector<16xf32>
        %add3A_740 = arith.addf %add3A_723, %mul3A_739 : vector<16xf32>
        %mul3A_741 = arith.mulf %gather3A_732, %gather3A_734 : vector<16xf32>
        %add3A_742 = arith.addf %add3A_725, %mul3A_741 : vector<16xf32>
        %mul3A_743 = arith.mulf %gather3A_732, %gather3A_733 : vector<16xf32>
        %add3A_744 = arith.addf %add3A_727, %mul3A_743 : vector<16xf32>
        %mul3A_745 = arith.mulf %gather3A_734, %gather3A_733 : vector<16xf32>
        %add3A_746 = arith.addf %add3A_729, %mul3A_745 : vector<16xf32>
        %broadcast_in_dim3A_747 = arith.constant 40 : i32
        %broadcast_in_dim3A_748 = vector.broadcast %broadcast_in_dim3A_747 : i32 to vector<16xi32>
        %gather3A_749 = tpu.vector_load_idx %arg16[%add3A_66, %broadcast_in_dim3A_748] : memref<128x64xf32, #tpu.memory_space<vmem>>[vector<16xi32>, vector<16xi32>], vector<16xf32>,
        %gather3A_750 = tpu.vector_load_idx %arg17[%add3A_66, %broadcast_in_dim3A_748] : memref<128x64xf32, #tpu.memory_space<vmem>>[vector<16xi32>, vector<16xi32>], vector<16xf32>,
        %gather3A_751 = tpu.vector_load_idx %arg18[%add3A_66, %broadcast_in_dim3A_748] : memref<128x64xf32, #tpu.memory_space<vmem>>[vector<16xi32>, vector<16xi32>], vector<16xf32>,
        %mul3A_752 = arith.mulf %gather3A_749, %gather3A_749 : vector<16xf32>
        %add3A_753 = arith.addf %add3A_736, %mul3A_752 : vector<16xf32>
        %mul3A_754 = arith.mulf %gather3A_750, %gather3A_750 : vector<16xf32>
        %add3A_755 = arith.addf %add3A_738, %mul3A_754 : vector<16xf32>
        %mul3A_756 = arith.mulf %gather3A_751, %gather3A_751 : vector<16xf32>
        %add3A_757 = arith.addf %add3A_740, %mul3A_756 : vector<16xf32>
        %mul3A_758 = arith.mulf %gather3A_749, %gather3A_751 : vector<16xf32>
        %add3A_759 = arith.addf %add3A_742, %mul3A_758 : vector<16xf32>
        %mul3A_760 = arith.mulf %gather3A_749, %gather3A_750 : vector<16xf32>
        %add3A_761 = arith.addf %add3A_744, %mul3A_760 : vector<16xf32>
        %mul3A_762 = arith.mulf %gather3A_751, %gather3A_750 : vector<16xf32>
        %add3A_763 = arith.addf %add3A_746, %mul3A_762 : vector<16xf32>
        %broadcast_in_dim3A_764 = arith.constant 41 : i32
        %broadcast_in_dim3A_765 = vector.broadcast %broadcast_in_dim3A_764 : i32 to vector<16xi32>
        %gather3A_766 = tpu.vector_load_idx %arg16[%add3A_66, %broadcast_in_dim3A_765] : memref<128x64xf32, #tpu.memory_space<vmem>>[vector<16xi32>, vector<16xi32>], vector<16xf32>,
        %gather3A_767 = tpu.vector_load_idx %arg17[%add3A_66, %broadcast_in_dim3A_765] : memref<128x64xf32, #tpu.memory_space<vmem>>[vector<16xi32>, vector<16xi32>], vector<16xf32>,
        %gather3A_768 = tpu.vector_load_idx %arg18[%add3A_66, %broadcast_in_dim3A_765] : memref<128x64xf32, #tpu.memory_space<vmem>>[vector<16xi32>, vector<16xi32>], vector<16xf32>,
        %mul3A_769 = arith.mulf %gather3A_766, %gather3A_766 : vector<16xf32>
        %add3A_770 = arith.addf %add3A_753, %mul3A_769 : vector<16xf32>
        %mul3A_771 = arith.mulf %gather3A_767, %gather3A_767 : vector<16xf32>
        %add3A_772 = arith.addf %add3A_755, %mul3A_771 : vector<16xf32>
        %mul3A_773 = arith.mulf %gather3A_768, %gather3A_768 : vector<16xf32>
        %add3A_774 = arith.addf %add3A_757, %mul3A_773 : vector<16xf32>
        %mul3A_775 = arith.mulf %gather3A_766, %gather3A_768 : vector<16xf32>
        %add3A_776 = arith.addf %add3A_759, %mul3A_775 : vector<16xf32>
        %mul3A_777 = arith.mulf %gather3A_766, %gather3A_767 : vector<16xf32>
        %add3A_778 = arith.addf %add3A_761, %mul3A_777 : vector<16xf32>
        %mul3A_779 = arith.mulf %gather3A_768, %gather3A_767 : vector<16xf32>
        %add3A_780 = arith.addf %add3A_763, %mul3A_779 : vector<16xf32>
        %broadcast_in_dim3A_781 = arith.constant 42 : i32
        %broadcast_in_dim3A_782 = vector.broadcast %broadcast_in_dim3A_781 : i32 to vector<16xi32>
        %gather3A_783 = tpu.vector_load_idx %arg16[%add3A_66, %broadcast_in_dim3A_782] : memref<128x64xf32, #tpu.memory_space<vmem>>[vector<16xi32>, vector<16xi32>], vector<16xf32>,
        %gather3A_784 = tpu.vector_load_idx %arg17[%add3A_66, %broadcast_in_dim3A_782] : memref<128x64xf32, #tpu.memory_space<vmem>>[vector<16xi32>, vector<16xi32>], vector<16xf32>,
        %gather3A_785 = tpu.vector_load_idx %arg18[%add3A_66, %broadcast_in_dim3A_782] : memref<128x64xf32, #tpu.memory_space<vmem>>[vector<16xi32>, vector<16xi32>], vector<16xf32>,
        %mul3A_786 = arith.mulf %gather3A_783, %gather3A_783 : vector<16xf32>
        %add3A_787 = arith.addf %add3A_770, %mul3A_786 : vector<16xf32>
        %mul3A_788 = arith.mulf %gather3A_784, %gather3A_784 : vector<16xf32>
        %add3A_789 = arith.addf %add3A_772, %mul3A_788 : vector<16xf32>
        %mul3A_790 = arith.mulf %gather3A_785, %gather3A_785 : vector<16xf32>
        %add3A_791 = arith.addf %add3A_774, %mul3A_790 : vector<16xf32>
        %mul3A_792 = arith.mulf %gather3A_783, %gather3A_785 : vector<16xf32>
        %add3A_793 = arith.addf %add3A_776, %mul3A_792 : vector<16xf32>
        %mul3A_794 = arith.mulf %gather3A_783, %gather3A_784 : vector<16xf32>
        %add3A_795 = arith.addf %add3A_778, %mul3A_794 : vector<16xf32>
        %mul3A_796 = arith.mulf %gather3A_785, %gather3A_784 : vector<16xf32>
        %add3A_797 = arith.addf %add3A_780, %mul3A_796 : vector<16xf32>
        %broadcast_in_dim3A_798 = arith.constant 43 : i32
        %broadcast_in_dim3A_799 = vector.broadcast %broadcast_in_dim3A_798 : i32 to vector<16xi32>
        %gather3A_800 = tpu.vector_load_idx %arg16[%add3A_66, %broadcast_in_dim3A_799] : memref<128x64xf32, #tpu.memory_space<vmem>>[vector<16xi32>, vector<16xi32>], vector<16xf32>,
        %gather3A_801 = tpu.vector_load_idx %arg17[%add3A_66, %broadcast_in_dim3A_799] : memref<128x64xf32, #tpu.memory_space<vmem>>[vector<16xi32>, vector<16xi32>], vector<16xf32>,
        %gather3A_802 = tpu.vector_load_idx %arg18[%add3A_66, %broadcast_in_dim3A_799] : memref<128x64xf32, #tpu.memory_space<vmem>>[vector<16xi32>, vector<16xi32>], vector<16xf32>,
        %mul3A_803 = arith.mulf %gather3A_800, %gather3A_800 : vector<16xf32>
        %add3A_804 = arith.addf %add3A_787, %mul3A_803 : vector<16xf32>
        %mul3A_805 = arith.mulf %gather3A_801, %gather3A_801 : vector<16xf32>
        %add3A_806 = arith.addf %add3A_789, %mul3A_805 : vector<16xf32>
        %mul3A_807 = arith.mulf %gather3A_802, %gather3A_802 : vector<16xf32>
        %add3A_808 = arith.addf %add3A_791, %mul3A_807 : vector<16xf32>
        %mul3A_809 = arith.mulf %gather3A_800, %gather3A_802 : vector<16xf32>
        %add3A_810 = arith.addf %add3A_793, %mul3A_809 : vector<16xf32>
        %mul3A_811 = arith.mulf %gather3A_800, %gather3A_801 : vector<16xf32>
        %add3A_812 = arith.addf %add3A_795, %mul3A_811 : vector<16xf32>
        %mul3A_813 = arith.mulf %gather3A_802, %gather3A_801 : vector<16xf32>
        %add3A_814 = arith.addf %add3A_797, %mul3A_813 : vector<16xf32>
        %broadcast_in_dim3A_815 = arith.constant 44 : i32
        %broadcast_in_dim3A_816 = vector.broadcast %broadcast_in_dim3A_815 : i32 to vector<16xi32>
        %gather3A_817 = tpu.vector_load_idx %arg16[%add3A_66, %broadcast_in_dim3A_816] : memref<128x64xf32, #tpu.memory_space<vmem>>[vector<16xi32>, vector<16xi32>], vector<16xf32>,
        %gather3A_818 = tpu.vector_load_idx %arg17[%add3A_66, %broadcast_in_dim3A_816] : memref<128x64xf32, #tpu.memory_space<vmem>>[vector<16xi32>, vector<16xi32>], vector<16xf32>,
        %gather3A_819 = tpu.vector_load_idx %arg18[%add3A_66, %broadcast_in_dim3A_816] : memref<128x64xf32, #tpu.memory_space<vmem>>[vector<16xi32>, vector<16xi32>], vector<16xf32>,
        %mul3A_820 = arith.mulf %gather3A_817, %gather3A_817 : vector<16xf32>
        %add3A_821 = arith.addf %add3A_804, %mul3A_820 : vector<16xf32>
        %mul3A_822 = arith.mulf %gather3A_818, %gather3A_818 : vector<16xf32>
        %add3A_823 = arith.addf %add3A_806, %mul3A_822 : vector<16xf32>
        %mul3A_824 = arith.mulf %gather3A_819, %gather3A_819 : vector<16xf32>
        %add3A_825 = arith.addf %add3A_808, %mul3A_824 : vector<16xf32>
        %mul3A_826 = arith.mulf %gather3A_817, %gather3A_819 : vector<16xf32>
        %add3A_827 = arith.addf %add3A_810, %mul3A_826 : vector<16xf32>
        %mul3A_828 = arith.mulf %gather3A_817, %gather3A_818 : vector<16xf32>
        %add3A_829 = arith.addf %add3A_812, %mul3A_828 : vector<16xf32>
        %mul3A_830 = arith.mulf %gather3A_819, %gather3A_818 : vector<16xf32>
        %add3A_831 = arith.addf %add3A_814, %mul3A_830 : vector<16xf32>
        %broadcast_in_dim3A_832 = arith.constant 45 : i32
        %broadcast_in_dim3A_833 = vector.broadcast %broadcast_in_dim3A_832 : i32 to vector<16xi32>
        %gather3A_834 = tpu.vector_load_idx %arg16[%add3A_66, %broadcast_in_dim3A_833] : memref<128x64xf32, #tpu.memory_space<vmem>>[vector<16xi32>, vector<16xi32>], vector<16xf32>,
        %gather3A_835 = tpu.vector_load_idx %arg17[%add3A_66, %broadcast_in_dim3A_833] : memref<128x64xf32, #tpu.memory_space<vmem>>[vector<16xi32>, vector<16xi32>], vector<16xf32>,
        %gather3A_836 = tpu.vector_load_idx %arg18[%add3A_66, %broadcast_in_dim3A_833] : memref<128x64xf32, #tpu.memory_space<vmem>>[vector<16xi32>, vector<16xi32>], vector<16xf32>,
        %mul3A_837 = arith.mulf %gather3A_834, %gather3A_834 : vector<16xf32>
        %add3A_838 = arith.addf %add3A_821, %mul3A_837 : vector<16xf32>
        %mul3A_839 = arith.mulf %gather3A_835, %gather3A_835 : vector<16xf32>
        %add3A_840 = arith.addf %add3A_823, %mul3A_839 : vector<16xf32>
        %mul3A_841 = arith.mulf %gather3A_836, %gather3A_836 : vector<16xf32>
        %add3A_842 = arith.addf %add3A_825, %mul3A_841 : vector<16xf32>
        %mul3A_843 = arith.mulf %gather3A_834, %gather3A_836 : vector<16xf32>
        %add3A_844 = arith.addf %add3A_827, %mul3A_843 : vector<16xf32>
        %mul3A_845 = arith.mulf %gather3A_834, %gather3A_835 : vector<16xf32>
        %add3A_846 = arith.addf %add3A_829, %mul3A_845 : vector<16xf32>
        %mul3A_847 = arith.mulf %gather3A_836, %gather3A_835 : vector<16xf32>
        %add3A_848 = arith.addf %add3A_831, %mul3A_847 : vector<16xf32>
        %broadcast_in_dim3A_849 = arith.constant 46 : i32
        %broadcast_in_dim3A_850 = vector.broadcast %broadcast_in_dim3A_849 : i32 to vector<16xi32>
        %gather3A_851 = tpu.vector_load_idx %arg16[%add3A_66, %broadcast_in_dim3A_850] : memref<128x64xf32, #tpu.memory_space<vmem>>[vector<16xi32>, vector<16xi32>], vector<16xf32>,
        %gather3A_852 = tpu.vector_load_idx %arg17[%add3A_66, %broadcast_in_dim3A_850] : memref<128x64xf32, #tpu.memory_space<vmem>>[vector<16xi32>, vector<16xi32>], vector<16xf32>,
        %gather3A_853 = tpu.vector_load_idx %arg18[%add3A_66, %broadcast_in_dim3A_850] : memref<128x64xf32, #tpu.memory_space<vmem>>[vector<16xi32>, vector<16xi32>], vector<16xf32>,
        %mul3A_854 = arith.mulf %gather3A_851, %gather3A_851 : vector<16xf32>
        %add3A_855 = arith.addf %add3A_838, %mul3A_854 : vector<16xf32>
        %mul3A_856 = arith.mulf %gather3A_852, %gather3A_852 : vector<16xf32>
        %add3A_857 = arith.addf %add3A_840, %mul3A_856 : vector<16xf32>
        %mul3A_858 = arith.mulf %gather3A_853, %gather3A_853 : vector<16xf32>
        %add3A_859 = arith.addf %add3A_842, %mul3A_858 : vector<16xf32>
        %mul3A_860 = arith.mulf %gather3A_851, %gather3A_853 : vector<16xf32>
        %add3A_861 = arith.addf %add3A_844, %mul3A_860 : vector<16xf32>
        %mul3A_862 = arith.mulf %gather3A_851, %gather3A_852 : vector<16xf32>
        %add3A_863 = arith.addf %add3A_846, %mul3A_862 : vector<16xf32>
        %mul3A_864 = arith.mulf %gather3A_853, %gather3A_852 : vector<16xf32>
        %add3A_865 = arith.addf %add3A_848, %mul3A_864 : vector<16xf32>
        %broadcast_in_dim3A_866 = arith.constant 47 : i32
        %broadcast_in_dim3A_867 = vector.broadcast %broadcast_in_dim3A_866 : i32 to vector<16xi32>
        %gather3A_868 = tpu.vector_load_idx %arg16[%add3A_66, %broadcast_in_dim3A_867] : memref<128x64xf32, #tpu.memory_space<vmem>>[vector<16xi32>, vector<16xi32>], vector<16xf32>,
        %gather3A_869 = tpu.vector_load_idx %arg17[%add3A_66, %broadcast_in_dim3A_867] : memref<128x64xf32, #tpu.memory_space<vmem>>[vector<16xi32>, vector<16xi32>], vector<16xf32>,
        %gather3A_870 = tpu.vector_load_idx %arg18[%add3A_66, %broadcast_in_dim3A_867] : memref<128x64xf32, #tpu.memory_space<vmem>>[vector<16xi32>, vector<16xi32>], vector<16xf32>,
        %mul3A_871 = arith.mulf %gather3A_868, %gather3A_868 : vector<16xf32>
        %add3A_872 = arith.addf %add3A_855, %mul3A_871 : vector<16xf32>
        %mul3A_873 = arith.mulf %gather3A_869, %gather3A_869 : vector<16xf32>
        %add3A_874 = arith.addf %add3A_857, %mul3A_873 : vector<16xf32>
        %mul3A_875 = arith.mulf %gather3A_870, %gather3A_870 : vector<16xf32>
        %add3A_876 = arith.addf %add3A_859, %mul3A_875 : vector<16xf32>
        %mul3A_877 = arith.mulf %gather3A_868, %gather3A_870 : vector<16xf32>
        %add3A_878 = arith.addf %add3A_861, %mul3A_877 : vector<16xf32>
        %mul3A_879 = arith.mulf %gather3A_868, %gather3A_869 : vector<16xf32>
        %add3A_880 = arith.addf %add3A_863, %mul3A_879 : vector<16xf32>
        %mul3A_881 = arith.mulf %gather3A_870, %gather3A_869 : vector<16xf32>
        %add3A_882 = arith.addf %add3A_865, %mul3A_881 : vector<16xf32>
        %broadcast_in_dim3A_883 = arith.constant 48 : i32
        %broadcast_in_dim3A_884 = vector.broadcast %broadcast_in_dim3A_883 : i32 to vector<16xi32>
        %gather3A_885 = tpu.vector_load_idx %arg16[%add3A_66, %broadcast_in_dim3A_884] : memref<128x64xf32, #tpu.memory_space<vmem>>[vector<16xi32>, vector<16xi32>], vector<16xf32>,
        %gather3A_886 = tpu.vector_load_idx %arg17[%add3A_66, %broadcast_in_dim3A_884] : memref<128x64xf32, #tpu.memory_space<vmem>>[vector<16xi32>, vector<16xi32>], vector<16xf32>,
        %gather3A_887 = tpu.vector_load_idx %arg18[%add3A_66, %broadcast_in_dim3A_884] : memref<128x64xf32, #tpu.memory_space<vmem>>[vector<16xi32>, vector<16xi32>], vector<16xf32>,
        %mul3A_888 = arith.mulf %gather3A_885, %gather3A_885 : vector<16xf32>
        %add3A_889 = arith.addf %add3A_872, %mul3A_888 : vector<16xf32>
        %mul3A_890 = arith.mulf %gather3A_886, %gather3A_886 : vector<16xf32>
        %add3A_891 = arith.addf %add3A_874, %mul3A_890 : vector<16xf32>
        %mul3A_892 = arith.mulf %gather3A_887, %gather3A_887 : vector<16xf32>
        %add3A_893 = arith.addf %add3A_876, %mul3A_892 : vector<16xf32>
        %mul3A_894 = arith.mulf %gather3A_885, %gather3A_887 : vector<16xf32>
        %add3A_895 = arith.addf %add3A_878, %mul3A_894 : vector<16xf32>
        %mul3A_896 = arith.mulf %gather3A_885, %gather3A_886 : vector<16xf32>
        %add3A_897 = arith.addf %add3A_880, %mul3A_896 : vector<16xf32>
        %mul3A_898 = arith.mulf %gather3A_887, %gather3A_886 : vector<16xf32>
        %add3A_899 = arith.addf %add3A_882, %mul3A_898 : vector<16xf32>
        %broadcast_in_dim3A_900 = arith.constant 49 : i32
        %broadcast_in_dim3A_901 = vector.broadcast %broadcast_in_dim3A_900 : i32 to vector<16xi32>
        %gather3A_902 = tpu.vector_load_idx %arg16[%add3A_66, %broadcast_in_dim3A_901] : memref<128x64xf32, #tpu.memory_space<vmem>>[vector<16xi32>, vector<16xi32>], vector<16xf32>,
        %gather3A_903 = tpu.vector_load_idx %arg17[%add3A_66, %broadcast_in_dim3A_901] : memref<128x64xf32, #tpu.memory_space<vmem>>[vector<16xi32>, vector<16xi32>], vector<16xf32>,
        %gather3A_904 = tpu.vector_load_idx %arg18[%add3A_66, %broadcast_in_dim3A_901] : memref<128x64xf32, #tpu.memory_space<vmem>>[vector<16xi32>, vector<16xi32>], vector<16xf32>,
        %mul3A_905 = arith.mulf %gather3A_902, %gather3A_902 : vector<16xf32>
        %add3A_906 = arith.addf %add3A_889, %mul3A_905 : vector<16xf32>
        %mul3A_907 = arith.mulf %gather3A_903, %gather3A_903 : vector<16xf32>
        %add3A_908 = arith.addf %add3A_891, %mul3A_907 : vector<16xf32>
        %mul3A_909 = arith.mulf %gather3A_904, %gather3A_904 : vector<16xf32>
        %add3A_910 = arith.addf %add3A_893, %mul3A_909 : vector<16xf32>
        %mul3A_911 = arith.mulf %gather3A_902, %gather3A_904 : vector<16xf32>
        %add3A_912 = arith.addf %add3A_895, %mul3A_911 : vector<16xf32>
        %mul3A_913 = arith.mulf %gather3A_902, %gather3A_903 : vector<16xf32>
        %add3A_914 = arith.addf %add3A_897, %mul3A_913 : vector<16xf32>
        %mul3A_915 = arith.mulf %gather3A_904, %gather3A_903 : vector<16xf32>
        %add3A_916 = arith.addf %add3A_899, %mul3A_915 : vector<16xf32>
        %broadcast_in_dim3A_917 = arith.constant 50 : i32
        %broadcast_in_dim3A_918 = vector.broadcast %broadcast_in_dim3A_917 : i32 to vector<16xi32>
        %gather3A_919 = tpu.vector_load_idx %arg16[%add3A_66, %broadcast_in_dim3A_918] : memref<128x64xf32, #tpu.memory_space<vmem>>[vector<16xi32>, vector<16xi32>], vector<16xf32>,
        %gather3A_920 = tpu.vector_load_idx %arg17[%add3A_66, %broadcast_in_dim3A_918] : memref<128x64xf32, #tpu.memory_space<vmem>>[vector<16xi32>, vector<16xi32>], vector<16xf32>,
        %gather3A_921 = tpu.vector_load_idx %arg18[%add3A_66, %broadcast_in_dim3A_918] : memref<128x64xf32, #tpu.memory_space<vmem>>[vector<16xi32>, vector<16xi32>], vector<16xf32>,
        %mul3A_922 = arith.mulf %gather3A_919, %gather3A_919 : vector<16xf32>
        %add3A_923 = arith.addf %add3A_906, %mul3A_922 : vector<16xf32>
        %mul3A_924 = arith.mulf %gather3A_920, %gather3A_920 : vector<16xf32>
        %add3A_925 = arith.addf %add3A_908, %mul3A_924 : vector<16xf32>
        %mul3A_926 = arith.mulf %gather3A_921, %gather3A_921 : vector<16xf32>
        %add3A_927 = arith.addf %add3A_910, %mul3A_926 : vector<16xf32>
        %mul3A_928 = arith.mulf %gather3A_919, %gather3A_921 : vector<16xf32>
        %add3A_929 = arith.addf %add3A_912, %mul3A_928 : vector<16xf32>
        %mul3A_930 = arith.mulf %gather3A_919, %gather3A_920 : vector<16xf32>
        %add3A_931 = arith.addf %add3A_914, %mul3A_930 : vector<16xf32>
        %mul3A_932 = arith.mulf %gather3A_921, %gather3A_920 : vector<16xf32>
        %add3A_933 = arith.addf %add3A_916, %mul3A_932 : vector<16xf32>
        %broadcast_in_dim3A_934 = arith.constant 51 : i32
        %broadcast_in_dim3A_935 = vector.broadcast %broadcast_in_dim3A_934 : i32 to vector<16xi32>
        %gather3A_936 = tpu.vector_load_idx %arg16[%add3A_66, %broadcast_in_dim3A_935] : memref<128x64xf32, #tpu.memory_space<vmem>>[vector<16xi32>, vector<16xi32>], vector<16xf32>,
        %gather3A_937 = tpu.vector_load_idx %arg17[%add3A_66, %broadcast_in_dim3A_935] : memref<128x64xf32, #tpu.memory_space<vmem>>[vector<16xi32>, vector<16xi32>], vector<16xf32>,
        %gather3A_938 = tpu.vector_load_idx %arg18[%add3A_66, %broadcast_in_dim3A_935] : memref<128x64xf32, #tpu.memory_space<vmem>>[vector<16xi32>, vector<16xi32>], vector<16xf32>,
        %mul3A_939 = arith.mulf %gather3A_936, %gather3A_936 : vector<16xf32>
        %add3A_940 = arith.addf %add3A_923, %mul3A_939 : vector<16xf32>
        %mul3A_941 = arith.mulf %gather3A_937, %gather3A_937 : vector<16xf32>
        %add3A_942 = arith.addf %add3A_925, %mul3A_941 : vector<16xf32>
        %mul3A_943 = arith.mulf %gather3A_938, %gather3A_938 : vector<16xf32>
        %add3A_944 = arith.addf %add3A_927, %mul3A_943 : vector<16xf32>
        %mul3A_945 = arith.mulf %gather3A_936, %gather3A_938 : vector<16xf32>
        %add3A_946 = arith.addf %add3A_929, %mul3A_945 : vector<16xf32>
        %mul3A_947 = arith.mulf %gather3A_936, %gather3A_937 : vector<16xf32>
        %add3A_948 = arith.addf %add3A_931, %mul3A_947 : vector<16xf32>
        %mul3A_949 = arith.mulf %gather3A_938, %gather3A_937 : vector<16xf32>
        %add3A_950 = arith.addf %add3A_933, %mul3A_949 : vector<16xf32>
        %broadcast_in_dim3A_951 = arith.constant 52 : i32
        %broadcast_in_dim3A_952 = vector.broadcast %broadcast_in_dim3A_951 : i32 to vector<16xi32>
        %gather3A_953 = tpu.vector_load_idx %arg16[%add3A_66, %broadcast_in_dim3A_952] : memref<128x64xf32, #tpu.memory_space<vmem>>[vector<16xi32>, vector<16xi32>], vector<16xf32>,
        %gather3A_954 = tpu.vector_load_idx %arg17[%add3A_66, %broadcast_in_dim3A_952] : memref<128x64xf32, #tpu.memory_space<vmem>>[vector<16xi32>, vector<16xi32>], vector<16xf32>,
        %gather3A_955 = tpu.vector_load_idx %arg18[%add3A_66, %broadcast_in_dim3A_952] : memref<128x64xf32, #tpu.memory_space<vmem>>[vector<16xi32>, vector<16xi32>], vector<16xf32>,
        %mul3A_956 = arith.mulf %gather3A_953, %gather3A_953 : vector<16xf32>
        %add3A_957 = arith.addf %add3A_940, %mul3A_956 : vector<16xf32>
        %mul3A_958 = arith.mulf %gather3A_954, %gather3A_954 : vector<16xf32>
        %add3A_959 = arith.addf %add3A_942, %mul3A_958 : vector<16xf32>
        %mul3A_960 = arith.mulf %gather3A_955, %gather3A_955 : vector<16xf32>
        %add3A_961 = arith.addf %add3A_944, %mul3A_960 : vector<16xf32>
        %mul3A_962 = arith.mulf %gather3A_953, %gather3A_955 : vector<16xf32>
        %add3A_963 = arith.addf %add3A_946, %mul3A_962 : vector<16xf32>
        %mul3A_964 = arith.mulf %gather3A_953, %gather3A_954 : vector<16xf32>
        %add3A_965 = arith.addf %add3A_948, %mul3A_964 : vector<16xf32>
        %mul3A_966 = arith.mulf %gather3A_955, %gather3A_954 : vector<16xf32>
        %add3A_967 = arith.addf %add3A_950, %mul3A_966 : vector<16xf32>
        %broadcast_in_dim3A_968 = arith.constant 53 : i32
        %broadcast_in_dim3A_969 = vector.broadcast %broadcast_in_dim3A_968 : i32 to vector<16xi32>
        %gather3A_970 = tpu.vector_load_idx %arg16[%add3A_66, %broadcast_in_dim3A_969] : memref<128x64xf32, #tpu.memory_space<vmem>>[vector<16xi32>, vector<16xi32>], vector<16xf32>,
        %gather3A_971 = tpu.vector_load_idx %arg17[%add3A_66, %broadcast_in_dim3A_969] : memref<128x64xf32, #tpu.memory_space<vmem>>[vector<16xi32>, vector<16xi32>], vector<16xf32>,
        %gather3A_972 = tpu.vector_load_idx %arg18[%add3A_66, %broadcast_in_dim3A_969] : memref<128x64xf32, #tpu.memory_space<vmem>>[vector<16xi32>, vector<16xi32>], vector<16xf32>,
        %mul3A_973 = arith.mulf %gather3A_970, %gather3A_970 : vector<16xf32>
        %add3A_974 = arith.addf %add3A_957, %mul3A_973 : vector<16xf32>
        %mul3A_975 = arith.mulf %gather3A_971, %gather3A_971 : vector<16xf32>
        %add3A_976 = arith.addf %add3A_959, %mul3A_975 : vector<16xf32>
        %mul3A_977 = arith.mulf %gather3A_972, %gather3A_972 : vector<16xf32>
        %add3A_978 = arith.addf %add3A_961, %mul3A_977 : vector<16xf32>
        %mul3A_979 = arith.mulf %gather3A_970, %gather3A_972 : vector<16xf32>
        %add3A_980 = arith.addf %add3A_963, %mul3A_979 : vector<16xf32>
        %mul3A_981 = arith.mulf %gather3A_970, %gather3A_971 : vector<16xf32>
        %add3A_982 = arith.addf %add3A_965, %mul3A_981 : vector<16xf32>
        %mul3A_983 = arith.mulf %gather3A_972, %gather3A_971 : vector<16xf32>
        %add3A_984 = arith.addf %add3A_967, %mul3A_983 : vector<16xf32>
        %broadcast_in_dim3A_985 = arith.constant 54 : i32
        %broadcast_in_dim3A_986 = vector.broadcast %broadcast_in_dim3A_985 : i32 to vector<16xi32>
        %gather3A_987 = tpu.vector_load_idx %arg16[%add3A_66, %broadcast_in_dim3A_986] : memref<128x64xf32, #tpu.memory_space<vmem>>[vector<16xi32>, vector<16xi32>], vector<16xf32>,
        %gather3A_988 = tpu.vector_load_idx %arg17[%add3A_66, %broadcast_in_dim3A_986] : memref<128x64xf32, #tpu.memory_space<vmem>>[vector<16xi32>, vector<16xi32>], vector<16xf32>,
        %gather3A_989 = tpu.vector_load_idx %arg18[%add3A_66, %broadcast_in_dim3A_986] : memref<128x64xf32, #tpu.memory_space<vmem>>[vector<16xi32>, vector<16xi32>], vector<16xf32>,
        %mul3A_990 = arith.mulf %gather3A_987, %gather3A_987 : vector<16xf32>
        %add3A_991 = arith.addf %add3A_974, %mul3A_990 : vector<16xf32>
        %mul3A_992 = arith.mulf %gather3A_988, %gather3A_988 : vector<16xf32>
        %add3A_993 = arith.addf %add3A_976, %mul3A_992 : vector<16xf32>
        %mul3A_994 = arith.mulf %gather3A_989, %gather3A_989 : vector<16xf32>
        %add3A_995 = arith.addf %add3A_978, %mul3A_994 : vector<16xf32>
        %mul3A_996 = arith.mulf %gather3A_987, %gather3A_989 : vector<16xf32>
        %add3A_997 = arith.addf %add3A_980, %mul3A_996 : vector<16xf32>
        %mul3A_998 = arith.mulf %gather3A_987, %gather3A_988 : vector<16xf32>
        %add3A_999 = arith.addf %add3A_982, %mul3A_998 : vector<16xf32>
        %mul3A_1000 = arith.mulf %gather3A_989, %gather3A_988 : vector<16xf32>
        %add3A_1001 = arith.addf %add3A_984, %mul3A_1000 : vector<16xf32>
        %broadcast_in_dim3A_1002 = arith.constant 55 : i32
        %broadcast_in_dim3A_1003 = vector.broadcast %broadcast_in_dim3A_1002 : i32 to vector<16xi32>
        %gather3A_1004 = tpu.vector_load_idx %arg16[%add3A_66, %broadcast_in_dim3A_1003] : memref<128x64xf32, #tpu.memory_space<vmem>>[vector<16xi32>, vector<16xi32>], vector<16xf32>,
        %gather3A_1005 = tpu.vector_load_idx %arg17[%add3A_66, %broadcast_in_dim3A_1003] : memref<128x64xf32, #tpu.memory_space<vmem>>[vector<16xi32>, vector<16xi32>], vector<16xf32>,
        %gather3A_1006 = tpu.vector_load_idx %arg18[%add3A_66, %broadcast_in_dim3A_1003] : memref<128x64xf32, #tpu.memory_space<vmem>>[vector<16xi32>, vector<16xi32>], vector<16xf32>,
        %mul3A_1007 = arith.mulf %gather3A_1004, %gather3A_1004 : vector<16xf32>
        %add3A_1008 = arith.addf %add3A_991, %mul3A_1007 : vector<16xf32>
        %mul3A_1009 = arith.mulf %gather3A_1005, %gather3A_1005 : vector<16xf32>
        %add3A_1010 = arith.addf %add3A_993, %mul3A_1009 : vector<16xf32>
        %mul3A_1011 = arith.mulf %gather3A_1006, %gather3A_1006 : vector<16xf32>
        %add3A_1012 = arith.addf %add3A_995, %mul3A_1011 : vector<16xf32>
        %mul3A_1013 = arith.mulf %gather3A_1004, %gather3A_1006 : vector<16xf32>
        %add3A_1014 = arith.addf %add3A_997, %mul3A_1013 : vector<16xf32>
        %mul3A_1015 = arith.mulf %gather3A_1004, %gather3A_1005 : vector<16xf32>
        %add3A_1016 = arith.addf %add3A_999, %mul3A_1015 : vector<16xf32>
        %mul3A_1017 = arith.mulf %gather3A_1006, %gather3A_1005 : vector<16xf32>
        %add3A_1018 = arith.addf %add3A_1001, %mul3A_1017 : vector<16xf32>
        %broadcast_in_dim3A_1019 = arith.constant 56 : i32
        %broadcast_in_dim3A_1020 = vector.broadcast %broadcast_in_dim3A_1019 : i32 to vector<16xi32>
        %gather3A_1021 = tpu.vector_load_idx %arg16[%add3A_66, %broadcast_in_dim3A_1020] : memref<128x64xf32, #tpu.memory_space<vmem>>[vector<16xi32>, vector<16xi32>], vector<16xf32>,
        %gather3A_1022 = tpu.vector_load_idx %arg17[%add3A_66, %broadcast_in_dim3A_1020] : memref<128x64xf32, #tpu.memory_space<vmem>>[vector<16xi32>, vector<16xi32>], vector<16xf32>,
        %gather3A_1023 = tpu.vector_load_idx %arg18[%add3A_66, %broadcast_in_dim3A_1020] : memref<128x64xf32, #tpu.memory_space<vmem>>[vector<16xi32>, vector<16xi32>], vector<16xf32>,
        %mul3A_1024 = arith.mulf %gather3A_1021, %gather3A_1021 : vector<16xf32>
        %add3A_1025 = arith.addf %add3A_1008, %mul3A_1024 : vector<16xf32>
        %mul3A_1026 = arith.mulf %gather3A_1022, %gather3A_1022 : vector<16xf32>
        %add3A_1027 = arith.addf %add3A_1010, %mul3A_1026 : vector<16xf32>
        %mul3A_1028 = arith.mulf %gather3A_1023, %gather3A_1023 : vector<16xf32>
        %add3A_1029 = arith.addf %add3A_1012, %mul3A_1028 : vector<16xf32>
        %mul3A_1030 = arith.mulf %gather3A_1021, %gather3A_1023 : vector<16xf32>
        %add3A_1031 = arith.addf %add3A_1014, %mul3A_1030 : vector<16xf32>
        %mul3A_1032 = arith.mulf %gather3A_1021, %gather3A_1022 : vector<16xf32>
        %add3A_1033 = arith.addf %add3A_1016, %mul3A_1032 : vector<16xf32>
        %mul3A_1034 = arith.mulf %gather3A_1023, %gather3A_1022 : vector<16xf32>
        %add3A_1035 = arith.addf %add3A_1018, %mul3A_1034 : vector<16xf32>
        %broadcast_in_dim3A_1036 = arith.constant 57 : i32
        %broadcast_in_dim3A_1037 = vector.broadcast %broadcast_in_dim3A_1036 : i32 to vector<16xi32>
        %gather3A_1038 = tpu.vector_load_idx %arg16[%add3A_66, %broadcast_in_dim3A_1037] : memref<128x64xf32, #tpu.memory_space<vmem>>[vector<16xi32>, vector<16xi32>], vector<16xf32>,
        %gather3A_1039 = tpu.vector_load_idx %arg17[%add3A_66, %broadcast_in_dim3A_1037] : memref<128x64xf32, #tpu.memory_space<vmem>>[vector<16xi32>, vector<16xi32>], vector<16xf32>,
        %gather3A_1040 = tpu.vector_load_idx %arg18[%add3A_66, %broadcast_in_dim3A_1037] : memref<128x64xf32, #tpu.memory_space<vmem>>[vector<16xi32>, vector<16xi32>], vector<16xf32>,
        %mul3A_1041 = arith.mulf %gather3A_1038, %gather3A_1038 : vector<16xf32>
        %add3A_1042 = arith.addf %add3A_1025, %mul3A_1041 : vector<16xf32>
        %mul3A_1043 = arith.mulf %gather3A_1039, %gather3A_1039 : vector<16xf32>
        %add3A_1044 = arith.addf %add3A_1027, %mul3A_1043 : vector<16xf32>
        %mul3A_1045 = arith.mulf %gather3A_1040, %gather3A_1040 : vector<16xf32>
        %add3A_1046 = arith.addf %add3A_1029, %mul3A_1045 : vector<16xf32>
        %mul3A_1047 = arith.mulf %gather3A_1038, %gather3A_1040 : vector<16xf32>
        %add3A_1048 = arith.addf %add3A_1031, %mul3A_1047 : vector<16xf32>
        %mul3A_1049 = arith.mulf %gather3A_1038, %gather3A_1039 : vector<16xf32>
        %add3A_1050 = arith.addf %add3A_1033, %mul3A_1049 : vector<16xf32>
        %mul3A_1051 = arith.mulf %gather3A_1040, %gather3A_1039 : vector<16xf32>
        %add3A_1052 = arith.addf %add3A_1035, %mul3A_1051 : vector<16xf32>
        %broadcast_in_dim3A_1053 = arith.constant 58 : i32
        %broadcast_in_dim3A_1054 = vector.broadcast %broadcast_in_dim3A_1053 : i32 to vector<16xi32>
        %gather3A_1055 = tpu.vector_load_idx %arg16[%add3A_66, %broadcast_in_dim3A_1054] : memref<128x64xf32, #tpu.memory_space<vmem>>[vector<16xi32>, vector<16xi32>], vector<16xf32>,
        %gather3A_1056 = tpu.vector_load_idx %arg17[%add3A_66, %broadcast_in_dim3A_1054] : memref<128x64xf32, #tpu.memory_space<vmem>>[vector<16xi32>, vector<16xi32>], vector<16xf32>,
        %gather3A_1057 = tpu.vector_load_idx %arg18[%add3A_66, %broadcast_in_dim3A_1054] : memref<128x64xf32, #tpu.memory_space<vmem>>[vector<16xi32>, vector<16xi32>], vector<16xf32>,
        %mul3A_1058 = arith.mulf %gather3A_1055, %gather3A_1055 : vector<16xf32>
        %add3A_1059 = arith.addf %add3A_1042, %mul3A_1058 : vector<16xf32>
        %mul3A_1060 = arith.mulf %gather3A_1056, %gather3A_1056 : vector<16xf32>
        %add3A_1061 = arith.addf %add3A_1044, %mul3A_1060 : vector<16xf32>
        %mul3A_1062 = arith.mulf %gather3A_1057, %gather3A_1057 : vector<16xf32>
        %add3A_1063 = arith.addf %add3A_1046, %mul3A_1062 : vector<16xf32>
        %mul3A_1064 = arith.mulf %gather3A_1055, %gather3A_1057 : vector<16xf32>
        %add3A_1065 = arith.addf %add3A_1048, %mul3A_1064 : vector<16xf32>
        %mul3A_1066 = arith.mulf %gather3A_1055, %gather3A_1056 : vector<16xf32>
        %add3A_1067 = arith.addf %add3A_1050, %mul3A_1066 : vector<16xf32>
        %mul3A_1068 = arith.mulf %gather3A_1057, %gather3A_1056 : vector<16xf32>
        %add3A_1069 = arith.addf %add3A_1052, %mul3A_1068 : vector<16xf32>
        %broadcast_in_dim3A_1070 = arith.constant 59 : i32
        %broadcast_in_dim3A_1071 = vector.broadcast %broadcast_in_dim3A_1070 : i32 to vector<16xi32>
        %gather3A_1072 = tpu.vector_load_idx %arg16[%add3A_66, %broadcast_in_dim3A_1071] : memref<128x64xf32, #tpu.memory_space<vmem>>[vector<16xi32>, vector<16xi32>], vector<16xf32>,
        %gather3A_1073 = tpu.vector_load_idx %arg17[%add3A_66, %broadcast_in_dim3A_1071] : memref<128x64xf32, #tpu.memory_space<vmem>>[vector<16xi32>, vector<16xi32>], vector<16xf32>,
        %gather3A_1074 = tpu.vector_load_idx %arg18[%add3A_66, %broadcast_in_dim3A_1071] : memref<128x64xf32, #tpu.memory_space<vmem>>[vector<16xi32>, vector<16xi32>], vector<16xf32>,
        %mul3A_1075 = arith.mulf %gather3A_1072, %gather3A_1072 : vector<16xf32>
        %add3A_1076 = arith.addf %add3A_1059, %mul3A_1075 : vector<16xf32>
        %mul3A_1077 = arith.mulf %gather3A_1073, %gather3A_1073 : vector<16xf32>
        %add3A_1078 = arith.addf %add3A_1061, %mul3A_1077 : vector<16xf32>
        %mul3A_1079 = arith.mulf %gather3A_1074, %gather3A_1074 : vector<16xf32>
        %add3A_1080 = arith.addf %add3A_1063, %mul3A_1079 : vector<16xf32>
        %mul3A_1081 = arith.mulf %gather3A_1072, %gather3A_1074 : vector<16xf32>
        %add3A_1082 = arith.addf %add3A_1065, %mul3A_1081 : vector<16xf32>
        %mul3A_1083 = arith.mulf %gather3A_1072, %gather3A_1073 : vector<16xf32>
        %add3A_1084 = arith.addf %add3A_1067, %mul3A_1083 : vector<16xf32>
        %mul3A_1085 = arith.mulf %gather3A_1074, %gather3A_1073 : vector<16xf32>
        %add3A_1086 = arith.addf %add3A_1069, %mul3A_1085 : vector<16xf32>
        %broadcast_in_dim3A_1087 = arith.constant 60 : i32
        %broadcast_in_dim3A_1088 = vector.broadcast %broadcast_in_dim3A_1087 : i32 to vector<16xi32>
        %gather3A_1089 = tpu.vector_load_idx %arg16[%add3A_66, %broadcast_in_dim3A_1088] : memref<128x64xf32, #tpu.memory_space<vmem>>[vector<16xi32>, vector<16xi32>], vector<16xf32>,
        %gather3A_1090 = tpu.vector_load_idx %arg17[%add3A_66, %broadcast_in_dim3A_1088] : memref<128x64xf32, #tpu.memory_space<vmem>>[vector<16xi32>, vector<16xi32>], vector<16xf32>,
        %gather3A_1091 = tpu.vector_load_idx %arg18[%add3A_66, %broadcast_in_dim3A_1088] : memref<128x64xf32, #tpu.memory_space<vmem>>[vector<16xi32>, vector<16xi32>], vector<16xf32>,
        %mul3A_1092 = arith.mulf %gather3A_1089, %gather3A_1089 : vector<16xf32>
        %add3A_1093 = arith.addf %add3A_1076, %mul3A_1092 : vector<16xf32>
        %mul3A_1094 = arith.mulf %gather3A_1090, %gather3A_1090 : vector<16xf32>
        %add3A_1095 = arith.addf %add3A_1078, %mul3A_1094 : vector<16xf32>
        %mul3A_1096 = arith.mulf %gather3A_1091, %gather3A_1091 : vector<16xf32>
        %add3A_1097 = arith.addf %add3A_1080, %mul3A_1096 : vector<16xf32>
        %mul3A_1098 = arith.mulf %gather3A_1089, %gather3A_1091 : vector<16xf32>
        %add3A_1099 = arith.addf %add3A_1082, %mul3A_1098 : vector<16xf32>
        %mul3A_1100 = arith.mulf %gather3A_1089, %gather3A_1090 : vector<16xf32>
        %add3A_1101 = arith.addf %add3A_1084, %mul3A_1100 : vector<16xf32>
        %mul3A_1102 = arith.mulf %gather3A_1091, %gather3A_1090 : vector<16xf32>
        %add3A_1103 = arith.addf %add3A_1086, %mul3A_1102 : vector<16xf32>
        %broadcast_in_dim3A_1104 = arith.constant 61 : i32
        %broadcast_in_dim3A_1105 = vector.broadcast %broadcast_in_dim3A_1104 : i32 to vector<16xi32>
        %gather3A_1106 = tpu.vector_load_idx %arg16[%add3A_66, %broadcast_in_dim3A_1105] : memref<128x64xf32, #tpu.memory_space<vmem>>[vector<16xi32>, vector<16xi32>], vector<16xf32>,
        %gather3A_1107 = tpu.vector_load_idx %arg17[%add3A_66, %broadcast_in_dim3A_1105] : memref<128x64xf32, #tpu.memory_space<vmem>>[vector<16xi32>, vector<16xi32>], vector<16xf32>,
        %gather3A_1108 = tpu.vector_load_idx %arg18[%add3A_66, %broadcast_in_dim3A_1105] : memref<128x64xf32, #tpu.memory_space<vmem>>[vector<16xi32>, vector<16xi32>], vector<16xf32>,
        %mul3A_1109 = arith.mulf %gather3A_1106, %gather3A_1106 : vector<16xf32>
        %add3A_1110 = arith.addf %add3A_1093, %mul3A_1109 : vector<16xf32>
        %mul3A_1111 = arith.mulf %gather3A_1107, %gather3A_1107 : vector<16xf32>
        %add3A_1112 = arith.addf %add3A_1095, %mul3A_1111 : vector<16xf32>
        %mul3A_1113 = arith.mulf %gather3A_1108, %gather3A_1108 : vector<16xf32>
        %add3A_1114 = arith.addf %add3A_1097, %mul3A_1113 : vector<16xf32>
        %mul3A_1115 = arith.mulf %gather3A_1106, %gather3A_1108 : vector<16xf32>
        %add3A_1116 = arith.addf %add3A_1099, %mul3A_1115 : vector<16xf32>
        %mul3A_1117 = arith.mulf %gather3A_1106, %gather3A_1107 : vector<16xf32>
        %add3A_1118 = arith.addf %add3A_1101, %mul3A_1117 : vector<16xf32>
        %mul3A_1119 = arith.mulf %gather3A_1108, %gather3A_1107 : vector<16xf32>
        %add3A_1120 = arith.addf %add3A_1103, %mul3A_1119 : vector<16xf32>
        %broadcast_in_dim3A_1121 = arith.constant 62 : i32
        %broadcast_in_dim3A_1122 = vector.broadcast %broadcast_in_dim3A_1121 : i32 to vector<16xi32>
        %gather3A_1123 = tpu.vector_load_idx %arg16[%add3A_66, %broadcast_in_dim3A_1122] : memref<128x64xf32, #tpu.memory_space<vmem>>[vector<16xi32>, vector<16xi32>], vector<16xf32>,
        %gather3A_1124 = tpu.vector_load_idx %arg17[%add3A_66, %broadcast_in_dim3A_1122] : memref<128x64xf32, #tpu.memory_space<vmem>>[vector<16xi32>, vector<16xi32>], vector<16xf32>,
        %gather3A_1125 = tpu.vector_load_idx %arg18[%add3A_66, %broadcast_in_dim3A_1122] : memref<128x64xf32, #tpu.memory_space<vmem>>[vector<16xi32>, vector<16xi32>], vector<16xf32>,
        %mul3A_1126 = arith.mulf %gather3A_1123, %gather3A_1123 : vector<16xf32>
        %add3A_1127 = arith.addf %add3A_1110, %mul3A_1126 : vector<16xf32>
        %mul3A_1128 = arith.mulf %gather3A_1124, %gather3A_1124 : vector<16xf32>
        %add3A_1129 = arith.addf %add3A_1112, %mul3A_1128 : vector<16xf32>
        %mul3A_1130 = arith.mulf %gather3A_1125, %gather3A_1125 : vector<16xf32>
        %add3A_1131 = arith.addf %add3A_1114, %mul3A_1130 : vector<16xf32>
        %mul3A_1132 = arith.mulf %gather3A_1123, %gather3A_1125 : vector<16xf32>
        %add3A_1133 = arith.addf %add3A_1116, %mul3A_1132 : vector<16xf32>
        %mul3A_1134 = arith.mulf %gather3A_1123, %gather3A_1124 : vector<16xf32>
        %add3A_1135 = arith.addf %add3A_1118, %mul3A_1134 : vector<16xf32>
        %mul3A_1136 = arith.mulf %gather3A_1125, %gather3A_1124 : vector<16xf32>
        %add3A_1137 = arith.addf %add3A_1120, %mul3A_1136 : vector<16xf32>
        %broadcast_in_dim3A_1138 = arith.constant 63 : i32
        %broadcast_in_dim3A_1139 = vector.broadcast %broadcast_in_dim3A_1138 : i32 to vector<16xi32>
        %gather3A_1140 = tpu.vector_load_idx %arg16[%add3A_66, %broadcast_in_dim3A_1139] : memref<128x64xf32, #tpu.memory_space<vmem>>[vector<16xi32>, vector<16xi32>], vector<16xf32>,
        %gather3A_1141 = tpu.vector_load_idx %arg17[%add3A_66, %broadcast_in_dim3A_1139] : memref<128x64xf32, #tpu.memory_space<vmem>>[vector<16xi32>, vector<16xi32>], vector<16xf32>,
        %gather3A_1142 = tpu.vector_load_idx %arg18[%add3A_66, %broadcast_in_dim3A_1139] : memref<128x64xf32, #tpu.memory_space<vmem>>[vector<16xi32>, vector<16xi32>], vector<16xf32>,
        %mul3A_1143 = arith.mulf %gather3A_1140, %gather3A_1140 : vector<16xf32>
        %add3A_1144 = arith.addf %add3A_1127, %mul3A_1143 : vector<16xf32>
        %mul3A_1145 = arith.mulf %gather3A_1141, %gather3A_1141 : vector<16xf32>
        %add3A_1146 = arith.addf %add3A_1129, %mul3A_1145 : vector<16xf32>
        %mul3A_1147 = arith.mulf %gather3A_1142, %gather3A_1142 : vector<16xf32>
        %add3A_1148 = arith.addf %add3A_1131, %mul3A_1147 : vector<16xf32>
        %mul3A_1149 = arith.mulf %gather3A_1140, %gather3A_1142 : vector<16xf32>
        %add3A_1150 = arith.addf %add3A_1133, %mul3A_1149 : vector<16xf32>
        %mul3A_1151 = arith.mulf %gather3A_1140, %gather3A_1141 : vector<16xf32>
        %add3A_1152 = arith.addf %add3A_1135, %mul3A_1151 : vector<16xf32>
        %mul3A_1153 = arith.mulf %gather3A_1142, %gather3A_1141 : vector<16xf32>
        %add3A_1154 = arith.addf %add3A_1137, %mul3A_1153 : vector<16xf32>
        %max3A = arith.constant 1.000000e-24 : f32
        %max3A_1155 = vector.broadcast %max3A : f32 to vector<16xf32>
        %max3A_1156 = arith.maximumf %add3A_1144, %max3A_1155 : vector<16xf32>
        %bitcast3A = vector.bitcast %max3A_1156 : vector<16xf32> to vector<16xi32>
        %broadcast_in_dim3A_1157 = arith.constant 1597463007 : i32
        %broadcast_in_dim3A_1158 = vector.broadcast %broadcast_in_dim3A_1157 : i32 to vector<16xi32>
        %shift_right_logical3A = arith.constant 1 : i32
        %shift_right_logical3A_1159 = vector.broadcast %shift_right_logical3A : i32 to vector<16xi32>
        %shift_right_logical3A_1160 = arith.shrui %bitcast3A, %shift_right_logical3A_1159 : vector<16xi32>
        %sub3A = arith.subi %broadcast_in_dim3A_1158, %shift_right_logical3A_1160 : vector<16xi32>
        %bitcast3A_1161 = vector.bitcast %sub3A : vector<16xi32> to vector<16xf32>
        %mul3A_1162 = arith.constant 5.000000e-01 : f32
        %mul3A_1163 = vector.broadcast %mul3A_1162 : f32 to vector<16xf32>
        %mul3A_1164 = arith.mulf %mul3A_1163, %max3A_1156 : vector<16xf32>
        %mul3A_1165 = arith.mulf %mul3A_1164, %bitcast3A_1161 : vector<16xf32>
        %mul3A_1166 = arith.mulf %mul3A_1165, %bitcast3A_1161 : vector<16xf32>
        %sub3A_1167 = arith.constant 1.500000e+00 : f32
        %sub3A_1168 = vector.broadcast %sub3A_1167 : f32 to vector<16xf32>
        %sub3A_1169 = arith.subf %sub3A_1168, %mul3A_1166 : vector<16xf32>
        %mul3A_1170 = arith.mulf %bitcast3A_1161, %sub3A_1169 : vector<16xf32>
        %mul3A_1171 = arith.constant 5.000000e-01 : f32
        %mul3A_1172 = vector.broadcast %mul3A_1171 : f32 to vector<16xf32>
        %mul3A_1173 = arith.mulf %mul3A_1172, %max3A_1156 : vector<16xf32>
        %mul3A_1174 = arith.mulf %mul3A_1173, %mul3A_1170 : vector<16xf32>
        %mul3A_1175 = arith.mulf %mul3A_1174, %mul3A_1170 : vector<16xf32>
        %sub3A_1176 = arith.constant 1.500000e+00 : f32
        %sub3A_1177 = vector.broadcast %sub3A_1176 : f32 to vector<16xf32>
        %sub3A_1178 = arith.subf %sub3A_1177, %mul3A_1175 : vector<16xf32>
        %mul3A_1179 = arith.mulf %mul3A_1170, %sub3A_1178 : vector<16xf32>
        %mul3A_1180 = arith.constant 5.000000e-01 : f32
        %mul3A_1181 = vector.broadcast %mul3A_1180 : f32 to vector<16xf32>
        %mul3A_1182 = arith.mulf %mul3A_1181, %max3A_1156 : vector<16xf32>
        %mul3A_1183 = arith.mulf %mul3A_1182, %mul3A_1179 : vector<16xf32>
        %mul3A_1184 = arith.mulf %mul3A_1183, %mul3A_1179 : vector<16xf32>
        %sub3A_1185 = arith.constant 1.500000e+00 : f32
        %sub3A_1186 = vector.broadcast %sub3A_1185 : f32 to vector<16xf32>
        %sub3A_1187 = arith.subf %sub3A_1186, %mul3A_1184 : vector<16xf32>
        %mul3A_1188 = arith.mulf %mul3A_1179, %sub3A_1187 : vector<16xf32>
        %max3A_1189 = arith.constant 1.000000e-24 : f32
        %max3A_1190 = vector.broadcast %max3A_1189 : f32 to vector<16xf32>
        %max3A_1191 = arith.maximumf %add3A_1146, %max3A_1190 : vector<16xf32>
        %bitcast3A_1192 = vector.bitcast %max3A_1191 : vector<16xf32> to vector<16xi32>
        %broadcast_in_dim3A_1193 = arith.constant 1597463007 : i32
        %broadcast_in_dim3A_1194 = vector.broadcast %broadcast_in_dim3A_1193 : i32 to vector<16xi32>
        %shift_right_logical3A_1195 = arith.constant 1 : i32
        %shift_right_logical3A_1196 = vector.broadcast %shift_right_logical3A_1195 : i32 to vector<16xi32>
        %shift_right_logical3A_1197 = arith.shrui %bitcast3A_1192, %shift_right_logical3A_1196 : vector<16xi32>
        %sub3A_1198 = arith.subi %broadcast_in_dim3A_1194, %shift_right_logical3A_1197 : vector<16xi32>
        %bitcast3A_1199 = vector.bitcast %sub3A_1198 : vector<16xi32> to vector<16xf32>
        %mul3A_1200 = arith.constant 5.000000e-01 : f32
        %mul3A_1201 = vector.broadcast %mul3A_1200 : f32 to vector<16xf32>
        %mul3A_1202 = arith.mulf %mul3A_1201, %max3A_1191 : vector<16xf32>
        %mul3A_1203 = arith.mulf %mul3A_1202, %bitcast3A_1199 : vector<16xf32>
        %mul3A_1204 = arith.mulf %mul3A_1203, %bitcast3A_1199 : vector<16xf32>
        %sub3A_1205 = arith.constant 1.500000e+00 : f32
        %sub3A_1206 = vector.broadcast %sub3A_1205 : f32 to vector<16xf32>
        %sub3A_1207 = arith.subf %sub3A_1206, %mul3A_1204 : vector<16xf32>
        %mul3A_1208 = arith.mulf %bitcast3A_1199, %sub3A_1207 : vector<16xf32>
        %mul3A_1209 = arith.constant 5.000000e-01 : f32
        %mul3A_1210 = vector.broadcast %mul3A_1209 : f32 to vector<16xf32>
        %mul3A_1211 = arith.mulf %mul3A_1210, %max3A_1191 : vector<16xf32>
        %mul3A_1212 = arith.mulf %mul3A_1211, %mul3A_1208 : vector<16xf32>
        %mul3A_1213 = arith.mulf %mul3A_1212, %mul3A_1208 : vector<16xf32>
        %sub3A_1214 = arith.constant 1.500000e+00 : f32
        %sub3A_1215 = vector.broadcast %sub3A_1214 : f32 to vector<16xf32>
        %sub3A_1216 = arith.subf %sub3A_1215, %mul3A_1213 : vector<16xf32>
        %mul3A_1217 = arith.mulf %mul3A_1208, %sub3A_1216 : vector<16xf32>
        %mul3A_1218 = arith.constant 5.000000e-01 : f32
        %mul3A_1219 = vector.broadcast %mul3A_1218 : f32 to vector<16xf32>
        %mul3A_1220 = arith.mulf %mul3A_1219, %max3A_1191 : vector<16xf32>
        %mul3A_1221 = arith.mulf %mul3A_1220, %mul3A_1217 : vector<16xf32>
        %mul3A_1222 = arith.mulf %mul3A_1221, %mul3A_1217 : vector<16xf32>
        %sub3A_1223 = arith.constant 1.500000e+00 : f32
        %sub3A_1224 = vector.broadcast %sub3A_1223 : f32 to vector<16xf32>
        %sub3A_1225 = arith.subf %sub3A_1224, %mul3A_1222 : vector<16xf32>
        %mul3A_1226 = arith.mulf %mul3A_1217, %sub3A_1225 : vector<16xf32>
        %mul3A_1227 = arith.mulf %add3A_1144, %mul3A_1188 : vector<16xf32>
        %mul3A_1228 = arith.mulf %mul3A_1227, %mul3A_1188 : vector<16xf32>
        %add3A_1229 = arith.addf %mul3A_1228, %add3A_1148 : vector<16xf32>
        %mul3A_1230 = arith.mulf %add3A_1146, %mul3A_1226 : vector<16xf32>
        %mul3A_1231 = arith.mulf %mul3A_1230, %mul3A_1226 : vector<16xf32>
        %add3A_1232 = arith.addf %add3A_1229, %mul3A_1231 : vector<16xf32>
        %mul3A_1233 = arith.mulf %add3A_1150, %mul3A_1188 : vector<16xf32>
        %mul3A_1234 = arith.mulf %add3A_1152, %mul3A_1188 : vector<16xf32>
        %mul3A_1235 = arith.mulf %mul3A_1234, %mul3A_1226 : vector<16xf32>
        %sub3A_1236 = arith.subf %mul3A_1233, %mul3A_1235 : vector<16xf32>
        %mul3A_1237 = arith.mulf %add3A_1154, %mul3A_1226 : vector<16xf32>
        %sub3A_1238 = arith.subf %sub3A_1236, %mul3A_1237 : vector<16xf32>
        %mul3A_1239 = arith.constant 2.000000e+00 : f32
        %mul3A_1240 = vector.broadcast %mul3A_1239 : f32 to vector<16xf32>
        %mul3A_1241 = arith.mulf %mul3A_1240, %sub3A_1238 : vector<16xf32>
        %add3A_1242 = arith.addf %add3A_1232, %mul3A_1241 : vector<16xf32>
        %max3A_1243 = arith.constant 0.000000e+00 : f32
        %max3A_1244 = vector.broadcast %max3A_1243 : f32 to vector<16xf32>
        %max3A_1245 = arith.maximumf %add3A_1242, %max3A_1244 : vector<16xf32>
        %max3A_1246 = arith.constant 1.000000e-24 : f32
        %max3A_1247 = vector.broadcast %max3A_1246 : f32 to vector<16xf32>
        %max3A_1248 = arith.maximumf %max3A_1245, %max3A_1247 : vector<16xf32>
        %bitcast3A_1249 = vector.bitcast %max3A_1248 : vector<16xf32> to vector<16xi32>
        %broadcast_in_dim3A_1250 = arith.constant 1597463007 : i32
        %broadcast_in_dim3A_1251 = vector.broadcast %broadcast_in_dim3A_1250 : i32 to vector<16xi32>
        %shift_right_logical3A_1252 = arith.constant 1 : i32
        %shift_right_logical3A_1253 = vector.broadcast %shift_right_logical3A_1252 : i32 to vector<16xi32>
        %shift_right_logical3A_1254 = arith.shrui %bitcast3A_1249, %shift_right_logical3A_1253 : vector<16xi32>
        %sub3A_1255 = arith.subi %broadcast_in_dim3A_1251, %shift_right_logical3A_1254 : vector<16xi32>
        %bitcast3A_1256 = vector.bitcast %sub3A_1255 : vector<16xi32> to vector<16xf32>
        %mul3A_1257 = arith.constant 5.000000e-01 : f32
        %mul3A_1258 = vector.broadcast %mul3A_1257 : f32 to vector<16xf32>
        %mul3A_1259 = arith.mulf %mul3A_1258, %max3A_1248 : vector<16xf32>
        %mul3A_1260 = arith.mulf %mul3A_1259, %bitcast3A_1256 : vector<16xf32>
        %mul3A_1261 = arith.mulf %mul3A_1260, %bitcast3A_1256 : vector<16xf32>
        %sub3A_1262 = arith.constant 1.500000e+00 : f32
        %sub3A_1263 = vector.broadcast %sub3A_1262 : f32 to vector<16xf32>
        %sub3A_1264 = arith.subf %sub3A_1263, %mul3A_1261 : vector<16xf32>
        %mul3A_1265 = arith.mulf %bitcast3A_1256, %sub3A_1264 : vector<16xf32>
        %mul3A_1266 = arith.constant 5.000000e-01 : f32
        %mul3A_1267 = vector.broadcast %mul3A_1266 : f32 to vector<16xf32>
        %mul3A_1268 = arith.mulf %mul3A_1267, %max3A_1248 : vector<16xf32>
        %mul3A_1269 = arith.mulf %mul3A_1268, %mul3A_1265 : vector<16xf32>
        %mul3A_1270 = arith.mulf %mul3A_1269, %mul3A_1265 : vector<16xf32>
        %sub3A_1271 = arith.constant 1.500000e+00 : f32
        %sub3A_1272 = vector.broadcast %sub3A_1271 : f32 to vector<16xf32>
        %sub3A_1273 = arith.subf %sub3A_1272, %mul3A_1270 : vector<16xf32>
        %mul3A_1274 = arith.mulf %mul3A_1265, %sub3A_1273 : vector<16xf32>
        %mul3A_1275 = arith.constant 5.000000e-01 : f32
        %mul3A_1276 = vector.broadcast %mul3A_1275 : f32 to vector<16xf32>
        %mul3A_1277 = arith.mulf %mul3A_1276, %max3A_1248 : vector<16xf32>
        %mul3A_1278 = arith.mulf %mul3A_1277, %mul3A_1274 : vector<16xf32>
        %mul3A_1279 = arith.mulf %mul3A_1278, %mul3A_1274 : vector<16xf32>
        %sub3A_1280 = arith.constant 1.500000e+00 : f32
        %sub3A_1281 = vector.broadcast %sub3A_1280 : f32 to vector<16xf32>
        %sub3A_1282 = arith.subf %sub3A_1281, %mul3A_1279 : vector<16xf32>
        %mul3A_1283 = arith.mulf %mul3A_1274, %sub3A_1282 : vector<16xf32>
        %mul3A_1284 = arith.mulf %max3A_1245, %mul3A_1283 : vector<16xf32>
        %neg3A = arith.constant 0.000000e+00 : f32
        %neg3A_1285 = vector.broadcast %neg3A : f32 to vector<16xf32>
        %neg3A_1286 = arith.subf %neg3A_1285, %mul3A_1284 : vector<16xf32>
        %mul3A_1287 = arith.constant 16 : i32
        %mul3A_1288 = arith.muli %scan3A_62, %mul3A_1287 : i32
        %add3A_1289 = arith.addi %multiple_of3A_11, %mul3A_1288 : i32
        %swap3A = arith.index_cast %add3A_1289 : i32 to index
        %swap3A_1290 = tpu.vector_load %arg21[%swap3A] {strides = array<i32>} : memref<512xf32, #tpu.memory_space<vmem>>, vector<16xf32>,
        tpu.vector_store %arg21[%swap3A], %neg3A_1286 {strides = array<i32>} : memref<512xf32, #tpu.memory_space<vmem>>, vector<16xf32>,
      }
      %scan3A_47 = arith.constant 8 : i32
      %dma_wait3A_48 = tpu.memref_slice %arg13[%multiple_of3A_11] : memref<512xi32, #tpu.memory_space<vmem>> -> memref<128xi32, #tpu.memory_space<vmem>>
      %dma_wait3A_49 = arith.constant 0 : i32
      %dma_wait3A_50 = arith.constant 0 : i32
      %dma_wait3A_51 = tpu.memref_slice %arg7[%dma_wait3A_49, %dma_wait3A_50] : memref<1000000x64xf32, #tpu.memory_space<hbm>> -> memref<1000000x64xf32, #tpu.memory_space<hbm>>
      tpu.wait_indirect_dma semaphore(%arg24 : memref<!tpu.dma_semaphore, #tpu.memory_space<semaphore_mem>>) src(%dma_wait3A_51 : memref<1000000x64xf32, #tpu.memory_space<hbm>>) dst(%arg19 : memref<128x64xf32, #tpu.memory_space<vmem>>)
      %dma_wait3A_52 = tpu.memref_slice %arg14[%multiple_of3A_11] : memref<512xi32, #tpu.memory_space<vmem>> -> memref<128xi32, #tpu.memory_space<vmem>>
      %dma_wait3A_53 = arith.constant 0 : i32
      %dma_wait3A_54 = arith.constant 0 : i32
      %dma_wait3A_55 = tpu.memref_slice %arg7[%dma_wait3A_53, %dma_wait3A_54] : memref<1000000x64xf32, #tpu.memory_space<hbm>> -> memref<1000000x64xf32, #tpu.memory_space<hbm>>
      tpu.wait_indirect_dma semaphore(%arg24 : memref<!tpu.dma_semaphore, #tpu.memory_space<semaphore_mem>>) src(%dma_wait3A_55 : memref<1000000x64xf32, #tpu.memory_space<hbm>>) dst(%arg20 : memref<128x64xf32, #tpu.memory_space<vmem>>)
      %scan3A_56 = arith.constant 0 : i32
      %scan3A_57 = arith.constant 0 : i32
      %scan3A_58 = arith.constant 8 : i32
      %scan3A_59 = arith.addi %scan3A_57, %scan3A_58 : i32
      %scan3A_60 = arith.constant 1 : i32
      scf.for %scan3A_62 = %scan3A_57 to %scan3A_59 step %scan3A_60  : i32 {
        %mul3A_63 = arith.constant 16 : i32
        %mul3A_64 = arith.muli %scan3A_62, %mul3A_63 : i32
        %iota3A = tpu.iota {dimensions = array<i32: 0>} : vector<16xi32>
        %add3A_65 = vector.broadcast %mul3A_64 : i32 to vector<16xi32>
        %add3A_66 = arith.addi %add3A_65, %iota3A : vector<16xi32>
        %broadcast_in_dim3A = arith.constant 0.000000e+00 : f32
        %broadcast_in_dim3A_67 = vector.broadcast %broadcast_in_dim3A : f32 to vector<16xf32>
        %broadcast_in_dim3A_68 = arith.constant 0 : i32
        %broadcast_in_dim3A_69 = vector.broadcast %broadcast_in_dim3A_68 : i32 to vector<16xi32>
        %gather3A = tpu.vector_load_idx %arg19[%add3A_66, %broadcast_in_dim3A_69] : memref<128x64xf32, #tpu.memory_space<vmem>>[vector<16xi32>, vector<16xi32>], vector<16xf32>,
        %gather3A_70 = tpu.vector_load_idx %arg20[%add3A_66, %broadcast_in_dim3A_69] : memref<128x64xf32, #tpu.memory_space<vmem>>[vector<16xi32>, vector<16xi32>], vector<16xf32>,
        %gather3A_71 = tpu.vector_load_idx %arg18[%add3A_66, %broadcast_in_dim3A_69] : memref<128x64xf32, #tpu.memory_space<vmem>>[vector<16xi32>, vector<16xi32>], vector<16xf32>,
        %mul3A_72 = arith.mulf %gather3A, %gather3A : vector<16xf32>
        %add3A_73 = arith.addf %broadcast_in_dim3A_67, %mul3A_72 : vector<16xf32>
        %mul3A_74 = arith.mulf %gather3A_70, %gather3A_70 : vector<16xf32>
        %add3A_75 = arith.addf %broadcast_in_dim3A_67, %mul3A_74 : vector<16xf32>
        %mul3A_76 = arith.mulf %gather3A_71, %gather3A_71 : vector<16xf32>
        %add3A_77 = arith.addf %broadcast_in_dim3A_67, %mul3A_76 : vector<16xf32>
        %mul3A_78 = arith.mulf %gather3A, %gather3A_71 : vector<16xf32>
        %add3A_79 = arith.addf %broadcast_in_dim3A_67, %mul3A_78 : vector<16xf32>
        %mul3A_80 = arith.mulf %gather3A, %gather3A_70 : vector<16xf32>
        %add3A_81 = arith.addf %broadcast_in_dim3A_67, %mul3A_80 : vector<16xf32>
        %mul3A_82 = arith.mulf %gather3A_71, %gather3A_70 : vector<16xf32>
        %add3A_83 = arith.addf %broadcast_in_dim3A_67, %mul3A_82 : vector<16xf32>
        %broadcast_in_dim3A_84 = arith.constant 1 : i32
        %broadcast_in_dim3A_85 = vector.broadcast %broadcast_in_dim3A_84 : i32 to vector<16xi32>
        %gather3A_86 = tpu.vector_load_idx %arg19[%add3A_66, %broadcast_in_dim3A_85] : memref<128x64xf32, #tpu.memory_space<vmem>>[vector<16xi32>, vector<16xi32>], vector<16xf32>,
        %gather3A_87 = tpu.vector_load_idx %arg20[%add3A_66, %broadcast_in_dim3A_85] : memref<128x64xf32, #tpu.memory_space<vmem>>[vector<16xi32>, vector<16xi32>], vector<16xf32>,
        %gather3A_88 = tpu.vector_load_idx %arg18[%add3A_66, %broadcast_in_dim3A_85] : memref<128x64xf32, #tpu.memory_space<vmem>>[vector<16xi32>, vector<16xi32>], vector<16xf32>,
        %mul3A_89 = arith.mulf %gather3A_86, %gather3A_86 : vector<16xf32>
        %add3A_90 = arith.addf %add3A_73, %mul3A_89 : vector<16xf32>
        %mul3A_91 = arith.mulf %gather3A_87, %gather3A_87 : vector<16xf32>
        %add3A_92 = arith.addf %add3A_75, %mul3A_91 : vector<16xf32>
        %mul3A_93 = arith.mulf %gather3A_88, %gather3A_88 : vector<16xf32>
        %add3A_94 = arith.addf %add3A_77, %mul3A_93 : vector<16xf32>
        %mul3A_95 = arith.mulf %gather3A_86, %gather3A_88 : vector<16xf32>
        %add3A_96 = arith.addf %add3A_79, %mul3A_95 : vector<16xf32>
        %mul3A_97 = arith.mulf %gather3A_86, %gather3A_87 : vector<16xf32>
        %add3A_98 = arith.addf %add3A_81, %mul3A_97 : vector<16xf32>
        %mul3A_99 = arith.mulf %gather3A_88, %gather3A_87 : vector<16xf32>
        %add3A_100 = arith.addf %add3A_83, %mul3A_99 : vector<16xf32>
        %broadcast_in_dim3A_101 = arith.constant 2 : i32
        %broadcast_in_dim3A_102 = vector.broadcast %broadcast_in_dim3A_101 : i32 to vector<16xi32>
        %gather3A_103 = tpu.vector_load_idx %arg19[%add3A_66, %broadcast_in_dim3A_102] : memref<128x64xf32, #tpu.memory_space<vmem>>[vector<16xi32>, vector<16xi32>], vector<16xf32>,
        %gather3A_104 = tpu.vector_load_idx %arg20[%add3A_66, %broadcast_in_dim3A_102] : memref<128x64xf32, #tpu.memory_space<vmem>>[vector<16xi32>, vector<16xi32>], vector<16xf32>,
        %gather3A_105 = tpu.vector_load_idx %arg18[%add3A_66, %broadcast_in_dim3A_102] : memref<128x64xf32, #tpu.memory_space<vmem>>[vector<16xi32>, vector<16xi32>], vector<16xf32>,
        %mul3A_106 = arith.mulf %gather3A_103, %gather3A_103 : vector<16xf32>
        %add3A_107 = arith.addf %add3A_90, %mul3A_106 : vector<16xf32>
        %mul3A_108 = arith.mulf %gather3A_104, %gather3A_104 : vector<16xf32>
        %add3A_109 = arith.addf %add3A_92, %mul3A_108 : vector<16xf32>
        %mul3A_110 = arith.mulf %gather3A_105, %gather3A_105 : vector<16xf32>
        %add3A_111 = arith.addf %add3A_94, %mul3A_110 : vector<16xf32>
        %mul3A_112 = arith.mulf %gather3A_103, %gather3A_105 : vector<16xf32>
        %add3A_113 = arith.addf %add3A_96, %mul3A_112 : vector<16xf32>
        %mul3A_114 = arith.mulf %gather3A_103, %gather3A_104 : vector<16xf32>
        %add3A_115 = arith.addf %add3A_98, %mul3A_114 : vector<16xf32>
        %mul3A_116 = arith.mulf %gather3A_105, %gather3A_104 : vector<16xf32>
        %add3A_117 = arith.addf %add3A_100, %mul3A_116 : vector<16xf32>
        %broadcast_in_dim3A_118 = arith.constant 3 : i32
        %broadcast_in_dim3A_119 = vector.broadcast %broadcast_in_dim3A_118 : i32 to vector<16xi32>
        %gather3A_120 = tpu.vector_load_idx %arg19[%add3A_66, %broadcast_in_dim3A_119] : memref<128x64xf32, #tpu.memory_space<vmem>>[vector<16xi32>, vector<16xi32>], vector<16xf32>,
        %gather3A_121 = tpu.vector_load_idx %arg20[%add3A_66, %broadcast_in_dim3A_119] : memref<128x64xf32, #tpu.memory_space<vmem>>[vector<16xi32>, vector<16xi32>], vector<16xf32>,
        %gather3A_122 = tpu.vector_load_idx %arg18[%add3A_66, %broadcast_in_dim3A_119] : memref<128x64xf32, #tpu.memory_space<vmem>>[vector<16xi32>, vector<16xi32>], vector<16xf32>,
        %mul3A_123 = arith.mulf %gather3A_120, %gather3A_120 : vector<16xf32>
        %add3A_124 = arith.addf %add3A_107, %mul3A_123 : vector<16xf32>
        %mul3A_125 = arith.mulf %gather3A_121, %gather3A_121 : vector<16xf32>
        %add3A_126 = arith.addf %add3A_109, %mul3A_125 : vector<16xf32>
        %mul3A_127 = arith.mulf %gather3A_122, %gather3A_122 : vector<16xf32>
        %add3A_128 = arith.addf %add3A_111, %mul3A_127 : vector<16xf32>
        %mul3A_129 = arith.mulf %gather3A_120, %gather3A_122 : vector<16xf32>
        %add3A_130 = arith.addf %add3A_113, %mul3A_129 : vector<16xf32>
        %mul3A_131 = arith.mulf %gather3A_120, %gather3A_121 : vector<16xf32>
        %add3A_132 = arith.addf %add3A_115, %mul3A_131 : vector<16xf32>
        %mul3A_133 = arith.mulf %gather3A_122, %gather3A_121 : vector<16xf32>
        %add3A_134 = arith.addf %add3A_117, %mul3A_133 : vector<16xf32>
        %broadcast_in_dim3A_135 = arith.constant 4 : i32
        %broadcast_in_dim3A_136 = vector.broadcast %broadcast_in_dim3A_135 : i32 to vector<16xi32>
        %gather3A_137 = tpu.vector_load_idx %arg19[%add3A_66, %broadcast_in_dim3A_136] : memref<128x64xf32, #tpu.memory_space<vmem>>[vector<16xi32>, vector<16xi32>], vector<16xf32>,
        %gather3A_138 = tpu.vector_load_idx %arg20[%add3A_66, %broadcast_in_dim3A_136] : memref<128x64xf32, #tpu.memory_space<vmem>>[vector<16xi32>, vector<16xi32>], vector<16xf32>,
        %gather3A_139 = tpu.vector_load_idx %arg18[%add3A_66, %broadcast_in_dim3A_136] : memref<128x64xf32, #tpu.memory_space<vmem>>[vector<16xi32>, vector<16xi32>], vector<16xf32>,
        %mul3A_140 = arith.mulf %gather3A_137, %gather3A_137 : vector<16xf32>
        %add3A_141 = arith.addf %add3A_124, %mul3A_140 : vector<16xf32>
        %mul3A_142 = arith.mulf %gather3A_138, %gather3A_138 : vector<16xf32>
        %add3A_143 = arith.addf %add3A_126, %mul3A_142 : vector<16xf32>
        %mul3A_144 = arith.mulf %gather3A_139, %gather3A_139 : vector<16xf32>
        %add3A_145 = arith.addf %add3A_128, %mul3A_144 : vector<16xf32>
        %mul3A_146 = arith.mulf %gather3A_137, %gather3A_139 : vector<16xf32>
        %add3A_147 = arith.addf %add3A_130, %mul3A_146 : vector<16xf32>
        %mul3A_148 = arith.mulf %gather3A_137, %gather3A_138 : vector<16xf32>
        %add3A_149 = arith.addf %add3A_132, %mul3A_148 : vector<16xf32>
        %mul3A_150 = arith.mulf %gather3A_139, %gather3A_138 : vector<16xf32>
        %add3A_151 = arith.addf %add3A_134, %mul3A_150 : vector<16xf32>
        %broadcast_in_dim3A_152 = arith.constant 5 : i32
        %broadcast_in_dim3A_153 = vector.broadcast %broadcast_in_dim3A_152 : i32 to vector<16xi32>
        %gather3A_154 = tpu.vector_load_idx %arg19[%add3A_66, %broadcast_in_dim3A_153] : memref<128x64xf32, #tpu.memory_space<vmem>>[vector<16xi32>, vector<16xi32>], vector<16xf32>,
        %gather3A_155 = tpu.vector_load_idx %arg20[%add3A_66, %broadcast_in_dim3A_153] : memref<128x64xf32, #tpu.memory_space<vmem>>[vector<16xi32>, vector<16xi32>], vector<16xf32>,
        %gather3A_156 = tpu.vector_load_idx %arg18[%add3A_66, %broadcast_in_dim3A_153] : memref<128x64xf32, #tpu.memory_space<vmem>>[vector<16xi32>, vector<16xi32>], vector<16xf32>,
        %mul3A_157 = arith.mulf %gather3A_154, %gather3A_154 : vector<16xf32>
        %add3A_158 = arith.addf %add3A_141, %mul3A_157 : vector<16xf32>
        %mul3A_159 = arith.mulf %gather3A_155, %gather3A_155 : vector<16xf32>
        %add3A_160 = arith.addf %add3A_143, %mul3A_159 : vector<16xf32>
        %mul3A_161 = arith.mulf %gather3A_156, %gather3A_156 : vector<16xf32>
        %add3A_162 = arith.addf %add3A_145, %mul3A_161 : vector<16xf32>
        %mul3A_163 = arith.mulf %gather3A_154, %gather3A_156 : vector<16xf32>
        %add3A_164 = arith.addf %add3A_147, %mul3A_163 : vector<16xf32>
        %mul3A_165 = arith.mulf %gather3A_154, %gather3A_155 : vector<16xf32>
        %add3A_166 = arith.addf %add3A_149, %mul3A_165 : vector<16xf32>
        %mul3A_167 = arith.mulf %gather3A_156, %gather3A_155 : vector<16xf32>
        %add3A_168 = arith.addf %add3A_151, %mul3A_167 : vector<16xf32>
        %broadcast_in_dim3A_169 = arith.constant 6 : i32
        %broadcast_in_dim3A_170 = vector.broadcast %broadcast_in_dim3A_169 : i32 to vector<16xi32>
        %gather3A_171 = tpu.vector_load_idx %arg19[%add3A_66, %broadcast_in_dim3A_170] : memref<128x64xf32, #tpu.memory_space<vmem>>[vector<16xi32>, vector<16xi32>], vector<16xf32>,
        %gather3A_172 = tpu.vector_load_idx %arg20[%add3A_66, %broadcast_in_dim3A_170] : memref<128x64xf32, #tpu.memory_space<vmem>>[vector<16xi32>, vector<16xi32>], vector<16xf32>,
        %gather3A_173 = tpu.vector_load_idx %arg18[%add3A_66, %broadcast_in_dim3A_170] : memref<128x64xf32, #tpu.memory_space<vmem>>[vector<16xi32>, vector<16xi32>], vector<16xf32>,
        %mul3A_174 = arith.mulf %gather3A_171, %gather3A_171 : vector<16xf32>
        %add3A_175 = arith.addf %add3A_158, %mul3A_174 : vector<16xf32>
        %mul3A_176 = arith.mulf %gather3A_172, %gather3A_172 : vector<16xf32>
        %add3A_177 = arith.addf %add3A_160, %mul3A_176 : vector<16xf32>
        %mul3A_178 = arith.mulf %gather3A_173, %gather3A_173 : vector<16xf32>
        %add3A_179 = arith.addf %add3A_162, %mul3A_178 : vector<16xf32>
        %mul3A_180 = arith.mulf %gather3A_171, %gather3A_173 : vector<16xf32>
        %add3A_181 = arith.addf %add3A_164, %mul3A_180 : vector<16xf32>
        %mul3A_182 = arith.mulf %gather3A_171, %gather3A_172 : vector<16xf32>
        %add3A_183 = arith.addf %add3A_166, %mul3A_182 : vector<16xf32>
        %mul3A_184 = arith.mulf %gather3A_173, %gather3A_172 : vector<16xf32>
        %add3A_185 = arith.addf %add3A_168, %mul3A_184 : vector<16xf32>
        %broadcast_in_dim3A_186 = arith.constant 7 : i32
        %broadcast_in_dim3A_187 = vector.broadcast %broadcast_in_dim3A_186 : i32 to vector<16xi32>
        %gather3A_188 = tpu.vector_load_idx %arg19[%add3A_66, %broadcast_in_dim3A_187] : memref<128x64xf32, #tpu.memory_space<vmem>>[vector<16xi32>, vector<16xi32>], vector<16xf32>,
        %gather3A_189 = tpu.vector_load_idx %arg20[%add3A_66, %broadcast_in_dim3A_187] : memref<128x64xf32, #tpu.memory_space<vmem>>[vector<16xi32>, vector<16xi32>], vector<16xf32>,
        %gather3A_190 = tpu.vector_load_idx %arg18[%add3A_66, %broadcast_in_dim3A_187] : memref<128x64xf32, #tpu.memory_space<vmem>>[vector<16xi32>, vector<16xi32>], vector<16xf32>,
        %mul3A_191 = arith.mulf %gather3A_188, %gather3A_188 : vector<16xf32>
        %add3A_192 = arith.addf %add3A_175, %mul3A_191 : vector<16xf32>
        %mul3A_193 = arith.mulf %gather3A_189, %gather3A_189 : vector<16xf32>
        %add3A_194 = arith.addf %add3A_177, %mul3A_193 : vector<16xf32>
        %mul3A_195 = arith.mulf %gather3A_190, %gather3A_190 : vector<16xf32>
        %add3A_196 = arith.addf %add3A_179, %mul3A_195 : vector<16xf32>
        %mul3A_197 = arith.mulf %gather3A_188, %gather3A_190 : vector<16xf32>
        %add3A_198 = arith.addf %add3A_181, %mul3A_197 : vector<16xf32>
        %mul3A_199 = arith.mulf %gather3A_188, %gather3A_189 : vector<16xf32>
        %add3A_200 = arith.addf %add3A_183, %mul3A_199 : vector<16xf32>
        %mul3A_201 = arith.mulf %gather3A_190, %gather3A_189 : vector<16xf32>
        %add3A_202 = arith.addf %add3A_185, %mul3A_201 : vector<16xf32>
        %broadcast_in_dim3A_203 = arith.constant 8 : i32
        %broadcast_in_dim3A_204 = vector.broadcast %broadcast_in_dim3A_203 : i32 to vector<16xi32>
        %gather3A_205 = tpu.vector_load_idx %arg19[%add3A_66, %broadcast_in_dim3A_204] : memref<128x64xf32, #tpu.memory_space<vmem>>[vector<16xi32>, vector<16xi32>], vector<16xf32>,
        %gather3A_206 = tpu.vector_load_idx %arg20[%add3A_66, %broadcast_in_dim3A_204] : memref<128x64xf32, #tpu.memory_space<vmem>>[vector<16xi32>, vector<16xi32>], vector<16xf32>,
        %gather3A_207 = tpu.vector_load_idx %arg18[%add3A_66, %broadcast_in_dim3A_204] : memref<128x64xf32, #tpu.memory_space<vmem>>[vector<16xi32>, vector<16xi32>], vector<16xf32>,
        %mul3A_208 = arith.mulf %gather3A_205, %gather3A_205 : vector<16xf32>
        %add3A_209 = arith.addf %add3A_192, %mul3A_208 : vector<16xf32>
        %mul3A_210 = arith.mulf %gather3A_206, %gather3A_206 : vector<16xf32>
        %add3A_211 = arith.addf %add3A_194, %mul3A_210 : vector<16xf32>
        %mul3A_212 = arith.mulf %gather3A_207, %gather3A_207 : vector<16xf32>
        %add3A_213 = arith.addf %add3A_196, %mul3A_212 : vector<16xf32>
        %mul3A_214 = arith.mulf %gather3A_205, %gather3A_207 : vector<16xf32>
        %add3A_215 = arith.addf %add3A_198, %mul3A_214 : vector<16xf32>
        %mul3A_216 = arith.mulf %gather3A_205, %gather3A_206 : vector<16xf32>
        %add3A_217 = arith.addf %add3A_200, %mul3A_216 : vector<16xf32>
        %mul3A_218 = arith.mulf %gather3A_207, %gather3A_206 : vector<16xf32>
        %add3A_219 = arith.addf %add3A_202, %mul3A_218 : vector<16xf32>
        %broadcast_in_dim3A_220 = arith.constant 9 : i32
        %broadcast_in_dim3A_221 = vector.broadcast %broadcast_in_dim3A_220 : i32 to vector<16xi32>
        %gather3A_222 = tpu.vector_load_idx %arg19[%add3A_66, %broadcast_in_dim3A_221] : memref<128x64xf32, #tpu.memory_space<vmem>>[vector<16xi32>, vector<16xi32>], vector<16xf32>,
        %gather3A_223 = tpu.vector_load_idx %arg20[%add3A_66, %broadcast_in_dim3A_221] : memref<128x64xf32, #tpu.memory_space<vmem>>[vector<16xi32>, vector<16xi32>], vector<16xf32>,
        %gather3A_224 = tpu.vector_load_idx %arg18[%add3A_66, %broadcast_in_dim3A_221] : memref<128x64xf32, #tpu.memory_space<vmem>>[vector<16xi32>, vector<16xi32>], vector<16xf32>,
        %mul3A_225 = arith.mulf %gather3A_222, %gather3A_222 : vector<16xf32>
        %add3A_226 = arith.addf %add3A_209, %mul3A_225 : vector<16xf32>
        %mul3A_227 = arith.mulf %gather3A_223, %gather3A_223 : vector<16xf32>
        %add3A_228 = arith.addf %add3A_211, %mul3A_227 : vector<16xf32>
        %mul3A_229 = arith.mulf %gather3A_224, %gather3A_224 : vector<16xf32>
        %add3A_230 = arith.addf %add3A_213, %mul3A_229 : vector<16xf32>
        %mul3A_231 = arith.mulf %gather3A_222, %gather3A_224 : vector<16xf32>
        %add3A_232 = arith.addf %add3A_215, %mul3A_231 : vector<16xf32>
        %mul3A_233 = arith.mulf %gather3A_222, %gather3A_223 : vector<16xf32>
        %add3A_234 = arith.addf %add3A_217, %mul3A_233 : vector<16xf32>
        %mul3A_235 = arith.mulf %gather3A_224, %gather3A_223 : vector<16xf32>
        %add3A_236 = arith.addf %add3A_219, %mul3A_235 : vector<16xf32>
        %broadcast_in_dim3A_237 = arith.constant 10 : i32
        %broadcast_in_dim3A_238 = vector.broadcast %broadcast_in_dim3A_237 : i32 to vector<16xi32>
        %gather3A_239 = tpu.vector_load_idx %arg19[%add3A_66, %broadcast_in_dim3A_238] : memref<128x64xf32, #tpu.memory_space<vmem>>[vector<16xi32>, vector<16xi32>], vector<16xf32>,
        %gather3A_240 = tpu.vector_load_idx %arg20[%add3A_66, %broadcast_in_dim3A_238] : memref<128x64xf32, #tpu.memory_space<vmem>>[vector<16xi32>, vector<16xi32>], vector<16xf32>,
        %gather3A_241 = tpu.vector_load_idx %arg18[%add3A_66, %broadcast_in_dim3A_238] : memref<128x64xf32, #tpu.memory_space<vmem>>[vector<16xi32>, vector<16xi32>], vector<16xf32>,
        %mul3A_242 = arith.mulf %gather3A_239, %gather3A_239 : vector<16xf32>
        %add3A_243 = arith.addf %add3A_226, %mul3A_242 : vector<16xf32>
        %mul3A_244 = arith.mulf %gather3A_240, %gather3A_240 : vector<16xf32>
        %add3A_245 = arith.addf %add3A_228, %mul3A_244 : vector<16xf32>
        %mul3A_246 = arith.mulf %gather3A_241, %gather3A_241 : vector<16xf32>
        %add3A_247 = arith.addf %add3A_230, %mul3A_246 : vector<16xf32>
        %mul3A_248 = arith.mulf %gather3A_239, %gather3A_241 : vector<16xf32>
        %add3A_249 = arith.addf %add3A_232, %mul3A_248 : vector<16xf32>
        %mul3A_250 = arith.mulf %gather3A_239, %gather3A_240 : vector<16xf32>
        %add3A_251 = arith.addf %add3A_234, %mul3A_250 : vector<16xf32>
        %mul3A_252 = arith.mulf %gather3A_241, %gather3A_240 : vector<16xf32>
        %add3A_253 = arith.addf %add3A_236, %mul3A_252 : vector<16xf32>
        %broadcast_in_dim3A_254 = arith.constant 11 : i32
        %broadcast_in_dim3A_255 = vector.broadcast %broadcast_in_dim3A_254 : i32 to vector<16xi32>
        %gather3A_256 = tpu.vector_load_idx %arg19[%add3A_66, %broadcast_in_dim3A_255] : memref<128x64xf32, #tpu.memory_space<vmem>>[vector<16xi32>, vector<16xi32>], vector<16xf32>,
        %gather3A_257 = tpu.vector_load_idx %arg20[%add3A_66, %broadcast_in_dim3A_255] : memref<128x64xf32, #tpu.memory_space<vmem>>[vector<16xi32>, vector<16xi32>], vector<16xf32>,
        %gather3A_258 = tpu.vector_load_idx %arg18[%add3A_66, %broadcast_in_dim3A_255] : memref<128x64xf32, #tpu.memory_space<vmem>>[vector<16xi32>, vector<16xi32>], vector<16xf32>,
        %mul3A_259 = arith.mulf %gather3A_256, %gather3A_256 : vector<16xf32>
        %add3A_260 = arith.addf %add3A_243, %mul3A_259 : vector<16xf32>
        %mul3A_261 = arith.mulf %gather3A_257, %gather3A_257 : vector<16xf32>
        %add3A_262 = arith.addf %add3A_245, %mul3A_261 : vector<16xf32>
        %mul3A_263 = arith.mulf %gather3A_258, %gather3A_258 : vector<16xf32>
        %add3A_264 = arith.addf %add3A_247, %mul3A_263 : vector<16xf32>
        %mul3A_265 = arith.mulf %gather3A_256, %gather3A_258 : vector<16xf32>
        %add3A_266 = arith.addf %add3A_249, %mul3A_265 : vector<16xf32>
        %mul3A_267 = arith.mulf %gather3A_256, %gather3A_257 : vector<16xf32>
        %add3A_268 = arith.addf %add3A_251, %mul3A_267 : vector<16xf32>
        %mul3A_269 = arith.mulf %gather3A_258, %gather3A_257 : vector<16xf32>
        %add3A_270 = arith.addf %add3A_253, %mul3A_269 : vector<16xf32>
        %broadcast_in_dim3A_271 = arith.constant 12 : i32
        %broadcast_in_dim3A_272 = vector.broadcast %broadcast_in_dim3A_271 : i32 to vector<16xi32>
        %gather3A_273 = tpu.vector_load_idx %arg19[%add3A_66, %broadcast_in_dim3A_272] : memref<128x64xf32, #tpu.memory_space<vmem>>[vector<16xi32>, vector<16xi32>], vector<16xf32>,
        %gather3A_274 = tpu.vector_load_idx %arg20[%add3A_66, %broadcast_in_dim3A_272] : memref<128x64xf32, #tpu.memory_space<vmem>>[vector<16xi32>, vector<16xi32>], vector<16xf32>,
        %gather3A_275 = tpu.vector_load_idx %arg18[%add3A_66, %broadcast_in_dim3A_272] : memref<128x64xf32, #tpu.memory_space<vmem>>[vector<16xi32>, vector<16xi32>], vector<16xf32>,
        %mul3A_276 = arith.mulf %gather3A_273, %gather3A_273 : vector<16xf32>
        %add3A_277 = arith.addf %add3A_260, %mul3A_276 : vector<16xf32>
        %mul3A_278 = arith.mulf %gather3A_274, %gather3A_274 : vector<16xf32>
        %add3A_279 = arith.addf %add3A_262, %mul3A_278 : vector<16xf32>
        %mul3A_280 = arith.mulf %gather3A_275, %gather3A_275 : vector<16xf32>
        %add3A_281 = arith.addf %add3A_264, %mul3A_280 : vector<16xf32>
        %mul3A_282 = arith.mulf %gather3A_273, %gather3A_275 : vector<16xf32>
        %add3A_283 = arith.addf %add3A_266, %mul3A_282 : vector<16xf32>
        %mul3A_284 = arith.mulf %gather3A_273, %gather3A_274 : vector<16xf32>
        %add3A_285 = arith.addf %add3A_268, %mul3A_284 : vector<16xf32>
        %mul3A_286 = arith.mulf %gather3A_275, %gather3A_274 : vector<16xf32>
        %add3A_287 = arith.addf %add3A_270, %mul3A_286 : vector<16xf32>
        %broadcast_in_dim3A_288 = arith.constant 13 : i32
        %broadcast_in_dim3A_289 = vector.broadcast %broadcast_in_dim3A_288 : i32 to vector<16xi32>
        %gather3A_290 = tpu.vector_load_idx %arg19[%add3A_66, %broadcast_in_dim3A_289] : memref<128x64xf32, #tpu.memory_space<vmem>>[vector<16xi32>, vector<16xi32>], vector<16xf32>,
        %gather3A_291 = tpu.vector_load_idx %arg20[%add3A_66, %broadcast_in_dim3A_289] : memref<128x64xf32, #tpu.memory_space<vmem>>[vector<16xi32>, vector<16xi32>], vector<16xf32>,
        %gather3A_292 = tpu.vector_load_idx %arg18[%add3A_66, %broadcast_in_dim3A_289] : memref<128x64xf32, #tpu.memory_space<vmem>>[vector<16xi32>, vector<16xi32>], vector<16xf32>,
        %mul3A_293 = arith.mulf %gather3A_290, %gather3A_290 : vector<16xf32>
        %add3A_294 = arith.addf %add3A_277, %mul3A_293 : vector<16xf32>
        %mul3A_295 = arith.mulf %gather3A_291, %gather3A_291 : vector<16xf32>
        %add3A_296 = arith.addf %add3A_279, %mul3A_295 : vector<16xf32>
        %mul3A_297 = arith.mulf %gather3A_292, %gather3A_292 : vector<16xf32>
        %add3A_298 = arith.addf %add3A_281, %mul3A_297 : vector<16xf32>
        %mul3A_299 = arith.mulf %gather3A_290, %gather3A_292 : vector<16xf32>
        %add3A_300 = arith.addf %add3A_283, %mul3A_299 : vector<16xf32>
        %mul3A_301 = arith.mulf %gather3A_290, %gather3A_291 : vector<16xf32>
        %add3A_302 = arith.addf %add3A_285, %mul3A_301 : vector<16xf32>
        %mul3A_303 = arith.mulf %gather3A_292, %gather3A_291 : vector<16xf32>
        %add3A_304 = arith.addf %add3A_287, %mul3A_303 : vector<16xf32>
        %broadcast_in_dim3A_305 = arith.constant 14 : i32
        %broadcast_in_dim3A_306 = vector.broadcast %broadcast_in_dim3A_305 : i32 to vector<16xi32>
        %gather3A_307 = tpu.vector_load_idx %arg19[%add3A_66, %broadcast_in_dim3A_306] : memref<128x64xf32, #tpu.memory_space<vmem>>[vector<16xi32>, vector<16xi32>], vector<16xf32>,
        %gather3A_308 = tpu.vector_load_idx %arg20[%add3A_66, %broadcast_in_dim3A_306] : memref<128x64xf32, #tpu.memory_space<vmem>>[vector<16xi32>, vector<16xi32>], vector<16xf32>,
        %gather3A_309 = tpu.vector_load_idx %arg18[%add3A_66, %broadcast_in_dim3A_306] : memref<128x64xf32, #tpu.memory_space<vmem>>[vector<16xi32>, vector<16xi32>], vector<16xf32>,
        %mul3A_310 = arith.mulf %gather3A_307, %gather3A_307 : vector<16xf32>
        %add3A_311 = arith.addf %add3A_294, %mul3A_310 : vector<16xf32>
        %mul3A_312 = arith.mulf %gather3A_308, %gather3A_308 : vector<16xf32>
        %add3A_313 = arith.addf %add3A_296, %mul3A_312 : vector<16xf32>
        %mul3A_314 = arith.mulf %gather3A_309, %gather3A_309 : vector<16xf32>
        %add3A_315 = arith.addf %add3A_298, %mul3A_314 : vector<16xf32>
        %mul3A_316 = arith.mulf %gather3A_307, %gather3A_309 : vector<16xf32>
        %add3A_317 = arith.addf %add3A_300, %mul3A_316 : vector<16xf32>
        %mul3A_318 = arith.mulf %gather3A_307, %gather3A_308 : vector<16xf32>
        %add3A_319 = arith.addf %add3A_302, %mul3A_318 : vector<16xf32>
        %mul3A_320 = arith.mulf %gather3A_309, %gather3A_308 : vector<16xf32>
        %add3A_321 = arith.addf %add3A_304, %mul3A_320 : vector<16xf32>
        %broadcast_in_dim3A_322 = arith.constant 15 : i32
        %broadcast_in_dim3A_323 = vector.broadcast %broadcast_in_dim3A_322 : i32 to vector<16xi32>
        %gather3A_324 = tpu.vector_load_idx %arg19[%add3A_66, %broadcast_in_dim3A_323] : memref<128x64xf32, #tpu.memory_space<vmem>>[vector<16xi32>, vector<16xi32>], vector<16xf32>,
        %gather3A_325 = tpu.vector_load_idx %arg20[%add3A_66, %broadcast_in_dim3A_323] : memref<128x64xf32, #tpu.memory_space<vmem>>[vector<16xi32>, vector<16xi32>], vector<16xf32>,
        %gather3A_326 = tpu.vector_load_idx %arg18[%add3A_66, %broadcast_in_dim3A_323] : memref<128x64xf32, #tpu.memory_space<vmem>>[vector<16xi32>, vector<16xi32>], vector<16xf32>,
        %mul3A_327 = arith.mulf %gather3A_324, %gather3A_324 : vector<16xf32>
        %add3A_328 = arith.addf %add3A_311, %mul3A_327 : vector<16xf32>
        %mul3A_329 = arith.mulf %gather3A_325, %gather3A_325 : vector<16xf32>
        %add3A_330 = arith.addf %add3A_313, %mul3A_329 : vector<16xf32>
        %mul3A_331 = arith.mulf %gather3A_326, %gather3A_326 : vector<16xf32>
        %add3A_332 = arith.addf %add3A_315, %mul3A_331 : vector<16xf32>
        %mul3A_333 = arith.mulf %gather3A_324, %gather3A_326 : vector<16xf32>
        %add3A_334 = arith.addf %add3A_317, %mul3A_333 : vector<16xf32>
        %mul3A_335 = arith.mulf %gather3A_324, %gather3A_325 : vector<16xf32>
        %add3A_336 = arith.addf %add3A_319, %mul3A_335 : vector<16xf32>
        %mul3A_337 = arith.mulf %gather3A_326, %gather3A_325 : vector<16xf32>
        %add3A_338 = arith.addf %add3A_321, %mul3A_337 : vector<16xf32>
        %broadcast_in_dim3A_339 = arith.constant 16 : i32
        %broadcast_in_dim3A_340 = vector.broadcast %broadcast_in_dim3A_339 : i32 to vector<16xi32>
        %gather3A_341 = tpu.vector_load_idx %arg19[%add3A_66, %broadcast_in_dim3A_340] : memref<128x64xf32, #tpu.memory_space<vmem>>[vector<16xi32>, vector<16xi32>], vector<16xf32>,
        %gather3A_342 = tpu.vector_load_idx %arg20[%add3A_66, %broadcast_in_dim3A_340] : memref<128x64xf32, #tpu.memory_space<vmem>>[vector<16xi32>, vector<16xi32>], vector<16xf32>,
        %gather3A_343 = tpu.vector_load_idx %arg18[%add3A_66, %broadcast_in_dim3A_340] : memref<128x64xf32, #tpu.memory_space<vmem>>[vector<16xi32>, vector<16xi32>], vector<16xf32>,
        %mul3A_344 = arith.mulf %gather3A_341, %gather3A_341 : vector<16xf32>
        %add3A_345 = arith.addf %add3A_328, %mul3A_344 : vector<16xf32>
        %mul3A_346 = arith.mulf %gather3A_342, %gather3A_342 : vector<16xf32>
        %add3A_347 = arith.addf %add3A_330, %mul3A_346 : vector<16xf32>
        %mul3A_348 = arith.mulf %gather3A_343, %gather3A_343 : vector<16xf32>
        %add3A_349 = arith.addf %add3A_332, %mul3A_348 : vector<16xf32>
        %mul3A_350 = arith.mulf %gather3A_341, %gather3A_343 : vector<16xf32>
        %add3A_351 = arith.addf %add3A_334, %mul3A_350 : vector<16xf32>
        %mul3A_352 = arith.mulf %gather3A_341, %gather3A_342 : vector<16xf32>
        %add3A_353 = arith.addf %add3A_336, %mul3A_352 : vector<16xf32>
        %mul3A_354 = arith.mulf %gather3A_343, %gather3A_342 : vector<16xf32>
        %add3A_355 = arith.addf %add3A_338, %mul3A_354 : vector<16xf32>
        %broadcast_in_dim3A_356 = arith.constant 17 : i32
        %broadcast_in_dim3A_357 = vector.broadcast %broadcast_in_dim3A_356 : i32 to vector<16xi32>
        %gather3A_358 = tpu.vector_load_idx %arg19[%add3A_66, %broadcast_in_dim3A_357] : memref<128x64xf32, #tpu.memory_space<vmem>>[vector<16xi32>, vector<16xi32>], vector<16xf32>,
        %gather3A_359 = tpu.vector_load_idx %arg20[%add3A_66, %broadcast_in_dim3A_357] : memref<128x64xf32, #tpu.memory_space<vmem>>[vector<16xi32>, vector<16xi32>], vector<16xf32>,
        %gather3A_360 = tpu.vector_load_idx %arg18[%add3A_66, %broadcast_in_dim3A_357] : memref<128x64xf32, #tpu.memory_space<vmem>>[vector<16xi32>, vector<16xi32>], vector<16xf32>,
        %mul3A_361 = arith.mulf %gather3A_358, %gather3A_358 : vector<16xf32>
        %add3A_362 = arith.addf %add3A_345, %mul3A_361 : vector<16xf32>
        %mul3A_363 = arith.mulf %gather3A_359, %gather3A_359 : vector<16xf32>
        %add3A_364 = arith.addf %add3A_347, %mul3A_363 : vector<16xf32>
        %mul3A_365 = arith.mulf %gather3A_360, %gather3A_360 : vector<16xf32>
        %add3A_366 = arith.addf %add3A_349, %mul3A_365 : vector<16xf32>
        %mul3A_367 = arith.mulf %gather3A_358, %gather3A_360 : vector<16xf32>
        %add3A_368 = arith.addf %add3A_351, %mul3A_367 : vector<16xf32>
        %mul3A_369 = arith.mulf %gather3A_358, %gather3A_359 : vector<16xf32>
        %add3A_370 = arith.addf %add3A_353, %mul3A_369 : vector<16xf32>
        %mul3A_371 = arith.mulf %gather3A_360, %gather3A_359 : vector<16xf32>
        %add3A_372 = arith.addf %add3A_355, %mul3A_371 : vector<16xf32>
        %broadcast_in_dim3A_373 = arith.constant 18 : i32
        %broadcast_in_dim3A_374 = vector.broadcast %broadcast_in_dim3A_373 : i32 to vector<16xi32>
        %gather3A_375 = tpu.vector_load_idx %arg19[%add3A_66, %broadcast_in_dim3A_374] : memref<128x64xf32, #tpu.memory_space<vmem>>[vector<16xi32>, vector<16xi32>], vector<16xf32>,
        %gather3A_376 = tpu.vector_load_idx %arg20[%add3A_66, %broadcast_in_dim3A_374] : memref<128x64xf32, #tpu.memory_space<vmem>>[vector<16xi32>, vector<16xi32>], vector<16xf32>,
        %gather3A_377 = tpu.vector_load_idx %arg18[%add3A_66, %broadcast_in_dim3A_374] : memref<128x64xf32, #tpu.memory_space<vmem>>[vector<16xi32>, vector<16xi32>], vector<16xf32>,
        %mul3A_378 = arith.mulf %gather3A_375, %gather3A_375 : vector<16xf32>
        %add3A_379 = arith.addf %add3A_362, %mul3A_378 : vector<16xf32>
        %mul3A_380 = arith.mulf %gather3A_376, %gather3A_376 : vector<16xf32>
        %add3A_381 = arith.addf %add3A_364, %mul3A_380 : vector<16xf32>
        %mul3A_382 = arith.mulf %gather3A_377, %gather3A_377 : vector<16xf32>
        %add3A_383 = arith.addf %add3A_366, %mul3A_382 : vector<16xf32>
        %mul3A_384 = arith.mulf %gather3A_375, %gather3A_377 : vector<16xf32>
        %add3A_385 = arith.addf %add3A_368, %mul3A_384 : vector<16xf32>
        %mul3A_386 = arith.mulf %gather3A_375, %gather3A_376 : vector<16xf32>
        %add3A_387 = arith.addf %add3A_370, %mul3A_386 : vector<16xf32>
        %mul3A_388 = arith.mulf %gather3A_377, %gather3A_376 : vector<16xf32>
        %add3A_389 = arith.addf %add3A_372, %mul3A_388 : vector<16xf32>
        %broadcast_in_dim3A_390 = arith.constant 19 : i32
        %broadcast_in_dim3A_391 = vector.broadcast %broadcast_in_dim3A_390 : i32 to vector<16xi32>
        %gather3A_392 = tpu.vector_load_idx %arg19[%add3A_66, %broadcast_in_dim3A_391] : memref<128x64xf32, #tpu.memory_space<vmem>>[vector<16xi32>, vector<16xi32>], vector<16xf32>,
        %gather3A_393 = tpu.vector_load_idx %arg20[%add3A_66, %broadcast_in_dim3A_391] : memref<128x64xf32, #tpu.memory_space<vmem>>[vector<16xi32>, vector<16xi32>], vector<16xf32>,
        %gather3A_394 = tpu.vector_load_idx %arg18[%add3A_66, %broadcast_in_dim3A_391] : memref<128x64xf32, #tpu.memory_space<vmem>>[vector<16xi32>, vector<16xi32>], vector<16xf32>,
        %mul3A_395 = arith.mulf %gather3A_392, %gather3A_392 : vector<16xf32>
        %add3A_396 = arith.addf %add3A_379, %mul3A_395 : vector<16xf32>
        %mul3A_397 = arith.mulf %gather3A_393, %gather3A_393 : vector<16xf32>
        %add3A_398 = arith.addf %add3A_381, %mul3A_397 : vector<16xf32>
        %mul3A_399 = arith.mulf %gather3A_394, %gather3A_394 : vector<16xf32>
        %add3A_400 = arith.addf %add3A_383, %mul3A_399 : vector<16xf32>
        %mul3A_401 = arith.mulf %gather3A_392, %gather3A_394 : vector<16xf32>
        %add3A_402 = arith.addf %add3A_385, %mul3A_401 : vector<16xf32>
        %mul3A_403 = arith.mulf %gather3A_392, %gather3A_393 : vector<16xf32>
        %add3A_404 = arith.addf %add3A_387, %mul3A_403 : vector<16xf32>
        %mul3A_405 = arith.mulf %gather3A_394, %gather3A_393 : vector<16xf32>
        %add3A_406 = arith.addf %add3A_389, %mul3A_405 : vector<16xf32>
        %broadcast_in_dim3A_407 = arith.constant 20 : i32
        %broadcast_in_dim3A_408 = vector.broadcast %broadcast_in_dim3A_407 : i32 to vector<16xi32>
        %gather3A_409 = tpu.vector_load_idx %arg19[%add3A_66, %broadcast_in_dim3A_408] : memref<128x64xf32, #tpu.memory_space<vmem>>[vector<16xi32>, vector<16xi32>], vector<16xf32>,
        %gather3A_410 = tpu.vector_load_idx %arg20[%add3A_66, %broadcast_in_dim3A_408] : memref<128x64xf32, #tpu.memory_space<vmem>>[vector<16xi32>, vector<16xi32>], vector<16xf32>,
        %gather3A_411 = tpu.vector_load_idx %arg18[%add3A_66, %broadcast_in_dim3A_408] : memref<128x64xf32, #tpu.memory_space<vmem>>[vector<16xi32>, vector<16xi32>], vector<16xf32>,
        %mul3A_412 = arith.mulf %gather3A_409, %gather3A_409 : vector<16xf32>
        %add3A_413 = arith.addf %add3A_396, %mul3A_412 : vector<16xf32>
        %mul3A_414 = arith.mulf %gather3A_410, %gather3A_410 : vector<16xf32>
        %add3A_415 = arith.addf %add3A_398, %mul3A_414 : vector<16xf32>
        %mul3A_416 = arith.mulf %gather3A_411, %gather3A_411 : vector<16xf32>
        %add3A_417 = arith.addf %add3A_400, %mul3A_416 : vector<16xf32>
        %mul3A_418 = arith.mulf %gather3A_409, %gather3A_411 : vector<16xf32>
        %add3A_419 = arith.addf %add3A_402, %mul3A_418 : vector<16xf32>
        %mul3A_420 = arith.mulf %gather3A_409, %gather3A_410 : vector<16xf32>
        %add3A_421 = arith.addf %add3A_404, %mul3A_420 : vector<16xf32>
        %mul3A_422 = arith.mulf %gather3A_411, %gather3A_410 : vector<16xf32>
        %add3A_423 = arith.addf %add3A_406, %mul3A_422 : vector<16xf32>
        %broadcast_in_dim3A_424 = arith.constant 21 : i32
        %broadcast_in_dim3A_425 = vector.broadcast %broadcast_in_dim3A_424 : i32 to vector<16xi32>
        %gather3A_426 = tpu.vector_load_idx %arg19[%add3A_66, %broadcast_in_dim3A_425] : memref<128x64xf32, #tpu.memory_space<vmem>>[vector<16xi32>, vector<16xi32>], vector<16xf32>,
        %gather3A_427 = tpu.vector_load_idx %arg20[%add3A_66, %broadcast_in_dim3A_425] : memref<128x64xf32, #tpu.memory_space<vmem>>[vector<16xi32>, vector<16xi32>], vector<16xf32>,
        %gather3A_428 = tpu.vector_load_idx %arg18[%add3A_66, %broadcast_in_dim3A_425] : memref<128x64xf32, #tpu.memory_space<vmem>>[vector<16xi32>, vector<16xi32>], vector<16xf32>,
        %mul3A_429 = arith.mulf %gather3A_426, %gather3A_426 : vector<16xf32>
        %add3A_430 = arith.addf %add3A_413, %mul3A_429 : vector<16xf32>
        %mul3A_431 = arith.mulf %gather3A_427, %gather3A_427 : vector<16xf32>
        %add3A_432 = arith.addf %add3A_415, %mul3A_431 : vector<16xf32>
        %mul3A_433 = arith.mulf %gather3A_428, %gather3A_428 : vector<16xf32>
        %add3A_434 = arith.addf %add3A_417, %mul3A_433 : vector<16xf32>
        %mul3A_435 = arith.mulf %gather3A_426, %gather3A_428 : vector<16xf32>
        %add3A_436 = arith.addf %add3A_419, %mul3A_435 : vector<16xf32>
        %mul3A_437 = arith.mulf %gather3A_426, %gather3A_427 : vector<16xf32>
        %add3A_438 = arith.addf %add3A_421, %mul3A_437 : vector<16xf32>
        %mul3A_439 = arith.mulf %gather3A_428, %gather3A_427 : vector<16xf32>
        %add3A_440 = arith.addf %add3A_423, %mul3A_439 : vector<16xf32>
        %broadcast_in_dim3A_441 = arith.constant 22 : i32
        %broadcast_in_dim3A_442 = vector.broadcast %broadcast_in_dim3A_441 : i32 to vector<16xi32>
        %gather3A_443 = tpu.vector_load_idx %arg19[%add3A_66, %broadcast_in_dim3A_442] : memref<128x64xf32, #tpu.memory_space<vmem>>[vector<16xi32>, vector<16xi32>], vector<16xf32>,
        %gather3A_444 = tpu.vector_load_idx %arg20[%add3A_66, %broadcast_in_dim3A_442] : memref<128x64xf32, #tpu.memory_space<vmem>>[vector<16xi32>, vector<16xi32>], vector<16xf32>,
        %gather3A_445 = tpu.vector_load_idx %arg18[%add3A_66, %broadcast_in_dim3A_442] : memref<128x64xf32, #tpu.memory_space<vmem>>[vector<16xi32>, vector<16xi32>], vector<16xf32>,
        %mul3A_446 = arith.mulf %gather3A_443, %gather3A_443 : vector<16xf32>
        %add3A_447 = arith.addf %add3A_430, %mul3A_446 : vector<16xf32>
        %mul3A_448 = arith.mulf %gather3A_444, %gather3A_444 : vector<16xf32>
        %add3A_449 = arith.addf %add3A_432, %mul3A_448 : vector<16xf32>
        %mul3A_450 = arith.mulf %gather3A_445, %gather3A_445 : vector<16xf32>
        %add3A_451 = arith.addf %add3A_434, %mul3A_450 : vector<16xf32>
        %mul3A_452 = arith.mulf %gather3A_443, %gather3A_445 : vector<16xf32>
        %add3A_453 = arith.addf %add3A_436, %mul3A_452 : vector<16xf32>
        %mul3A_454 = arith.mulf %gather3A_443, %gather3A_444 : vector<16xf32>
        %add3A_455 = arith.addf %add3A_438, %mul3A_454 : vector<16xf32>
        %mul3A_456 = arith.mulf %gather3A_445, %gather3A_444 : vector<16xf32>
        %add3A_457 = arith.addf %add3A_440, %mul3A_456 : vector<16xf32>
        %broadcast_in_dim3A_458 = arith.constant 23 : i32
        %broadcast_in_dim3A_459 = vector.broadcast %broadcast_in_dim3A_458 : i32 to vector<16xi32>
        %gather3A_460 = tpu.vector_load_idx %arg19[%add3A_66, %broadcast_in_dim3A_459] : memref<128x64xf32, #tpu.memory_space<vmem>>[vector<16xi32>, vector<16xi32>], vector<16xf32>,
        %gather3A_461 = tpu.vector_load_idx %arg20[%add3A_66, %broadcast_in_dim3A_459] : memref<128x64xf32, #tpu.memory_space<vmem>>[vector<16xi32>, vector<16xi32>], vector<16xf32>,
        %gather3A_462 = tpu.vector_load_idx %arg18[%add3A_66, %broadcast_in_dim3A_459] : memref<128x64xf32, #tpu.memory_space<vmem>>[vector<16xi32>, vector<16xi32>], vector<16xf32>,
        %mul3A_463 = arith.mulf %gather3A_460, %gather3A_460 : vector<16xf32>
        %add3A_464 = arith.addf %add3A_447, %mul3A_463 : vector<16xf32>
        %mul3A_465 = arith.mulf %gather3A_461, %gather3A_461 : vector<16xf32>
        %add3A_466 = arith.addf %add3A_449, %mul3A_465 : vector<16xf32>
        %mul3A_467 = arith.mulf %gather3A_462, %gather3A_462 : vector<16xf32>
        %add3A_468 = arith.addf %add3A_451, %mul3A_467 : vector<16xf32>
        %mul3A_469 = arith.mulf %gather3A_460, %gather3A_462 : vector<16xf32>
        %add3A_470 = arith.addf %add3A_453, %mul3A_469 : vector<16xf32>
        %mul3A_471 = arith.mulf %gather3A_460, %gather3A_461 : vector<16xf32>
        %add3A_472 = arith.addf %add3A_455, %mul3A_471 : vector<16xf32>
        %mul3A_473 = arith.mulf %gather3A_462, %gather3A_461 : vector<16xf32>
        %add3A_474 = arith.addf %add3A_457, %mul3A_473 : vector<16xf32>
        %broadcast_in_dim3A_475 = arith.constant 24 : i32
        %broadcast_in_dim3A_476 = vector.broadcast %broadcast_in_dim3A_475 : i32 to vector<16xi32>
        %gather3A_477 = tpu.vector_load_idx %arg19[%add3A_66, %broadcast_in_dim3A_476] : memref<128x64xf32, #tpu.memory_space<vmem>>[vector<16xi32>, vector<16xi32>], vector<16xf32>,
        %gather3A_478 = tpu.vector_load_idx %arg20[%add3A_66, %broadcast_in_dim3A_476] : memref<128x64xf32, #tpu.memory_space<vmem>>[vector<16xi32>, vector<16xi32>], vector<16xf32>,
        %gather3A_479 = tpu.vector_load_idx %arg18[%add3A_66, %broadcast_in_dim3A_476] : memref<128x64xf32, #tpu.memory_space<vmem>>[vector<16xi32>, vector<16xi32>], vector<16xf32>,
        %mul3A_480 = arith.mulf %gather3A_477, %gather3A_477 : vector<16xf32>
        %add3A_481 = arith.addf %add3A_464, %mul3A_480 : vector<16xf32>
        %mul3A_482 = arith.mulf %gather3A_478, %gather3A_478 : vector<16xf32>
        %add3A_483 = arith.addf %add3A_466, %mul3A_482 : vector<16xf32>
        %mul3A_484 = arith.mulf %gather3A_479, %gather3A_479 : vector<16xf32>
        %add3A_485 = arith.addf %add3A_468, %mul3A_484 : vector<16xf32>
        %mul3A_486 = arith.mulf %gather3A_477, %gather3A_479 : vector<16xf32>
        %add3A_487 = arith.addf %add3A_470, %mul3A_486 : vector<16xf32>
        %mul3A_488 = arith.mulf %gather3A_477, %gather3A_478 : vector<16xf32>
        %add3A_489 = arith.addf %add3A_472, %mul3A_488 : vector<16xf32>
        %mul3A_490 = arith.mulf %gather3A_479, %gather3A_478 : vector<16xf32>
        %add3A_491 = arith.addf %add3A_474, %mul3A_490 : vector<16xf32>
        %broadcast_in_dim3A_492 = arith.constant 25 : i32
        %broadcast_in_dim3A_493 = vector.broadcast %broadcast_in_dim3A_492 : i32 to vector<16xi32>
        %gather3A_494 = tpu.vector_load_idx %arg19[%add3A_66, %broadcast_in_dim3A_493] : memref<128x64xf32, #tpu.memory_space<vmem>>[vector<16xi32>, vector<16xi32>], vector<16xf32>,
        %gather3A_495 = tpu.vector_load_idx %arg20[%add3A_66, %broadcast_in_dim3A_493] : memref<128x64xf32, #tpu.memory_space<vmem>>[vector<16xi32>, vector<16xi32>], vector<16xf32>,
        %gather3A_496 = tpu.vector_load_idx %arg18[%add3A_66, %broadcast_in_dim3A_493] : memref<128x64xf32, #tpu.memory_space<vmem>>[vector<16xi32>, vector<16xi32>], vector<16xf32>,
        %mul3A_497 = arith.mulf %gather3A_494, %gather3A_494 : vector<16xf32>
        %add3A_498 = arith.addf %add3A_481, %mul3A_497 : vector<16xf32>
        %mul3A_499 = arith.mulf %gather3A_495, %gather3A_495 : vector<16xf32>
        %add3A_500 = arith.addf %add3A_483, %mul3A_499 : vector<16xf32>
        %mul3A_501 = arith.mulf %gather3A_496, %gather3A_496 : vector<16xf32>
        %add3A_502 = arith.addf %add3A_485, %mul3A_501 : vector<16xf32>
        %mul3A_503 = arith.mulf %gather3A_494, %gather3A_496 : vector<16xf32>
        %add3A_504 = arith.addf %add3A_487, %mul3A_503 : vector<16xf32>
        %mul3A_505 = arith.mulf %gather3A_494, %gather3A_495 : vector<16xf32>
        %add3A_506 = arith.addf %add3A_489, %mul3A_505 : vector<16xf32>
        %mul3A_507 = arith.mulf %gather3A_496, %gather3A_495 : vector<16xf32>
        %add3A_508 = arith.addf %add3A_491, %mul3A_507 : vector<16xf32>
        %broadcast_in_dim3A_509 = arith.constant 26 : i32
        %broadcast_in_dim3A_510 = vector.broadcast %broadcast_in_dim3A_509 : i32 to vector<16xi32>
        %gather3A_511 = tpu.vector_load_idx %arg19[%add3A_66, %broadcast_in_dim3A_510] : memref<128x64xf32, #tpu.memory_space<vmem>>[vector<16xi32>, vector<16xi32>], vector<16xf32>,
        %gather3A_512 = tpu.vector_load_idx %arg20[%add3A_66, %broadcast_in_dim3A_510] : memref<128x64xf32, #tpu.memory_space<vmem>>[vector<16xi32>, vector<16xi32>], vector<16xf32>,
        %gather3A_513 = tpu.vector_load_idx %arg18[%add3A_66, %broadcast_in_dim3A_510] : memref<128x64xf32, #tpu.memory_space<vmem>>[vector<16xi32>, vector<16xi32>], vector<16xf32>,
        %mul3A_514 = arith.mulf %gather3A_511, %gather3A_511 : vector<16xf32>
        %add3A_515 = arith.addf %add3A_498, %mul3A_514 : vector<16xf32>
        %mul3A_516 = arith.mulf %gather3A_512, %gather3A_512 : vector<16xf32>
        %add3A_517 = arith.addf %add3A_500, %mul3A_516 : vector<16xf32>
        %mul3A_518 = arith.mulf %gather3A_513, %gather3A_513 : vector<16xf32>
        %add3A_519 = arith.addf %add3A_502, %mul3A_518 : vector<16xf32>
        %mul3A_520 = arith.mulf %gather3A_511, %gather3A_513 : vector<16xf32>
        %add3A_521 = arith.addf %add3A_504, %mul3A_520 : vector<16xf32>
        %mul3A_522 = arith.mulf %gather3A_511, %gather3A_512 : vector<16xf32>
        %add3A_523 = arith.addf %add3A_506, %mul3A_522 : vector<16xf32>
        %mul3A_524 = arith.mulf %gather3A_513, %gather3A_512 : vector<16xf32>
        %add3A_525 = arith.addf %add3A_508, %mul3A_524 : vector<16xf32>
        %broadcast_in_dim3A_526 = arith.constant 27 : i32
        %broadcast_in_dim3A_527 = vector.broadcast %broadcast_in_dim3A_526 : i32 to vector<16xi32>
        %gather3A_528 = tpu.vector_load_idx %arg19[%add3A_66, %broadcast_in_dim3A_527] : memref<128x64xf32, #tpu.memory_space<vmem>>[vector<16xi32>, vector<16xi32>], vector<16xf32>,
        %gather3A_529 = tpu.vector_load_idx %arg20[%add3A_66, %broadcast_in_dim3A_527] : memref<128x64xf32, #tpu.memory_space<vmem>>[vector<16xi32>, vector<16xi32>], vector<16xf32>,
        %gather3A_530 = tpu.vector_load_idx %arg18[%add3A_66, %broadcast_in_dim3A_527] : memref<128x64xf32, #tpu.memory_space<vmem>>[vector<16xi32>, vector<16xi32>], vector<16xf32>,
        %mul3A_531 = arith.mulf %gather3A_528, %gather3A_528 : vector<16xf32>
        %add3A_532 = arith.addf %add3A_515, %mul3A_531 : vector<16xf32>
        %mul3A_533 = arith.mulf %gather3A_529, %gather3A_529 : vector<16xf32>
        %add3A_534 = arith.addf %add3A_517, %mul3A_533 : vector<16xf32>
        %mul3A_535 = arith.mulf %gather3A_530, %gather3A_530 : vector<16xf32>
        %add3A_536 = arith.addf %add3A_519, %mul3A_535 : vector<16xf32>
        %mul3A_537 = arith.mulf %gather3A_528, %gather3A_530 : vector<16xf32>
        %add3A_538 = arith.addf %add3A_521, %mul3A_537 : vector<16xf32>
        %mul3A_539 = arith.mulf %gather3A_528, %gather3A_529 : vector<16xf32>
        %add3A_540 = arith.addf %add3A_523, %mul3A_539 : vector<16xf32>
        %mul3A_541 = arith.mulf %gather3A_530, %gather3A_529 : vector<16xf32>
        %add3A_542 = arith.addf %add3A_525, %mul3A_541 : vector<16xf32>
        %broadcast_in_dim3A_543 = arith.constant 28 : i32
        %broadcast_in_dim3A_544 = vector.broadcast %broadcast_in_dim3A_543 : i32 to vector<16xi32>
        %gather3A_545 = tpu.vector_load_idx %arg19[%add3A_66, %broadcast_in_dim3A_544] : memref<128x64xf32, #tpu.memory_space<vmem>>[vector<16xi32>, vector<16xi32>], vector<16xf32>,
        %gather3A_546 = tpu.vector_load_idx %arg20[%add3A_66, %broadcast_in_dim3A_544] : memref<128x64xf32, #tpu.memory_space<vmem>>[vector<16xi32>, vector<16xi32>], vector<16xf32>,
        %gather3A_547 = tpu.vector_load_idx %arg18[%add3A_66, %broadcast_in_dim3A_544] : memref<128x64xf32, #tpu.memory_space<vmem>>[vector<16xi32>, vector<16xi32>], vector<16xf32>,
        %mul3A_548 = arith.mulf %gather3A_545, %gather3A_545 : vector<16xf32>
        %add3A_549 = arith.addf %add3A_532, %mul3A_548 : vector<16xf32>
        %mul3A_550 = arith.mulf %gather3A_546, %gather3A_546 : vector<16xf32>
        %add3A_551 = arith.addf %add3A_534, %mul3A_550 : vector<16xf32>
        %mul3A_552 = arith.mulf %gather3A_547, %gather3A_547 : vector<16xf32>
        %add3A_553 = arith.addf %add3A_536, %mul3A_552 : vector<16xf32>
        %mul3A_554 = arith.mulf %gather3A_545, %gather3A_547 : vector<16xf32>
        %add3A_555 = arith.addf %add3A_538, %mul3A_554 : vector<16xf32>
        %mul3A_556 = arith.mulf %gather3A_545, %gather3A_546 : vector<16xf32>
        %add3A_557 = arith.addf %add3A_540, %mul3A_556 : vector<16xf32>
        %mul3A_558 = arith.mulf %gather3A_547, %gather3A_546 : vector<16xf32>
        %add3A_559 = arith.addf %add3A_542, %mul3A_558 : vector<16xf32>
        %broadcast_in_dim3A_560 = arith.constant 29 : i32
        %broadcast_in_dim3A_561 = vector.broadcast %broadcast_in_dim3A_560 : i32 to vector<16xi32>
        %gather3A_562 = tpu.vector_load_idx %arg19[%add3A_66, %broadcast_in_dim3A_561] : memref<128x64xf32, #tpu.memory_space<vmem>>[vector<16xi32>, vector<16xi32>], vector<16xf32>,
        %gather3A_563 = tpu.vector_load_idx %arg20[%add3A_66, %broadcast_in_dim3A_561] : memref<128x64xf32, #tpu.memory_space<vmem>>[vector<16xi32>, vector<16xi32>], vector<16xf32>,
        %gather3A_564 = tpu.vector_load_idx %arg18[%add3A_66, %broadcast_in_dim3A_561] : memref<128x64xf32, #tpu.memory_space<vmem>>[vector<16xi32>, vector<16xi32>], vector<16xf32>,
        %mul3A_565 = arith.mulf %gather3A_562, %gather3A_562 : vector<16xf32>
        %add3A_566 = arith.addf %add3A_549, %mul3A_565 : vector<16xf32>
        %mul3A_567 = arith.mulf %gather3A_563, %gather3A_563 : vector<16xf32>
        %add3A_568 = arith.addf %add3A_551, %mul3A_567 : vector<16xf32>
        %mul3A_569 = arith.mulf %gather3A_564, %gather3A_564 : vector<16xf32>
        %add3A_570 = arith.addf %add3A_553, %mul3A_569 : vector<16xf32>
        %mul3A_571 = arith.mulf %gather3A_562, %gather3A_564 : vector<16xf32>
        %add3A_572 = arith.addf %add3A_555, %mul3A_571 : vector<16xf32>
        %mul3A_573 = arith.mulf %gather3A_562, %gather3A_563 : vector<16xf32>
        %add3A_574 = arith.addf %add3A_557, %mul3A_573 : vector<16xf32>
        %mul3A_575 = arith.mulf %gather3A_564, %gather3A_563 : vector<16xf32>
        %add3A_576 = arith.addf %add3A_559, %mul3A_575 : vector<16xf32>
        %broadcast_in_dim3A_577 = arith.constant 30 : i32
        %broadcast_in_dim3A_578 = vector.broadcast %broadcast_in_dim3A_577 : i32 to vector<16xi32>
        %gather3A_579 = tpu.vector_load_idx %arg19[%add3A_66, %broadcast_in_dim3A_578] : memref<128x64xf32, #tpu.memory_space<vmem>>[vector<16xi32>, vector<16xi32>], vector<16xf32>,
        %gather3A_580 = tpu.vector_load_idx %arg20[%add3A_66, %broadcast_in_dim3A_578] : memref<128x64xf32, #tpu.memory_space<vmem>>[vector<16xi32>, vector<16xi32>], vector<16xf32>,
        %gather3A_581 = tpu.vector_load_idx %arg18[%add3A_66, %broadcast_in_dim3A_578] : memref<128x64xf32, #tpu.memory_space<vmem>>[vector<16xi32>, vector<16xi32>], vector<16xf32>,
        %mul3A_582 = arith.mulf %gather3A_579, %gather3A_579 : vector<16xf32>
        %add3A_583 = arith.addf %add3A_566, %mul3A_582 : vector<16xf32>
        %mul3A_584 = arith.mulf %gather3A_580, %gather3A_580 : vector<16xf32>
        %add3A_585 = arith.addf %add3A_568, %mul3A_584 : vector<16xf32>
        %mul3A_586 = arith.mulf %gather3A_581, %gather3A_581 : vector<16xf32>
        %add3A_587 = arith.addf %add3A_570, %mul3A_586 : vector<16xf32>
        %mul3A_588 = arith.mulf %gather3A_579, %gather3A_581 : vector<16xf32>
        %add3A_589 = arith.addf %add3A_572, %mul3A_588 : vector<16xf32>
        %mul3A_590 = arith.mulf %gather3A_579, %gather3A_580 : vector<16xf32>
        %add3A_591 = arith.addf %add3A_574, %mul3A_590 : vector<16xf32>
        %mul3A_592 = arith.mulf %gather3A_581, %gather3A_580 : vector<16xf32>
        %add3A_593 = arith.addf %add3A_576, %mul3A_592 : vector<16xf32>
        %broadcast_in_dim3A_594 = arith.constant 31 : i32
        %broadcast_in_dim3A_595 = vector.broadcast %broadcast_in_dim3A_594 : i32 to vector<16xi32>
        %gather3A_596 = tpu.vector_load_idx %arg19[%add3A_66, %broadcast_in_dim3A_595] : memref<128x64xf32, #tpu.memory_space<vmem>>[vector<16xi32>, vector<16xi32>], vector<16xf32>,
        %gather3A_597 = tpu.vector_load_idx %arg20[%add3A_66, %broadcast_in_dim3A_595] : memref<128x64xf32, #tpu.memory_space<vmem>>[vector<16xi32>, vector<16xi32>], vector<16xf32>,
        %gather3A_598 = tpu.vector_load_idx %arg18[%add3A_66, %broadcast_in_dim3A_595] : memref<128x64xf32, #tpu.memory_space<vmem>>[vector<16xi32>, vector<16xi32>], vector<16xf32>,
        %mul3A_599 = arith.mulf %gather3A_596, %gather3A_596 : vector<16xf32>
        %add3A_600 = arith.addf %add3A_583, %mul3A_599 : vector<16xf32>
        %mul3A_601 = arith.mulf %gather3A_597, %gather3A_597 : vector<16xf32>
        %add3A_602 = arith.addf %add3A_585, %mul3A_601 : vector<16xf32>
        %mul3A_603 = arith.mulf %gather3A_598, %gather3A_598 : vector<16xf32>
        %add3A_604 = arith.addf %add3A_587, %mul3A_603 : vector<16xf32>
        %mul3A_605 = arith.mulf %gather3A_596, %gather3A_598 : vector<16xf32>
        %add3A_606 = arith.addf %add3A_589, %mul3A_605 : vector<16xf32>
        %mul3A_607 = arith.mulf %gather3A_596, %gather3A_597 : vector<16xf32>
        %add3A_608 = arith.addf %add3A_591, %mul3A_607 : vector<16xf32>
        %mul3A_609 = arith.mulf %gather3A_598, %gather3A_597 : vector<16xf32>
        %add3A_610 = arith.addf %add3A_593, %mul3A_609 : vector<16xf32>
        %broadcast_in_dim3A_611 = arith.constant 32 : i32
        %broadcast_in_dim3A_612 = vector.broadcast %broadcast_in_dim3A_611 : i32 to vector<16xi32>
        %gather3A_613 = tpu.vector_load_idx %arg19[%add3A_66, %broadcast_in_dim3A_612] : memref<128x64xf32, #tpu.memory_space<vmem>>[vector<16xi32>, vector<16xi32>], vector<16xf32>,
        %gather3A_614 = tpu.vector_load_idx %arg20[%add3A_66, %broadcast_in_dim3A_612] : memref<128x64xf32, #tpu.memory_space<vmem>>[vector<16xi32>, vector<16xi32>], vector<16xf32>,
        %gather3A_615 = tpu.vector_load_idx %arg18[%add3A_66, %broadcast_in_dim3A_612] : memref<128x64xf32, #tpu.memory_space<vmem>>[vector<16xi32>, vector<16xi32>], vector<16xf32>,
        %mul3A_616 = arith.mulf %gather3A_613, %gather3A_613 : vector<16xf32>
        %add3A_617 = arith.addf %add3A_600, %mul3A_616 : vector<16xf32>
        %mul3A_618 = arith.mulf %gather3A_614, %gather3A_614 : vector<16xf32>
        %add3A_619 = arith.addf %add3A_602, %mul3A_618 : vector<16xf32>
        %mul3A_620 = arith.mulf %gather3A_615, %gather3A_615 : vector<16xf32>
        %add3A_621 = arith.addf %add3A_604, %mul3A_620 : vector<16xf32>
        %mul3A_622 = arith.mulf %gather3A_613, %gather3A_615 : vector<16xf32>
        %add3A_623 = arith.addf %add3A_606, %mul3A_622 : vector<16xf32>
        %mul3A_624 = arith.mulf %gather3A_613, %gather3A_614 : vector<16xf32>
        %add3A_625 = arith.addf %add3A_608, %mul3A_624 : vector<16xf32>
        %mul3A_626 = arith.mulf %gather3A_615, %gather3A_614 : vector<16xf32>
        %add3A_627 = arith.addf %add3A_610, %mul3A_626 : vector<16xf32>
        %broadcast_in_dim3A_628 = arith.constant 33 : i32
        %broadcast_in_dim3A_629 = vector.broadcast %broadcast_in_dim3A_628 : i32 to vector<16xi32>
        %gather3A_630 = tpu.vector_load_idx %arg19[%add3A_66, %broadcast_in_dim3A_629] : memref<128x64xf32, #tpu.memory_space<vmem>>[vector<16xi32>, vector<16xi32>], vector<16xf32>,
        %gather3A_631 = tpu.vector_load_idx %arg20[%add3A_66, %broadcast_in_dim3A_629] : memref<128x64xf32, #tpu.memory_space<vmem>>[vector<16xi32>, vector<16xi32>], vector<16xf32>,
        %gather3A_632 = tpu.vector_load_idx %arg18[%add3A_66, %broadcast_in_dim3A_629] : memref<128x64xf32, #tpu.memory_space<vmem>>[vector<16xi32>, vector<16xi32>], vector<16xf32>,
        %mul3A_633 = arith.mulf %gather3A_630, %gather3A_630 : vector<16xf32>
        %add3A_634 = arith.addf %add3A_617, %mul3A_633 : vector<16xf32>
        %mul3A_635 = arith.mulf %gather3A_631, %gather3A_631 : vector<16xf32>
        %add3A_636 = arith.addf %add3A_619, %mul3A_635 : vector<16xf32>
        %mul3A_637 = arith.mulf %gather3A_632, %gather3A_632 : vector<16xf32>
        %add3A_638 = arith.addf %add3A_621, %mul3A_637 : vector<16xf32>
        %mul3A_639 = arith.mulf %gather3A_630, %gather3A_632 : vector<16xf32>
        %add3A_640 = arith.addf %add3A_623, %mul3A_639 : vector<16xf32>
        %mul3A_641 = arith.mulf %gather3A_630, %gather3A_631 : vector<16xf32>
        %add3A_642 = arith.addf %add3A_625, %mul3A_641 : vector<16xf32>
        %mul3A_643 = arith.mulf %gather3A_632, %gather3A_631 : vector<16xf32>
        %add3A_644 = arith.addf %add3A_627, %mul3A_643 : vector<16xf32>
        %broadcast_in_dim3A_645 = arith.constant 34 : i32
        %broadcast_in_dim3A_646 = vector.broadcast %broadcast_in_dim3A_645 : i32 to vector<16xi32>
        %gather3A_647 = tpu.vector_load_idx %arg19[%add3A_66, %broadcast_in_dim3A_646] : memref<128x64xf32, #tpu.memory_space<vmem>>[vector<16xi32>, vector<16xi32>], vector<16xf32>,
        %gather3A_648 = tpu.vector_load_idx %arg20[%add3A_66, %broadcast_in_dim3A_646] : memref<128x64xf32, #tpu.memory_space<vmem>>[vector<16xi32>, vector<16xi32>], vector<16xf32>,
        %gather3A_649 = tpu.vector_load_idx %arg18[%add3A_66, %broadcast_in_dim3A_646] : memref<128x64xf32, #tpu.memory_space<vmem>>[vector<16xi32>, vector<16xi32>], vector<16xf32>,
        %mul3A_650 = arith.mulf %gather3A_647, %gather3A_647 : vector<16xf32>
        %add3A_651 = arith.addf %add3A_634, %mul3A_650 : vector<16xf32>
        %mul3A_652 = arith.mulf %gather3A_648, %gather3A_648 : vector<16xf32>
        %add3A_653 = arith.addf %add3A_636, %mul3A_652 : vector<16xf32>
        %mul3A_654 = arith.mulf %gather3A_649, %gather3A_649 : vector<16xf32>
        %add3A_655 = arith.addf %add3A_638, %mul3A_654 : vector<16xf32>
        %mul3A_656 = arith.mulf %gather3A_647, %gather3A_649 : vector<16xf32>
        %add3A_657 = arith.addf %add3A_640, %mul3A_656 : vector<16xf32>
        %mul3A_658 = arith.mulf %gather3A_647, %gather3A_648 : vector<16xf32>
        %add3A_659 = arith.addf %add3A_642, %mul3A_658 : vector<16xf32>
        %mul3A_660 = arith.mulf %gather3A_649, %gather3A_648 : vector<16xf32>
        %add3A_661 = arith.addf %add3A_644, %mul3A_660 : vector<16xf32>
        %broadcast_in_dim3A_662 = arith.constant 35 : i32
        %broadcast_in_dim3A_663 = vector.broadcast %broadcast_in_dim3A_662 : i32 to vector<16xi32>
        %gather3A_664 = tpu.vector_load_idx %arg19[%add3A_66, %broadcast_in_dim3A_663] : memref<128x64xf32, #tpu.memory_space<vmem>>[vector<16xi32>, vector<16xi32>], vector<16xf32>,
        %gather3A_665 = tpu.vector_load_idx %arg20[%add3A_66, %broadcast_in_dim3A_663] : memref<128x64xf32, #tpu.memory_space<vmem>>[vector<16xi32>, vector<16xi32>], vector<16xf32>,
        %gather3A_666 = tpu.vector_load_idx %arg18[%add3A_66, %broadcast_in_dim3A_663] : memref<128x64xf32, #tpu.memory_space<vmem>>[vector<16xi32>, vector<16xi32>], vector<16xf32>,
        %mul3A_667 = arith.mulf %gather3A_664, %gather3A_664 : vector<16xf32>
        %add3A_668 = arith.addf %add3A_651, %mul3A_667 : vector<16xf32>
        %mul3A_669 = arith.mulf %gather3A_665, %gather3A_665 : vector<16xf32>
        %add3A_670 = arith.addf %add3A_653, %mul3A_669 : vector<16xf32>
        %mul3A_671 = arith.mulf %gather3A_666, %gather3A_666 : vector<16xf32>
        %add3A_672 = arith.addf %add3A_655, %mul3A_671 : vector<16xf32>
        %mul3A_673 = arith.mulf %gather3A_664, %gather3A_666 : vector<16xf32>
        %add3A_674 = arith.addf %add3A_657, %mul3A_673 : vector<16xf32>
        %mul3A_675 = arith.mulf %gather3A_664, %gather3A_665 : vector<16xf32>
        %add3A_676 = arith.addf %add3A_659, %mul3A_675 : vector<16xf32>
        %mul3A_677 = arith.mulf %gather3A_666, %gather3A_665 : vector<16xf32>
        %add3A_678 = arith.addf %add3A_661, %mul3A_677 : vector<16xf32>
        %broadcast_in_dim3A_679 = arith.constant 36 : i32
        %broadcast_in_dim3A_680 = vector.broadcast %broadcast_in_dim3A_679 : i32 to vector<16xi32>
        %gather3A_681 = tpu.vector_load_idx %arg19[%add3A_66, %broadcast_in_dim3A_680] : memref<128x64xf32, #tpu.memory_space<vmem>>[vector<16xi32>, vector<16xi32>], vector<16xf32>,
        %gather3A_682 = tpu.vector_load_idx %arg20[%add3A_66, %broadcast_in_dim3A_680] : memref<128x64xf32, #tpu.memory_space<vmem>>[vector<16xi32>, vector<16xi32>], vector<16xf32>,
        %gather3A_683 = tpu.vector_load_idx %arg18[%add3A_66, %broadcast_in_dim3A_680] : memref<128x64xf32, #tpu.memory_space<vmem>>[vector<16xi32>, vector<16xi32>], vector<16xf32>,
        %mul3A_684 = arith.mulf %gather3A_681, %gather3A_681 : vector<16xf32>
        %add3A_685 = arith.addf %add3A_668, %mul3A_684 : vector<16xf32>
        %mul3A_686 = arith.mulf %gather3A_682, %gather3A_682 : vector<16xf32>
        %add3A_687 = arith.addf %add3A_670, %mul3A_686 : vector<16xf32>
        %mul3A_688 = arith.mulf %gather3A_683, %gather3A_683 : vector<16xf32>
        %add3A_689 = arith.addf %add3A_672, %mul3A_688 : vector<16xf32>
        %mul3A_690 = arith.mulf %gather3A_681, %gather3A_683 : vector<16xf32>
        %add3A_691 = arith.addf %add3A_674, %mul3A_690 : vector<16xf32>
        %mul3A_692 = arith.mulf %gather3A_681, %gather3A_682 : vector<16xf32>
        %add3A_693 = arith.addf %add3A_676, %mul3A_692 : vector<16xf32>
        %mul3A_694 = arith.mulf %gather3A_683, %gather3A_682 : vector<16xf32>
        %add3A_695 = arith.addf %add3A_678, %mul3A_694 : vector<16xf32>
        %broadcast_in_dim3A_696 = arith.constant 37 : i32
        %broadcast_in_dim3A_697 = vector.broadcast %broadcast_in_dim3A_696 : i32 to vector<16xi32>
        %gather3A_698 = tpu.vector_load_idx %arg19[%add3A_66, %broadcast_in_dim3A_697] : memref<128x64xf32, #tpu.memory_space<vmem>>[vector<16xi32>, vector<16xi32>], vector<16xf32>,
        %gather3A_699 = tpu.vector_load_idx %arg20[%add3A_66, %broadcast_in_dim3A_697] : memref<128x64xf32, #tpu.memory_space<vmem>>[vector<16xi32>, vector<16xi32>], vector<16xf32>,
        %gather3A_700 = tpu.vector_load_idx %arg18[%add3A_66, %broadcast_in_dim3A_697] : memref<128x64xf32, #tpu.memory_space<vmem>>[vector<16xi32>, vector<16xi32>], vector<16xf32>,
        %mul3A_701 = arith.mulf %gather3A_698, %gather3A_698 : vector<16xf32>
        %add3A_702 = arith.addf %add3A_685, %mul3A_701 : vector<16xf32>
        %mul3A_703 = arith.mulf %gather3A_699, %gather3A_699 : vector<16xf32>
        %add3A_704 = arith.addf %add3A_687, %mul3A_703 : vector<16xf32>
        %mul3A_705 = arith.mulf %gather3A_700, %gather3A_700 : vector<16xf32>
        %add3A_706 = arith.addf %add3A_689, %mul3A_705 : vector<16xf32>
        %mul3A_707 = arith.mulf %gather3A_698, %gather3A_700 : vector<16xf32>
        %add3A_708 = arith.addf %add3A_691, %mul3A_707 : vector<16xf32>
        %mul3A_709 = arith.mulf %gather3A_698, %gather3A_699 : vector<16xf32>
        %add3A_710 = arith.addf %add3A_693, %mul3A_709 : vector<16xf32>
        %mul3A_711 = arith.mulf %gather3A_700, %gather3A_699 : vector<16xf32>
        %add3A_712 = arith.addf %add3A_695, %mul3A_711 : vector<16xf32>
        %broadcast_in_dim3A_713 = arith.constant 38 : i32
        %broadcast_in_dim3A_714 = vector.broadcast %broadcast_in_dim3A_713 : i32 to vector<16xi32>
        %gather3A_715 = tpu.vector_load_idx %arg19[%add3A_66, %broadcast_in_dim3A_714] : memref<128x64xf32, #tpu.memory_space<vmem>>[vector<16xi32>, vector<16xi32>], vector<16xf32>,
        %gather3A_716 = tpu.vector_load_idx %arg20[%add3A_66, %broadcast_in_dim3A_714] : memref<128x64xf32, #tpu.memory_space<vmem>>[vector<16xi32>, vector<16xi32>], vector<16xf32>,
        %gather3A_717 = tpu.vector_load_idx %arg18[%add3A_66, %broadcast_in_dim3A_714] : memref<128x64xf32, #tpu.memory_space<vmem>>[vector<16xi32>, vector<16xi32>], vector<16xf32>,
        %mul3A_718 = arith.mulf %gather3A_715, %gather3A_715 : vector<16xf32>
        %add3A_719 = arith.addf %add3A_702, %mul3A_718 : vector<16xf32>
        %mul3A_720 = arith.mulf %gather3A_716, %gather3A_716 : vector<16xf32>
        %add3A_721 = arith.addf %add3A_704, %mul3A_720 : vector<16xf32>
        %mul3A_722 = arith.mulf %gather3A_717, %gather3A_717 : vector<16xf32>
        %add3A_723 = arith.addf %add3A_706, %mul3A_722 : vector<16xf32>
        %mul3A_724 = arith.mulf %gather3A_715, %gather3A_717 : vector<16xf32>
        %add3A_725 = arith.addf %add3A_708, %mul3A_724 : vector<16xf32>
        %mul3A_726 = arith.mulf %gather3A_715, %gather3A_716 : vector<16xf32>
        %add3A_727 = arith.addf %add3A_710, %mul3A_726 : vector<16xf32>
        %mul3A_728 = arith.mulf %gather3A_717, %gather3A_716 : vector<16xf32>
        %add3A_729 = arith.addf %add3A_712, %mul3A_728 : vector<16xf32>
        %broadcast_in_dim3A_730 = arith.constant 39 : i32
        %broadcast_in_dim3A_731 = vector.broadcast %broadcast_in_dim3A_730 : i32 to vector<16xi32>
        %gather3A_732 = tpu.vector_load_idx %arg19[%add3A_66, %broadcast_in_dim3A_731] : memref<128x64xf32, #tpu.memory_space<vmem>>[vector<16xi32>, vector<16xi32>], vector<16xf32>,
        %gather3A_733 = tpu.vector_load_idx %arg20[%add3A_66, %broadcast_in_dim3A_731] : memref<128x64xf32, #tpu.memory_space<vmem>>[vector<16xi32>, vector<16xi32>], vector<16xf32>,
        %gather3A_734 = tpu.vector_load_idx %arg18[%add3A_66, %broadcast_in_dim3A_731] : memref<128x64xf32, #tpu.memory_space<vmem>>[vector<16xi32>, vector<16xi32>], vector<16xf32>,
        %mul3A_735 = arith.mulf %gather3A_732, %gather3A_732 : vector<16xf32>
        %add3A_736 = arith.addf %add3A_719, %mul3A_735 : vector<16xf32>
        %mul3A_737 = arith.mulf %gather3A_733, %gather3A_733 : vector<16xf32>
        %add3A_738 = arith.addf %add3A_721, %mul3A_737 : vector<16xf32>
        %mul3A_739 = arith.mulf %gather3A_734, %gather3A_734 : vector<16xf32>
        %add3A_740 = arith.addf %add3A_723, %mul3A_739 : vector<16xf32>
        %mul3A_741 = arith.mulf %gather3A_732, %gather3A_734 : vector<16xf32>
        %add3A_742 = arith.addf %add3A_725, %mul3A_741 : vector<16xf32>
        %mul3A_743 = arith.mulf %gather3A_732, %gather3A_733 : vector<16xf32>
        %add3A_744 = arith.addf %add3A_727, %mul3A_743 : vector<16xf32>
        %mul3A_745 = arith.mulf %gather3A_734, %gather3A_733 : vector<16xf32>
        %add3A_746 = arith.addf %add3A_729, %mul3A_745 : vector<16xf32>
        %broadcast_in_dim3A_747 = arith.constant 40 : i32
        %broadcast_in_dim3A_748 = vector.broadcast %broadcast_in_dim3A_747 : i32 to vector<16xi32>
        %gather3A_749 = tpu.vector_load_idx %arg19[%add3A_66, %broadcast_in_dim3A_748] : memref<128x64xf32, #tpu.memory_space<vmem>>[vector<16xi32>, vector<16xi32>], vector<16xf32>,
        %gather3A_750 = tpu.vector_load_idx %arg20[%add3A_66, %broadcast_in_dim3A_748] : memref<128x64xf32, #tpu.memory_space<vmem>>[vector<16xi32>, vector<16xi32>], vector<16xf32>,
        %gather3A_751 = tpu.vector_load_idx %arg18[%add3A_66, %broadcast_in_dim3A_748] : memref<128x64xf32, #tpu.memory_space<vmem>>[vector<16xi32>, vector<16xi32>], vector<16xf32>,
        %mul3A_752 = arith.mulf %gather3A_749, %gather3A_749 : vector<16xf32>
        %add3A_753 = arith.addf %add3A_736, %mul3A_752 : vector<16xf32>
        %mul3A_754 = arith.mulf %gather3A_750, %gather3A_750 : vector<16xf32>
        %add3A_755 = arith.addf %add3A_738, %mul3A_754 : vector<16xf32>
        %mul3A_756 = arith.mulf %gather3A_751, %gather3A_751 : vector<16xf32>
        %add3A_757 = arith.addf %add3A_740, %mul3A_756 : vector<16xf32>
        %mul3A_758 = arith.mulf %gather3A_749, %gather3A_751 : vector<16xf32>
        %add3A_759 = arith.addf %add3A_742, %mul3A_758 : vector<16xf32>
        %mul3A_760 = arith.mulf %gather3A_749, %gather3A_750 : vector<16xf32>
        %add3A_761 = arith.addf %add3A_744, %mul3A_760 : vector<16xf32>
        %mul3A_762 = arith.mulf %gather3A_751, %gather3A_750 : vector<16xf32>
        %add3A_763 = arith.addf %add3A_746, %mul3A_762 : vector<16xf32>
        %broadcast_in_dim3A_764 = arith.constant 41 : i32
        %broadcast_in_dim3A_765 = vector.broadcast %broadcast_in_dim3A_764 : i32 to vector<16xi32>
        %gather3A_766 = tpu.vector_load_idx %arg19[%add3A_66, %broadcast_in_dim3A_765] : memref<128x64xf32, #tpu.memory_space<vmem>>[vector<16xi32>, vector<16xi32>], vector<16xf32>,
        %gather3A_767 = tpu.vector_load_idx %arg20[%add3A_66, %broadcast_in_dim3A_765] : memref<128x64xf32, #tpu.memory_space<vmem>>[vector<16xi32>, vector<16xi32>], vector<16xf32>,
        %gather3A_768 = tpu.vector_load_idx %arg18[%add3A_66, %broadcast_in_dim3A_765] : memref<128x64xf32, #tpu.memory_space<vmem>>[vector<16xi32>, vector<16xi32>], vector<16xf32>,
        %mul3A_769 = arith.mulf %gather3A_766, %gather3A_766 : vector<16xf32>
        %add3A_770 = arith.addf %add3A_753, %mul3A_769 : vector<16xf32>
        %mul3A_771 = arith.mulf %gather3A_767, %gather3A_767 : vector<16xf32>
        %add3A_772 = arith.addf %add3A_755, %mul3A_771 : vector<16xf32>
        %mul3A_773 = arith.mulf %gather3A_768, %gather3A_768 : vector<16xf32>
        %add3A_774 = arith.addf %add3A_757, %mul3A_773 : vector<16xf32>
        %mul3A_775 = arith.mulf %gather3A_766, %gather3A_768 : vector<16xf32>
        %add3A_776 = arith.addf %add3A_759, %mul3A_775 : vector<16xf32>
        %mul3A_777 = arith.mulf %gather3A_766, %gather3A_767 : vector<16xf32>
        %add3A_778 = arith.addf %add3A_761, %mul3A_777 : vector<16xf32>
        %mul3A_779 = arith.mulf %gather3A_768, %gather3A_767 : vector<16xf32>
        %add3A_780 = arith.addf %add3A_763, %mul3A_779 : vector<16xf32>
        %broadcast_in_dim3A_781 = arith.constant 42 : i32
        %broadcast_in_dim3A_782 = vector.broadcast %broadcast_in_dim3A_781 : i32 to vector<16xi32>
        %gather3A_783 = tpu.vector_load_idx %arg19[%add3A_66, %broadcast_in_dim3A_782] : memref<128x64xf32, #tpu.memory_space<vmem>>[vector<16xi32>, vector<16xi32>], vector<16xf32>,
        %gather3A_784 = tpu.vector_load_idx %arg20[%add3A_66, %broadcast_in_dim3A_782] : memref<128x64xf32, #tpu.memory_space<vmem>>[vector<16xi32>, vector<16xi32>], vector<16xf32>,
        %gather3A_785 = tpu.vector_load_idx %arg18[%add3A_66, %broadcast_in_dim3A_782] : memref<128x64xf32, #tpu.memory_space<vmem>>[vector<16xi32>, vector<16xi32>], vector<16xf32>,
        %mul3A_786 = arith.mulf %gather3A_783, %gather3A_783 : vector<16xf32>
        %add3A_787 = arith.addf %add3A_770, %mul3A_786 : vector<16xf32>
        %mul3A_788 = arith.mulf %gather3A_784, %gather3A_784 : vector<16xf32>
        %add3A_789 = arith.addf %add3A_772, %mul3A_788 : vector<16xf32>
        %mul3A_790 = arith.mulf %gather3A_785, %gather3A_785 : vector<16xf32>
        %add3A_791 = arith.addf %add3A_774, %mul3A_790 : vector<16xf32>
        %mul3A_792 = arith.mulf %gather3A_783, %gather3A_785 : vector<16xf32>
        %add3A_793 = arith.addf %add3A_776, %mul3A_792 : vector<16xf32>
        %mul3A_794 = arith.mulf %gather3A_783, %gather3A_784 : vector<16xf32>
        %add3A_795 = arith.addf %add3A_778, %mul3A_794 : vector<16xf32>
        %mul3A_796 = arith.mulf %gather3A_785, %gather3A_784 : vector<16xf32>
        %add3A_797 = arith.addf %add3A_780, %mul3A_796 : vector<16xf32>
        %broadcast_in_dim3A_798 = arith.constant 43 : i32
        %broadcast_in_dim3A_799 = vector.broadcast %broadcast_in_dim3A_798 : i32 to vector<16xi32>
        %gather3A_800 = tpu.vector_load_idx %arg19[%add3A_66, %broadcast_in_dim3A_799] : memref<128x64xf32, #tpu.memory_space<vmem>>[vector<16xi32>, vector<16xi32>], vector<16xf32>,
        %gather3A_801 = tpu.vector_load_idx %arg20[%add3A_66, %broadcast_in_dim3A_799] : memref<128x64xf32, #tpu.memory_space<vmem>>[vector<16xi32>, vector<16xi32>], vector<16xf32>,
        %gather3A_802 = tpu.vector_load_idx %arg18[%add3A_66, %broadcast_in_dim3A_799] : memref<128x64xf32, #tpu.memory_space<vmem>>[vector<16xi32>, vector<16xi32>], vector<16xf32>,
        %mul3A_803 = arith.mulf %gather3A_800, %gather3A_800 : vector<16xf32>
        %add3A_804 = arith.addf %add3A_787, %mul3A_803 : vector<16xf32>
        %mul3A_805 = arith.mulf %gather3A_801, %gather3A_801 : vector<16xf32>
        %add3A_806 = arith.addf %add3A_789, %mul3A_805 : vector<16xf32>
        %mul3A_807 = arith.mulf %gather3A_802, %gather3A_802 : vector<16xf32>
        %add3A_808 = arith.addf %add3A_791, %mul3A_807 : vector<16xf32>
        %mul3A_809 = arith.mulf %gather3A_800, %gather3A_802 : vector<16xf32>
        %add3A_810 = arith.addf %add3A_793, %mul3A_809 : vector<16xf32>
        %mul3A_811 = arith.mulf %gather3A_800, %gather3A_801 : vector<16xf32>
        %add3A_812 = arith.addf %add3A_795, %mul3A_811 : vector<16xf32>
        %mul3A_813 = arith.mulf %gather3A_802, %gather3A_801 : vector<16xf32>
        %add3A_814 = arith.addf %add3A_797, %mul3A_813 : vector<16xf32>
        %broadcast_in_dim3A_815 = arith.constant 44 : i32
        %broadcast_in_dim3A_816 = vector.broadcast %broadcast_in_dim3A_815 : i32 to vector<16xi32>
        %gather3A_817 = tpu.vector_load_idx %arg19[%add3A_66, %broadcast_in_dim3A_816] : memref<128x64xf32, #tpu.memory_space<vmem>>[vector<16xi32>, vector<16xi32>], vector<16xf32>,
        %gather3A_818 = tpu.vector_load_idx %arg20[%add3A_66, %broadcast_in_dim3A_816] : memref<128x64xf32, #tpu.memory_space<vmem>>[vector<16xi32>, vector<16xi32>], vector<16xf32>,
        %gather3A_819 = tpu.vector_load_idx %arg18[%add3A_66, %broadcast_in_dim3A_816] : memref<128x64xf32, #tpu.memory_space<vmem>>[vector<16xi32>, vector<16xi32>], vector<16xf32>,
        %mul3A_820 = arith.mulf %gather3A_817, %gather3A_817 : vector<16xf32>
        %add3A_821 = arith.addf %add3A_804, %mul3A_820 : vector<16xf32>
        %mul3A_822 = arith.mulf %gather3A_818, %gather3A_818 : vector<16xf32>
        %add3A_823 = arith.addf %add3A_806, %mul3A_822 : vector<16xf32>
        %mul3A_824 = arith.mulf %gather3A_819, %gather3A_819 : vector<16xf32>
        %add3A_825 = arith.addf %add3A_808, %mul3A_824 : vector<16xf32>
        %mul3A_826 = arith.mulf %gather3A_817, %gather3A_819 : vector<16xf32>
        %add3A_827 = arith.addf %add3A_810, %mul3A_826 : vector<16xf32>
        %mul3A_828 = arith.mulf %gather3A_817, %gather3A_818 : vector<16xf32>
        %add3A_829 = arith.addf %add3A_812, %mul3A_828 : vector<16xf32>
        %mul3A_830 = arith.mulf %gather3A_819, %gather3A_818 : vector<16xf32>
        %add3A_831 = arith.addf %add3A_814, %mul3A_830 : vector<16xf32>
        %broadcast_in_dim3A_832 = arith.constant 45 : i32
        %broadcast_in_dim3A_833 = vector.broadcast %broadcast_in_dim3A_832 : i32 to vector<16xi32>
        %gather3A_834 = tpu.vector_load_idx %arg19[%add3A_66, %broadcast_in_dim3A_833] : memref<128x64xf32, #tpu.memory_space<vmem>>[vector<16xi32>, vector<16xi32>], vector<16xf32>,
        %gather3A_835 = tpu.vector_load_idx %arg20[%add3A_66, %broadcast_in_dim3A_833] : memref<128x64xf32, #tpu.memory_space<vmem>>[vector<16xi32>, vector<16xi32>], vector<16xf32>,
        %gather3A_836 = tpu.vector_load_idx %arg18[%add3A_66, %broadcast_in_dim3A_833] : memref<128x64xf32, #tpu.memory_space<vmem>>[vector<16xi32>, vector<16xi32>], vector<16xf32>,
        %mul3A_837 = arith.mulf %gather3A_834, %gather3A_834 : vector<16xf32>
        %add3A_838 = arith.addf %add3A_821, %mul3A_837 : vector<16xf32>
        %mul3A_839 = arith.mulf %gather3A_835, %gather3A_835 : vector<16xf32>
        %add3A_840 = arith.addf %add3A_823, %mul3A_839 : vector<16xf32>
        %mul3A_841 = arith.mulf %gather3A_836, %gather3A_836 : vector<16xf32>
        %add3A_842 = arith.addf %add3A_825, %mul3A_841 : vector<16xf32>
        %mul3A_843 = arith.mulf %gather3A_834, %gather3A_836 : vector<16xf32>
        %add3A_844 = arith.addf %add3A_827, %mul3A_843 : vector<16xf32>
        %mul3A_845 = arith.mulf %gather3A_834, %gather3A_835 : vector<16xf32>
        %add3A_846 = arith.addf %add3A_829, %mul3A_845 : vector<16xf32>
        %mul3A_847 = arith.mulf %gather3A_836, %gather3A_835 : vector<16xf32>
        %add3A_848 = arith.addf %add3A_831, %mul3A_847 : vector<16xf32>
        %broadcast_in_dim3A_849 = arith.constant 46 : i32
        %broadcast_in_dim3A_850 = vector.broadcast %broadcast_in_dim3A_849 : i32 to vector<16xi32>
        %gather3A_851 = tpu.vector_load_idx %arg19[%add3A_66, %broadcast_in_dim3A_850] : memref<128x64xf32, #tpu.memory_space<vmem>>[vector<16xi32>, vector<16xi32>], vector<16xf32>,
        %gather3A_852 = tpu.vector_load_idx %arg20[%add3A_66, %broadcast_in_dim3A_850] : memref<128x64xf32, #tpu.memory_space<vmem>>[vector<16xi32>, vector<16xi32>], vector<16xf32>,
        %gather3A_853 = tpu.vector_load_idx %arg18[%add3A_66, %broadcast_in_dim3A_850] : memref<128x64xf32, #tpu.memory_space<vmem>>[vector<16xi32>, vector<16xi32>], vector<16xf32>,
        %mul3A_854 = arith.mulf %gather3A_851, %gather3A_851 : vector<16xf32>
        %add3A_855 = arith.addf %add3A_838, %mul3A_854 : vector<16xf32>
        %mul3A_856 = arith.mulf %gather3A_852, %gather3A_852 : vector<16xf32>
        %add3A_857 = arith.addf %add3A_840, %mul3A_856 : vector<16xf32>
        %mul3A_858 = arith.mulf %gather3A_853, %gather3A_853 : vector<16xf32>
        %add3A_859 = arith.addf %add3A_842, %mul3A_858 : vector<16xf32>
        %mul3A_860 = arith.mulf %gather3A_851, %gather3A_853 : vector<16xf32>
        %add3A_861 = arith.addf %add3A_844, %mul3A_860 : vector<16xf32>
        %mul3A_862 = arith.mulf %gather3A_851, %gather3A_852 : vector<16xf32>
        %add3A_863 = arith.addf %add3A_846, %mul3A_862 : vector<16xf32>
        %mul3A_864 = arith.mulf %gather3A_853, %gather3A_852 : vector<16xf32>
        %add3A_865 = arith.addf %add3A_848, %mul3A_864 : vector<16xf32>
        %broadcast_in_dim3A_866 = arith.constant 47 : i32
        %broadcast_in_dim3A_867 = vector.broadcast %broadcast_in_dim3A_866 : i32 to vector<16xi32>
        %gather3A_868 = tpu.vector_load_idx %arg19[%add3A_66, %broadcast_in_dim3A_867] : memref<128x64xf32, #tpu.memory_space<vmem>>[vector<16xi32>, vector<16xi32>], vector<16xf32>,
        %gather3A_869 = tpu.vector_load_idx %arg20[%add3A_66, %broadcast_in_dim3A_867] : memref<128x64xf32, #tpu.memory_space<vmem>>[vector<16xi32>, vector<16xi32>], vector<16xf32>,
        %gather3A_870 = tpu.vector_load_idx %arg18[%add3A_66, %broadcast_in_dim3A_867] : memref<128x64xf32, #tpu.memory_space<vmem>>[vector<16xi32>, vector<16xi32>], vector<16xf32>,
        %mul3A_871 = arith.mulf %gather3A_868, %gather3A_868 : vector<16xf32>
        %add3A_872 = arith.addf %add3A_855, %mul3A_871 : vector<16xf32>
        %mul3A_873 = arith.mulf %gather3A_869, %gather3A_869 : vector<16xf32>
        %add3A_874 = arith.addf %add3A_857, %mul3A_873 : vector<16xf32>
        %mul3A_875 = arith.mulf %gather3A_870, %gather3A_870 : vector<16xf32>
        %add3A_876 = arith.addf %add3A_859, %mul3A_875 : vector<16xf32>
        %mul3A_877 = arith.mulf %gather3A_868, %gather3A_870 : vector<16xf32>
        %add3A_878 = arith.addf %add3A_861, %mul3A_877 : vector<16xf32>
        %mul3A_879 = arith.mulf %gather3A_868, %gather3A_869 : vector<16xf32>
        %add3A_880 = arith.addf %add3A_863, %mul3A_879 : vector<16xf32>
        %mul3A_881 = arith.mulf %gather3A_870, %gather3A_869 : vector<16xf32>
        %add3A_882 = arith.addf %add3A_865, %mul3A_881 : vector<16xf32>
        %broadcast_in_dim3A_883 = arith.constant 48 : i32
        %broadcast_in_dim3A_884 = vector.broadcast %broadcast_in_dim3A_883 : i32 to vector<16xi32>
        %gather3A_885 = tpu.vector_load_idx %arg19[%add3A_66, %broadcast_in_dim3A_884] : memref<128x64xf32, #tpu.memory_space<vmem>>[vector<16xi32>, vector<16xi32>], vector<16xf32>,
        %gather3A_886 = tpu.vector_load_idx %arg20[%add3A_66, %broadcast_in_dim3A_884] : memref<128x64xf32, #tpu.memory_space<vmem>>[vector<16xi32>, vector<16xi32>], vector<16xf32>,
        %gather3A_887 = tpu.vector_load_idx %arg18[%add3A_66, %broadcast_in_dim3A_884] : memref<128x64xf32, #tpu.memory_space<vmem>>[vector<16xi32>, vector<16xi32>], vector<16xf32>,
        %mul3A_888 = arith.mulf %gather3A_885, %gather3A_885 : vector<16xf32>
        %add3A_889 = arith.addf %add3A_872, %mul3A_888 : vector<16xf32>
        %mul3A_890 = arith.mulf %gather3A_886, %gather3A_886 : vector<16xf32>
        %add3A_891 = arith.addf %add3A_874, %mul3A_890 : vector<16xf32>
        %mul3A_892 = arith.mulf %gather3A_887, %gather3A_887 : vector<16xf32>
        %add3A_893 = arith.addf %add3A_876, %mul3A_892 : vector<16xf32>
        %mul3A_894 = arith.mulf %gather3A_885, %gather3A_887 : vector<16xf32>
        %add3A_895 = arith.addf %add3A_878, %mul3A_894 : vector<16xf32>
        %mul3A_896 = arith.mulf %gather3A_885, %gather3A_886 : vector<16xf32>
        %add3A_897 = arith.addf %add3A_880, %mul3A_896 : vector<16xf32>
        %mul3A_898 = arith.mulf %gather3A_887, %gather3A_886 : vector<16xf32>
        %add3A_899 = arith.addf %add3A_882, %mul3A_898 : vector<16xf32>
        %broadcast_in_dim3A_900 = arith.constant 49 : i32
        %broadcast_in_dim3A_901 = vector.broadcast %broadcast_in_dim3A_900 : i32 to vector<16xi32>
        %gather3A_902 = tpu.vector_load_idx %arg19[%add3A_66, %broadcast_in_dim3A_901] : memref<128x64xf32, #tpu.memory_space<vmem>>[vector<16xi32>, vector<16xi32>], vector<16xf32>,
        %gather3A_903 = tpu.vector_load_idx %arg20[%add3A_66, %broadcast_in_dim3A_901] : memref<128x64xf32, #tpu.memory_space<vmem>>[vector<16xi32>, vector<16xi32>], vector<16xf32>,
        %gather3A_904 = tpu.vector_load_idx %arg18[%add3A_66, %broadcast_in_dim3A_901] : memref<128x64xf32, #tpu.memory_space<vmem>>[vector<16xi32>, vector<16xi32>], vector<16xf32>,
        %mul3A_905 = arith.mulf %gather3A_902, %gather3A_902 : vector<16xf32>
        %add3A_906 = arith.addf %add3A_889, %mul3A_905 : vector<16xf32>
        %mul3A_907 = arith.mulf %gather3A_903, %gather3A_903 : vector<16xf32>
        %add3A_908 = arith.addf %add3A_891, %mul3A_907 : vector<16xf32>
        %mul3A_909 = arith.mulf %gather3A_904, %gather3A_904 : vector<16xf32>
        %add3A_910 = arith.addf %add3A_893, %mul3A_909 : vector<16xf32>
        %mul3A_911 = arith.mulf %gather3A_902, %gather3A_904 : vector<16xf32>
        %add3A_912 = arith.addf %add3A_895, %mul3A_911 : vector<16xf32>
        %mul3A_913 = arith.mulf %gather3A_902, %gather3A_903 : vector<16xf32>
        %add3A_914 = arith.addf %add3A_897, %mul3A_913 : vector<16xf32>
        %mul3A_915 = arith.mulf %gather3A_904, %gather3A_903 : vector<16xf32>
        %add3A_916 = arith.addf %add3A_899, %mul3A_915 : vector<16xf32>
        %broadcast_in_dim3A_917 = arith.constant 50 : i32
        %broadcast_in_dim3A_918 = vector.broadcast %broadcast_in_dim3A_917 : i32 to vector<16xi32>
        %gather3A_919 = tpu.vector_load_idx %arg19[%add3A_66, %broadcast_in_dim3A_918] : memref<128x64xf32, #tpu.memory_space<vmem>>[vector<16xi32>, vector<16xi32>], vector<16xf32>,
        %gather3A_920 = tpu.vector_load_idx %arg20[%add3A_66, %broadcast_in_dim3A_918] : memref<128x64xf32, #tpu.memory_space<vmem>>[vector<16xi32>, vector<16xi32>], vector<16xf32>,
        %gather3A_921 = tpu.vector_load_idx %arg18[%add3A_66, %broadcast_in_dim3A_918] : memref<128x64xf32, #tpu.memory_space<vmem>>[vector<16xi32>, vector<16xi32>], vector<16xf32>,
        %mul3A_922 = arith.mulf %gather3A_919, %gather3A_919 : vector<16xf32>
        %add3A_923 = arith.addf %add3A_906, %mul3A_922 : vector<16xf32>
        %mul3A_924 = arith.mulf %gather3A_920, %gather3A_920 : vector<16xf32>
        %add3A_925 = arith.addf %add3A_908, %mul3A_924 : vector<16xf32>
        %mul3A_926 = arith.mulf %gather3A_921, %gather3A_921 : vector<16xf32>
        %add3A_927 = arith.addf %add3A_910, %mul3A_926 : vector<16xf32>
        %mul3A_928 = arith.mulf %gather3A_919, %gather3A_921 : vector<16xf32>
        %add3A_929 = arith.addf %add3A_912, %mul3A_928 : vector<16xf32>
        %mul3A_930 = arith.mulf %gather3A_919, %gather3A_920 : vector<16xf32>
        %add3A_931 = arith.addf %add3A_914, %mul3A_930 : vector<16xf32>
        %mul3A_932 = arith.mulf %gather3A_921, %gather3A_920 : vector<16xf32>
        %add3A_933 = arith.addf %add3A_916, %mul3A_932 : vector<16xf32>
        %broadcast_in_dim3A_934 = arith.constant 51 : i32
        %broadcast_in_dim3A_935 = vector.broadcast %broadcast_in_dim3A_934 : i32 to vector<16xi32>
        %gather3A_936 = tpu.vector_load_idx %arg19[%add3A_66, %broadcast_in_dim3A_935] : memref<128x64xf32, #tpu.memory_space<vmem>>[vector<16xi32>, vector<16xi32>], vector<16xf32>,
        %gather3A_937 = tpu.vector_load_idx %arg20[%add3A_66, %broadcast_in_dim3A_935] : memref<128x64xf32, #tpu.memory_space<vmem>>[vector<16xi32>, vector<16xi32>], vector<16xf32>,
        %gather3A_938 = tpu.vector_load_idx %arg18[%add3A_66, %broadcast_in_dim3A_935] : memref<128x64xf32, #tpu.memory_space<vmem>>[vector<16xi32>, vector<16xi32>], vector<16xf32>,
        %mul3A_939 = arith.mulf %gather3A_936, %gather3A_936 : vector<16xf32>
        %add3A_940 = arith.addf %add3A_923, %mul3A_939 : vector<16xf32>
        %mul3A_941 = arith.mulf %gather3A_937, %gather3A_937 : vector<16xf32>
        %add3A_942 = arith.addf %add3A_925, %mul3A_941 : vector<16xf32>
        %mul3A_943 = arith.mulf %gather3A_938, %gather3A_938 : vector<16xf32>
        %add3A_944 = arith.addf %add3A_927, %mul3A_943 : vector<16xf32>
        %mul3A_945 = arith.mulf %gather3A_936, %gather3A_938 : vector<16xf32>
        %add3A_946 = arith.addf %add3A_929, %mul3A_945 : vector<16xf32>
        %mul3A_947 = arith.mulf %gather3A_936, %gather3A_937 : vector<16xf32>
        %add3A_948 = arith.addf %add3A_931, %mul3A_947 : vector<16xf32>
        %mul3A_949 = arith.mulf %gather3A_938, %gather3A_937 : vector<16xf32>
        %add3A_950 = arith.addf %add3A_933, %mul3A_949 : vector<16xf32>
        %broadcast_in_dim3A_951 = arith.constant 52 : i32
        %broadcast_in_dim3A_952 = vector.broadcast %broadcast_in_dim3A_951 : i32 to vector<16xi32>
        %gather3A_953 = tpu.vector_load_idx %arg19[%add3A_66, %broadcast_in_dim3A_952] : memref<128x64xf32, #tpu.memory_space<vmem>>[vector<16xi32>, vector<16xi32>], vector<16xf32>,
        %gather3A_954 = tpu.vector_load_idx %arg20[%add3A_66, %broadcast_in_dim3A_952] : memref<128x64xf32, #tpu.memory_space<vmem>>[vector<16xi32>, vector<16xi32>], vector<16xf32>,
        %gather3A_955 = tpu.vector_load_idx %arg18[%add3A_66, %broadcast_in_dim3A_952] : memref<128x64xf32, #tpu.memory_space<vmem>>[vector<16xi32>, vector<16xi32>], vector<16xf32>,
        %mul3A_956 = arith.mulf %gather3A_953, %gather3A_953 : vector<16xf32>
        %add3A_957 = arith.addf %add3A_940, %mul3A_956 : vector<16xf32>
        %mul3A_958 = arith.mulf %gather3A_954, %gather3A_954 : vector<16xf32>
        %add3A_959 = arith.addf %add3A_942, %mul3A_958 : vector<16xf32>
        %mul3A_960 = arith.mulf %gather3A_955, %gather3A_955 : vector<16xf32>
        %add3A_961 = arith.addf %add3A_944, %mul3A_960 : vector<16xf32>
        %mul3A_962 = arith.mulf %gather3A_953, %gather3A_955 : vector<16xf32>
        %add3A_963 = arith.addf %add3A_946, %mul3A_962 : vector<16xf32>
        %mul3A_964 = arith.mulf %gather3A_953, %gather3A_954 : vector<16xf32>
        %add3A_965 = arith.addf %add3A_948, %mul3A_964 : vector<16xf32>
        %mul3A_966 = arith.mulf %gather3A_955, %gather3A_954 : vector<16xf32>
        %add3A_967 = arith.addf %add3A_950, %mul3A_966 : vector<16xf32>
        %broadcast_in_dim3A_968 = arith.constant 53 : i32
        %broadcast_in_dim3A_969 = vector.broadcast %broadcast_in_dim3A_968 : i32 to vector<16xi32>
        %gather3A_970 = tpu.vector_load_idx %arg19[%add3A_66, %broadcast_in_dim3A_969] : memref<128x64xf32, #tpu.memory_space<vmem>>[vector<16xi32>, vector<16xi32>], vector<16xf32>,
        %gather3A_971 = tpu.vector_load_idx %arg20[%add3A_66, %broadcast_in_dim3A_969] : memref<128x64xf32, #tpu.memory_space<vmem>>[vector<16xi32>, vector<16xi32>], vector<16xf32>,
        %gather3A_972 = tpu.vector_load_idx %arg18[%add3A_66, %broadcast_in_dim3A_969] : memref<128x64xf32, #tpu.memory_space<vmem>>[vector<16xi32>, vector<16xi32>], vector<16xf32>,
        %mul3A_973 = arith.mulf %gather3A_970, %gather3A_970 : vector<16xf32>
        %add3A_974 = arith.addf %add3A_957, %mul3A_973 : vector<16xf32>
        %mul3A_975 = arith.mulf %gather3A_971, %gather3A_971 : vector<16xf32>
        %add3A_976 = arith.addf %add3A_959, %mul3A_975 : vector<16xf32>
        %mul3A_977 = arith.mulf %gather3A_972, %gather3A_972 : vector<16xf32>
        %add3A_978 = arith.addf %add3A_961, %mul3A_977 : vector<16xf32>
        %mul3A_979 = arith.mulf %gather3A_970, %gather3A_972 : vector<16xf32>
        %add3A_980 = arith.addf %add3A_963, %mul3A_979 : vector<16xf32>
        %mul3A_981 = arith.mulf %gather3A_970, %gather3A_971 : vector<16xf32>
        %add3A_982 = arith.addf %add3A_965, %mul3A_981 : vector<16xf32>
        %mul3A_983 = arith.mulf %gather3A_972, %gather3A_971 : vector<16xf32>
        %add3A_984 = arith.addf %add3A_967, %mul3A_983 : vector<16xf32>
        %broadcast_in_dim3A_985 = arith.constant 54 : i32
        %broadcast_in_dim3A_986 = vector.broadcast %broadcast_in_dim3A_985 : i32 to vector<16xi32>
        %gather3A_987 = tpu.vector_load_idx %arg19[%add3A_66, %broadcast_in_dim3A_986] : memref<128x64xf32, #tpu.memory_space<vmem>>[vector<16xi32>, vector<16xi32>], vector<16xf32>,
        %gather3A_988 = tpu.vector_load_idx %arg20[%add3A_66, %broadcast_in_dim3A_986] : memref<128x64xf32, #tpu.memory_space<vmem>>[vector<16xi32>, vector<16xi32>], vector<16xf32>,
        %gather3A_989 = tpu.vector_load_idx %arg18[%add3A_66, %broadcast_in_dim3A_986] : memref<128x64xf32, #tpu.memory_space<vmem>>[vector<16xi32>, vector<16xi32>], vector<16xf32>,
        %mul3A_990 = arith.mulf %gather3A_987, %gather3A_987 : vector<16xf32>
        %add3A_991 = arith.addf %add3A_974, %mul3A_990 : vector<16xf32>
        %mul3A_992 = arith.mulf %gather3A_988, %gather3A_988 : vector<16xf32>
        %add3A_993 = arith.addf %add3A_976, %mul3A_992 : vector<16xf32>
        %mul3A_994 = arith.mulf %gather3A_989, %gather3A_989 : vector<16xf32>
        %add3A_995 = arith.addf %add3A_978, %mul3A_994 : vector<16xf32>
        %mul3A_996 = arith.mulf %gather3A_987, %gather3A_989 : vector<16xf32>
        %add3A_997 = arith.addf %add3A_980, %mul3A_996 : vector<16xf32>
        %mul3A_998 = arith.mulf %gather3A_987, %gather3A_988 : vector<16xf32>
        %add3A_999 = arith.addf %add3A_982, %mul3A_998 : vector<16xf32>
        %mul3A_1000 = arith.mulf %gather3A_989, %gather3A_988 : vector<16xf32>
        %add3A_1001 = arith.addf %add3A_984, %mul3A_1000 : vector<16xf32>
        %broadcast_in_dim3A_1002 = arith.constant 55 : i32
        %broadcast_in_dim3A_1003 = vector.broadcast %broadcast_in_dim3A_1002 : i32 to vector<16xi32>
        %gather3A_1004 = tpu.vector_load_idx %arg19[%add3A_66, %broadcast_in_dim3A_1003] : memref<128x64xf32, #tpu.memory_space<vmem>>[vector<16xi32>, vector<16xi32>], vector<16xf32>,
        %gather3A_1005 = tpu.vector_load_idx %arg20[%add3A_66, %broadcast_in_dim3A_1003] : memref<128x64xf32, #tpu.memory_space<vmem>>[vector<16xi32>, vector<16xi32>], vector<16xf32>,
        %gather3A_1006 = tpu.vector_load_idx %arg18[%add3A_66, %broadcast_in_dim3A_1003] : memref<128x64xf32, #tpu.memory_space<vmem>>[vector<16xi32>, vector<16xi32>], vector<16xf32>,
        %mul3A_1007 = arith.mulf %gather3A_1004, %gather3A_1004 : vector<16xf32>
        %add3A_1008 = arith.addf %add3A_991, %mul3A_1007 : vector<16xf32>
        %mul3A_1009 = arith.mulf %gather3A_1005, %gather3A_1005 : vector<16xf32>
        %add3A_1010 = arith.addf %add3A_993, %mul3A_1009 : vector<16xf32>
        %mul3A_1011 = arith.mulf %gather3A_1006, %gather3A_1006 : vector<16xf32>
        %add3A_1012 = arith.addf %add3A_995, %mul3A_1011 : vector<16xf32>
        %mul3A_1013 = arith.mulf %gather3A_1004, %gather3A_1006 : vector<16xf32>
        %add3A_1014 = arith.addf %add3A_997, %mul3A_1013 : vector<16xf32>
        %mul3A_1015 = arith.mulf %gather3A_1004, %gather3A_1005 : vector<16xf32>
        %add3A_1016 = arith.addf %add3A_999, %mul3A_1015 : vector<16xf32>
        %mul3A_1017 = arith.mulf %gather3A_1006, %gather3A_1005 : vector<16xf32>
        %add3A_1018 = arith.addf %add3A_1001, %mul3A_1017 : vector<16xf32>
        %broadcast_in_dim3A_1019 = arith.constant 56 : i32
        %broadcast_in_dim3A_1020 = vector.broadcast %broadcast_in_dim3A_1019 : i32 to vector<16xi32>
        %gather3A_1021 = tpu.vector_load_idx %arg19[%add3A_66, %broadcast_in_dim3A_1020] : memref<128x64xf32, #tpu.memory_space<vmem>>[vector<16xi32>, vector<16xi32>], vector<16xf32>,
        %gather3A_1022 = tpu.vector_load_idx %arg20[%add3A_66, %broadcast_in_dim3A_1020] : memref<128x64xf32, #tpu.memory_space<vmem>>[vector<16xi32>, vector<16xi32>], vector<16xf32>,
        %gather3A_1023 = tpu.vector_load_idx %arg18[%add3A_66, %broadcast_in_dim3A_1020] : memref<128x64xf32, #tpu.memory_space<vmem>>[vector<16xi32>, vector<16xi32>], vector<16xf32>,
        %mul3A_1024 = arith.mulf %gather3A_1021, %gather3A_1021 : vector<16xf32>
        %add3A_1025 = arith.addf %add3A_1008, %mul3A_1024 : vector<16xf32>
        %mul3A_1026 = arith.mulf %gather3A_1022, %gather3A_1022 : vector<16xf32>
        %add3A_1027 = arith.addf %add3A_1010, %mul3A_1026 : vector<16xf32>
        %mul3A_1028 = arith.mulf %gather3A_1023, %gather3A_1023 : vector<16xf32>
        %add3A_1029 = arith.addf %add3A_1012, %mul3A_1028 : vector<16xf32>
        %mul3A_1030 = arith.mulf %gather3A_1021, %gather3A_1023 : vector<16xf32>
        %add3A_1031 = arith.addf %add3A_1014, %mul3A_1030 : vector<16xf32>
        %mul3A_1032 = arith.mulf %gather3A_1021, %gather3A_1022 : vector<16xf32>
        %add3A_1033 = arith.addf %add3A_1016, %mul3A_1032 : vector<16xf32>
        %mul3A_1034 = arith.mulf %gather3A_1023, %gather3A_1022 : vector<16xf32>
        %add3A_1035 = arith.addf %add3A_1018, %mul3A_1034 : vector<16xf32>
        %broadcast_in_dim3A_1036 = arith.constant 57 : i32
        %broadcast_in_dim3A_1037 = vector.broadcast %broadcast_in_dim3A_1036 : i32 to vector<16xi32>
        %gather3A_1038 = tpu.vector_load_idx %arg19[%add3A_66, %broadcast_in_dim3A_1037] : memref<128x64xf32, #tpu.memory_space<vmem>>[vector<16xi32>, vector<16xi32>], vector<16xf32>,
        %gather3A_1039 = tpu.vector_load_idx %arg20[%add3A_66, %broadcast_in_dim3A_1037] : memref<128x64xf32, #tpu.memory_space<vmem>>[vector<16xi32>, vector<16xi32>], vector<16xf32>,
        %gather3A_1040 = tpu.vector_load_idx %arg18[%add3A_66, %broadcast_in_dim3A_1037] : memref<128x64xf32, #tpu.memory_space<vmem>>[vector<16xi32>, vector<16xi32>], vector<16xf32>,
        %mul3A_1041 = arith.mulf %gather3A_1038, %gather3A_1038 : vector<16xf32>
        %add3A_1042 = arith.addf %add3A_1025, %mul3A_1041 : vector<16xf32>
        %mul3A_1043 = arith.mulf %gather3A_1039, %gather3A_1039 : vector<16xf32>
        %add3A_1044 = arith.addf %add3A_1027, %mul3A_1043 : vector<16xf32>
        %mul3A_1045 = arith.mulf %gather3A_1040, %gather3A_1040 : vector<16xf32>
        %add3A_1046 = arith.addf %add3A_1029, %mul3A_1045 : vector<16xf32>
        %mul3A_1047 = arith.mulf %gather3A_1038, %gather3A_1040 : vector<16xf32>
        %add3A_1048 = arith.addf %add3A_1031, %mul3A_1047 : vector<16xf32>
        %mul3A_1049 = arith.mulf %gather3A_1038, %gather3A_1039 : vector<16xf32>
        %add3A_1050 = arith.addf %add3A_1033, %mul3A_1049 : vector<16xf32>
        %mul3A_1051 = arith.mulf %gather3A_1040, %gather3A_1039 : vector<16xf32>
        %add3A_1052 = arith.addf %add3A_1035, %mul3A_1051 : vector<16xf32>
        %broadcast_in_dim3A_1053 = arith.constant 58 : i32
        %broadcast_in_dim3A_1054 = vector.broadcast %broadcast_in_dim3A_1053 : i32 to vector<16xi32>
        %gather3A_1055 = tpu.vector_load_idx %arg19[%add3A_66, %broadcast_in_dim3A_1054] : memref<128x64xf32, #tpu.memory_space<vmem>>[vector<16xi32>, vector<16xi32>], vector<16xf32>,
        %gather3A_1056 = tpu.vector_load_idx %arg20[%add3A_66, %broadcast_in_dim3A_1054] : memref<128x64xf32, #tpu.memory_space<vmem>>[vector<16xi32>, vector<16xi32>], vector<16xf32>,
        %gather3A_1057 = tpu.vector_load_idx %arg18[%add3A_66, %broadcast_in_dim3A_1054] : memref<128x64xf32, #tpu.memory_space<vmem>>[vector<16xi32>, vector<16xi32>], vector<16xf32>,
        %mul3A_1058 = arith.mulf %gather3A_1055, %gather3A_1055 : vector<16xf32>
        %add3A_1059 = arith.addf %add3A_1042, %mul3A_1058 : vector<16xf32>
        %mul3A_1060 = arith.mulf %gather3A_1056, %gather3A_1056 : vector<16xf32>
        %add3A_1061 = arith.addf %add3A_1044, %mul3A_1060 : vector<16xf32>
        %mul3A_1062 = arith.mulf %gather3A_1057, %gather3A_1057 : vector<16xf32>
        %add3A_1063 = arith.addf %add3A_1046, %mul3A_1062 : vector<16xf32>
        %mul3A_1064 = arith.mulf %gather3A_1055, %gather3A_1057 : vector<16xf32>
        %add3A_1065 = arith.addf %add3A_1048, %mul3A_1064 : vector<16xf32>
        %mul3A_1066 = arith.mulf %gather3A_1055, %gather3A_1056 : vector<16xf32>
        %add3A_1067 = arith.addf %add3A_1050, %mul3A_1066 : vector<16xf32>
        %mul3A_1068 = arith.mulf %gather3A_1057, %gather3A_1056 : vector<16xf32>
        %add3A_1069 = arith.addf %add3A_1052, %mul3A_1068 : vector<16xf32>
        %broadcast_in_dim3A_1070 = arith.constant 59 : i32
        %broadcast_in_dim3A_1071 = vector.broadcast %broadcast_in_dim3A_1070 : i32 to vector<16xi32>
        %gather3A_1072 = tpu.vector_load_idx %arg19[%add3A_66, %broadcast_in_dim3A_1071] : memref<128x64xf32, #tpu.memory_space<vmem>>[vector<16xi32>, vector<16xi32>], vector<16xf32>,
        %gather3A_1073 = tpu.vector_load_idx %arg20[%add3A_66, %broadcast_in_dim3A_1071] : memref<128x64xf32, #tpu.memory_space<vmem>>[vector<16xi32>, vector<16xi32>], vector<16xf32>,
        %gather3A_1074 = tpu.vector_load_idx %arg18[%add3A_66, %broadcast_in_dim3A_1071] : memref<128x64xf32, #tpu.memory_space<vmem>>[vector<16xi32>, vector<16xi32>], vector<16xf32>,
        %mul3A_1075 = arith.mulf %gather3A_1072, %gather3A_1072 : vector<16xf32>
        %add3A_1076 = arith.addf %add3A_1059, %mul3A_1075 : vector<16xf32>
        %mul3A_1077 = arith.mulf %gather3A_1073, %gather3A_1073 : vector<16xf32>
        %add3A_1078 = arith.addf %add3A_1061, %mul3A_1077 : vector<16xf32>
        %mul3A_1079 = arith.mulf %gather3A_1074, %gather3A_1074 : vector<16xf32>
        %add3A_1080 = arith.addf %add3A_1063, %mul3A_1079 : vector<16xf32>
        %mul3A_1081 = arith.mulf %gather3A_1072, %gather3A_1074 : vector<16xf32>
        %add3A_1082 = arith.addf %add3A_1065, %mul3A_1081 : vector<16xf32>
        %mul3A_1083 = arith.mulf %gather3A_1072, %gather3A_1073 : vector<16xf32>
        %add3A_1084 = arith.addf %add3A_1067, %mul3A_1083 : vector<16xf32>
        %mul3A_1085 = arith.mulf %gather3A_1074, %gather3A_1073 : vector<16xf32>
        %add3A_1086 = arith.addf %add3A_1069, %mul3A_1085 : vector<16xf32>
        %broadcast_in_dim3A_1087 = arith.constant 60 : i32
        %broadcast_in_dim3A_1088 = vector.broadcast %broadcast_in_dim3A_1087 : i32 to vector<16xi32>
        %gather3A_1089 = tpu.vector_load_idx %arg19[%add3A_66, %broadcast_in_dim3A_1088] : memref<128x64xf32, #tpu.memory_space<vmem>>[vector<16xi32>, vector<16xi32>], vector<16xf32>,
        %gather3A_1090 = tpu.vector_load_idx %arg20[%add3A_66, %broadcast_in_dim3A_1088] : memref<128x64xf32, #tpu.memory_space<vmem>>[vector<16xi32>, vector<16xi32>], vector<16xf32>,
        %gather3A_1091 = tpu.vector_load_idx %arg18[%add3A_66, %broadcast_in_dim3A_1088] : memref<128x64xf32, #tpu.memory_space<vmem>>[vector<16xi32>, vector<16xi32>], vector<16xf32>,
        %mul3A_1092 = arith.mulf %gather3A_1089, %gather3A_1089 : vector<16xf32>
        %add3A_1093 = arith.addf %add3A_1076, %mul3A_1092 : vector<16xf32>
        %mul3A_1094 = arith.mulf %gather3A_1090, %gather3A_1090 : vector<16xf32>
        %add3A_1095 = arith.addf %add3A_1078, %mul3A_1094 : vector<16xf32>
        %mul3A_1096 = arith.mulf %gather3A_1091, %gather3A_1091 : vector<16xf32>
        %add3A_1097 = arith.addf %add3A_1080, %mul3A_1096 : vector<16xf32>
        %mul3A_1098 = arith.mulf %gather3A_1089, %gather3A_1091 : vector<16xf32>
        %add3A_1099 = arith.addf %add3A_1082, %mul3A_1098 : vector<16xf32>
        %mul3A_1100 = arith.mulf %gather3A_1089, %gather3A_1090 : vector<16xf32>
        %add3A_1101 = arith.addf %add3A_1084, %mul3A_1100 : vector<16xf32>
        %mul3A_1102 = arith.mulf %gather3A_1091, %gather3A_1090 : vector<16xf32>
        %add3A_1103 = arith.addf %add3A_1086, %mul3A_1102 : vector<16xf32>
        %broadcast_in_dim3A_1104 = arith.constant 61 : i32
        %broadcast_in_dim3A_1105 = vector.broadcast %broadcast_in_dim3A_1104 : i32 to vector<16xi32>
        %gather3A_1106 = tpu.vector_load_idx %arg19[%add3A_66, %broadcast_in_dim3A_1105] : memref<128x64xf32, #tpu.memory_space<vmem>>[vector<16xi32>, vector<16xi32>], vector<16xf32>,
        %gather3A_1107 = tpu.vector_load_idx %arg20[%add3A_66, %broadcast_in_dim3A_1105] : memref<128x64xf32, #tpu.memory_space<vmem>>[vector<16xi32>, vector<16xi32>], vector<16xf32>,
        %gather3A_1108 = tpu.vector_load_idx %arg18[%add3A_66, %broadcast_in_dim3A_1105] : memref<128x64xf32, #tpu.memory_space<vmem>>[vector<16xi32>, vector<16xi32>], vector<16xf32>,
        %mul3A_1109 = arith.mulf %gather3A_1106, %gather3A_1106 : vector<16xf32>
        %add3A_1110 = arith.addf %add3A_1093, %mul3A_1109 : vector<16xf32>
        %mul3A_1111 = arith.mulf %gather3A_1107, %gather3A_1107 : vector<16xf32>
        %add3A_1112 = arith.addf %add3A_1095, %mul3A_1111 : vector<16xf32>
        %mul3A_1113 = arith.mulf %gather3A_1108, %gather3A_1108 : vector<16xf32>
        %add3A_1114 = arith.addf %add3A_1097, %mul3A_1113 : vector<16xf32>
        %mul3A_1115 = arith.mulf %gather3A_1106, %gather3A_1108 : vector<16xf32>
        %add3A_1116 = arith.addf %add3A_1099, %mul3A_1115 : vector<16xf32>
        %mul3A_1117 = arith.mulf %gather3A_1106, %gather3A_1107 : vector<16xf32>
        %add3A_1118 = arith.addf %add3A_1101, %mul3A_1117 : vector<16xf32>
        %mul3A_1119 = arith.mulf %gather3A_1108, %gather3A_1107 : vector<16xf32>
        %add3A_1120 = arith.addf %add3A_1103, %mul3A_1119 : vector<16xf32>
        %broadcast_in_dim3A_1121 = arith.constant 62 : i32
        %broadcast_in_dim3A_1122 = vector.broadcast %broadcast_in_dim3A_1121 : i32 to vector<16xi32>
        %gather3A_1123 = tpu.vector_load_idx %arg19[%add3A_66, %broadcast_in_dim3A_1122] : memref<128x64xf32, #tpu.memory_space<vmem>>[vector<16xi32>, vector<16xi32>], vector<16xf32>,
        %gather3A_1124 = tpu.vector_load_idx %arg20[%add3A_66, %broadcast_in_dim3A_1122] : memref<128x64xf32, #tpu.memory_space<vmem>>[vector<16xi32>, vector<16xi32>], vector<16xf32>,
        %gather3A_1125 = tpu.vector_load_idx %arg18[%add3A_66, %broadcast_in_dim3A_1122] : memref<128x64xf32, #tpu.memory_space<vmem>>[vector<16xi32>, vector<16xi32>], vector<16xf32>,
        %mul3A_1126 = arith.mulf %gather3A_1123, %gather3A_1123 : vector<16xf32>
        %add3A_1127 = arith.addf %add3A_1110, %mul3A_1126 : vector<16xf32>
        %mul3A_1128 = arith.mulf %gather3A_1124, %gather3A_1124 : vector<16xf32>
        %add3A_1129 = arith.addf %add3A_1112, %mul3A_1128 : vector<16xf32>
        %mul3A_1130 = arith.mulf %gather3A_1125, %gather3A_1125 : vector<16xf32>
        %add3A_1131 = arith.addf %add3A_1114, %mul3A_1130 : vector<16xf32>
        %mul3A_1132 = arith.mulf %gather3A_1123, %gather3A_1125 : vector<16xf32>
        %add3A_1133 = arith.addf %add3A_1116, %mul3A_1132 : vector<16xf32>
        %mul3A_1134 = arith.mulf %gather3A_1123, %gather3A_1124 : vector<16xf32>
        %add3A_1135 = arith.addf %add3A_1118, %mul3A_1134 : vector<16xf32>
        %mul3A_1136 = arith.mulf %gather3A_1125, %gather3A_1124 : vector<16xf32>
        %add3A_1137 = arith.addf %add3A_1120, %mul3A_1136 : vector<16xf32>
        %broadcast_in_dim3A_1138 = arith.constant 63 : i32
        %broadcast_in_dim3A_1139 = vector.broadcast %broadcast_in_dim3A_1138 : i32 to vector<16xi32>
        %gather3A_1140 = tpu.vector_load_idx %arg19[%add3A_66, %broadcast_in_dim3A_1139] : memref<128x64xf32, #tpu.memory_space<vmem>>[vector<16xi32>, vector<16xi32>], vector<16xf32>,
        %gather3A_1141 = tpu.vector_load_idx %arg20[%add3A_66, %broadcast_in_dim3A_1139] : memref<128x64xf32, #tpu.memory_space<vmem>>[vector<16xi32>, vector<16xi32>], vector<16xf32>,
        %gather3A_1142 = tpu.vector_load_idx %arg18[%add3A_66, %broadcast_in_dim3A_1139] : memref<128x64xf32, #tpu.memory_space<vmem>>[vector<16xi32>, vector<16xi32>], vector<16xf32>,
        %mul3A_1143 = arith.mulf %gather3A_1140, %gather3A_1140 : vector<16xf32>
        %add3A_1144 = arith.addf %add3A_1127, %mul3A_1143 : vector<16xf32>
        %mul3A_1145 = arith.mulf %gather3A_1141, %gather3A_1141 : vector<16xf32>
        %add3A_1146 = arith.addf %add3A_1129, %mul3A_1145 : vector<16xf32>
        %mul3A_1147 = arith.mulf %gather3A_1142, %gather3A_1142 : vector<16xf32>
        %add3A_1148 = arith.addf %add3A_1131, %mul3A_1147 : vector<16xf32>
        %mul3A_1149 = arith.mulf %gather3A_1140, %gather3A_1142 : vector<16xf32>
        %add3A_1150 = arith.addf %add3A_1133, %mul3A_1149 : vector<16xf32>
        %mul3A_1151 = arith.mulf %gather3A_1140, %gather3A_1141 : vector<16xf32>
        %add3A_1152 = arith.addf %add3A_1135, %mul3A_1151 : vector<16xf32>
        %mul3A_1153 = arith.mulf %gather3A_1142, %gather3A_1141 : vector<16xf32>
        %add3A_1154 = arith.addf %add3A_1137, %mul3A_1153 : vector<16xf32>
        %max3A = arith.constant 1.000000e-24 : f32
        %max3A_1155 = vector.broadcast %max3A : f32 to vector<16xf32>
        %max3A_1156 = arith.maximumf %add3A_1144, %max3A_1155 : vector<16xf32>
        %bitcast3A = vector.bitcast %max3A_1156 : vector<16xf32> to vector<16xi32>
        %broadcast_in_dim3A_1157 = arith.constant 1597463007 : i32
        %broadcast_in_dim3A_1158 = vector.broadcast %broadcast_in_dim3A_1157 : i32 to vector<16xi32>
        %shift_right_logical3A = arith.constant 1 : i32
        %shift_right_logical3A_1159 = vector.broadcast %shift_right_logical3A : i32 to vector<16xi32>
        %shift_right_logical3A_1160 = arith.shrui %bitcast3A, %shift_right_logical3A_1159 : vector<16xi32>
        %sub3A = arith.subi %broadcast_in_dim3A_1158, %shift_right_logical3A_1160 : vector<16xi32>
        %bitcast3A_1161 = vector.bitcast %sub3A : vector<16xi32> to vector<16xf32>
        %mul3A_1162 = arith.constant 5.000000e-01 : f32
        %mul3A_1163 = vector.broadcast %mul3A_1162 : f32 to vector<16xf32>
        %mul3A_1164 = arith.mulf %mul3A_1163, %max3A_1156 : vector<16xf32>
        %mul3A_1165 = arith.mulf %mul3A_1164, %bitcast3A_1161 : vector<16xf32>
        %mul3A_1166 = arith.mulf %mul3A_1165, %bitcast3A_1161 : vector<16xf32>
        %sub3A_1167 = arith.constant 1.500000e+00 : f32
        %sub3A_1168 = vector.broadcast %sub3A_1167 : f32 to vector<16xf32>
        %sub3A_1169 = arith.subf %sub3A_1168, %mul3A_1166 : vector<16xf32>
        %mul3A_1170 = arith.mulf %bitcast3A_1161, %sub3A_1169 : vector<16xf32>
        %mul3A_1171 = arith.constant 5.000000e-01 : f32
        %mul3A_1172 = vector.broadcast %mul3A_1171 : f32 to vector<16xf32>
        %mul3A_1173 = arith.mulf %mul3A_1172, %max3A_1156 : vector<16xf32>
        %mul3A_1174 = arith.mulf %mul3A_1173, %mul3A_1170 : vector<16xf32>
        %mul3A_1175 = arith.mulf %mul3A_1174, %mul3A_1170 : vector<16xf32>
        %sub3A_1176 = arith.constant 1.500000e+00 : f32
        %sub3A_1177 = vector.broadcast %sub3A_1176 : f32 to vector<16xf32>
        %sub3A_1178 = arith.subf %sub3A_1177, %mul3A_1175 : vector<16xf32>
        %mul3A_1179 = arith.mulf %mul3A_1170, %sub3A_1178 : vector<16xf32>
        %mul3A_1180 = arith.constant 5.000000e-01 : f32
        %mul3A_1181 = vector.broadcast %mul3A_1180 : f32 to vector<16xf32>
        %mul3A_1182 = arith.mulf %mul3A_1181, %max3A_1156 : vector<16xf32>
        %mul3A_1183 = arith.mulf %mul3A_1182, %mul3A_1179 : vector<16xf32>
        %mul3A_1184 = arith.mulf %mul3A_1183, %mul3A_1179 : vector<16xf32>
        %sub3A_1185 = arith.constant 1.500000e+00 : f32
        %sub3A_1186 = vector.broadcast %sub3A_1185 : f32 to vector<16xf32>
        %sub3A_1187 = arith.subf %sub3A_1186, %mul3A_1184 : vector<16xf32>
        %mul3A_1188 = arith.mulf %mul3A_1179, %sub3A_1187 : vector<16xf32>
        %max3A_1189 = arith.constant 1.000000e-24 : f32
        %max3A_1190 = vector.broadcast %max3A_1189 : f32 to vector<16xf32>
        %max3A_1191 = arith.maximumf %add3A_1146, %max3A_1190 : vector<16xf32>
        %bitcast3A_1192 = vector.bitcast %max3A_1191 : vector<16xf32> to vector<16xi32>
        %broadcast_in_dim3A_1193 = arith.constant 1597463007 : i32
        %broadcast_in_dim3A_1194 = vector.broadcast %broadcast_in_dim3A_1193 : i32 to vector<16xi32>
        %shift_right_logical3A_1195 = arith.constant 1 : i32
        %shift_right_logical3A_1196 = vector.broadcast %shift_right_logical3A_1195 : i32 to vector<16xi32>
        %shift_right_logical3A_1197 = arith.shrui %bitcast3A_1192, %shift_right_logical3A_1196 : vector<16xi32>
        %sub3A_1198 = arith.subi %broadcast_in_dim3A_1194, %shift_right_logical3A_1197 : vector<16xi32>
        %bitcast3A_1199 = vector.bitcast %sub3A_1198 : vector<16xi32> to vector<16xf32>
        %mul3A_1200 = arith.constant 5.000000e-01 : f32
        %mul3A_1201 = vector.broadcast %mul3A_1200 : f32 to vector<16xf32>
        %mul3A_1202 = arith.mulf %mul3A_1201, %max3A_1191 : vector<16xf32>
        %mul3A_1203 = arith.mulf %mul3A_1202, %bitcast3A_1199 : vector<16xf32>
        %mul3A_1204 = arith.mulf %mul3A_1203, %bitcast3A_1199 : vector<16xf32>
        %sub3A_1205 = arith.constant 1.500000e+00 : f32
        %sub3A_1206 = vector.broadcast %sub3A_1205 : f32 to vector<16xf32>
        %sub3A_1207 = arith.subf %sub3A_1206, %mul3A_1204 : vector<16xf32>
        %mul3A_1208 = arith.mulf %bitcast3A_1199, %sub3A_1207 : vector<16xf32>
        %mul3A_1209 = arith.constant 5.000000e-01 : f32
        %mul3A_1210 = vector.broadcast %mul3A_1209 : f32 to vector<16xf32>
        %mul3A_1211 = arith.mulf %mul3A_1210, %max3A_1191 : vector<16xf32>
        %mul3A_1212 = arith.mulf %mul3A_1211, %mul3A_1208 : vector<16xf32>
        %mul3A_1213 = arith.mulf %mul3A_1212, %mul3A_1208 : vector<16xf32>
        %sub3A_1214 = arith.constant 1.500000e+00 : f32
        %sub3A_1215 = vector.broadcast %sub3A_1214 : f32 to vector<16xf32>
        %sub3A_1216 = arith.subf %sub3A_1215, %mul3A_1213 : vector<16xf32>
        %mul3A_1217 = arith.mulf %mul3A_1208, %sub3A_1216 : vector<16xf32>
        %mul3A_1218 = arith.constant 5.000000e-01 : f32
        %mul3A_1219 = vector.broadcast %mul3A_1218 : f32 to vector<16xf32>
        %mul3A_1220 = arith.mulf %mul3A_1219, %max3A_1191 : vector<16xf32>
        %mul3A_1221 = arith.mulf %mul3A_1220, %mul3A_1217 : vector<16xf32>
        %mul3A_1222 = arith.mulf %mul3A_1221, %mul3A_1217 : vector<16xf32>
        %sub3A_1223 = arith.constant 1.500000e+00 : f32
        %sub3A_1224 = vector.broadcast %sub3A_1223 : f32 to vector<16xf32>
        %sub3A_1225 = arith.subf %sub3A_1224, %mul3A_1222 : vector<16xf32>
        %mul3A_1226 = arith.mulf %mul3A_1217, %sub3A_1225 : vector<16xf32>
        %mul3A_1227 = arith.mulf %add3A_1144, %mul3A_1188 : vector<16xf32>
        %mul3A_1228 = arith.mulf %mul3A_1227, %mul3A_1188 : vector<16xf32>
        %add3A_1229 = arith.addf %mul3A_1228, %add3A_1148 : vector<16xf32>
        %mul3A_1230 = arith.mulf %add3A_1146, %mul3A_1226 : vector<16xf32>
        %mul3A_1231 = arith.mulf %mul3A_1230, %mul3A_1226 : vector<16xf32>
        %add3A_1232 = arith.addf %add3A_1229, %mul3A_1231 : vector<16xf32>
        %mul3A_1233 = arith.mulf %add3A_1150, %mul3A_1188 : vector<16xf32>
        %mul3A_1234 = arith.mulf %add3A_1152, %mul3A_1188 : vector<16xf32>
        %mul3A_1235 = arith.mulf %mul3A_1234, %mul3A_1226 : vector<16xf32>
        %sub3A_1236 = arith.subf %mul3A_1233, %mul3A_1235 : vector<16xf32>
        %mul3A_1237 = arith.mulf %add3A_1154, %mul3A_1226 : vector<16xf32>
        %sub3A_1238 = arith.subf %sub3A_1236, %mul3A_1237 : vector<16xf32>
        %mul3A_1239 = arith.constant 2.000000e+00 : f32
        %mul3A_1240 = vector.broadcast %mul3A_1239 : f32 to vector<16xf32>
        %mul3A_1241 = arith.mulf %mul3A_1240, %sub3A_1238 : vector<16xf32>
        %add3A_1242 = arith.addf %add3A_1232, %mul3A_1241 : vector<16xf32>
        %max3A_1243 = arith.constant 0.000000e+00 : f32
        %max3A_1244 = vector.broadcast %max3A_1243 : f32 to vector<16xf32>
        %max3A_1245 = arith.maximumf %add3A_1242, %max3A_1244 : vector<16xf32>
        %max3A_1246 = arith.constant 1.000000e-24 : f32
        %max3A_1247 = vector.broadcast %max3A_1246 : f32 to vector<16xf32>
        %max3A_1248 = arith.maximumf %max3A_1245, %max3A_1247 : vector<16xf32>
        %bitcast3A_1249 = vector.bitcast %max3A_1248 : vector<16xf32> to vector<16xi32>
        %broadcast_in_dim3A_1250 = arith.constant 1597463007 : i32
        %broadcast_in_dim3A_1251 = vector.broadcast %broadcast_in_dim3A_1250 : i32 to vector<16xi32>
        %shift_right_logical3A_1252 = arith.constant 1 : i32
        %shift_right_logical3A_1253 = vector.broadcast %shift_right_logical3A_1252 : i32 to vector<16xi32>
        %shift_right_logical3A_1254 = arith.shrui %bitcast3A_1249, %shift_right_logical3A_1253 : vector<16xi32>
        %sub3A_1255 = arith.subi %broadcast_in_dim3A_1251, %shift_right_logical3A_1254 : vector<16xi32>
        %bitcast3A_1256 = vector.bitcast %sub3A_1255 : vector<16xi32> to vector<16xf32>
        %mul3A_1257 = arith.constant 5.000000e-01 : f32
        %mul3A_1258 = vector.broadcast %mul3A_1257 : f32 to vector<16xf32>
        %mul3A_1259 = arith.mulf %mul3A_1258, %max3A_1248 : vector<16xf32>
        %mul3A_1260 = arith.mulf %mul3A_1259, %bitcast3A_1256 : vector<16xf32>
        %mul3A_1261 = arith.mulf %mul3A_1260, %bitcast3A_1256 : vector<16xf32>
        %sub3A_1262 = arith.constant 1.500000e+00 : f32
        %sub3A_1263 = vector.broadcast %sub3A_1262 : f32 to vector<16xf32>
        %sub3A_1264 = arith.subf %sub3A_1263, %mul3A_1261 : vector<16xf32>
        %mul3A_1265 = arith.mulf %bitcast3A_1256, %sub3A_1264 : vector<16xf32>
        %mul3A_1266 = arith.constant 5.000000e-01 : f32
        %mul3A_1267 = vector.broadcast %mul3A_1266 : f32 to vector<16xf32>
        %mul3A_1268 = arith.mulf %mul3A_1267, %max3A_1248 : vector<16xf32>
        %mul3A_1269 = arith.mulf %mul3A_1268, %mul3A_1265 : vector<16xf32>
        %mul3A_1270 = arith.mulf %mul3A_1269, %mul3A_1265 : vector<16xf32>
        %sub3A_1271 = arith.constant 1.500000e+00 : f32
        %sub3A_1272 = vector.broadcast %sub3A_1271 : f32 to vector<16xf32>
        %sub3A_1273 = arith.subf %sub3A_1272, %mul3A_1270 : vector<16xf32>
        %mul3A_1274 = arith.mulf %mul3A_1265, %sub3A_1273 : vector<16xf32>
        %mul3A_1275 = arith.constant 5.000000e-01 : f32
        %mul3A_1276 = vector.broadcast %mul3A_1275 : f32 to vector<16xf32>
        %mul3A_1277 = arith.mulf %mul3A_1276, %max3A_1248 : vector<16xf32>
        %mul3A_1278 = arith.mulf %mul3A_1277, %mul3A_1274 : vector<16xf32>
        %mul3A_1279 = arith.mulf %mul3A_1278, %mul3A_1274 : vector<16xf32>
        %sub3A_1280 = arith.constant 1.500000e+00 : f32
        %sub3A_1281 = vector.broadcast %sub3A_1280 : f32 to vector<16xf32>
        %sub3A_1282 = arith.subf %sub3A_1281, %mul3A_1279 : vector<16xf32>
        %mul3A_1283 = arith.mulf %mul3A_1274, %sub3A_1282 : vector<16xf32>
        %mul3A_1284 = arith.mulf %max3A_1245, %mul3A_1283 : vector<16xf32>
        %neg3A = arith.constant 0.000000e+00 : f32
        %neg3A_1285 = vector.broadcast %neg3A : f32 to vector<16xf32>
        %neg3A_1286 = arith.subf %neg3A_1285, %mul3A_1284 : vector<16xf32>
        %mul3A_1287 = arith.constant 16 : i32
        %mul3A_1288 = arith.muli %scan3A_62, %mul3A_1287 : i32
        %add3A_1289 = arith.addi %multiple_of3A_11, %mul3A_1288 : i32
        %swap3A = arith.index_cast %add3A_1289 : i32 to index
        %swap3A_1290 = tpu.vector_load %arg22[%swap3A] {strides = array<i32>} : memref<512xf32, #tpu.memory_space<vmem>>, vector<16xf32>,
        tpu.vector_store %arg22[%swap3A], %neg3A_1286 {strides = array<i32>} : memref<512xf32, #tpu.memory_space<vmem>>, vector<16xf32>,
      }
      %scan3A_61 = arith.constant 8 : i32
    }
    %scan3A_7 = arith.constant 4 : i32
    "tpu.region"() ({
      %run_scoped3A = tpu.sem_alloc : memref<!tpu.dma_semaphore, #tpu.memory_space<semaphore_mem>>
      %dma_start3A = tpu.memref_slice %arg9[%multiple_of3A] : memref<16384xf32, #tpu.memory_space<hbm>> -> memref<512xf32, #tpu.memory_space<hbm>>
      %dma_start3A_8 = tpu.memref_slice %arg9[%multiple_of3A] : memref<16384xf32, #tpu.memory_space<hbm>> -> memref<512xf32, #tpu.memory_space<hbm>>
      tpu.enqueue_dma source(%arg21 : memref<512xf32, #tpu.memory_space<vmem>>) target(%dma_start3A_8 : memref<512xf32, #tpu.memory_space<hbm>>) target_semaphore(%run_scoped3A : memref<!tpu.dma_semaphore, #tpu.memory_space<semaphore_mem>>)
      %dma_wait3A = tpu.memref_slice %arg9[%multiple_of3A] : memref<16384xf32, #tpu.memory_space<hbm>> -> memref<512xf32, #tpu.memory_space<hbm>>
      %dma_wait3A_9 = tpu.memref_slice %arg9[%multiple_of3A] : memref<16384xf32, #tpu.memory_space<hbm>> -> memref<512xf32, #tpu.memory_space<hbm>>
      tpu.wait_dma2 semaphore(%run_scoped3A : memref<!tpu.dma_semaphore, #tpu.memory_space<semaphore_mem>>) src(%arg21 : memref<512xf32, #tpu.memory_space<vmem>>) dst(%dma_wait3A_9 : memref<512xf32, #tpu.memory_space<hbm>>)
      tpu.yield
    }) : () -> ()
    "tpu.region"() ({
      %run_scoped3A = tpu.sem_alloc : memref<!tpu.dma_semaphore, #tpu.memory_space<semaphore_mem>>
      %dma_start3A = tpu.memref_slice %arg10[%multiple_of3A] : memref<16384xf32, #tpu.memory_space<hbm>> -> memref<512xf32, #tpu.memory_space<hbm>>
      %dma_start3A_8 = tpu.memref_slice %arg10[%multiple_of3A] : memref<16384xf32, #tpu.memory_space<hbm>> -> memref<512xf32, #tpu.memory_space<hbm>>
      tpu.enqueue_dma source(%arg22 : memref<512xf32, #tpu.memory_space<vmem>>) target(%dma_start3A_8 : memref<512xf32, #tpu.memory_space<hbm>>) target_semaphore(%run_scoped3A : memref<!tpu.dma_semaphore, #tpu.memory_space<semaphore_mem>>)
      %dma_wait3A = tpu.memref_slice %arg10[%multiple_of3A] : memref<16384xf32, #tpu.memory_space<hbm>> -> memref<512xf32, #tpu.memory_space<hbm>>
      %dma_wait3A_9 = tpu.memref_slice %arg10[%multiple_of3A] : memref<16384xf32, #tpu.memory_space<hbm>> -> memref<512xf32, #tpu.memory_space<hbm>>
      tpu.wait_dma2 semaphore(%run_scoped3A : memref<!tpu.dma_semaphore, #tpu.memory_space<semaphore_mem>>) src(%arg22 : memref<512xf32, #tpu.memory_space<vmem>>) dst(%dma_wait3A_9 : memref<512xf32, #tpu.memory_space<hbm>>)
      tpu.yield
    }) : () -> ()
    return
  }
}

</mosaic_0001>

<sc_bundles>
// kernel: kernel.3.cloned.1.call-start
scs
__scs_entry_jumppad:
0x0: {  	(pc) =	sbr.rel $0x88, $3  }
0x1: {  	(tag) =	ssettag $0x0;
	lr =	simm.s32 $0x1  }
0x2: {  	[smem:$0x3F9A] =	sst lr;
	_ =	strace $0xD0000000  }
0x3: {  	_ = 	snop  }
0x4: {  	_ = 	snop  }
0x5: {  	_ = 	snop  }
0x6: {  	_ = 	snop  }
0x7: {  	_ = 	snop  }
__scs_overlays_trampoline_lowered:
0x8: {  	[smem:$0x3FA9] =	sst s0  }
0x9: {  	[smem:$0x3FAA] =	sst s1  }
0xa: {  	[smem:$0x3FAB] =	sst s2  }
0xb: {  	[smem:$0x3FAC] =	sst s3  }
0xc: {  	[smem:$0x3FAD] =	sst s4  }
0xd: {  	[smem:$0x3FAE] =	sst s5  }
0xe: {  	[smem:$0x3FAF] =	sst s6  }
0xf: {  	[smem:$0x3FB0] =	sst s7  }
0x10: {  	[smem:$0x3FB1] =	sst s8  }
0x11: {  	[smem:$0x3FB2] =	sst s9;
	s0 =	simm.s32 @!p0 $0x0  }
0x12: {  	s1 =	sld [smem:$0x3F98];
	s0 =	simm.s32 @p0 $0x1  }
0x13: {  	[smem:$0x3FB3] =	sst s0;
	s0 =	simm.s32 @!p1 $0x0  }
0x14: {  	s2 =	sld [smem:$0x3F97];
	s0 =	simm.s32 @p1 $0x1  }
0x15: {  	[smem:$0x3FB4] =	sst s0;
	s0 =	simm.s32 @!p2 $0x0  }
0x16: {  	s3 =	sld [smem:$0x3FDB];
	s0 =	simm.s32 @p2 $0x1  }
0x17: {  	s4 =	simm.s32 $0x1BF5;
	[smem:$0x3FB6] =	sst s0  }
0x18: {  	s0 =	sld [smem:$0x3F99];
	_ =	swait.ge [sflag:s4], $0x0  }
0x19: {  	s7 =	sld [smem:$0x3F9A]  }
0x1a: {  	s8 =	sadd.s32 $0xFFFFE003, lr  }
0x1b: {  	s9 =	sadd.s32 $0xFFFFFEF7, lr;
	s5 =	simm.s32 $0xFFFFFFFF;
	p2 =	slt.u32 s8, $0xFFFFF086  }
0x1c: {  	p1 =	slt.u32 s9, $0xF7A;
	s5 =	simm.s32 @!p2 $0x0  }
0x1d: {  	s5 =	simm.s32 @p1 $0x1;
	p0 =	seq.s32 s7, s2  }
0x1e: {  	s7 =	smul.u32 @!p0 $0xF7A, s2;
	p2 =	seq.s32 @!p0 s5, $0x0  }
0x1f: {  	s9 =	smul.u32 $0xF7A, s1;
	s8 =	simm.s32 @!p0 $0x1BF5;
	p2 =	por !p2, p0  }
0x20: {  	[sflag:s8] =	ssyncset.s32 @!p0 $0xFFFFF086;
	s6 =	sadd.s32 @!p0 s3, s7;
	s7 =	simm.s32 @!p0 $0x108  }
0x21: {  	s3 =	sadd.s32 s3, s9;
	s6 =	sadd.s32 @!p0 $0x88, s6;
	s7 =	simm.s32 @p2 $0x1082  }
0x22: {  	[simem:s7], [sflag:s8] =	dma.local @!p0 [hbm:s6], $0xF7A  }
0x23: {  	s9 =	sor.u32 $0xD0000000, s2;
	s6 =	simm.s32 $0x108;
	_ =	swait.ge @!p0 [sflag:s8], $0x0  }
0x24: {  	s3 =	sadd.s32 $0x88, s3;
	s6 =	simm.s32 @!p1 $0x1082;
	[sflag:s4] =	ssyncset.s32 $0xFFFFF086  }
0x25: {  	[simem:s6], [sflag:s4] =	dma.local [hbm:s3], $0xF7A  }
0x26: {  	[smem:$0x3F9A] =	sst s1;
	(tag) =	ssettag s2;
	_ =	strace s9  }
0x27: {  	s1 =	sld [smem:$0x3FAA]  }
0x28: {  	s2 =	sld [smem:$0x3FAB]  }
0x29: {  	s4 =	sld [smem:$0x3FAD]  }
0x2a: {  	p0 =	seq.s32 s5, $0x0;
	s5 =	sld [smem:$0x3FAE]  }
0x2b: {  	s6 =	sld [smem:$0x3FAF]  }
0x2c: {  	s7 =	sld [smem:$0x3FB0]  }
0x2d: {  	s3 =	simm.s32 $0x108;
	s8 =	sld [smem:$0x3FB1]  }
0x2e: {  	s3 =	simm.s32 @!p0 $0x1082;
	s9 =	sld [smem:$0x3FB2]  }
0x2f: {  	lr =	sadd.s32 s0, s3;
	s0 =	sld [smem:$0x3FA9]  }
0x30: {  	s3 =	sld [smem:$0x3FAC]  }
0x31: {  	[smem:$0x3FB5] =	sst s10  }
0x32: {  	s10 =	sld [smem:$0x3FB3];
	_ =	sdelay $0x3  }
0x33: {  	p0 =	seq.s32 s10, $0x1;
	s10 =	sld [smem:$0x3FB5];
	_ =	sdelay $0x3  }
0x34: {  	[smem:$0x3FB5] =	sst s10  }
0x35: {  	s10 =	sld [smem:$0x3FB4];
	_ =	sdelay $0x3  }
0x36: {  	p1 =	seq.s32 s10, $0x1;
	s10 =	sld [smem:$0x3FB5];
	_ =	sdelay $0x3  }
0x37: {  	[smem:$0x3FB5] =	sst s10  }
0x38: {  	s10 =	sld [smem:$0x3FB6]  }
0x39: {  	_ = 	snop;
	(pc) =	sbr.ind lr, $3  }
0x3a: {  	_ = 	snop  }
0x3b: {  	_ = 	snop  }
0x3c: {  	p2 =	seq.s32 s10, $0x1;
	s10 =	sld [smem:$0x3FB5]  }
0x3d: {  	_ =	shalt  }
0x3e: {  	_ =	shalt  }
0x3f: {  	_ =	shalt  }
0x40: {  	_ =	shalt  }
0x41: {  	_ =	shalt  }
0x42: {  	_ =	shalt  }
0x43: {  	_ =	shalt  }
0x44: {  	_ =	shalt  }
0x45: {  	_ =	shalt  }
0x46: {  	_ =	shalt  }
0x47: {  	_ =	shalt  }
0x48: {  	_ =	shalt  }
0x49: {  	_ =	shalt  }
0x4a: {  	_ =	shalt  }
0x4b: {  	_ =	shalt  }
0x4c: {  	_ =	shalt  }
0x4d: {  	_ =	shalt  }
0x4e: {  	_ =	shalt  }
0x4f: {  	_ =	shalt  }
0x50: {  	_ =	shalt  }
0x51: {  	_ =	shalt  }
0x52: {  	_ =	shalt  }
0x53: {  	_ =	shalt  }
0x54: {  	_ =	shalt  }
0x55: {  	_ =	shalt  }
0x56: {  	_ =	shalt  }
0x57: {  	_ =	shalt  }
0x58: {  	_ =	shalt  }
0x59: {  	_ =	shalt  }
0x5a: {  	_ =	shalt  }
0x5b: {  	_ =	shalt  }
0x5c: {  	_ =	shalt  }
0x5d: {  	_ =	shalt  }
0x5e: {  	_ =	shalt  }
0x5f: {  	_ =	shalt  }
0x60: {  	_ =	shalt  }
0x61: {  	_ =	shalt  }
0x62: {  	_ =	shalt  }
0x63: {  	_ =	shalt  }
0x64: {  	_ =	shalt  }
0x65: {  	_ =	shalt  }
0x66: {  	_ =	shalt  }
0x67: {  	_ =	shalt  }
0x68: {  	_ =	shalt  }
0x69: {  	_ =	shalt  }
0x6a: {  	_ =	shalt  }
0x6b: {  	_ =	shalt  }
0x6c: {  	_ =	shalt  }
0x6d: {  	_ =	shalt  }
0x6e: {  	_ =	shalt  }
0x6f: {  	_ =	shalt  }
0x70: {  	_ =	shalt  }
0x71: {  	_ =	shalt  }
0x72: {  	_ =	shalt  }
0x73: {  	_ =	shalt  }
0x74: {  	_ =	shalt  }
0x75: {  	_ =	shalt  }
0x76: {  	_ =	shalt  }
0x77: {  	_ =	shalt  }
0x78: {  	_ =	shalt  }
0x79: {  	_ =	shalt  }
0x7a: {  	_ =	shalt  }
0x7b: {  	_ =	shalt  }
0x7c: {  	_ =	shalt  }
0x7d: {  	_ =	shalt  }
0x7e: {  	_ =	shalt  }
0x7f: {  	_ =	shalt  }
0x80: {  	_ =	shalt  }
0x81: {  	_ =	shalt  }
0x82: {  	_ =	shalt  }
0x83: {  	_ =	shalt  }
0x84: {  	_ =	shalt  }
0x85: {  	_ =	shalt  }
0x86: {  	_ =	shalt  }
0x87: {  	_ =	shalt  }
.Lfunc_end0:
.L_simem_size_0:
called_computation_lowered:
.L_overlay_start_0:
0x88: {  	s2 =	sld [smem:$0x3FD9]  }
0x89: {  	s3 =	sld [smem:$0x3FFE];
	_ =	sdelay $0x1  }
0x8a: {  	s1 =	srdreg.scid  }
0x8b: {  	s0 =	sand.u32 $0x1, s1  }
0x8c: {  	s14 =	sshll.u32 s0, $0xA;
	s2 =	sadd.s32 s3, s2  }
0x8d: {  	s2 =	sadd.s32 s2, s14  }
0x8e: {  	[smem:$0x3FC1] =	sst s2  }
0x8f: {  	_ = 	snop  }
0x90: {  	s2 =	sld [smem:$0x3FC9]  }
0x91: {  	s15 =	sld [smem:$0x3FC8]  }
0x92: {  	s4 =	sld [smem:$0x3FD0]  }
0x93: {  	s5 =	sld [smem:$0x3FC7]  }
0x94: {  	s6 =	sld [smem:$0x3FC6]  }
0x95: {  	s8 =	simm.s32 $0xA;
	s9 =	simm.s32 $0x10;
	s7 =	sld [smem:$0x3FC5]  }
0x96: {  	[smem:s9], [sflag:s8] =	dma.local [hbm:s4], $0x1  }
0x97: {  	_ =	swait.eq [sflag:s8], $0x1  }
0x98: {  	[sflag:s8] =	ssyncset.done $0x0  }
0x99: {  	s16 =	sld [smem:$0x10];
	[sflag:s8] =	ssyncadd.s32 $0xFFFFFFFF  }
0x9a: {  	s17 =	sld [smem:$0x11];
	(tm) =	ssettm $0x1  }
0x9b: {  	s18 =	sld [smem:$0x3FFB];
	_ =	sdelay $0x3  }
0x9c: {  	_ =	strace s18  }
0x9d: {  	s9 =	sld [smem:$0x3FFC];
	_ =	sdelay $0x3  }
0x9e: {  	_ =	strace s9  }
0x9f: {  	s9 =	sld [smem:$0x3FFD];
	_ =	sdelay $0x3  }
0xa0: {  	_ =	strace s9  }
0xa1: {  	_ =	strace $0x8FFFFFFF  }
0xa2: {  	s19 =	sld [smem:$0x3FDB];
	_ =	sdelay $0x1  }
0xa3: {  	s10 =	simm.s32 $_scs_section_size  }
0xa4: {  	s11 =	simm.s32 $_size__tile_overlayer_lowered;
	s12 =	simm.s32 $_tile_overlayer_lowered  }
0xa5: {  	s22 =	simm.s32 $0x1BFF;
	s21 =	sshll.u32 s12, $0x1;
	s9 =	sadd.s32 s10, s19  }
0xa6: {  	s13 =	simm.s32 $0x0;
	s20 =	sshll.u32 s11, $0x1;
	s11 =	sadd.s32 s21, s9  }
0xa7: {  	[timem:s13], [sflag:s22] =	dma.local [hbm:s11], s20  }
0xa8: {  	_ =	swait.ge [sflag:s22], s20  }
0xa9: {  	s10 =	ssub.s32 $0x0, s20;
	[sflag:s22] =	ssyncset.done $0x0  }
0xaa: {  	[sflag:s22] =	ssyncadd.s32 s10;
	_ =	sdelay $0x1  }
0xab: {  	s23 =	simm.s32 $0x1B8B  }
0xac: {  	_ =	swait.ge [sflag:s23], $0x1  }
0xad: {  	[sflag:s23] =	ssyncset.done $0x0  }
0xae: {  	s25 =	simm.s32 $0x1B8E;
	s24 =	sld [smem:$0x3FFE];
	[sflag:s23] =	ssyncadd.s32 $0xFFFFFFFF  }
0xaf: {  	s26 =	simm.s32 $execute0_lowered;
	[smem:$0x3FD2] =	sst s25  }
0xb0: {  	s11 =	sshll.u32 s26, $0x1;
	_ =	strace $0x80000046;
	[dreg:$0x1] =	wrdreg $0xFFFFFFFF  }
0xb1: {  	s28 =	simm.s32 $_size_execute0_lowered;
	s9 =	sadd.s32 s9, s11;
	[dreg:$0x0] =	wrdreg $0x0  }
0xb2: {  	s11 =	sshll.u32 s28, $0x1;
	[dreg:$0x2] =	wrdreg s9  }
0xb3: {  	[dreg:$0x3] =	wrdreg s11  }
0xb4: {  	[dreg:$0x4] =	wrdreg $0xC0  }
0xb5: {  	_ =	task [dreg:s13], $0x5FFFF  }
0xb6: {  	[dreg:$0x1] =	wrdreg $0xFFFFFFFF  }
0xb7: {  	[dreg:$0x0] =	wrdreg $0x60  }
0xb8: {  	[dreg:$0x2] =	wrdreg s2  }
0xb9: {  	[dreg:$0x3] =	wrdreg s15  }
0xba: {  	[dreg:$0x4] =	wrdreg s5  }
0xbb: {  	[dreg:$0x5] =	wrdreg s6  }
0xbc: {  	[dreg:$0x6] =	wrdreg s7  }
0xbd: {  	[dreg:$0x7] =	wrdreg s24  }
0xbe: {  	[dreg:$0x8] =	wrdreg s16  }
0xbf: {  	[dreg:$0x9] =	wrdreg s17  }
0xc0: {  	[dreg:$0xa] =	wrdreg $0x9  }
0xc1: {  	_ =	task.clear_ibuf [dreg:s13], $0xBFFFF;
	_ =	strace $0x90000046  }
0xc2: {  	s29 =	simm.s32 $0x9;
	_ =	strace $0x80000048  }
0xc3: {  	_ =	swait.ge [sflag:s29], $0x1  }
0xc4: {  	[sflag:s29] =	ssyncadd.s32 $0xFFFFFFFF  }
0xc5: {  	_ =	strace $0x90000048  }
0xc6: {  	_ =	sfence  }
0xc7: {  	s30 =	sld [smem:$0x0];
	_ =	sdelay $0x2  }
0xc8: {  	s31 =	sshll.u32 s1, $0xD;
	s1 =	sshrl.u32 s1, $0x2  }
0xc9: {  	s3 =	sand.u32 $0x4000, s31;
	s1 =	sadd.s32 s1, s30  }
0xca: {  	s0 =	sor.u32 s3, s0;
	s1 =	sshll.u32 s1, $0x11  }
0xcb: {  	s0 =	sor.u32 s1, s0  }
0xcc: {  	s0 =	sadd.s32 $0x8F2B, s0  }
0xcd: {  	[sflag:s0] =	ssyncadd.remote.s32 $0x1  }
0xce: {  	_ =	sfence.sel $0xFFFF  }
0xcf: {  	[dreg:$0x0] =	wrdreg $0xFFFFFFFF;
	(pc) =	sbr.abs _section_cstart, $3  }
0xd0: {  	[dreg:$0x1] =	wrdreg $0xFFFFFFFF  }
0xd1: {  	_ =	task.clear_ibuf [dreg:s13], $0x2FFFF;
	_ =	strace $0x9FFFFFFF  }
0xd2: {  	(tm) =	ssettm $0x7FFFFFFF  }
0xd3: {  	_ =	shalt  }
tec
execute0_lowered:
.L_overlay_start_1:
0x0: {  	(tag) =	ssettag $0x1  }
0x1: {  	s0 =	rddreg [dreg:$0x0]  }
0x2: {  	s2 =	rddreg [dreg:$0x1]  }
0x3: {  	s7 =	rddreg [dreg:$0x2]  }
0x4: {  	s8 =	rddreg [dreg:$0x3]  }
0x5: {  	s9 =	rddreg [dreg:$0x4]  }
0x6: {  	s4 =	rddreg [dreg:$0x5]  }
0x7: {  	s10 =	rddreg [dreg:$0x6]  }
0x8: {  	s11 =	rddreg [dreg:$0x7];
	s1 =	simm.s32 $0x0  }
0x9: {  	s3 =	srdreg.scid;
	s13 =	stileid.u32;
	s15 =	simm.s32 $0x400  }
0xa: {  	s16 =	simm.s32 $0x600;
	s17 =	simm.s32 $0x800;
	s18 =	simm.s32 $0x80  }
0xb: {  	s19 =	simm.s32 $0xA00;
	s20 =	simm.s32 $0x2A00;
	s21 =	simm.s32 $0x4A00  }
0xc: {  	s22 =	simm.s32 $0x6A00;
	s23 =	simm.s32 $0x8A00;
	s24 =	simm.s32 $0x1  }
0xd: {  	s25 =	simm.s32 $0x2;
	s26 =	simm.s32 $0xAA00;
	s28 =	simm.s32 $0xAC00  }
0xe: {  	s29 =	simm.s32 $0x0;
	[smem:$0x7FF] =	sst s1;
	s5 =	sand.u32 $0x1, s3  }
0xf: {  	s3 =	sadd.s32 $0xF42E00, s4;
	s13 =	sshll.u32 s13, $0x7;
	s6 =	ssub.s32 $0x2, s5  }
0x10: {  	s4 =	sadd.s32 $0xA00, s4;
	s5 =	sshll.u32 s5, $0x6;
	s12 =	sshrl.u32 s6, $0x1  }
0x11: {  	_ =	strace $0x80000047;
	s13 =	sor.u32 s5, s13;
	s12 =	ssub.s32 s6, s12  }
0x12: {  	s5 =	sadd.s32 s0, s13;
	s6 =	sadd.s32 s2, s13;
	s7 =	sadd.s32 s7, s13  }
0x13: {  	v0 =	vlaneseq.u32;
	s8 =	sadd.s32 s8, s13;
	s9 =	sadd.s32 s9, s13;
	s10 =	sadd.s32 s10, s13  }
0x14: {  	v0 =	vmul.u32 $0x40, v0;
	s11 =	sadd.s32 s11, s13;
	s13 =	simm.s32 $0x3;
	s12 =	smax.u32 s12, $0x1  }
.LBB2_1:
0x15: {  	[tilespmem:s1], [sflag:$0x3] =	stream.linear.gather [hbm4b:s5+s1], $0x200, $0x38;
	[tilespmem:$0xAE00] =	vst v63  }
0x16: {  	_ =	swait.ge [sflag:s13], $0x200  }
0x17: {  	[sflag:s13] =	ssyncset.done $0x0  }
0x18: {  	s0 =	simm.s32 $0x200;
	[sflag:s13] =	ssyncadd.s32 $0xFFFFFE00  }
0x19: {  	[tilespmem:s0], [sflag:$0x3] =	stream.linear.gather [hbm4b:s6+s1], $0x200, $0x38;
	[tilespmem:$0xAE00] =	vst v63  }
0x1a: {  	_ =	swait.ge [sflag:s13], $0x200  }
0x1b: {  	[sflag:s13] =	ssyncset.done $0x0  }
0x1c: {  	[sflag:s13] =	ssyncadd.s32 $0xFFFFFE00  }
0x1d: {  	[tilespmem:s15], [sflag:$0x3] =	stream.linear.gather [hbm4b:s7+s1], $0x200, $0x38;
	[tilespmem:$0xAE00] =	vst v63  }
0x1e: {  	_ =	swait.ge [sflag:s13], $0x200  }
0x1f: {  	[sflag:s13] =	ssyncset.done $0x0  }
0x20: {  	[sflag:s13] =	ssyncadd.s32 $0xFFFFFE00  }
0x21: {  	[tilespmem:s16], [sflag:$0x3] =	stream.linear.gather [hbm4b:s8+s1], $0x200, $0x38;
	[tilespmem:$0xAE00] =	vst v63  }
0x22: {  	_ =	swait.ge [sflag:s13], $0x200  }
0x23: {  	[sflag:s13] =	ssyncset.done $0x0  }
0x24: {  	[sflag:s13] =	ssyncadd.s32 $0xFFFFFE00  }
0x25: {  	[tilespmem:s17], [sflag:$0x3] =	stream.linear.gather [hbm4b:s9+s1], $0x200, $0x38;
	[tilespmem:$0xAE00] =	vst v63  }
0x26: {  	_ =	swait.ge [sflag:s13], $0x200  }
0x27: {  	s30 =	simm.s32 $0xAC00;
	[sflag:s13] =	ssyncset.done $0x0  }
0x28: {  	s14 =	simm.s32 $0xAA00;
	s0 =	simm.s32 $0x0;
	[sflag:s13] =	ssyncadd.s32 $0xFFFFFE00  }
.LBB2_2:
0x29: {  	s2 =	sshll.u32 s0, $0x7  }
0x2a: {  	[tilespmem:s19], [sflag:$0x1] =	stream.indirect.gather [hbm4b:s3+s18], $0x40, s2, s18, $0xb8;
	[tilespmem:$0xAE00] =	vst v63  }
0x2b: {  	s31 =	sadd.s32 $0x200, s2  }
0x2c: {  	[tilespmem:s20], [sflag:$0x1] =	stream.indirect.gather [hbm4b:s3+s18], $0x40, s31, s18, $0xb8;
	[tilespmem:$0xAE00] =	vst v63  }
0x2d: {  	s31 =	sadd.s32 $0x800, s2  }
0x2e: {  	[tilespmem:s21], [sflag:$0x1] =	stream.indirect.gather [hbm4b:s4+s18], $0x40, s31, s18, $0xb8;
	[tilespmem:$0xAE00] =	vst v63  }
0x2f: {  	s31 =	sadd.s32 $0x400, s2  }
0x30: {  	[tilespmem:s22], [sflag:$0x2] =	stream.indirect.gather [hbm4b:s3+s18], $0x40, s31, s18, $0xb8;
	[tilespmem:$0xAE00] =	vst v63  }
0x31: {  	s2 =	sadd.s32 $0x600, s2  }
0x32: {  	[tilespmem:s23], [sflag:$0x2] =	stream.indirect.gather [hbm4b:s3+s18], $0x40, s2, s18, $0xb8;
	[tilespmem:$0xAE00] =	vst v63  }
0x33: {  	_ =	swait.ge [sflag:s24], $0x2000  }
0x34: {  	[sflag:s24] =	ssyncset.done $0x0  }
0x35: {  	[sflag:s24] =	ssyncadd.s32 $0xFFFFE000  }
0x36: {  	_ =	swait.ge [sflag:s24], $0x2000  }
0x37: {  	[sflag:s24] =	ssyncset.done $0x0  }
0x38: {  	[sflag:s24] =	ssyncadd.s32 $0xFFFFE000  }
0x39: {  	_ =	swait.ge [sflag:s24], $0x2000  }
0x3a: {  	[sflag:s24] =	ssyncset.done $0x0  }
0x3b: {  	s31 =	smov.u32 s14;
	s2 =	simm.s32 $0x0;
	[sflag:s24] =	ssyncadd.s32 $0xFFFFE000  }
.LBB2_3:
0x3c: {  	v1 =	vmov s2  }
0x3d: {  	v1 =	vshll.u32 v1, $0x6  }
0x3e: {  	v1 =	vor.u32 v0, v1;
	_ =	sdelay $0x2  }
0x3f: {  	v2 =	vor.u32 $0x1, v1;
	_ =	sdelay $0x1  }
0x40: {  	v3 =	vld.idx.msk [tilespmem:v1+s19+$0x0], $0xffff  }
0x41: {  	v6 =	vor.u32 $0x2, v1;
	v4 =	vld.idx.msk [tilespmem:v1+s20+$0x0], $0xffff  }
0x42: {  	v5 =	vld.idx.msk [tilespmem:v1+s21+$0x0], $0xffff  }
0x43: {  	v7 =	vld.idx.msk [tilespmem:v2+s19+$0x0], $0xffff  }
0x44: {  	v14 =	vor.u32 $0x3, v1;
	v8 =	vld.idx.msk [tilespmem:v2+s20+$0x0], $0xffff  }
0x45: {  	v2 =	vld.idx.msk [tilespmem:v2+s21+$0x0], $0xffff  }
0x46: {  	v13 =	vld.idx.msk [tilespmem:v6+s19+$0x0], $0xffff  }
0x47: {  	v17 =	vor.u32 $0x4, v1;
	v15 =	vld.idx.msk [tilespmem:v6+s20+$0x0], $0xffff;
	v9 =	vmul.f32 v3, v3;
	v10 =	vmul.f32 v4, v4  }
0x48: {  	v6 =	vld.idx.msk [tilespmem:v6+s21+$0x0], $0xffff;
	v11 =	vmul.f32 v5, v5;
	v12 =	vmul.f32 v5, v3  }
0x49: {  	v41 =	vld.idx.msk [tilespmem:v14+s19+$0x0], $0xffff;
	v3 =	vmul.f32 v4, v3;
	v4 =	vmul.f32 v5, v4  }
0x4a: {  	v50 =	vor.u32 $0x5, v1;
	v18 =	vld.idx.msk [tilespmem:v14+s20+$0x0], $0xffff;
	v38 =	vmul.f32 v7, v7;
	v16 =	vmul.f32 v8, v8  }
0x4b: {  	v45 =	vld.idx.msk [tilespmem:v14+s21+$0x0], $0xffff;
	v39 =	vmul.f32 v2, v2;
	v40 =	vmul.f32 v2, v7  }
0x4c: {  	v49 =	vld.idx.msk [tilespmem:v17+s19+$0x0], $0xffff;
	v7 =	vmul.f32 v8, v7;
	v2 =	vmul.f32 v2, v8  }
0x4d: {  	v57 =	vor.u32 $0x6, v1;
	v52 =	vld.idx.msk [tilespmem:v17+s20+$0x0], $0xffff;
	v43 =	vmul.f32 v13, v13;
	v44 =	vmul.f32 v15, v15  }
0x4e: {  	v55 =	vld.idx.msk [tilespmem:v17+s21+$0x0], $0xffff;
	v47 =	vmul.f32 v6, v6;
	v48 =	vmul.f32 v6, v13  }
0x4f: {  	v58 =	vld.idx.msk [tilespmem:v50+s19+$0x0], $0xffff;
	v13 =	vmul.f32 v15, v13;
	v6 =	vmul.f32 v6, v15  }
0x50: {  	v22 =	vor.u32 $0x7, v1;
	v61 =	vld.idx.msk [tilespmem:v50+s20+$0x0], $0xffff;
	v51 =	vmul.f32 v41, v41;
	v53 =	vmul.f32 v18, v18  }
0x51: {  	v62 =	vld.idx.msk [tilespmem:v50+s21+$0x0], $0xffff;
	v54 =	vmul.f32 v45, v45;
	v56 =	vmul.f32 v45, v41  }
0x52: {  	v21 =	vld.idx.msk [tilespmem:v57+s19+$0x0], $0xffff;
	v8 =	vmul.f32 v18, v41;
	v59 =	vmul.f32 v49, v49  }
0x53: {  	v25 =	vld.idx.msk [tilespmem:v57+s20+$0x0], $0xffff;
	v60 =	vmul.f32 v52, v52;
	v63 =	vmul.f32 v55, v55  }
0x54: {  	v28 =	vld.idx.msk [tilespmem:v57+s21+$0x0], $0xffff;
	v20 =	vmul.f32 v55, v49;
	v14 =	vmul.f32 v52, v49  }
0x55: {  	v32 =	vld.idx.msk [tilespmem:v22+s19+$0x0], $0xffff;
	v23 =	vmul.f32 v55, v52;
	v24 =	vmul.f32 v58, v58  }
0x56: {  	v35 =	vld.idx.msk [tilespmem:v22+s20+$0x0], $0xffff;
	v26 =	vmul.f32 v61, v61;
	v27 =	vmul.f32 v62, v62  }
0x57: {  	v30 =	vor.u32 $0x8, v1;
	v29 =	vmul.f32 v62, v58;
	v31 =	vmul.f32 v61, v58  }
0x58: {  	v19 =	vor.u32 $0x3A, v1;
	v33 =	vmul.f32 v21, v21;
	v34 =	vmul.f32 v25, v25  }
0x59: {  	v37 =	vmul.f32 v28, v28;
	v41 =	vor.u32 $0x9, v1;
	v12 =	vadd.f32 $0.0e+00, v12  }
0x5a: {  	v49 =	vor.u32 $0xA, v1;
	v3 =	vadd.f32 $0.0e+00, v3;
	v4 =	vadd.f32 $0.0e+00, v4  }
0x5b: {  	v50 =	vmul.f32 v35, v32;
	v5 =	vadd.f32 v38, v9;
	v10 =	vadd.f32 v16, v10  }
0x5c: {  	v9 =	vadd.f32 v39, v11;
	v38 =	vmul.f32 v28, v21;
	v39 =	vmul.f32 v25, v21  }
0x5d: {  	v36 =	vld.idx.msk [tilespmem:v22+s21+$0x0], $0xffff;
	v16 =	vor.u32 $0x3B, v1;
	v42 =	vadd.f32 v40, v12;
	v3 =	vadd.f32 v7, v3  }
0x5e: {  	v2 =	vadd.f32 v2, v4;
	v4 =	vmul.f32 v45, v18;
	v5 =	vadd.f32 v43, v5  }
0x5f: {  	v45 =	vmul.f32 v35, v35;
	v46 =	vadd.f32 v44, v10;
	v9 =	vadd.f32 v47, v9  }
0x60: {  	v40 =	vld.idx.msk [tilespmem:v30+s19+$0x0], $0xffff;
	v43 =	vmul.f32 v32, v32;
	v11 =	vadd.f32 v48, v42;
	v3 =	vadd.f32 v13, v3  }
0x61: {  	v44 =	vld.idx.msk [tilespmem:v30+s20+$0x0], $0xffff;
	v2 =	vadd.f32 v6, v2;
	v42 =	vmul.f32 v28, v25;
	v5 =	vadd.f32 v51, v5  }
0x62: {  	v47 =	vld.idx.msk [tilespmem:v30+s21+$0x0], $0xffff;
	v48 =	vmul.f32 v36, v32;
	v7 =	vadd.f32 v53, v46;
	v6 =	vadd.f32 v54, v9  }
0x63: {  	v25 =	vor.u32 $0xC, v1;
	v11 =	vadd.f32 v56, v11;
	v3 =	vadd.f32 v8, v3  }
0x64: {  	v46 =	vmul.f32 v36, v36;
	v2 =	vadd.f32 v4, v2;
	v5 =	vadd.f32 v59, v5  }
0x65: {  	v55 =	vld.idx.msk [tilespmem:v41+s21+$0x0], $0xffff;
	v4 =	vmul.f32 v62, v61;
	v7 =	vadd.f32 v60, v7;
	v6 =	vadd.f32 v63, v6  }
0x66: {  	v51 =	vld.idx.msk [tilespmem:v41+s19+$0x0], $0xffff;
	v52 =	vmul.f32 v40, v40;
	v60 =	vor.u32 $0xB, v1;
	v11 =	vadd.f32 v20, v11  }
0x67: {  	v54 =	vld.idx.msk [tilespmem:v41+s20+$0x0], $0xffff;
	v3 =	vadd.f32 v14, v3;
	v53 =	vmul.f32 v44, v44;
	v56 =	vmul.f32 v47, v47  }
0x68: {  	v2 =	vadd.f32 v23, v2;
	v57 =	vmul.f32 v47, v40;
	v58 =	vmul.f32 v44, v40  }
0x69: {  	v61 =	vmul.f32 v47, v44;
	v44 =	vor.u32 $0xE, v1;
	v5 =	vadd.f32 v24, v5  }
0x6a: {  	v59 =	vld.idx.msk [tilespmem:v49+s19+$0x0], $0xffff;
	v7 =	vadd.f32 v26, v7;
	v6 =	vadd.f32 v27, v6;
	v22 =	vmul.f32 v55, v55  }
0x6b: {  	v63 =	vld.idx.msk [tilespmem:v49+s20+$0x0], $0xffff;
	v11 =	vadd.f32 v29, v11;
	v2 =	vadd.f32 v4, v2;
	v4 =	vmul.f32 v36, v35  }
0x6c: {  	v23 =	vld.idx.msk [tilespmem:v49+s21+$0x0], $0xffff;
	v3 =	vadd.f32 v31, v3;
	v62 =	vmul.f32 v51, v51;
	v21 =	vmul.f32 v54, v54  }
0x6d: {  	v24 =	vmul.f32 v55, v51;
	v26 =	vmul.f32 v54, v51;
	v5 =	vadd.f32 v33, v5  }
0x6e: {  	v36 =	vor.u32 $0xD, v1;
	v7 =	vadd.f32 v34, v7;
	v6 =	vadd.f32 v37, v6  }
0x6f: {  	v11 =	vadd.f32 v38, v11;
	v3 =	vadd.f32 v39, v3;
	v28 =	vmul.f32 v59, v59  }
0x70: {  	v35 =	vld.idx.msk [tilespmem:v25+s19+$0x0], $0xffff;
	v2 =	vadd.f32 v42, v2;
	v29 =	vmul.f32 v63, v63;
	v34 =	vmul.f32 v63, v59  }
0x71: {  	v27 =	vld.idx.msk [tilespmem:v60+s19+$0x0], $0xffff;
	v5 =	vadd.f32 v43, v5;
	v7 =	vadd.f32 v45, v7;
	v32 =	vmul.f32 v23, v23  }
0x72: {  	v30 =	vld.idx.msk [tilespmem:v60+s20+$0x0], $0xffff;
	v6 =	vadd.f32 v46, v6;
	v33 =	vmul.f32 v23, v59;
	v37 =	vmul.f32 v23, v63  }
0x73: {  	v31 =	vld.idx.msk [tilespmem:v60+s21+$0x0], $0xffff;
	v63 =	vor.u32 $0x10, v1;
	v11 =	vadd.f32 v48, v11;
	v3 =	vadd.f32 v50, v3  }
0x74: {  	v39 =	vld.idx.msk [tilespmem:v25+s20+$0x0], $0xffff;
	v2 =	vadd.f32 v4, v2;
	v4 =	vmul.f32 v55, v54;
	v5 =	vadd.f32 v52, v5  }
0x75: {  	v42 =	vld.idx.msk [tilespmem:v25+s21+$0x0], $0xffff;
	v55 =	vor.u32 $0xF, v1;
	v7 =	vadd.f32 v53, v7;
	v6 =	vadd.f32 v56, v6  }
0x76: {  	v47 =	vmul.f32 v35, v35;
	v11 =	vadd.f32 v57, v11;
	v3 =	vadd.f32 v58, v3  }
0x77: {  	v2 =	vadd.f32 v61, v2;
	v38 =	vmul.f32 v27, v27;
	v40 =	vmul.f32 v30, v30  }
0x78: {  	v54 =	vld.idx.msk [tilespmem:v44+s19+$0x0], $0xffff;
	v5 =	vadd.f32 v62, v5;
	v41 =	vmul.f32 v31, v31;
	v43 =	vmul.f32 v31, v27  }
0x79: {  	v46 =	vld.idx.msk [tilespmem:v36+s19+$0x0], $0xffff;
	v7 =	vadd.f32 v21, v7;
	v45 =	vmul.f32 v30, v27;
	v48 =	vmul.f32 v39, v39  }
0x7a: {  	v49 =	vld.idx.msk [tilespmem:v36+s20+$0x0], $0xffff;
	v6 =	vadd.f32 v22, v6;
	v51 =	vmul.f32 v42, v42;
	v52 =	vmul.f32 v42, v35  }
0x7b: {  	v50 =	vld.idx.msk [tilespmem:v36+s21+$0x0], $0xffff;
	v53 =	vmul.f32 v39, v35;
	v56 =	vmul.f32 v42, v39;
	v11 =	vadd.f32 v24, v11  }
0x7c: {  	v58 =	vld.idx.msk [tilespmem:v44+s20+$0x0], $0xffff;
	v39 =	vor.u32 $0x12, v1;
	v3 =	vadd.f32 v26, v3;
	v2 =	vadd.f32 v4, v2  }
0x7d: {  	v61 =	vld.idx.msk [tilespmem:v44+s21+$0x0], $0xffff;
	v4 =	vmul.f32 v31, v30;
	v31 =	vor.u32 $0x11, v1;
	v5 =	vadd.f32 v28, v5  }
0x7e: {  	v7 =	vadd.f32 v29, v7;
	v6 =	vadd.f32 v32, v6;
	v23 =	vmul.f32 v54, v54  }
0x7f: {  	v11 =	vadd.f32 v33, v11;
	v3 =	vadd.f32 v34, v3;
	v57 =	vmul.f32 v46, v46  }
0x80: {  	v2 =	vadd.f32 v37, v2;
	v59 =	vmul.f32 v49, v49;
	v60 =	vmul.f32 v50, v50  }
0x81: {  	v30 =	vld.idx.msk [tilespmem:v63+s19+$0x0], $0xffff;
	v62 =	vmul.f32 v50, v46;
	v21 =	vmul.f32 v49, v46;
	v5 =	vadd.f32 v38, v5  }
0x82: {  	v22 =	vld.idx.msk [tilespmem:v55+s19+$0x0], $0xffff;
	v7 =	vadd.f32 v40, v7;
	v24 =	vmul.f32 v58, v58;
	v27 =	vmul.f32 v61, v61  }
0x83: {  	v25 =	vld.idx.msk [tilespmem:v55+s20+$0x0], $0xffff;
	v6 =	vadd.f32 v41, v6;
	v28 =	vmul.f32 v61, v54;
	v29 =	vmul.f32 v58, v54  }
0x84: {  	v26 =	vld.idx.msk [tilespmem:v55+s21+$0x0], $0xffff;
	v32 =	vmul.f32 v61, v58;
	v58 =	vor.u32 $0x14, v1;
	v11 =	vadd.f32 v43, v11  }
0x85: {  	v34 =	vld.idx.msk [tilespmem:v63+s20+$0x0], $0xffff;
	v3 =	vadd.f32 v45, v3;
	v2 =	vadd.f32 v4, v2;
	v4 =	vmul.f32 v50, v49  }
0x86: {  	v37 =	vld.idx.msk [tilespmem:v63+s21+$0x0], $0xffff;
	v50 =	vor.u32 $0x13, v1;
	v5 =	vadd.f32 v47, v5;
	v7 =	vadd.f32 v48, v7  }
0x87: {  	v6 =	vadd.f32 v51, v6;
	v42 =	vmul.f32 v30, v30;
	v11 =	vadd.f32 v52, v11  }
0x88: {  	v3 =	vadd.f32 v53, v3;
	v33 =	vmul.f32 v22, v22;
	v35 =	vmul.f32 v25, v25  }
0x89: {  	v49 =	vld.idx.msk [tilespmem:v39+s19+$0x0], $0xffff;
	v2 =	vadd.f32 v56, v2;
	v36 =	vmul.f32 v26, v26;
	v38 =	vmul.f32 v26, v22  }
0x8a: {  	v41 =	vld.idx.msk [tilespmem:v31+s19+$0x0], $0xffff;
	v40 =	vmul.f32 v25, v22;
	v5 =	vadd.f32 v57, v5;
	v7 =	vadd.f32 v59, v7  }
0x8b: {  	v44 =	vld.idx.msk [tilespmem:v31+s20+$0x0], $0xffff;
	v6 =	vadd.f32 v60, v6;
	v43 =	vmul.f32 v34, v34;
	v46 =	vmul.f32 v37, v37  }
0x8c: {  	v45 =	vld.idx.msk [tilespmem:v31+s21+$0x0], $0xffff;
	v47 =	vmul.f32 v37, v30;
	v48 =	vmul.f32 v34, v30;
	v11 =	vadd.f32 v62, v11  }
0x8d: {  	v53 =	vld.idx.msk [tilespmem:v39+s20+$0x0], $0xffff;
	v51 =	vmul.f32 v37, v34;
	v3 =	vadd.f32 v21, v3;
	v2 =	vadd.f32 v4, v2  }
0x8e: {  	v56 =	vld.idx.msk [tilespmem:v39+s21+$0x0], $0xffff;
	v4 =	vmul.f32 v26, v25;
	v25 =	vor.u32 $0x15, v1;
	v5 =	vadd.f32 v23, v5  }
0x8f: {  	v7 =	vadd.f32 v24, v7;
	v6 =	vadd.f32 v27, v6;
	v61 =	vmul.f32 v49, v49  }
0x90: {  	v11 =	vadd.f32 v28, v11;
	v3 =	vadd.f32 v29, v3;
	v52 =	vmul.f32 v41, v41  }
0x91: {  	v31 =	vld.idx.msk [tilespmem:v58+s21+$0x0], $0xffff;
	v2 =	vadd.f32 v32, v2;
	v54 =	vmul.f32 v44, v44;
	v55 =	vmul.f32 v45, v45  }
0x92: {  	v60 =	vld.idx.msk [tilespmem:v50+s19+$0x0], $0xffff;
	v57 =	vmul.f32 v45, v41;
	v59 =	vmul.f32 v44, v41;
	v5 =	vadd.f32 v33, v5  }
0x93: {  	v63 =	vld.idx.msk [tilespmem:v50+s20+$0x0], $0xffff;
	v7 =	vadd.f32 v35, v7;
	v62 =	vmul.f32 v53, v53;
	v21 =	vmul.f32 v56, v56  }
0x94: {  	v20 =	vld.idx.msk [tilespmem:v50+s21+$0x0], $0xffff;
	v6 =	vadd.f32 v36, v6;
	v22 =	vmul.f32 v56, v49;
	v23 =	vmul.f32 v53, v49  }
0x95: {  	v26 =	vmul.f32 v56, v53;
	v33 =	vor.u32 $0x16, v1;
	v11 =	vadd.f32 v38, v11  }
0x96: {  	v24 =	vld.idx.msk [tilespmem:v58+s19+$0x0], $0xffff;
	v3 =	vadd.f32 v40, v3;
	v2 =	vadd.f32 v4, v2;
	v4 =	vmul.f32 v45, v44  }
0x97: {  	v28 =	vld.idx.msk [tilespmem:v58+s20+$0x0], $0xffff;
	v44 =	vor.u32 $0x17, v1;
	v5 =	vadd.f32 v42, v5;
	v7 =	vadd.f32 v43, v7  }
0x98: {  	v6 =	vadd.f32 v46, v6;
	v40 =	vmul.f32 v31, v31;
	v27 =	vmul.f32 v60, v60  }
0x99: {  	v11 =	vadd.f32 v47, v11;
	v29 =	vmul.f32 v63, v63;
	v30 =	vmul.f32 v20, v20  }
0x9a: {  	v3 =	vadd.f32 v48, v3;
	v32 =	vmul.f32 v20, v60;
	v34 =	vmul.f32 v63, v60  }
0x9b: {  	v35 =	vld.idx.msk [tilespmem:v25+s19+$0x0], $0xffff;
	v2 =	vadd.f32 v51, v2;
	v36 =	vmul.f32 v24, v24;
	v41 =	vmul.f32 v31, v24  }
0x9c: {  	v38 =	vld.idx.msk [tilespmem:v25+s20+$0x0], $0xffff;
	v5 =	vadd.f32 v52, v5;
	v7 =	vadd.f32 v54, v7;
	v37 =	vmul.f32 v28, v28  }
0x9d: {  	v39 =	vld.idx.msk [tilespmem:v25+s21+$0x0], $0xffff;
	v6 =	vadd.f32 v55, v6;
	v42 =	vmul.f32 v28, v24;
	v45 =	vmul.f32 v31, v28  }
0x9e: {  	v52 =	vor.u32 $0x18, v1;
	v11 =	vadd.f32 v57, v11;
	v3 =	vadd.f32 v59, v3  }
0x9f: {  	v2 =	vadd.f32 v4, v2;
	v4 =	vmul.f32 v20, v63;
	v5 =	vadd.f32 v61, v5  }
0xa0: {  	v63 =	vor.u32 $0x19, v1;
	v7 =	vadd.f32 v62, v7;
	v6 =	vadd.f32 v21, v6  }
0xa1: {  	v43 =	vld.idx.msk [tilespmem:v33+s19+$0x0], $0xffff;
	v11 =	vadd.f32 v22, v11;
	v3 =	vadd.f32 v23, v3;
	v46 =	vmul.f32 v35, v35  }
0xa2: {  	v47 =	vld.idx.msk [tilespmem:v33+s20+$0x0], $0xffff;
	v2 =	vadd.f32 v26, v2;
	v48 =	vmul.f32 v38, v38;
	v49 =	vmul.f32 v39, v39  }
0xa3: {  	v50 =	vld.idx.msk [tilespmem:v33+s21+$0x0], $0xffff;
	v51 =	vmul.f32 v39, v35;
	v5 =	vadd.f32 v27, v5;
	v7 =	vadd.f32 v29, v7  }
0xa4: {  	v54 =	vld.idx.msk [tilespmem:v44+s19+$0x0], $0xffff;
	v53 =	vmul.f32 v38, v35;
	v6 =	vadd.f32 v30, v6;
	v11 =	vadd.f32 v32, v11  }
0xa5: {  	v57 =	vld.idx.msk [tilespmem:v44+s20+$0x0], $0xffff;
	v27 =	vor.u32 $0x1A, v1;
	v3 =	vadd.f32 v34, v3;
	v2 =	vadd.f32 v4, v2  }
0xa6: {  	v58 =	vld.idx.msk [tilespmem:v44+s21+$0x0], $0xffff;
	v4 =	vmul.f32 v39, v38;
	v38 =	vor.u32 $0x1B, v1;
	v5 =	vadd.f32 v36, v5  }
0xa7: {  	v7 =	vadd.f32 v37, v7;
	v55 =	vmul.f32 v43, v43;
	v56 =	vmul.f32 v47, v47  }
0xa8: {  	v6 =	vadd.f32 v40, v6;
	v59 =	vmul.f32 v50, v50;
	v60 =	vmul.f32 v50, v43  }
0xa9: {  	v62 =	vld.idx.msk [tilespmem:v52+s19+$0x0], $0xffff;
	v61 =	vmul.f32 v47, v43;
	v20 =	vmul.f32 v50, v47;
	v11 =	vadd.f32 v41, v11  }
0xaa: {  	v22 =	vld.idx.msk [tilespmem:v52+s20+$0x0], $0xffff;
	v3 =	vadd.f32 v42, v3;
	v21 =	vmul.f32 v54, v54;
	v23 =	vmul.f32 v57, v57  }
0xab: {  	v25 =	vld.idx.msk [tilespmem:v52+s21+$0x0], $0xffff;
	v2 =	vadd.f32 v45, v2;
	v24 =	vmul.f32 v58, v58;
	v26 =	vmul.f32 v58, v54  }
0xac: {  	v28 =	vmul.f32 v57, v54;
	v5 =	vadd.f32 v46, v5;
	v7 =	vadd.f32 v48, v7  }
0xad: {  	v29 =	vld.idx.msk [tilespmem:v63+s19+$0x0], $0xffff;
	v6 =	vadd.f32 v49, v6;
	v46 =	vor.u32 $0x1C, v1;
	v11 =	vadd.f32 v51, v11  }
0xae: {  	v32 =	vld.idx.msk [tilespmem:v63+s20+$0x0], $0xffff;
	v3 =	vadd.f32 v53, v3;
	v2 =	vadd.f32 v4, v2;
	v4 =	vmul.f32 v58, v57  }
0xaf: {  	v33 =	vld.idx.msk [tilespmem:v63+s21+$0x0], $0xffff;
	v57 =	vor.u32 $0x1D, v1;
	v5 =	vadd.f32 v55, v5;
	v30 =	vmul.f32 v62, v62  }
0xb0: {  	v7 =	vadd.f32 v56, v7;
	v31 =	vmul.f32 v22, v22;
	v34 =	vmul.f32 v25, v25  }
0xb1: {  	v6 =	vadd.f32 v59, v6;
	v35 =	vmul.f32 v25, v62;
	v36 =	vmul.f32 v22, v62  }
0xb2: {  	v37 =	vld.idx.msk [tilespmem:v27+s19+$0x0], $0xffff;
	v39 =	vmul.f32 v25, v22;
	v22 =	vor.u32 $0x1E, v1;
	v11 =	vadd.f32 v60, v11  }
0xb3: {  	v41 =	vld.idx.msk [tilespmem:v27+s20+$0x0], $0xffff;
	v3 =	vadd.f32 v61, v3;
	v2 =	vadd.f32 v20, v2;
	v40 =	vmul.f32 v29, v29  }
0xb4: {  	v44 =	vld.idx.msk [tilespmem:v27+s21+$0x0], $0xffff;
	v42 =	vmul.f32 v32, v32;
	v43 =	vmul.f32 v33, v33;
	v5 =	vadd.f32 v21, v5  }
0xb5: {  	v45 =	vmul.f32 v33, v29;
	v7 =	vadd.f32 v23, v7;
	v6 =	vadd.f32 v24, v6  }
0xb6: {  	v48 =	vld.idx.msk [tilespmem:v38+s19+$0x0], $0xffff;
	v47 =	vmul.f32 v32, v29;
	v11 =	vadd.f32 v26, v11;
	v3 =	vadd.f32 v28, v3  }
0xb7: {  	v51 =	vld.idx.msk [tilespmem:v38+s20+$0x0], $0xffff;
	v2 =	vadd.f32 v4, v2;
	v4 =	vmul.f32 v33, v32;
	v33 =	vor.u32 $0x1F, v1  }
0xb8: {  	v52 =	vld.idx.msk [tilespmem:v38+s21+$0x0], $0xffff;
	v5 =	vadd.f32 v30, v5;
	v49 =	vmul.f32 v37, v37;
	v50 =	vmul.f32 v41, v41  }
0xb9: {  	v7 =	vadd.f32 v31, v7;
	v53 =	vmul.f32 v44, v44;
	v54 =	vmul.f32 v44, v37  }
0xba: {  	v6 =	vadd.f32 v34, v6;
	v55 =	vmul.f32 v41, v37;
	v58 =	vmul.f32 v44, v41  }
0xbb: {  	v56 =	vld.idx.msk [tilespmem:v46+s19+$0x0], $0xffff;
	v41 =	vor.u32 $0x20, v1;
	v11 =	vadd.f32 v35, v11;
	v3 =	vadd.f32 v36, v3  }
0xbc: {  	v60 =	vld.idx.msk [tilespmem:v46+s20+$0x0], $0xffff;
	v2 =	vadd.f32 v39, v2;
	v59 =	vmul.f32 v48, v48;
	v61 =	vmul.f32 v51, v51  }
0xbd: {  	v63 =	vld.idx.msk [tilespmem:v46+s21+$0x0], $0xffff;
	v62 =	vmul.f32 v52, v52;
	v5 =	vadd.f32 v40, v5;
	v7 =	vadd.f32 v42, v7  }
0xbe: {  	v24 =	vld.idx.msk [tilespmem:v57+s19+$0x0], $0xffff;
	v21 =	vmul.f32 v52, v48;
	v6 =	vadd.f32 v43, v6;
	v11 =	vadd.f32 v45, v11  }
0xbf: {  	v27 =	vld.idx.msk [tilespmem:v57+s20+$0x0], $0xffff;
	v23 =	vmul.f32 v51, v48;
	v3 =	vadd.f32 v47, v3;
	v2 =	vadd.f32 v4, v2  }
0xc0: {  	v28 =	vld.idx.msk [tilespmem:v57+s21+$0x0], $0xffff;
	v4 =	vmul.f32 v52, v51;
	v52 =	vor.u32 $0x21, v1;
	v5 =	vadd.f32 v49, v5  }
0xc1: {  	v32 =	vld.idx.msk [tilespmem:v22+s19+$0x0], $0xffff;
	v7 =	vadd.f32 v50, v7;
	v25 =	vmul.f32 v56, v56;
	v26 =	vmul.f32 v60, v60  }
0xc2: {  	v36 =	vld.idx.msk [tilespmem:v22+s20+$0x0], $0xffff;
	v6 =	vadd.f32 v53, v6;
	v29 =	vmul.f32 v63, v63;
	v30 =	vmul.f32 v63, v56  }
0xc3: {  	v39 =	vld.idx.msk [tilespmem:v22+s21+$0x0], $0xffff;
	v31 =	vmul.f32 v60, v56;
	v34 =	vmul.f32 v63, v60;
	v60 =	vor.u32 $0x22, v1  }
0xc4: {  	v11 =	vadd.f32 v54, v11;
	v3 =	vadd.f32 v55, v3;
	v35 =	vmul.f32 v24, v24  }
0xc5: {  	v2 =	vadd.f32 v58, v2;
	v37 =	vmul.f32 v27, v27;
	v38 =	vmul.f32 v28, v28  }
0xc6: {  	v43 =	vld.idx.msk [tilespmem:v33+s19+$0x0], $0xffff;
	v40 =	vmul.f32 v28, v24;
	v42 =	vmul.f32 v27, v24;
	v5 =	vadd.f32 v59, v5  }
0xc7: {  	v46 =	vld.idx.msk [tilespmem:v33+s20+$0x0], $0xffff;
	v7 =	vadd.f32 v61, v7;
	v44 =	vmul.f32 v32, v32;
	v45 =	vmul.f32 v36, v36  }
0xc8: {  	v47 =	vld.idx.msk [tilespmem:v33+s21+$0x0], $0xffff;
	v6 =	vadd.f32 v62, v6;
	v48 =	vmul.f32 v39, v39;
	v49 =	vmul.f32 v39, v32  }
0xc9: {  	v51 =	vld.idx.msk [tilespmem:v41+s19+$0x0], $0xffff;
	v50 =	vmul.f32 v36, v32;
	v53 =	vmul.f32 v39, v36;
	v11 =	vadd.f32 v21, v11  }
0xca: {  	v55 =	vld.idx.msk [tilespmem:v41+s20+$0x0], $0xffff;
	v36 =	vor.u32 $0x24, v1;
	v3 =	vadd.f32 v23, v3;
	v2 =	vadd.f32 v4, v2  }
0xcb: {  	v58 =	vld.idx.msk [tilespmem:v41+s21+$0x0], $0xffff;
	v4 =	vmul.f32 v28, v27;
	v5 =	vadd.f32 v25, v5;
	v7 =	vadd.f32 v26, v7  }
0xcc: {  	v28 =	vor.u32 $0x23, v1;
	v6 =	vadd.f32 v29, v6;
	v11 =	vadd.f32 v30, v11  }
0xcd: {  	v3 =	vadd.f32 v31, v3;
	v54 =	vmul.f32 v43, v43;
	v56 =	vmul.f32 v46, v46  }
0xce: {  	v2 =	vadd.f32 v34, v2;
	v57 =	vmul.f32 v47, v47;
	v59 =	vmul.f32 v47, v43  }
0xcf: {  	v62 =	vld.idx.msk [tilespmem:v52+s19+$0x0], $0xffff;
	v61 =	vmul.f32 v46, v43;
	v5 =	vadd.f32 v35, v5;
	v63 =	vmul.f32 v51, v51  }
0xd0: {  	v22 =	vld.idx.msk [tilespmem:v52+s20+$0x0], $0xffff;
	v7 =	vadd.f32 v37, v7;
	v21 =	vmul.f32 v55, v55;
	v24 =	vmul.f32 v58, v58  }
0xd1: {  	v23 =	vld.idx.msk [tilespmem:v52+s21+$0x0], $0xffff;
	v6 =	vadd.f32 v38, v6;
	v25 =	vmul.f32 v58, v51;
	v26 =	vmul.f32 v55, v51  }
0xd2: {  	v27 =	vld.idx.msk [tilespmem:v60+s19+$0x0], $0xffff;
	v29 =	vmul.f32 v58, v55;
	v55 =	vor.u32 $0x26, v1;
	v11 =	vadd.f32 v40, v11  }
0xd3: {  	v31 =	vld.idx.msk [tilespmem:v60+s20+$0x0], $0xffff;
	v3 =	vadd.f32 v42, v3;
	v2 =	vadd.f32 v4, v2;
	v4 =	vmul.f32 v47, v46  }
0xd4: {  	v34 =	vld.idx.msk [tilespmem:v60+s21+$0x0], $0xffff;
	v47 =	vor.u32 $0x25, v1;
	v5 =	vadd.f32 v44, v5;
	v7 =	vadd.f32 v45, v7  }
0xd5: {  	v6 =	vadd.f32 v48, v6;
	v11 =	vadd.f32 v49, v11;
	v30 =	vmul.f32 v62, v62  }
0xd6: {  	v3 =	vadd.f32 v50, v3;
	v32 =	vmul.f32 v22, v22;
	v33 =	vmul.f32 v23, v23  }
0xd7: {  	v46 =	vld.idx.msk [tilespmem:v36+s19+$0x0], $0xffff;
	v2 =	vadd.f32 v53, v2;
	v35 =	vmul.f32 v23, v62;
	v37 =	vmul.f32 v22, v62  }
0xd8: {  	v38 =	vld.idx.msk [tilespmem:v28+s19+$0x0], $0xffff;
	v5 =	vadd.f32 v54, v5;
	v7 =	vadd.f32 v56, v7;
	v39 =	vmul.f32 v27, v27  }
0xd9: {  	v41 =	vld.idx.msk [tilespmem:v28+s20+$0x0], $0xffff;
	v6 =	vadd.f32 v57, v6;
	v40 =	vmul.f32 v31, v31;
	v43 =	vmul.f32 v34, v34  }
0xda: {  	v42 =	vld.idx.msk [tilespmem:v28+s21+$0x0], $0xffff;
	v44 =	vmul.f32 v34, v27;
	v45 =	vmul.f32 v31, v27;
	v11 =	vadd.f32 v59, v11  }
0xdb: {  	v50 =	vld.idx.msk [tilespmem:v36+s20+$0x0], $0xffff;
	v48 =	vmul.f32 v34, v31;
	v3 =	vadd.f32 v61, v3;
	v2 =	vadd.f32 v4, v2  }
0xdc: {  	v53 =	vld.idx.msk [tilespmem:v36+s21+$0x0], $0xffff;
	v4 =	vmul.f32 v23, v22;
	v22 =	vor.u32 $0x27, v1;
	v5 =	vadd.f32 v63, v5  }
0xdd: {  	v7 =	vadd.f32 v21, v7;
	v6 =	vadd.f32 v24, v6;
	v58 =	vmul.f32 v46, v46  }
0xde: {  	v11 =	vadd.f32 v25, v11;
	v3 =	vadd.f32 v26, v3;
	v49 =	vmul.f32 v38, v38  }
0xdf: {  	v28 =	vld.idx.msk [tilespmem:v55+s21+$0x0], $0xffff;
	v2 =	vadd.f32 v29, v2;
	v51 =	vmul.f32 v41, v41;
	v52 =	vmul.f32 v42, v42  }
0xe0: {  	v57 =	vld.idx.msk [tilespmem:v47+s19+$0x0], $0xffff;
	v54 =	vmul.f32 v42, v38;
	v56 =	vmul.f32 v41, v38;
	v5 =	vadd.f32 v30, v5  }
0xe1: {  	v60 =	vld.idx.msk [tilespmem:v47+s20+$0x0], $0xffff;
	v7 =	vadd.f32 v32, v7;
	v59 =	vmul.f32 v50, v50;
	v62 =	vmul.f32 v53, v53  }
0xe2: {  	v61 =	vld.idx.msk [tilespmem:v47+s21+$0x0], $0xffff;
	v6 =	vadd.f32 v33, v6;
	v63 =	vmul.f32 v53, v46;
	v20 =	vmul.f32 v50, v46  }
0xe3: {  	v23 =	vmul.f32 v53, v50;
	v30 =	vor.u32 $0x28, v1;
	v11 =	vadd.f32 v35, v11  }
0xe4: {  	v21 =	vld.idx.msk [tilespmem:v55+s19+$0x0], $0xffff;
	v3 =	vadd.f32 v37, v3;
	v2 =	vadd.f32 v4, v2;
	v4 =	vmul.f32 v42, v41  }
0xe5: {  	v25 =	vld.idx.msk [tilespmem:v55+s20+$0x0], $0xffff;
	v41 =	vor.u32 $0x29, v1;
	v5 =	vadd.f32 v39, v5;
	v7 =	vadd.f32 v40, v7  }
0xe6: {  	v6 =	vadd.f32 v43, v6;
	v37 =	vmul.f32 v28, v28;
	v24 =	vmul.f32 v57, v57  }
0xe7: {  	v11 =	vadd.f32 v44, v11;
	v26 =	vmul.f32 v60, v60;
	v27 =	vmul.f32 v61, v61  }
0xe8: {  	v3 =	vadd.f32 v45, v3;
	v29 =	vmul.f32 v61, v57;
	v31 =	vmul.f32 v60, v57  }
0xe9: {  	v2 =	vadd.f32 v48, v2;
	v33 =	vmul.f32 v21, v21;
	v38 =	vmul.f32 v28, v21  }
0xea: {  	v32 =	vld.idx.msk [tilespmem:v22+s19+$0x0], $0xffff;
	v5 =	vadd.f32 v49, v5;
	v7 =	vadd.f32 v51, v7;
	v34 =	vmul.f32 v25, v25  }
0xeb: {  	v35 =	vld.idx.msk [tilespmem:v22+s20+$0x0], $0xffff;
	v6 =	vadd.f32 v52, v6;
	v39 =	vmul.f32 v25, v21;
	v42 =	vmul.f32 v28, v25  }
0xec: {  	v36 =	vld.idx.msk [tilespmem:v22+s21+$0x0], $0xffff;
	v49 =	vor.u32 $0x2A, v1;
	v11 =	vadd.f32 v54, v11;
	v3 =	vadd.f32 v56, v3  }
0xed: {  	v25 =	vor.u32 $0x2C, v1;
	v2 =	vadd.f32 v4, v2;
	v5 =	vadd.f32 v58, v5  }
0xee: {  	v4 =	vmul.f32 v61, v60;
	v7 =	vadd.f32 v59, v7;
	v6 =	vadd.f32 v62, v6  }
0xef: {  	v40 =	vld.idx.msk [tilespmem:v30+s19+$0x0], $0xffff;
	v60 =	vor.u32 $0x2B, v1;
	v11 =	vadd.f32 v63, v11;
	v3 =	vadd.f32 v20, v3  }
0xf0: {  	v44 =	vld.idx.msk [tilespmem:v30+s20+$0x0], $0xffff;
	v2 =	vadd.f32 v23, v2;
	v43 =	vmul.f32 v32, v32;
	v45 =	vmul.f32 v35, v35  }
0xf1: {  	v47 =	vld.idx.msk [tilespmem:v30+s21+$0x0], $0xffff;
	v46 =	vmul.f32 v36, v36;
	v5 =	vadd.f32 v24, v5;
	v7 =	vadd.f32 v26, v7  }
0xf2: {  	v51 =	vld.idx.msk [tilespmem:v41+s19+$0x0], $0xffff;
	v48 =	vmul.f32 v36, v32;
	v6 =	vadd.f32 v27, v6;
	v11 =	vadd.f32 v29, v11  }
0xf3: {  	v54 =	vld.idx.msk [tilespmem:v41+s20+$0x0], $0xffff;
	v50 =	vmul.f32 v35, v32;
	v3 =	vadd.f32 v31, v3;
	v2 =	vadd.f32 v4, v2  }
0xf4: {  	v55 =	vld.idx.msk [tilespmem:v41+s21+$0x0], $0xffff;
	v4 =	vmul.f32 v36, v35;
	v36 =	vor.u32 $0x2D, v1;
	v5 =	vadd.f32 v33, v5  }
0xf5: {  	v7 =	vadd.f32 v34, v7;
	v52 =	vmul.f32 v40, v40;
	v53 =	vmul.f32 v44, v44  }
0xf6: {  	v6 =	vadd.f32 v37, v6;
	v56 =	vmul.f32 v47, v47;
	v57 =	vmul.f32 v47, v40  }
0xf7: {  	v59 =	vld.idx.msk [tilespmem:v49+s19+$0x0], $0xffff;
	v58 =	vmul.f32 v44, v40;
	v61 =	vmul.f32 v47, v44;
	v44 =	vor.u32 $0x2E, v1  }
0xf8: {  	v63 =	vld.idx.msk [tilespmem:v49+s20+$0x0], $0xffff;
	v11 =	vadd.f32 v38, v11;
	v3 =	vadd.f32 v39, v3;
	v62 =	vmul.f32 v51, v51  }
0xf9: {  	v23 =	vld.idx.msk [tilespmem:v49+s21+$0x0], $0xffff;
	v2 =	vadd.f32 v42, v2;
	v21 =	vmul.f32 v54, v54;
	v22 =	vmul.f32 v55, v55  }
0xfa: {  	v35 =	vld.idx.msk [tilespmem:v25+s19+$0x0], $0xffff;
	v24 =	vmul.f32 v55, v51;
	v5 =	vadd.f32 v43, v5;
	v7 =	vadd.f32 v45, v7  }
0xfb: {  	v27 =	vld.idx.msk [tilespmem:v60+s19+$0x0], $0xffff;
	v26 =	vmul.f32 v54, v51;
	v6 =	vadd.f32 v46, v6;
	v11 =	vadd.f32 v48, v11  }
0xfc: {  	v30 =	vld.idx.msk [tilespmem:v60+s20+$0x0], $0xffff;
	v3 =	vadd.f32 v50, v3;
	v2 =	vadd.f32 v4, v2;
	v4 =	vmul.f32 v55, v54  }
0xfd: {  	v31 =	vld.idx.msk [tilespmem:v60+s21+$0x0], $0xffff;
	v55 =	vor.u32 $0x2F, v1;
	v5 =	vadd.f32 v52, v5;
	v28 =	vmul.f32 v59, v59  }
0xfe: {  	v39 =	vld.idx.msk [tilespmem:v25+s20+$0x0], $0xffff;
	v7 =	vadd.f32 v53, v7;
	v29 =	vmul.f32 v63, v63;
	v32 =	vmul.f32 v23, v23  }
0xff: {  	v42 =	vld.idx.msk [tilespmem:v25+s21+$0x0], $0xffff;
	v6 =	vadd.f32 v56, v6;
	v33 =	vmul.f32 v23, v59;
	v34 =	vmul.f32 v63, v59  }
0x100: {  	v37 =	vmul.f32 v23, v63;
	v47 =	vmul.f32 v35, v35;
	v63 =	vor.u32 $0x30, v1  }
0x101: {  	v11 =	vadd.f32 v57, v11;
	v3 =	vadd.f32 v58, v3;
	v38 =	vmul.f32 v27, v27  }
0x102: {  	v2 =	vadd.f32 v61, v2;
	v40 =	vmul.f32 v30, v30;
	v41 =	vmul.f32 v31, v31  }
0x103: {  	v46 =	vld.idx.msk [tilespmem:v36+s19+$0x0], $0xffff;
	v43 =	vmul.f32 v31, v27;
	v45 =	vmul.f32 v30, v27;
	v5 =	vadd.f32 v62, v5  }
0x104: {  	v49 =	vld.idx.msk [tilespmem:v36+s20+$0x0], $0xffff;
	v7 =	vadd.f32 v21, v7;
	v48 =	vmul.f32 v39, v39;
	v51 =	vmul.f32 v42, v42  }
0x105: {  	v50 =	vld.idx.msk [tilespmem:v36+s21+$0x0], $0xffff;
	v6 =	vadd.f32 v22, v6;
	v52 =	vmul.f32 v42, v35;
	v53 =	vmul.f32 v39, v35  }
0x106: {  	v54 =	vld.idx.msk [tilespmem:v44+s19+$0x0], $0xffff;
	v56 =	vmul.f32 v42, v39;
	v39 =	vor.u32 $0x32, v1;
	v11 =	vadd.f32 v24, v11  }
0x107: {  	v58 =	vld.idx.msk [tilespmem:v44+s20+$0x0], $0xffff;
	v3 =	vadd.f32 v26, v3;
	v2 =	vadd.f32 v4, v2;
	v4 =	vmul.f32 v31, v30  }
0x108: {  	v61 =	vld.idx.msk [tilespmem:v44+s21+$0x0], $0xffff;
	v31 =	vor.u32 $0x31, v1;
	v5 =	vadd.f32 v28, v5;
	v7 =	vadd.f32 v29, v7  }
0x109: {  	v6 =	vadd.f32 v32, v6;
	v11 =	vadd.f32 v33, v11;
	v57 =	vmul.f32 v46, v46  }
0x10a: {  	v3 =	vadd.f32 v34, v3;
	v59 =	vmul.f32 v49, v49;
	v60 =	vmul.f32 v50, v50  }
0x10b: {  	v2 =	vadd.f32 v37, v2;
	v62 =	vmul.f32 v50, v46;
	v21 =	vmul.f32 v49, v46  }
0x10c: {  	v22 =	vld.idx.msk [tilespmem:v55+s19+$0x0], $0xffff;
	v5 =	vadd.f32 v38, v5;
	v23 =	vmul.f32 v54, v54;
	v24 =	vmul.f32 v58, v58  }
0x10d: {  	v25 =	vld.idx.msk [tilespmem:v55+s20+$0x0], $0xffff;
	v7 =	vadd.f32 v40, v7;
	v27 =	vmul.f32 v61, v61;
	v28 =	vmul.f32 v61, v54  }
0x10e: {  	v26 =	vld.idx.msk [tilespmem:v55+s21+$0x0], $0xffff;
	v6 =	vadd.f32 v41, v6;
	v29 =	vmul.f32 v58, v54;
	v32 =	vmul.f32 v61, v58  }
0x10f: {  	v30 =	vld.idx.msk [tilespmem:v63+s19+$0x0], $0xffff;
	v58 =	vor.u32 $0x34, v1;
	v11 =	vadd.f32 v43, v11;
	v3 =	vadd.f32 v45, v3  }
0x110: {  	v34 =	vld.idx.msk [tilespmem:v63+s20+$0x0], $0xffff;
	v2 =	vadd.f32 v4, v2;
	v4 =	vmul.f32 v50, v49;
	v5 =	vadd.f32 v47, v5  }
0x111: {  	v37 =	vld.idx.msk [tilespmem:v63+s21+$0x0], $0xffff;
	v50 =	vor.u32 $0x33, v1;
	v7 =	vadd.f32 v48, v7;
	v6 =	vadd.f32 v51, v6  }
0x112: {  	v49 =	vld.idx.msk [tilespmem:v39+s19+$0x0], $0xffff;
	v11 =	vadd.f32 v52, v11;
	v3 =	vadd.f32 v53, v3;
	v33 =	vmul.f32 v22, v22  }
0x113: {  	v2 =	vadd.f32 v56, v2;
	v35 =	vmul.f32 v25, v25;
	v36 =	vmul.f32 v26, v26;
	v53 =	vld.idx.msk [tilespmem:v39+s20+$0x0], $0xffff  }
0x114: {  	v38 =	vmul.f32 v26, v22;
	v40 =	vmul.f32 v25, v22;
	v56 =	vld.idx.msk [tilespmem:v39+s21+$0x0], $0xffff;
	v39 =	vor.u32 $0x37, v1  }
0x115: {  	v41 =	vld.idx.msk [tilespmem:v31+s19+$0x0], $0xffff;
	v5 =	vadd.f32 v57, v5;
	v7 =	vadd.f32 v59, v7;
	v42 =	vmul.f32 v30, v30  }
0x116: {  	v44 =	vld.idx.msk [tilespmem:v31+s20+$0x0], $0xffff;
	v6 =	vadd.f32 v60, v6;
	v43 =	vmul.f32 v34, v34;
	v46 =	vmul.f32 v37, v37  }
0x117: {  	v45 =	vld.idx.msk [tilespmem:v31+s21+$0x0], $0xffff;
	v47 =	vmul.f32 v37, v30;
	v48 =	vmul.f32 v34, v30;
	v11 =	vadd.f32 v62, v11  }
0x118: {  	v51 =	vmul.f32 v37, v34;
	v3 =	vadd.f32 v21, v3;
	v2 =	vadd.f32 v4, v2  }
0x119: {  	v4 =	vmul.f32 v26, v25;
	v25 =	vor.u32 $0x35, v1;
	v5 =	vadd.f32 v23, v5  }
0x11a: {  	v7 =	vadd.f32 v24, v7;
	v6 =	vadd.f32 v27, v6;
	v61 =	vmul.f32 v49, v49  }
0x11b: {  	v13 =	vld.idx.msk [tilespmem:v58+s21+$0x0], $0xffff;
	v11 =	vadd.f32 v28, v11;
	v3 =	vadd.f32 v29, v3;
	v52 =	vmul.f32 v41, v41  }
0x11c: {  	v60 =	vld.idx.msk [tilespmem:v50+s19+$0x0], $0xffff;
	v2 =	vadd.f32 v32, v2;
	v54 =	vmul.f32 v44, v44;
	v55 =	vmul.f32 v45, v45  }
0x11d: {  	v63 =	vld.idx.msk [tilespmem:v50+s20+$0x0], $0xffff;
	v57 =	vmul.f32 v45, v41;
	v59 =	vmul.f32 v44, v41;
	v5 =	vadd.f32 v33, v5  }
0x11e: {  	v20 =	vld.idx.msk [tilespmem:v50+s21+$0x0], $0xffff;
	v7 =	vadd.f32 v35, v7;
	v62 =	vmul.f32 v53, v53;
	v21 =	vmul.f32 v56, v56  }
0x11f: {  	v24 =	vld.idx.msk [tilespmem:v58+s19+$0x0], $0xffff;
	v6 =	vadd.f32 v36, v6;
	v22 =	vmul.f32 v56, v49;
	v23 =	vmul.f32 v53, v49  }
0x120: {  	v28 =	vld.idx.msk [tilespmem:v58+s20+$0x0], $0xffff;
	v26 =	vmul.f32 v56, v53;
	v11 =	vadd.f32 v38, v11;
	v3 =	vadd.f32 v40, v3  }
0x121: {  	v33 =	vor.u32 $0x36, v1;
	v2 =	vadd.f32 v4, v2;
	v5 =	vadd.f32 v42, v5;
	v32 =	vld.idx.msk [tilespmem:v25+s19+$0x0], $0xffff  }
0x122: {  	v4 =	vmul.f32 v45, v44;
	v7 =	vadd.f32 v43, v7;
	v6 =	vadd.f32 v46, v6;
	v35 =	vld.idx.msk [tilespmem:v25+s20+$0x0], $0xffff  }
0x123: {  	v37 =	vmul.f32 v13, v13;
	v17 =	vld.idx.msk [tilespmem:v25+s21+$0x0], $0xffff;
	v46 =	vor.u32 $0x38, v1;
	v25 =	vor.u32 $0x3D, v1  }
0x124: {  	v11 =	vadd.f32 v47, v11;
	v27 =	vmul.f32 v60, v60;
	v29 =	vmul.f32 v63, v63  }
0x125: {  	v3 =	vadd.f32 v48, v3;
	v30 =	vmul.f32 v20, v20;
	v31 =	vmul.f32 v20, v60  }
0x126: {  	v2 =	vadd.f32 v51, v2;
	v9 =	vmul.f32 v63, v60;
	v34 =	vmul.f32 v24, v24  }
0x127: {  	v49 =	vld.idx.msk [tilespmem:v39+s19+$0x0], $0xffff;
	v38 =	vmul.f32 v13, v24;
	v5 =	vadd.f32 v52, v5;
	v7 =	vadd.f32 v54, v7  }
0x128: {  	v6 =	vadd.f32 v55, v6;
	v36 =	vmul.f32 v28, v28;
	v40 =	vmul.f32 v28, v24  }
0x129: {  	v41 =	vmul.f32 v13, v28;
	v11 =	vadd.f32 v57, v11;
	v3 =	vadd.f32 v59, v3  }
0x12a: {  	v52 =	vor.u32 $0x39, v1;
	v2 =	vadd.f32 v4, v2;
	v5 =	vadd.f32 v61, v5  }
0x12b: {  	v51 =	vld.idx.msk [tilespmem:v39+s20+$0x0], $0xffff;
	v4 =	vmul.f32 v20, v63;
	v7 =	vadd.f32 v62, v7;
	v6 =	vadd.f32 v21, v6  }
0x12c: {  	v54 =	vld.idx.msk [tilespmem:v39+s21+$0x0], $0xffff;
	v62 =	vmul.f32 v49, v49;
	v11 =	vadd.f32 v22, v11;
	v42 =	vmul.f32 v32, v32  }
0x12d: {  	v43 =	vld.idx.msk [tilespmem:v33+s19+$0x0], $0xffff;
	v3 =	vadd.f32 v23, v3;
	v44 =	vmul.f32 v35, v35;
	v47 =	vmul.f32 v17, v17  }
0x12e: {  	v45 =	vld.idx.msk [tilespmem:v33+s20+$0x0], $0xffff;
	v2 =	vadd.f32 v26, v2;
	v48 =	vmul.f32 v17, v32;
	v8 =	vmul.f32 v35, v32  }
0x12f: {  	v12 =	vld.idx.msk [tilespmem:v33+s21+$0x0], $0xffff;
	v50 =	vmul.f32 v17, v35;
	v5 =	vadd.f32 v27, v5;
	v7 =	vadd.f32 v29, v7  }
0x130: {  	v6 =	vadd.f32 v30, v6;
	v35 =	vmul.f32 v51, v51;
	v27 =	vor.u32 $0x3E, v1  }
0x131: {  	v13 =	vmul.f32 v51, v49;
	v10 =	vadd.f32 v31, v11;
	v3 =	vadd.f32 v9, v3  }
0x132: {  	v24 =	vld.idx.msk [tilespmem:v19+s20+$0x0], $0xffff;
	v2 =	vadd.f32 v4, v2;
	v22 =	vmul.f32 v54, v54;
	v28 =	vmul.f32 v54, v49  }
0x133: {  	v56 =	vld.idx.msk [tilespmem:v46+s19+$0x0], $0xffff;
	v5 =	vadd.f32 v34, v5;
	v4 =	vadd.f32 v36, v7;
	v53 =	vmul.f32 v43, v43  }
0x134: {  	v21 =	vld.idx.msk [tilespmem:v46+s20+$0x0], $0xffff;
	v6 =	vadd.f32 v37, v6;
	v55 =	vmul.f32 v45, v45;
	v57 =	vmul.f32 v12, v12  }
0x135: {  	v23 =	vld.idx.msk [tilespmem:v19+s19+$0x0], $0xffff;
	v20 =	vmul.f32 v12, v43;
	v58 =	vmul.f32 v45, v43;
	v9 =	vadd.f32 v38, v10  }
0x136: {  	v26 =	vld.idx.msk [tilespmem:v16+s20+$0x0], $0xffff;
	v60 =	vmul.f32 v12, v45;
	v3 =	vadd.f32 v40, v3;
	v2 =	vadd.f32 v41, v2  }
0x137: {  	v59 =	vld.idx.msk [tilespmem:v46+s21+$0x0], $0xffff;
	v41 =	vmul.f32 v24, v24;
	v5 =	vadd.f32 v42, v5;
	v7 =	vadd.f32 v48, v9  }
0x138: {  	v61 =	vld.idx.msk [tilespmem:v52+s19+$0x0], $0xffff;
	v4 =	vadd.f32 v44, v4;
	v6 =	vadd.f32 v47, v6;
	v36 =	vmul.f32 v56, v56  }
0x139: {  	v63 =	vld.idx.msk [tilespmem:v52+s20+$0x0], $0xffff;
	v5 =	vadd.f32 v53, v5;
	v7 =	vadd.f32 v20, v7;
	v20 =	vor.u32 $0x3C, v1  }
0x13a: {  	v37 =	vmul.f32 v21, v21;
	v40 =	vmul.f32 v23, v23;
	v6 =	vadd.f32 v57, v6  }
0x13b: {  	v43 =	vmul.f32 v26, v26;
	v4 =	vadd.f32 v55, v4;
	v5 =	vadd.f32 v62, v5  }
0x13c: {  	v32 =	vmul.f32 v59, v59;
	v34 =	vmul.f32 v59, v56;
	v6 =	vadd.f32 v22, v6;
	v22 =	vld.idx.msk [tilespmem:v16+s19+$0x0], $0xffff  }
0x13d: {  	v31 =	vld.idx.msk [tilespmem:v25+s20+$0x0], $0xffff;
	v38 =	vmul.f32 v61, v61;
	v4 =	vadd.f32 v35, v4;
	v5 =	vadd.f32 v36, v5  }
0x13e: {  	v3 =	vadd.f32 v8, v3;
	v39 =	vmul.f32 v63, v63;
	v7 =	vadd.f32 v28, v7;
	v29 =	vld.idx.msk [tilespmem:v20+s19+$0x0], $0xffff  }
0x13f: {  	v1 =	vor.u32 $0x3F, v1;
	v28 =	vld.idx.msk [tilespmem:v25+s19+$0x0], $0xffff;
	v4 =	vadd.f32 v37, v4;
	v5 =	vadd.f32 v38, v5  }
0x140: {  	v18 =	vmul.f32 v21, v56;
	v2 =	vadd.f32 v50, v2;
	v3 =	vadd.f32 v58, v3;
	v30 =	vld.idx.msk [tilespmem:v20+s20+$0x0], $0xffff  }
0x141: {  	v17 =	vld.idx.msk [tilespmem:v52+s21+$0x0], $0xffff;
	v4 =	vadd.f32 v39, v4;
	v42 =	vmul.f32 v22, v22;
	v5 =	vadd.f32 v40, v5  }
0x142: {  	v9 =	vmul.f32 v54, v51;
	v11 =	vld.idx.msk [tilespmem:v27+s19+$0x0], $0xffff;
	v2 =	vadd.f32 v60, v2;
	v3 =	vadd.f32 v13, v3  }
0x143: {  	v13 =	vld.idx.msk [tilespmem:v27+s20+$0x0], $0xffff;
	v4 =	vadd.f32 v41, v4;
	v5 =	vadd.f32 v42, v5;
	v44 =	vmul.f32 v29, v29  }
0x144: {  	v14 =	vmul.f32 v59, v21;
	v2 =	vadd.f32 v9, v2;
	v9 =	vld.idx.msk [tilespmem:v1+s19+$0x0], $0xffff;
	v46 =	vmul.f32 v28, v28  }
0x145: {  	v4 =	vadd.f32 v43, v4;
	v45 =	vmul.f32 v30, v30;
	v5 =	vadd.f32 v44, v5  }
0x146: {  	v47 =	vmul.f32 v31, v31;
	v52 =	vmul.f32 v17, v17;
	v33 =	vld.idx.msk [tilespmem:v1+s20+$0x0], $0xffff  }
0x147: {  	v54 =	vld.idx.msk [tilespmem:v19+s21+$0x0], $0xffff;
	v48 =	vmul.f32 v11, v11;
	v4 =	vadd.f32 v45, v4;
	v5 =	vadd.f32 v46, v5  }
0x148: {  	v53 =	vmul.f32 v17, v61;
	v49 =	vmul.f32 v13, v13  }
0x149: {  	v50 =	vmul.f32 v9, v9;
	v4 =	vadd.f32 v47, v4;
	v5 =	vadd.f32 v48, v5  }
0x14a: {  	v12 =	vmul.f32 v63, v61;
	v60 =	vmul.f32 v17, v63  }
0x14b: {  	v51 =	vmul.f32 v33, v33;
	v4 =	vadd.f32 v49, v4;
	v5 =	vadd.f32 v50, v5  }
0x14c: {  	v6 =	vadd.f32 v32, v6;
	v63 =	vmul.f32 v54, v54;
	v35 =	vmul.f32 v54, v23  }
0x14d: {  	v36 =	vmul.f32 v24, v23;
	v4 =	vadd.f32 v51, v4;
	v55 =	vmax.f32 v5, $1.000000020e-24  }
0x14e: {  	v61 =	vld.idx.msk [tilespmem:v16+s21+$0x0], $0xffff;
	v2 =	vadd.f32 v14, v2;
	v56 =	vshrl.u32 v55, $0x1;
	v14 =	vmul.f32 $5.000000000e-01, v55  }
0x14f: {  	v3 =	vadd.f32 v18, v3;
	v57 =	vmax.f32 v4, $1.000000020e-24;
	v18 =	vsub.s32 $0x5F3759DF, v56  }
0x150: {  	v58 =	vshrl.u32 v57, $0x1;
	v19 =	vmul.f32 $5.000000000e-01, v57;
	v59 =	vmul.f32 v18, v14  }
0x151: {  	v37 =	vmul.f32 v54, v24;
	v7 =	vadd.f32 v34, v7;
	v21 =	vsub.s32 $0x5F3759DF, v58  }
0x152: {  	v62 =	vmul.f32 v21, v19;
	v34 =	vmul.f32 v18, v59  }
0x153: {  	v15 =	vmul.f32 v61, v26;
	v6 =	vadd.f32 v52, v6;
	v7 =	vadd.f32 v53, v7  }
0x154: {  	v38 =	vld.idx.msk [tilespmem:v20+s21+$0x0], $0xffff;
	v3 =	vadd.f32 v12, v3;
	v16 =	vmul.f32 v21, v62;
	v17 =	vsub.f32 $1.500000000e+00, v34  }
0x155: {  	v2 =	vadd.f32 v60, v2;
	v6 =	vadd.f32 v63, v6;
	v40 =	vmul.f32 v61, v61  }
0x156: {  	v53 =	vmul.f32 v31, v28;
	v16 =	vsub.f32 $1.500000000e+00, v16;
	v39 =	vmul.f32 v18, v17  }
0x157: {  	v7 =	vadd.f32 v35, v7;
	v3 =	vadd.f32 v36, v3;
	v42 =	vmul.f32 v61, v22  }
0x158: {  	v2 =	vadd.f32 v37, v2;
	v41 =	vmul.f32 v21, v16;
	v18 =	vmul.f32 v39, v14  }
0x159: {  	v6 =	vadd.f32 v40, v6;
	v43 =	vmul.f32 v26, v22;
	v10 =	vmul.f32 v38, v30;
	v44 =	vld.idx.msk [tilespmem:v25+s21+$0x0], $0xffff  }
0x15a: {  	v2 =	vadd.f32 v15, v2;
	v45 =	vmul.f32 v41, v19;
	v18 =	vmul.f32 v18, v39  }
0x15b: {  	v7 =	vadd.f32 v42, v7;
	v3 =	vadd.f32 v43, v3;
	v47 =	vmul.f32 v38, v29  }
0x15c: {  	v2 =	vadd.f32 v10, v2;
	v20 =	vmul.f32 v45, v41;
	v18 =	vsub.f32 $1.500000000e+00, v18  }
0x15d: {  	v46 =	vmul.f32 v38, v38;
	v48 =	vmul.f32 v30, v29;
	v7 =	vadd.f32 v47, v7  }
0x15e: {  	v52 =	vmul.f32 v44, v28;
	v51 =	vld.idx.msk [tilespmem:v27+s21+$0x0], $0xffff;
	v49 =	vsub.f32 $1.500000000e+00, v20;
	v12 =	vmul.f32 v18, v39  }
0x15f: {  	v54 =	vmul.f32 v44, v31;
	v3 =	vadd.f32 v48, v3;
	v50 =	vmul.f32 v44, v44  }
0x160: {  	v1 =	vld.idx.msk [tilespmem:v1+s21+$0x0], $0xffff;
	v6 =	vadd.f32 v46, v6;
	v8 =	vmul.f32 v49, v41;
	v14 =	vmul.f32 v12, v14  }
0x161: {  	v7 =	vadd.f32 v52, v7;
	v3 =	vadd.f32 v53, v3;
	v56 =	vmul.f32 v13, v11  }
0x162: {  	v2 =	vadd.f32 v54, v2;
	v55 =	vmul.f32 v8, v19;
	v14 =	vmul.f32 v14, v12  }
0x163: {  	v6 =	vadd.f32 v50, v6;
	v57 =	vmul.f32 v51, v11;
	v3 =	vadd.f32 v56, v3  }
0x164: {  	v59 =	vmul.f32 v33, v9;
	v58 =	vmul.f32 v55, v8;
	v14 =	vsub.f32 $1.500000000e+00, v14  }
0x165: {  	v60 =	vmul.f32 v51, v13;
	v7 =	vadd.f32 v57, v7;
	v9 =	vmul.f32 v1, v9  }
0x166: {  	v3 =	vadd.f32 v59, v3;
	v11 =	vsub.f32 $1.500000000e+00, v58;
	v12 =	vmul.f32 v14, v12  }
0x167: {  	v61 =	vmul.f32 v51, v51;
	v2 =	vadd.f32 v60, v2;
	v62 =	vmul.f32 v1, v33  }
0x168: {  	v7 =	vadd.f32 v9, v7;
	v8 =	vmul.f32 v11, v8;
	v3 =	vmul.f32 v12, v3  }
0x169: {  	v6 =	vadd.f32 v61, v6;
	v1 =	vmul.f32 v1, v1;
	v5 =	vmul.f32 v12, v5  }
0x16a: {  	v2 =	vadd.f32 v62, v2;
	v7 =	vmul.f32 v12, v7;
	v3 =	vmul.f32 v8, v3  }
0x16b: {  	v1 =	vadd.f32 v1, v6;
	v4 =	vmul.f32 v8, v4  }
0x16c: {  	v2 =	vmul.f32 v8, v2;
	v5 =	vmul.f32 v5, v12;
	v3 =	vsub.f32 v7, v3;
	_ =	sdelay $0x1  }
0x16d: {  	v4 =	vmul.f32 v4, v8;
	v1 =	vadd.f32 v5, v1;
	v2 =	vsub.f32 v3, v2;
	_ =	sdelay $0x1  }
0x16e: {  	v1 =	vadd.f32 v4, v1;
	v2 =	vadd.f32 v2, v2;
	_ =	sdelay $0x1  }
0x16f: {  	v1 =	vadd.f32 v2, v1;
	_ =	sdelay $0x1  }
0x170: {  	v2 =	vmax.f32 v1, $1.000000020e-24  }
0x171: {  	v3 =	vshrl.u32 v2, $0x1;
	v2 =	vmul.f32 $5.000000000e-01, v2  }
0x172: {  	v3 =	vsub.s32 $0x5F3759DF, v3  }
0x173: {  	v63 =	vmul.f32 v3, v2;
	_ =	sdelay $0x1  }
0x174: {  	v4 =	vmul.f32 v3, v63;
	_ =	sdelay $0x1  }
0x175: {  	v4 =	vsub.f32 $1.500000000e+00, v4;
	_ =	sdelay $0x1  }
0x176: {  	v3 =	vmul.f32 v3, v4;
	_ =	sdelay $0x1  }
0x177: {  	v4 =	vmul.f32 v3, v2;
	_ =	sdelay $0x1  }
0x178: {  	v4 =	vmul.f32 v4, v3;
	_ =	sdelay $0x1  }
0x179: {  	v4 =	vsub.f32 $1.500000000e+00, v4;
	_ =	sdelay $0x1  }
0x17a: {  	v3 =	vmul.f32 v4, v3;
	_ =	sdelay $0x1  }
0x17b: {  	v2 =	vmul.f32 v3, v2;
	_ =	sdelay $0x1  }
0x17c: {  	v2 =	vmul.f32 v2, v3;
	_ =	sdelay $0x1  }
0x17d: {  	v2 =	vsub.f32 $1.500000000e+00, v2;
	_ =	sdelay $0x1  }
0x17e: {  	v2 =	vmul.f32 v2, v3  }
0x17f: {  	p0 =	sne.s32 s2, $0x70;
	v1 =	vmax.f32 v1, $0.0e+00  }
.Ltmp0:
0x180: {  	v1 =	vmul.f32 v2, v1;
	(pc) =	sbr.rel @p0 .LBB2_3-.Ltmp0, $3  }
0x181: {  	_ = 	snop  }
0x182: {  	v1 =	vsub.f32 $0.0e+00, v1;
	_ =	sdelay $0x1  }
0x183: {  	s2 =	sadd.s32 $0x10, s2;
	[tilespmem:s31+$0x0] =	vst v1;
	s31 =	sadd.s32 $0x10, s31  }
0x184: {  	_ =	swait.ge [sflag:s25], $0x2000  }
0x185: {  	[sflag:s25] =	ssyncset.done $0x0  }
0x186: {  	[sflag:s25] =	ssyncadd.s32 $0xFFFFE000  }
0x187: {  	_ =	swait.ge [sflag:s25], $0x2000  }
0x188: {  	[sflag:s25] =	ssyncset.done $0x0  }
0x189: {  	s2 =	simm.s32 $0x0;
	s31 =	smov.u32 s30;
	[sflag:s25] =	ssyncadd.s32 $0xFFFFE000  }
.LBB2_5:
0x18a: {  	v1 =	vmov s2  }
0x18b: {  	v1 =	vshll.u32 v1, $0x6  }
0x18c: {  	v1 =	vor.u32 v0, v1;
	_ =	sdelay $0x2  }
0x18d: {  	v2 =	vor.u32 $0x1, v1;
	_ =	sdelay $0x1  }
0x18e: {  	v3 =	vld.idx.msk [tilespmem:v1+s22+$0x0], $0xffff  }
0x18f: {  	v6 =	vor.u32 $0x2, v1;
	v4 =	vld.idx.msk [tilespmem:v1+s23+$0x0], $0xffff  }
0x190: {  	v5 =	vld.idx.msk [tilespmem:v1+s21+$0x0], $0xffff  }
0x191: {  	v7 =	vld.idx.msk [tilespmem:v2+s22+$0x0], $0xffff  }
0x192: {  	v14 =	vor.u32 $0x3, v1;
	v8 =	vld.idx.msk [tilespmem:v2+s23+$0x0], $0xffff  }
0x193: {  	v2 =	vld.idx.msk [tilespmem:v2+s21+$0x0], $0xffff  }
0x194: {  	v13 =	vld.idx.msk [tilespmem:v6+s22+$0x0], $0xffff  }
0x195: {  	v17 =	vor.u32 $0x4, v1;
	v15 =	vld.idx.msk [tilespmem:v6+s23+$0x0], $0xffff;
	v9 =	vmul.f32 v3, v3;
	v10 =	vmul.f32 v4, v4  }
0x196: {  	v6 =	vld.idx.msk [tilespmem:v6+s21+$0x0], $0xffff;
	v11 =	vmul.f32 v5, v5;
	v12 =	vmul.f32 v5, v3  }
0x197: {  	v41 =	vld.idx.msk [tilespmem:v14+s22+$0x0], $0xffff;
	v3 =	vmul.f32 v4, v3;
	v4 =	vmul.f32 v5, v4  }
0x198: {  	v50 =	vor.u32 $0x5, v1;
	v18 =	vld.idx.msk [tilespmem:v14+s23+$0x0], $0xffff;
	v38 =	vmul.f32 v7, v7;
	v16 =	vmul.f32 v8, v8  }
0x199: {  	v45 =	vld.idx.msk [tilespmem:v14+s21+$0x0], $0xffff;
	v39 =	vmul.f32 v2, v2;
	v40 =	vmul.f32 v2, v7  }
0x19a: {  	v49 =	vld.idx.msk [tilespmem:v17+s22+$0x0], $0xffff;
	v7 =	vmul.f32 v8, v7;
	v2 =	vmul.f32 v2, v8  }
0x19b: {  	v57 =	vor.u32 $0x6, v1;
	v52 =	vld.idx.msk [tilespmem:v17+s23+$0x0], $0xffff;
	v43 =	vmul.f32 v13, v13;
	v44 =	vmul.f32 v15, v15  }
0x19c: {  	v55 =	vld.idx.msk [tilespmem:v17+s21+$0x0], $0xffff;
	v47 =	vmul.f32 v6, v6;
	v48 =	vmul.f32 v6, v13  }
0x19d: {  	v58 =	vld.idx.msk [tilespmem:v50+s22+$0x0], $0xffff;
	v13 =	vmul.f32 v15, v13;
	v6 =	vmul.f32 v6, v15  }
0x19e: {  	v22 =	vor.u32 $0x7, v1;
	v61 =	vld.idx.msk [tilespmem:v50+s23+$0x0], $0xffff;
	v51 =	vmul.f32 v41, v41;
	v53 =	vmul.f32 v18, v18  }
0x19f: {  	v62 =	vld.idx.msk [tilespmem:v50+s21+$0x0], $0xffff;
	v54 =	vmul.f32 v45, v45;
	v56 =	vmul.f32 v45, v41  }
0x1a0: {  	v21 =	vld.idx.msk [tilespmem:v57+s22+$0x0], $0xffff;
	v8 =	vmul.f32 v18, v41;
	v59 =	vmul.f32 v49, v49  }
0x1a1: {  	v25 =	vld.idx.msk [tilespmem:v57+s23+$0x0], $0xffff;
	v60 =	vmul.f32 v52, v52;
	v63 =	vmul.f32 v55, v55  }
0x1a2: {  	v28 =	vld.idx.msk [tilespmem:v57+s21+$0x0], $0xffff;
	v20 =	vmul.f32 v55, v49;
	v14 =	vmul.f32 v52, v49  }
0x1a3: {  	v32 =	vld.idx.msk [tilespmem:v22+s22+$0x0], $0xffff;
	v23 =	vmul.f32 v55, v52;
	v24 =	vmul.f32 v58, v58  }
0x1a4: {  	v35 =	vld.idx.msk [tilespmem:v22+s23+$0x0], $0xffff;
	v26 =	vmul.f32 v61, v61;
	v27 =	vmul.f32 v62, v62  }
0x1a5: {  	v30 =	vor.u32 $0x8, v1;
	v29 =	vmul.f32 v62, v58;
	v31 =	vmul.f32 v61, v58  }
0x1a6: {  	v19 =	vor.u32 $0x3A, v1;
	v33 =	vmul.f32 v21, v21;
	v34 =	vmul.f32 v25, v25  }
0x1a7: {  	v37 =	vmul.f32 v28, v28;
	v41 =	vor.u32 $0x9, v1;
	v12 =	vadd.f32 $0.0e+00, v12  }
0x1a8: {  	v49 =	vor.u32 $0xA, v1;
	v3 =	vadd.f32 $0.0e+00, v3;
	v4 =	vadd.f32 $0.0e+00, v4  }
0x1a9: {  	v50 =	vmul.f32 v35, v32;
	v5 =	vadd.f32 v38, v9;
	v10 =	vadd.f32 v16, v10  }
0x1aa: {  	v9 =	vadd.f32 v39, v11;
	v38 =	vmul.f32 v28, v21;
	v39 =	vmul.f32 v25, v21  }
0x1ab: {  	v36 =	vld.idx.msk [tilespmem:v22+s21+$0x0], $0xffff;
	v16 =	vor.u32 $0x3B, v1;
	v42 =	vadd.f32 v40, v12;
	v3 =	vadd.f32 v7, v3  }
0x1ac: {  	v2 =	vadd.f32 v2, v4;
	v4 =	vmul.f32 v45, v18;
	v5 =	vadd.f32 v43, v5  }
0x1ad: {  	v45 =	vmul.f32 v35, v35;
	v46 =	vadd.f32 v44, v10;
	v9 =	vadd.f32 v47, v9  }
0x1ae: {  	v40 =	vld.idx.msk [tilespmem:v30+s22+$0x0], $0xffff;
	v43 =	vmul.f32 v32, v32;
	v11 =	vadd.f32 v48, v42;
	v3 =	vadd.f32 v13, v3  }
0x1af: {  	v44 =	vld.idx.msk [tilespmem:v30+s23+$0x0], $0xffff;
	v2 =	vadd.f32 v6, v2;
	v42 =	vmul.f32 v28, v25;
	v5 =	vadd.f32 v51, v5  }
0x1b0: {  	v47 =	vld.idx.msk [tilespmem:v30+s21+$0x0], $0xffff;
	v48 =	vmul.f32 v36, v32;
	v7 =	vadd.f32 v53, v46;
	v6 =	vadd.f32 v54, v9  }
0x1b1: {  	v25 =	vor.u32 $0xC, v1;
	v11 =	vadd.f32 v56, v11;
	v3 =	vadd.f32 v8, v3  }
0x1b2: {  	v46 =	vmul.f32 v36, v36;
	v2 =	vadd.f32 v4, v2;
	v5 =	vadd.f32 v59, v5  }
0x1b3: {  	v55 =	vld.idx.msk [tilespmem:v41+s21+$0x0], $0xffff;
	v4 =	vmul.f32 v62, v61;
	v7 =	vadd.f32 v60, v7;
	v6 =	vadd.f32 v63, v6  }
0x1b4: {  	v51 =	vld.idx.msk [tilespmem:v41+s22+$0x0], $0xffff;
	v52 =	vmul.f32 v40, v40;
	v60 =	vor.u32 $0xB, v1;
	v11 =	vadd.f32 v20, v11  }
0x1b5: {  	v54 =	vld.idx.msk [tilespmem:v41+s23+$0x0], $0xffff;
	v3 =	vadd.f32 v14, v3;
	v53 =	vmul.f32 v44, v44;
	v56 =	vmul.f32 v47, v47  }
0x1b6: {  	v2 =	vadd.f32 v23, v2;
	v57 =	vmul.f32 v47, v40;
	v58 =	vmul.f32 v44, v40  }
0x1b7: {  	v61 =	vmul.f32 v47, v44;
	v44 =	vor.u32 $0xE, v1;
	v5 =	vadd.f32 v24, v5  }
0x1b8: {  	v59 =	vld.idx.msk [tilespmem:v49+s22+$0x0], $0xffff;
	v7 =	vadd.f32 v26, v7;
	v6 =	vadd.f32 v27, v6;
	v22 =	vmul.f32 v55, v55  }
0x1b9: {  	v63 =	vld.idx.msk [tilespmem:v49+s23+$0x0], $0xffff;
	v11 =	vadd.f32 v29, v11;
	v2 =	vadd.f32 v4, v2;
	v4 =	vmul.f32 v36, v35  }
0x1ba: {  	v23 =	vld.idx.msk [tilespmem:v49+s21+$0x0], $0xffff;
	v3 =	vadd.f32 v31, v3;
	v62 =	vmul.f32 v51, v51;
	v21 =	vmul.f32 v54, v54  }
0x1bb: {  	v24 =	vmul.f32 v55, v51;
	v26 =	vmul.f32 v54, v51;
	v5 =	vadd.f32 v33, v5  }
0x1bc: {  	v36 =	vor.u32 $0xD, v1;
	v7 =	vadd.f32 v34, v7;
	v6 =	vadd.f32 v37, v6  }
0x1bd: {  	v11 =	vadd.f32 v38, v11;
	v3 =	vadd.f32 v39, v3;
	v28 =	vmul.f32 v59, v59  }
0x1be: {  	v35 =	vld.idx.msk [tilespmem:v25+s22+$0x0], $0xffff;
	v2 =	vadd.f32 v42, v2;
	v29 =	vmul.f32 v63, v63;
	v34 =	vmul.f32 v63, v59  }
0x1bf: {  	v27 =	vld.idx.msk [tilespmem:v60+s22+$0x0], $0xffff;
	v5 =	vadd.f32 v43, v5;
	v7 =	vadd.f32 v45, v7;
	v32 =	vmul.f32 v23, v23  }
0x1c0: {  	v30 =	vld.idx.msk [tilespmem:v60+s23+$0x0], $0xffff;
	v6 =	vadd.f32 v46, v6;
	v33 =	vmul.f32 v23, v59;
	v37 =	vmul.f32 v23, v63  }
0x1c1: {  	v31 =	vld.idx.msk [tilespmem:v60+s21+$0x0], $0xffff;
	v63 =	vor.u32 $0x10, v1;
	v11 =	vadd.f32 v48, v11;
	v3 =	vadd.f32 v50, v3  }
0x1c2: {  	v39 =	vld.idx.msk [tilespmem:v25+s23+$0x0], $0xffff;
	v2 =	vadd.f32 v4, v2;
	v4 =	vmul.f32 v55, v54;
	v5 =	vadd.f32 v52, v5  }
0x1c3: {  	v42 =	vld.idx.msk [tilespmem:v25+s21+$0x0], $0xffff;
	v55 =	vor.u32 $0xF, v1;
	v7 =	vadd.f32 v53, v7;
	v6 =	vadd.f32 v56, v6  }
0x1c4: {  	v47 =	vmul.f32 v35, v35;
	v11 =	vadd.f32 v57, v11;
	v3 =	vadd.f32 v58, v3  }
0x1c5: {  	v2 =	vadd.f32 v61, v2;
	v38 =	vmul.f32 v27, v27;
	v40 =	vmul.f32 v30, v30  }
0x1c6: {  	v54 =	vld.idx.msk [tilespmem:v44+s22+$0x0], $0xffff;
	v5 =	vadd.f32 v62, v5;
	v41 =	vmul.f32 v31, v31;
	v43 =	vmul.f32 v31, v27  }
0x1c7: {  	v46 =	vld.idx.msk [tilespmem:v36+s22+$0x0], $0xffff;
	v7 =	vadd.f32 v21, v7;
	v45 =	vmul.f32 v30, v27;
	v48 =	vmul.f32 v39, v39  }
0x1c8: {  	v49 =	vld.idx.msk [tilespmem:v36+s23+$0x0], $0xffff;
	v6 =	vadd.f32 v22, v6;
	v51 =	vmul.f32 v42, v42;
	v52 =	vmul.f32 v42, v35  }
0x1c9: {  	v50 =	vld.idx.msk [tilespmem:v36+s21+$0x0], $0xffff;
	v53 =	vmul.f32 v39, v35;
	v56 =	vmul.f32 v42, v39;
	v11 =	vadd.f32 v24, v11  }
0x1ca: {  	v58 =	vld.idx.msk [tilespmem:v44+s23+$0x0], $0xffff;
	v39 =	vor.u32 $0x12, v1;
	v3 =	vadd.f32 v26, v3;
	v2 =	vadd.f32 v4, v2  }
0x1cb: {  	v61 =	vld.idx.msk [tilespmem:v44+s21+$0x0], $0xffff;
	v4 =	vmul.f32 v31, v30;
	v31 =	vor.u32 $0x11, v1;
	v5 =	vadd.f32 v28, v5  }
0x1cc: {  	v7 =	vadd.f32 v29, v7;
	v6 =	vadd.f32 v32, v6;
	v23 =	vmul.f32 v54, v54  }
0x1cd: {  	v11 =	vadd.f32 v33, v11;
	v3 =	vadd.f32 v34, v3;
	v57 =	vmul.f32 v46, v46  }
0x1ce: {  	v2 =	vadd.f32 v37, v2;
	v59 =	vmul.f32 v49, v49;
	v60 =	vmul.f32 v50, v50  }
0x1cf: {  	v30 =	vld.idx.msk [tilespmem:v63+s22+$0x0], $0xffff;
	v62 =	vmul.f32 v50, v46;
	v21 =	vmul.f32 v49, v46;
	v5 =	vadd.f32 v38, v5  }
0x1d0: {  	v22 =	vld.idx.msk [tilespmem:v55+s22+$0x0], $0xffff;
	v7 =	vadd.f32 v40, v7;
	v24 =	vmul.f32 v58, v58;
	v27 =	vmul.f32 v61, v61  }
0x1d1: {  	v25 =	vld.idx.msk [tilespmem:v55+s23+$0x0], $0xffff;
	v6 =	vadd.f32 v41, v6;
	v28 =	vmul.f32 v61, v54;
	v29 =	vmul.f32 v58, v54  }
0x1d2: {  	v26 =	vld.idx.msk [tilespmem:v55+s21+$0x0], $0xffff;
	v32 =	vmul.f32 v61, v58;
	v58 =	vor.u32 $0x14, v1;
	v11 =	vadd.f32 v43, v11  }
0x1d3: {  	v34 =	vld.idx.msk [tilespmem:v63+s23+$0x0], $0xffff;
	v3 =	vadd.f32 v45, v3;
	v2 =	vadd.f32 v4, v2;
	v4 =	vmul.f32 v50, v49  }
0x1d4: {  	v37 =	vld.idx.msk [tilespmem:v63+s21+$0x0], $0xffff;
	v50 =	vor.u32 $0x13, v1;
	v5 =	vadd.f32 v47, v5;
	v7 =	vadd.f32 v48, v7  }
0x1d5: {  	v6 =	vadd.f32 v51, v6;
	v42 =	vmul.f32 v30, v30;
	v11 =	vadd.f32 v52, v11  }
0x1d6: {  	v3 =	vadd.f32 v53, v3;
	v33 =	vmul.f32 v22, v22;
	v35 =	vmul.f32 v25, v25  }
0x1d7: {  	v49 =	vld.idx.msk [tilespmem:v39+s22+$0x0], $0xffff;
	v2 =	vadd.f32 v56, v2;
	v36 =	vmul.f32 v26, v26;
	v38 =	vmul.f32 v26, v22  }
0x1d8: {  	v41 =	vld.idx.msk [tilespmem:v31+s22+$0x0], $0xffff;
	v40 =	vmul.f32 v25, v22;
	v5 =	vadd.f32 v57, v5;
	v7 =	vadd.f32 v59, v7  }
0x1d9: {  	v44 =	vld.idx.msk [tilespmem:v31+s23+$0x0], $0xffff;
	v6 =	vadd.f32 v60, v6;
	v43 =	vmul.f32 v34, v34;
	v46 =	vmul.f32 v37, v37  }
0x1da: {  	v45 =	vld.idx.msk [tilespmem:v31+s21+$0x0], $0xffff;
	v47 =	vmul.f32 v37, v30;
	v48 =	vmul.f32 v34, v30;
	v11 =	vadd.f32 v62, v11  }
0x1db: {  	v53 =	vld.idx.msk [tilespmem:v39+s23+$0x0], $0xffff;
	v51 =	vmul.f32 v37, v34;
	v3 =	vadd.f32 v21, v3;
	v2 =	vadd.f32 v4, v2  }
0x1dc: {  	v56 =	vld.idx.msk [tilespmem:v39+s21+$0x0], $0xffff;
	v4 =	vmul.f32 v26, v25;
	v25 =	vor.u32 $0x15, v1;
	v5 =	vadd.f32 v23, v5  }
0x1dd: {  	v7 =	vadd.f32 v24, v7;
	v6 =	vadd.f32 v27, v6;
	v61 =	vmul.f32 v49, v49  }
0x1de: {  	v11 =	vadd.f32 v28, v11;
	v3 =	vadd.f32 v29, v3;
	v52 =	vmul.f32 v41, v41  }
0x1df: {  	v31 =	vld.idx.msk [tilespmem:v58+s21+$0x0], $0xffff;
	v2 =	vadd.f32 v32, v2;
	v54 =	vmul.f32 v44, v44;
	v55 =	vmul.f32 v45, v45  }
0x1e0: {  	v60 =	vld.idx.msk [tilespmem:v50+s22+$0x0], $0xffff;
	v57 =	vmul.f32 v45, v41;
	v59 =	vmul.f32 v44, v41;
	v5 =	vadd.f32 v33, v5  }
0x1e1: {  	v63 =	vld.idx.msk [tilespmem:v50+s23+$0x0], $0xffff;
	v7 =	vadd.f32 v35, v7;
	v62 =	vmul.f32 v53, v53;
	v21 =	vmul.f32 v56, v56  }
0x1e2: {  	v20 =	vld.idx.msk [tilespmem:v50+s21+$0x0], $0xffff;
	v6 =	vadd.f32 v36, v6;
	v22 =	vmul.f32 v56, v49;
	v23 =	vmul.f32 v53, v49  }
0x1e3: {  	v26 =	vmul.f32 v56, v53;
	v33 =	vor.u32 $0x16, v1;
	v11 =	vadd.f32 v38, v11  }
0x1e4: {  	v24 =	vld.idx.msk [tilespmem:v58+s22+$0x0], $0xffff;
	v3 =	vadd.f32 v40, v3;
	v2 =	vadd.f32 v4, v2;
	v4 =	vmul.f32 v45, v44  }
0x1e5: {  	v28 =	vld.idx.msk [tilespmem:v58+s23+$0x0], $0xffff;
	v44 =	vor.u32 $0x17, v1;
	v5 =	vadd.f32 v42, v5;
	v7 =	vadd.f32 v43, v7  }
0x1e6: {  	v6 =	vadd.f32 v46, v6;
	v40 =	vmul.f32 v31, v31;
	v27 =	vmul.f32 v60, v60  }
0x1e7: {  	v11 =	vadd.f32 v47, v11;
	v29 =	vmul.f32 v63, v63;
	v30 =	vmul.f32 v20, v20  }
0x1e8: {  	v3 =	vadd.f32 v48, v3;
	v32 =	vmul.f32 v20, v60;
	v34 =	vmul.f32 v63, v60  }
0x1e9: {  	v35 =	vld.idx.msk [tilespmem:v25+s22+$0x0], $0xffff;
	v2 =	vadd.f32 v51, v2;
	v36 =	vmul.f32 v24, v24;
	v41 =	vmul.f32 v31, v24  }
0x1ea: {  	v38 =	vld.idx.msk [tilespmem:v25+s23+$0x0], $0xffff;
	v5 =	vadd.f32 v52, v5;
	v7 =	vadd.f32 v54, v7;
	v37 =	vmul.f32 v28, v28  }
0x1eb: {  	v39 =	vld.idx.msk [tilespmem:v25+s21+$0x0], $0xffff;
	v6 =	vadd.f32 v55, v6;
	v42 =	vmul.f32 v28, v24;
	v45 =	vmul.f32 v31, v28  }
0x1ec: {  	v52 =	vor.u32 $0x18, v1;
	v11 =	vadd.f32 v57, v11;
	v3 =	vadd.f32 v59, v3  }
0x1ed: {  	v2 =	vadd.f32 v4, v2;
	v4 =	vmul.f32 v20, v63;
	v5 =	vadd.f32 v61, v5  }
0x1ee: {  	v63 =	vor.u32 $0x19, v1;
	v7 =	vadd.f32 v62, v7;
	v6 =	vadd.f32 v21, v6  }
0x1ef: {  	v43 =	vld.idx.msk [tilespmem:v33+s22+$0x0], $0xffff;
	v11 =	vadd.f32 v22, v11;
	v3 =	vadd.f32 v23, v3;
	v46 =	vmul.f32 v35, v35  }
0x1f0: {  	v47 =	vld.idx.msk [tilespmem:v33+s23+$0x0], $0xffff;
	v2 =	vadd.f32 v26, v2;
	v48 =	vmul.f32 v38, v38;
	v49 =	vmul.f32 v39, v39  }
0x1f1: {  	v50 =	vld.idx.msk [tilespmem:v33+s21+$0x0], $0xffff;
	v51 =	vmul.f32 v39, v35;
	v5 =	vadd.f32 v27, v5;
	v7 =	vadd.f32 v29, v7  }
0x1f2: {  	v54 =	vld.idx.msk [tilespmem:v44+s22+$0x0], $0xffff;
	v53 =	vmul.f32 v38, v35;
	v6 =	vadd.f32 v30, v6;
	v11 =	vadd.f32 v32, v11  }
0x1f3: {  	v57 =	vld.idx.msk [tilespmem:v44+s23+$0x0], $0xffff;
	v27 =	vor.u32 $0x1A, v1;
	v3 =	vadd.f32 v34, v3;
	v2 =	vadd.f32 v4, v2  }
0x1f4: {  	v58 =	vld.idx.msk [tilespmem:v44+s21+$0x0], $0xffff;
	v4 =	vmul.f32 v39, v38;
	v38 =	vor.u32 $0x1B, v1;
	v5 =	vadd.f32 v36, v5  }
0x1f5: {  	v7 =	vadd.f32 v37, v7;
	v55 =	vmul.f32 v43, v43;
	v56 =	vmul.f32 v47, v47  }
0x1f6: {  	v6 =	vadd.f32 v40, v6;
	v59 =	vmul.f32 v50, v50;
	v60 =	vmul.f32 v50, v43  }
0x1f7: {  	v62 =	vld.idx.msk [tilespmem:v52+s22+$0x0], $0xffff;
	v61 =	vmul.f32 v47, v43;
	v20 =	vmul.f32 v50, v47;
	v11 =	vadd.f32 v41, v11  }
0x1f8: {  	v22 =	vld.idx.msk [tilespmem:v52+s23+$0x0], $0xffff;
	v3 =	vadd.f32 v42, v3;
	v21 =	vmul.f32 v54, v54;
	v23 =	vmul.f32 v57, v57  }
0x1f9: {  	v25 =	vld.idx.msk [tilespmem:v52+s21+$0x0], $0xffff;
	v2 =	vadd.f32 v45, v2;
	v24 =	vmul.f32 v58, v58;
	v26 =	vmul.f32 v58, v54  }
0x1fa: {  	v28 =	vmul.f32 v57, v54;
	v5 =	vadd.f32 v46, v5;
	v7 =	vadd.f32 v48, v7  }
0x1fb: {  	v29 =	vld.idx.msk [tilespmem:v63+s22+$0x0], $0xffff;
	v6 =	vadd.f32 v49, v6;
	v46 =	vor.u32 $0x1C, v1;
	v11 =	vadd.f32 v51, v11  }
0x1fc: {  	v32 =	vld.idx.msk [tilespmem:v63+s23+$0x0], $0xffff;
	v3 =	vadd.f32 v53, v3;
	v2 =	vadd.f32 v4, v2;
	v4 =	vmul.f32 v58, v57  }
0x1fd: {  	v33 =	vld.idx.msk [tilespmem:v63+s21+$0x0], $0xffff;
	v57 =	vor.u32 $0x1D, v1;
	v5 =	vadd.f32 v55, v5;
	v30 =	vmul.f32 v62, v62  }
0x1fe: {  	v7 =	vadd.f32 v56, v7;
	v31 =	vmul.f32 v22, v22;
	v34 =	vmul.f32 v25, v25  }
0x1ff: {  	v6 =	vadd.f32 v59, v6;
	v35 =	vmul.f32 v25, v62;
	v36 =	vmul.f32 v22, v62  }
0x200: {  	v37 =	vld.idx.msk [tilespmem:v27+s22+$0x0], $0xffff;
	v39 =	vmul.f32 v25, v22;
	v22 =	vor.u32 $0x1E, v1;
	v11 =	vadd.f32 v60, v11  }
0x201: {  	v41 =	vld.idx.msk [tilespmem:v27+s23+$0x0], $0xffff;
	v3 =	vadd.f32 v61, v3;
	v2 =	vadd.f32 v20, v2;
	v40 =	vmul.f32 v29, v29  }
0x202: {  	v44 =	vld.idx.msk [tilespmem:v27+s21+$0x0], $0xffff;
	v42 =	vmul.f32 v32, v32;
	v43 =	vmul.f32 v33, v33;
	v5 =	vadd.f32 v21, v5  }
0x203: {  	v45 =	vmul.f32 v33, v29;
	v7 =	vadd.f32 v23, v7;
	v6 =	vadd.f32 v24, v6  }
0x204: {  	v48 =	vld.idx.msk [tilespmem:v38+s22+$0x0], $0xffff;
	v47 =	vmul.f32 v32, v29;
	v11 =	vadd.f32 v26, v11;
	v3 =	vadd.f32 v28, v3  }
0x205: {  	v51 =	vld.idx.msk [tilespmem:v38+s23+$0x0], $0xffff;
	v2 =	vadd.f32 v4, v2;
	v4 =	vmul.f32 v33, v32;
	v33 =	vor.u32 $0x1F, v1  }
0x206: {  	v52 =	vld.idx.msk [tilespmem:v38+s21+$0x0], $0xffff;
	v5 =	vadd.f32 v30, v5;
	v49 =	vmul.f32 v37, v37;
	v50 =	vmul.f32 v41, v41  }
0x207: {  	v7 =	vadd.f32 v31, v7;
	v53 =	vmul.f32 v44, v44;
	v54 =	vmul.f32 v44, v37  }
0x208: {  	v6 =	vadd.f32 v34, v6;
	v55 =	vmul.f32 v41, v37;
	v58 =	vmul.f32 v44, v41  }
0x209: {  	v56 =	vld.idx.msk [tilespmem:v46+s22+$0x0], $0xffff;
	v41 =	vor.u32 $0x20, v1;
	v11 =	vadd.f32 v35, v11;
	v3 =	vadd.f32 v36, v3  }
0x20a: {  	v60 =	vld.idx.msk [tilespmem:v46+s23+$0x0], $0xffff;
	v2 =	vadd.f32 v39, v2;
	v59 =	vmul.f32 v48, v48;
	v61 =	vmul.f32 v51, v51  }
0x20b: {  	v63 =	vld.idx.msk [tilespmem:v46+s21+$0x0], $0xffff;
	v62 =	vmul.f32 v52, v52;
	v5 =	vadd.f32 v40, v5;
	v7 =	vadd.f32 v42, v7  }
0x20c: {  	v24 =	vld.idx.msk [tilespmem:v57+s22+$0x0], $0xffff;
	v21 =	vmul.f32 v52, v48;
	v6 =	vadd.f32 v43, v6;
	v11 =	vadd.f32 v45, v11  }
0x20d: {  	v27 =	vld.idx.msk [tilespmem:v57+s23+$0x0], $0xffff;
	v23 =	vmul.f32 v51, v48;
	v3 =	vadd.f32 v47, v3;
	v2 =	vadd.f32 v4, v2  }
0x20e: {  	v28 =	vld.idx.msk [tilespmem:v57+s21+$0x0], $0xffff;
	v4 =	vmul.f32 v52, v51;
	v52 =	vor.u32 $0x21, v1;
	v5 =	vadd.f32 v49, v5  }
0x20f: {  	v32 =	vld.idx.msk [tilespmem:v22+s22+$0x0], $0xffff;
	v7 =	vadd.f32 v50, v7;
	v25 =	vmul.f32 v56, v56;
	v26 =	vmul.f32 v60, v60  }
0x210: {  	v36 =	vld.idx.msk [tilespmem:v22+s23+$0x0], $0xffff;
	v6 =	vadd.f32 v53, v6;
	v29 =	vmul.f32 v63, v63;
	v30 =	vmul.f32 v63, v56  }
0x211: {  	v39 =	vld.idx.msk [tilespmem:v22+s21+$0x0], $0xffff;
	v31 =	vmul.f32 v60, v56;
	v34 =	vmul.f32 v63, v60;
	v60 =	vor.u32 $0x22, v1  }
0x212: {  	v11 =	vadd.f32 v54, v11;
	v3 =	vadd.f32 v55, v3;
	v35 =	vmul.f32 v24, v24  }
0x213: {  	v2 =	vadd.f32 v58, v2;
	v37 =	vmul.f32 v27, v27;
	v38 =	vmul.f32 v28, v28  }
0x214: {  	v43 =	vld.idx.msk [tilespmem:v33+s22+$0x0], $0xffff;
	v40 =	vmul.f32 v28, v24;
	v42 =	vmul.f32 v27, v24;
	v5 =	vadd.f32 v59, v5  }
0x215: {  	v46 =	vld.idx.msk [tilespmem:v33+s23+$0x0], $0xffff;
	v7 =	vadd.f32 v61, v7;
	v44 =	vmul.f32 v32, v32;
	v45 =	vmul.f32 v36, v36  }
0x216: {  	v47 =	vld.idx.msk [tilespmem:v33+s21+$0x0], $0xffff;
	v6 =	vadd.f32 v62, v6;
	v48 =	vmul.f32 v39, v39;
	v49 =	vmul.f32 v39, v32  }
0x217: {  	v51 =	vld.idx.msk [tilespmem:v41+s22+$0x0], $0xffff;
	v50 =	vmul.f32 v36, v32;
	v53 =	vmul.f32 v39, v36;
	v11 =	vadd.f32 v21, v11  }
0x218: {  	v55 =	vld.idx.msk [tilespmem:v41+s23+$0x0], $0xffff;
	v36 =	vor.u32 $0x24, v1;
	v3 =	vadd.f32 v23, v3;
	v2 =	vadd.f32 v4, v2  }
0x219: {  	v58 =	vld.idx.msk [tilespmem:v41+s21+$0x0], $0xffff;
	v4 =	vmul.f32 v28, v27;
	v5 =	vadd.f32 v25, v5;
	v7 =	vadd.f32 v26, v7  }
0x21a: {  	v28 =	vor.u32 $0x23, v1;
	v6 =	vadd.f32 v29, v6;
	v11 =	vadd.f32 v30, v11  }
0x21b: {  	v3 =	vadd.f32 v31, v3;
	v54 =	vmul.f32 v43, v43;
	v56 =	vmul.f32 v46, v46  }
0x21c: {  	v2 =	vadd.f32 v34, v2;
	v57 =	vmul.f32 v47, v47;
	v59 =	vmul.f32 v47, v43  }
0x21d: {  	v62 =	vld.idx.msk [tilespmem:v52+s22+$0x0], $0xffff;
	v61 =	vmul.f32 v46, v43;
	v5 =	vadd.f32 v35, v5;
	v63 =	vmul.f32 v51, v51  }
0x21e: {  	v22 =	vld.idx.msk [tilespmem:v52+s23+$0x0], $0xffff;
	v7 =	vadd.f32 v37, v7;
	v21 =	vmul.f32 v55, v55;
	v24 =	vmul.f32 v58, v58  }
0x21f: {  	v23 =	vld.idx.msk [tilespmem:v52+s21+$0x0], $0xffff;
	v6 =	vadd.f32 v38, v6;
	v25 =	vmul.f32 v58, v51;
	v26 =	vmul.f32 v55, v51  }
0x220: {  	v27 =	vld.idx.msk [tilespmem:v60+s22+$0x0], $0xffff;
	v29 =	vmul.f32 v58, v55;
	v55 =	vor.u32 $0x26, v1;
	v11 =	vadd.f32 v40, v11  }
0x221: {  	v31 =	vld.idx.msk [tilespmem:v60+s23+$0x0], $0xffff;
	v3 =	vadd.f32 v42, v3;
	v2 =	vadd.f32 v4, v2;
	v4 =	vmul.f32 v47, v46  }
0x222: {  	v34 =	vld.idx.msk [tilespmem:v60+s21+$0x0], $0xffff;
	v47 =	vor.u32 $0x25, v1;
	v5 =	vadd.f32 v44, v5;
	v7 =	vadd.f32 v45, v7  }
0x223: {  	v6 =	vadd.f32 v48, v6;
	v11 =	vadd.f32 v49, v11;
	v30 =	vmul.f32 v62, v62  }
0x224: {  	v3 =	vadd.f32 v50, v3;
	v32 =	vmul.f32 v22, v22;
	v33 =	vmul.f32 v23, v23  }
0x225: {  	v46 =	vld.idx.msk [tilespmem:v36+s22+$0x0], $0xffff;
	v2 =	vadd.f32 v53, v2;
	v35 =	vmul.f32 v23, v62;
	v37 =	vmul.f32 v22, v62  }
0x226: {  	v38 =	vld.idx.msk [tilespmem:v28+s22+$0x0], $0xffff;
	v5 =	vadd.f32 v54, v5;
	v7 =	vadd.f32 v56, v7;
	v39 =	vmul.f32 v27, v27  }
0x227: {  	v41 =	vld.idx.msk [tilespmem:v28+s23+$0x0], $0xffff;
	v6 =	vadd.f32 v57, v6;
	v40 =	vmul.f32 v31, v31;
	v43 =	vmul.f32 v34, v34  }
0x228: {  	v42 =	vld.idx.msk [tilespmem:v28+s21+$0x0], $0xffff;
	v44 =	vmul.f32 v34, v27;
	v45 =	vmul.f32 v31, v27;
	v11 =	vadd.f32 v59, v11  }
0x229: {  	v50 =	vld.idx.msk [tilespmem:v36+s23+$0x0], $0xffff;
	v48 =	vmul.f32 v34, v31;
	v3 =	vadd.f32 v61, v3;
	v2 =	vadd.f32 v4, v2  }
0x22a: {  	v53 =	vld.idx.msk [tilespmem:v36+s21+$0x0], $0xffff;
	v4 =	vmul.f32 v23, v22;
	v22 =	vor.u32 $0x27, v1;
	v5 =	vadd.f32 v63, v5  }
0x22b: {  	v7 =	vadd.f32 v21, v7;
	v6 =	vadd.f32 v24, v6;
	v58 =	vmul.f32 v46, v46  }
0x22c: {  	v11 =	vadd.f32 v25, v11;
	v3 =	vadd.f32 v26, v3;
	v49 =	vmul.f32 v38, v38  }
0x22d: {  	v28 =	vld.idx.msk [tilespmem:v55+s21+$0x0], $0xffff;
	v2 =	vadd.f32 v29, v2;
	v51 =	vmul.f32 v41, v41;
	v52 =	vmul.f32 v42, v42  }
0x22e: {  	v57 =	vld.idx.msk [tilespmem:v47+s22+$0x0], $0xffff;
	v54 =	vmul.f32 v42, v38;
	v56 =	vmul.f32 v41, v38;
	v5 =	vadd.f32 v30, v5  }
0x22f: {  	v60 =	vld.idx.msk [tilespmem:v47+s23+$0x0], $0xffff;
	v7 =	vadd.f32 v32, v7;
	v59 =	vmul.f32 v50, v50;
	v62 =	vmul.f32 v53, v53  }
0x230: {  	v61 =	vld.idx.msk [tilespmem:v47+s21+$0x0], $0xffff;
	v6 =	vadd.f32 v33, v6;
	v63 =	vmul.f32 v53, v46;
	v20 =	vmul.f32 v50, v46  }
0x231: {  	v23 =	vmul.f32 v53, v50;
	v30 =	vor.u32 $0x28, v1;
	v11 =	vadd.f32 v35, v11  }
0x232: {  	v21 =	vld.idx.msk [tilespmem:v55+s22+$0x0], $0xffff;
	v3 =	vadd.f32 v37, v3;
	v2 =	vadd.f32 v4, v2;
	v4 =	vmul.f32 v42, v41  }
0x233: {  	v25 =	vld.idx.msk [tilespmem:v55+s23+$0x0], $0xffff;
	v41 =	vor.u32 $0x29, v1;
	v5 =	vadd.f32 v39, v5;
	v7 =	vadd.f32 v40, v7  }
0x234: {  	v6 =	vadd.f32 v43, v6;
	v37 =	vmul.f32 v28, v28;
	v24 =	vmul.f32 v57, v57  }
0x235: {  	v11 =	vadd.f32 v44, v11;
	v26 =	vmul.f32 v60, v60;
	v27 =	vmul.f32 v61, v61  }
0x236: {  	v3 =	vadd.f32 v45, v3;
	v29 =	vmul.f32 v61, v57;
	v31 =	vmul.f32 v60, v57  }
0x237: {  	v2 =	vadd.f32 v48, v2;
	v33 =	vmul.f32 v21, v21;
	v38 =	vmul.f32 v28, v21  }
0x238: {  	v32 =	vld.idx.msk [tilespmem:v22+s22+$0x0], $0xffff;
	v5 =	vadd.f32 v49, v5;
	v7 =	vadd.f32 v51, v7;
	v34 =	vmul.f32 v25, v25  }
0x239: {  	v35 =	vld.idx.msk [tilespmem:v22+s23+$0x0], $0xffff;
	v6 =	vadd.f32 v52, v6;
	v39 =	vmul.f32 v25, v21;
	v42 =	vmul.f32 v28, v25  }
0x23a: {  	v36 =	vld.idx.msk [tilespmem:v22+s21+$0x0], $0xffff;
	v49 =	vor.u32 $0x2A, v1;
	v11 =	vadd.f32 v54, v11;
	v3 =	vadd.f32 v56, v3  }
0x23b: {  	v25 =	vor.u32 $0x2C, v1;
	v2 =	vadd.f32 v4, v2;
	v5 =	vadd.f32 v58, v5  }
0x23c: {  	v4 =	vmul.f32 v61, v60;
	v7 =	vadd.f32 v59, v7;
	v6 =	vadd.f32 v62, v6  }
0x23d: {  	v40 =	vld.idx.msk [tilespmem:v30+s22+$0x0], $0xffff;
	v60 =	vor.u32 $0x2B, v1;
	v11 =	vadd.f32 v63, v11;
	v3 =	vadd.f32 v20, v3  }
0x23e: {  	v44 =	vld.idx.msk [tilespmem:v30+s23+$0x0], $0xffff;
	v2 =	vadd.f32 v23, v2;
	v43 =	vmul.f32 v32, v32;
	v45 =	vmul.f32 v35, v35  }
0x23f: {  	v47 =	vld.idx.msk [tilespmem:v30+s21+$0x0], $0xffff;
	v46 =	vmul.f32 v36, v36;
	v5 =	vadd.f32 v24, v5;
	v7 =	vadd.f32 v26, v7  }
0x240: {  	v51 =	vld.idx.msk [tilespmem:v41+s22+$0x0], $0xffff;
	v48 =	vmul.f32 v36, v32;
	v6 =	vadd.f32 v27, v6;
	v11 =	vadd.f32 v29, v11  }
0x241: {  	v54 =	vld.idx.msk [tilespmem:v41+s23+$0x0], $0xffff;
	v50 =	vmul.f32 v35, v32;
	v3 =	vadd.f32 v31, v3;
	v2 =	vadd.f32 v4, v2  }
0x242: {  	v55 =	vld.idx.msk [tilespmem:v41+s21+$0x0], $0xffff;
	v4 =	vmul.f32 v36, v35;
	v36 =	vor.u32 $0x2D, v1;
	v5 =	vadd.f32 v33, v5  }
0x243: {  	v7 =	vadd.f32 v34, v7;
	v52 =	vmul.f32 v40, v40;
	v53 =	vmul.f32 v44, v44  }
0x244: {  	v6 =	vadd.f32 v37, v6;
	v56 =	vmul.f32 v47, v47;
	v57 =	vmul.f32 v47, v40  }
0x245: {  	v59 =	vld.idx.msk [tilespmem:v49+s22+$0x0], $0xffff;
	v58 =	vmul.f32 v44, v40;
	v61 =	vmul.f32 v47, v44;
	v44 =	vor.u32 $0x2E, v1  }
0x246: {  	v63 =	vld.idx.msk [tilespmem:v49+s23+$0x0], $0xffff;
	v11 =	vadd.f32 v38, v11;
	v3 =	vadd.f32 v39, v3;
	v62 =	vmul.f32 v51, v51  }
0x247: {  	v23 =	vld.idx.msk [tilespmem:v49+s21+$0x0], $0xffff;
	v2 =	vadd.f32 v42, v2;
	v21 =	vmul.f32 v54, v54;
	v22 =	vmul.f32 v55, v55  }
0x248: {  	v35 =	vld.idx.msk [tilespmem:v25+s22+$0x0], $0xffff;
	v24 =	vmul.f32 v55, v51;
	v5 =	vadd.f32 v43, v5;
	v7 =	vadd.f32 v45, v7  }
0x249: {  	v27 =	vld.idx.msk [tilespmem:v60+s22+$0x0], $0xffff;
	v26 =	vmul.f32 v54, v51;
	v6 =	vadd.f32 v46, v6;
	v11 =	vadd.f32 v48, v11  }
0x24a: {  	v30 =	vld.idx.msk [tilespmem:v60+s23+$0x0], $0xffff;
	v3 =	vadd.f32 v50, v3;
	v2 =	vadd.f32 v4, v2;
	v4 =	vmul.f32 v55, v54  }
0x24b: {  	v31 =	vld.idx.msk [tilespmem:v60+s21+$0x0], $0xffff;
	v55 =	vor.u32 $0x2F, v1;
	v5 =	vadd.f32 v52, v5;
	v28 =	vmul.f32 v59, v59  }
0x24c: {  	v39 =	vld.idx.msk [tilespmem:v25+s23+$0x0], $0xffff;
	v7 =	vadd.f32 v53, v7;
	v29 =	vmul.f32 v63, v63;
	v32 =	vmul.f32 v23, v23  }
0x24d: {  	v42 =	vld.idx.msk [tilespmem:v25+s21+$0x0], $0xffff;
	v6 =	vadd.f32 v56, v6;
	v33 =	vmul.f32 v23, v59;
	v34 =	vmul.f32 v63, v59  }
0x24e: {  	v37 =	vmul.f32 v23, v63;
	v47 =	vmul.f32 v35, v35;
	v63 =	vor.u32 $0x30, v1  }
0x24f: {  	v11 =	vadd.f32 v57, v11;
	v3 =	vadd.f32 v58, v3;
	v38 =	vmul.f32 v27, v27  }
0x250: {  	v2 =	vadd.f32 v61, v2;
	v40 =	vmul.f32 v30, v30;
	v41 =	vmul.f32 v31, v31  }
0x251: {  	v46 =	vld.idx.msk [tilespmem:v36+s22+$0x0], $0xffff;
	v43 =	vmul.f32 v31, v27;
	v45 =	vmul.f32 v30, v27;
	v5 =	vadd.f32 v62, v5  }
0x252: {  	v49 =	vld.idx.msk [tilespmem:v36+s23+$0x0], $0xffff;
	v7 =	vadd.f32 v21, v7;
	v48 =	vmul.f32 v39, v39;
	v51 =	vmul.f32 v42, v42  }
0x253: {  	v50 =	vld.idx.msk [tilespmem:v36+s21+$0x0], $0xffff;
	v6 =	vadd.f32 v22, v6;
	v52 =	vmul.f32 v42, v35;
	v53 =	vmul.f32 v39, v35  }
0x254: {  	v54 =	vld.idx.msk [tilespmem:v44+s22+$0x0], $0xffff;
	v56 =	vmul.f32 v42, v39;
	v39 =	vor.u32 $0x32, v1;
	v11 =	vadd.f32 v24, v11  }
0x255: {  	v58 =	vld.idx.msk [tilespmem:v44+s23+$0x0], $0xffff;
	v3 =	vadd.f32 v26, v3;
	v2 =	vadd.f32 v4, v2;
	v4 =	vmul.f32 v31, v30  }
0x256: {  	v61 =	vld.idx.msk [tilespmem:v44+s21+$0x0], $0xffff;
	v31 =	vor.u32 $0x31, v1;
	v5 =	vadd.f32 v28, v5;
	v7 =	vadd.f32 v29, v7  }
0x257: {  	v6 =	vadd.f32 v32, v6;
	v11 =	vadd.f32 v33, v11;
	v57 =	vmul.f32 v46, v46  }
0x258: {  	v3 =	vadd.f32 v34, v3;
	v59 =	vmul.f32 v49, v49;
	v60 =	vmul.f32 v50, v50  }
0x259: {  	v2 =	vadd.f32 v37, v2;
	v62 =	vmul.f32 v50, v46;
	v21 =	vmul.f32 v49, v46  }
0x25a: {  	v22 =	vld.idx.msk [tilespmem:v55+s22+$0x0], $0xffff;
	v5 =	vadd.f32 v38, v5;
	v23 =	vmul.f32 v54, v54;
	v24 =	vmul.f32 v58, v58  }
0x25b: {  	v25 =	vld.idx.msk [tilespmem:v55+s23+$0x0], $0xffff;
	v7 =	vadd.f32 v40, v7;
	v27 =	vmul.f32 v61, v61;
	v28 =	vmul.f32 v61, v54  }
0x25c: {  	v26 =	vld.idx.msk [tilespmem:v55+s21+$0x0], $0xffff;
	v6 =	vadd.f32 v41, v6;
	v29 =	vmul.f32 v58, v54;
	v32 =	vmul.f32 v61, v58  }
0x25d: {  	v30 =	vld.idx.msk [tilespmem:v63+s22+$0x0], $0xffff;
	v58 =	vor.u32 $0x34, v1;
	v11 =	vadd.f32 v43, v11;
	v3 =	vadd.f32 v45, v3  }
0x25e: {  	v34 =	vld.idx.msk [tilespmem:v63+s23+$0x0], $0xffff;
	v2 =	vadd.f32 v4, v2;
	v4 =	vmul.f32 v50, v49;
	v5 =	vadd.f32 v47, v5  }
0x25f: {  	v37 =	vld.idx.msk [tilespmem:v63+s21+$0x0], $0xffff;
	v50 =	vor.u32 $0x33, v1;
	v7 =	vadd.f32 v48, v7;
	v6 =	vadd.f32 v51, v6  }
0x260: {  	v49 =	vld.idx.msk [tilespmem:v39+s22+$0x0], $0xffff;
	v11 =	vadd.f32 v52, v11;
	v3 =	vadd.f32 v53, v3;
	v33 =	vmul.f32 v22, v22  }
0x261: {  	v2 =	vadd.f32 v56, v2;
	v35 =	vmul.f32 v25, v25;
	v36 =	vmul.f32 v26, v26;
	v53 =	vld.idx.msk [tilespmem:v39+s23+$0x0], $0xffff  }
0x262: {  	v38 =	vmul.f32 v26, v22;
	v40 =	vmul.f32 v25, v22;
	v56 =	vld.idx.msk [tilespmem:v39+s21+$0x0], $0xffff;
	v39 =	vor.u32 $0x37, v1  }
0x263: {  	v41 =	vld.idx.msk [tilespmem:v31+s22+$0x0], $0xffff;
	v5 =	vadd.f32 v57, v5;
	v7 =	vadd.f32 v59, v7;
	v42 =	vmul.f32 v30, v30  }
0x264: {  	v44 =	vld.idx.msk [tilespmem:v31+s23+$0x0], $0xffff;
	v6 =	vadd.f32 v60, v6;
	v43 =	vmul.f32 v34, v34;
	v46 =	vmul.f32 v37, v37  }
0x265: {  	v45 =	vld.idx.msk [tilespmem:v31+s21+$0x0], $0xffff;
	v47 =	vmul.f32 v37, v30;
	v48 =	vmul.f32 v34, v30;
	v11 =	vadd.f32 v62, v11  }
0x266: {  	v51 =	vmul.f32 v37, v34;
	v3 =	vadd.f32 v21, v3;
	v2 =	vadd.f32 v4, v2  }
0x267: {  	v4 =	vmul.f32 v26, v25;
	v25 =	vor.u32 $0x35, v1;
	v5 =	vadd.f32 v23, v5  }
0x268: {  	v7 =	vadd.f32 v24, v7;
	v6 =	vadd.f32 v27, v6;
	v61 =	vmul.f32 v49, v49  }
0x269: {  	v13 =	vld.idx.msk [tilespmem:v58+s21+$0x0], $0xffff;
	v11 =	vadd.f32 v28, v11;
	v3 =	vadd.f32 v29, v3;
	v52 =	vmul.f32 v41, v41  }
0x26a: {  	v60 =	vld.idx.msk [tilespmem:v50+s22+$0x0], $0xffff;
	v2 =	vadd.f32 v32, v2;
	v54 =	vmul.f32 v44, v44;
	v55 =	vmul.f32 v45, v45  }
0x26b: {  	v63 =	vld.idx.msk [tilespmem:v50+s23+$0x0], $0xffff;
	v57 =	vmul.f32 v45, v41;
	v59 =	vmul.f32 v44, v41;
	v5 =	vadd.f32 v33, v5  }
0x26c: {  	v20 =	vld.idx.msk [tilespmem:v50+s21+$0x0], $0xffff;
	v7 =	vadd.f32 v35, v7;
	v62 =	vmul.f32 v53, v53;
	v21 =	vmul.f32 v56, v56  }
0x26d: {  	v24 =	vld.idx.msk [tilespmem:v58+s22+$0x0], $0xffff;
	v6 =	vadd.f32 v36, v6;
	v22 =	vmul.f32 v56, v49;
	v23 =	vmul.f32 v53, v49  }
0x26e: {  	v28 =	vld.idx.msk [tilespmem:v58+s23+$0x0], $0xffff;
	v26 =	vmul.f32 v56, v53;
	v11 =	vadd.f32 v38, v11;
	v3 =	vadd.f32 v40, v3  }
0x26f: {  	v33 =	vor.u32 $0x36, v1;
	v2 =	vadd.f32 v4, v2;
	v5 =	vadd.f32 v42, v5;
	v32 =	vld.idx.msk [tilespmem:v25+s22+$0x0], $0xffff  }
0x270: {  	v4 =	vmul.f32 v45, v44;
	v7 =	vadd.f32 v43, v7;
	v6 =	vadd.f32 v46, v6;
	v35 =	vld.idx.msk [tilespmem:v25+s23+$0x0], $0xffff  }
0x271: {  	v37 =	vmul.f32 v13, v13;
	v17 =	vld.idx.msk [tilespmem:v25+s21+$0x0], $0xffff;
	v46 =	vor.u32 $0x38, v1;
	v25 =	vor.u32 $0x3D, v1  }
0x272: {  	v11 =	vadd.f32 v47, v11;
	v27 =	vmul.f32 v60, v60;
	v29 =	vmul.f32 v63, v63  }
0x273: {  	v3 =	vadd.f32 v48, v3;
	v30 =	vmul.f32 v20, v20;
	v31 =	vmul.f32 v20, v60  }
0x274: {  	v2 =	vadd.f32 v51, v2;
	v9 =	vmul.f32 v63, v60;
	v34 =	vmul.f32 v24, v24  }
0x275: {  	v49 =	vld.idx.msk [tilespmem:v39+s22+$0x0], $0xffff;
	v38 =	vmul.f32 v13, v24;
	v5 =	vadd.f32 v52, v5;
	v7 =	vadd.f32 v54, v7  }
0x276: {  	v6 =	vadd.f32 v55, v6;
	v36 =	vmul.f32 v28, v28;
	v40 =	vmul.f32 v28, v24  }
0x277: {  	v41 =	vmul.f32 v13, v28;
	v11 =	vadd.f32 v57, v11;
	v3 =	vadd.f32 v59, v3  }
0x278: {  	v52 =	vor.u32 $0x39, v1;
	v2 =	vadd.f32 v4, v2;
	v5 =	vadd.f32 v61, v5  }
0x279: {  	v51 =	vld.idx.msk [tilespmem:v39+s23+$0x0], $0xffff;
	v4 =	vmul.f32 v20, v63;
	v7 =	vadd.f32 v62, v7;
	v6 =	vadd.f32 v21, v6  }
0x27a: {  	v54 =	vld.idx.msk [tilespmem:v39+s21+$0x0], $0xffff;
	v62 =	vmul.f32 v49, v49;
	v11 =	vadd.f32 v22, v11;
	v42 =	vmul.f32 v32, v32  }
0x27b: {  	v43 =	vld.idx.msk [tilespmem:v33+s22+$0x0], $0xffff;
	v3 =	vadd.f32 v23, v3;
	v44 =	vmul.f32 v35, v35;
	v47 =	vmul.f32 v17, v17  }
0x27c: {  	v45 =	vld.idx.msk [tilespmem:v33+s23+$0x0], $0xffff;
	v2 =	vadd.f32 v26, v2;
	v48 =	vmul.f32 v17, v32;
	v8 =	vmul.f32 v35, v32  }
0x27d: {  	v12 =	vld.idx.msk [tilespmem:v33+s21+$0x0], $0xffff;
	v50 =	vmul.f32 v17, v35;
	v5 =	vadd.f32 v27, v5;
	v7 =	vadd.f32 v29, v7  }
0x27e: {  	v6 =	vadd.f32 v30, v6;
	v35 =	vmul.f32 v51, v51;
	v27 =	vor.u32 $0x3E, v1  }
0x27f: {  	v13 =	vmul.f32 v51, v49;
	v10 =	vadd.f32 v31, v11;
	v3 =	vadd.f32 v9, v3  }
0x280: {  	v24 =	vld.idx.msk [tilespmem:v19+s23+$0x0], $0xffff;
	v2 =	vadd.f32 v4, v2;
	v22 =	vmul.f32 v54, v54;
	v28 =	vmul.f32 v54, v49  }
0x281: {  	v56 =	vld.idx.msk [tilespmem:v46+s22+$0x0], $0xffff;
	v5 =	vadd.f32 v34, v5;
	v4 =	vadd.f32 v36, v7;
	v53 =	vmul.f32 v43, v43  }
0x282: {  	v21 =	vld.idx.msk [tilespmem:v46+s23+$0x0], $0xffff;
	v6 =	vadd.f32 v37, v6;
	v55 =	vmul.f32 v45, v45;
	v57 =	vmul.f32 v12, v12  }
0x283: {  	v23 =	vld.idx.msk [tilespmem:v19+s22+$0x0], $0xffff;
	v20 =	vmul.f32 v12, v43;
	v58 =	vmul.f32 v45, v43;
	v9 =	vadd.f32 v38, v10  }
0x284: {  	v26 =	vld.idx.msk [tilespmem:v16+s23+$0x0], $0xffff;
	v60 =	vmul.f32 v12, v45;
	v3 =	vadd.f32 v40, v3;
	v2 =	vadd.f32 v41, v2  }
0x285: {  	v59 =	vld.idx.msk [tilespmem:v46+s21+$0x0], $0xffff;
	v41 =	vmul.f32 v24, v24;
	v5 =	vadd.f32 v42, v5;
	v7 =	vadd.f32 v48, v9  }
0x286: {  	v61 =	vld.idx.msk [tilespmem:v52+s22+$0x0], $0xffff;
	v4 =	vadd.f32 v44, v4;
	v6 =	vadd.f32 v47, v6;
	v36 =	vmul.f32 v56, v56  }
0x287: {  	v63 =	vld.idx.msk [tilespmem:v52+s23+$0x0], $0xffff;
	v5 =	vadd.f32 v53, v5;
	v7 =	vadd.f32 v20, v7;
	v20 =	vor.u32 $0x3C, v1  }
0x288: {  	v37 =	vmul.f32 v21, v21;
	v40 =	vmul.f32 v23, v23;
	v6 =	vadd.f32 v57, v6  }
0x289: {  	v43 =	vmul.f32 v26, v26;
	v4 =	vadd.f32 v55, v4;
	v5 =	vadd.f32 v62, v5  }
0x28a: {  	v32 =	vmul.f32 v59, v59;
	v34 =	vmul.f32 v59, v56;
	v6 =	vadd.f32 v22, v6;
	v22 =	vld.idx.msk [tilespmem:v16+s22+$0x0], $0xffff  }
0x28b: {  	v31 =	vld.idx.msk [tilespmem:v25+s23+$0x0], $0xffff;
	v38 =	vmul.f32 v61, v61;
	v4 =	vadd.f32 v35, v4;
	v5 =	vadd.f32 v36, v5  }
0x28c: {  	v3 =	vadd.f32 v8, v3;
	v39 =	vmul.f32 v63, v63;
	v7 =	vadd.f32 v28, v7;
	v29 =	vld.idx.msk [tilespmem:v20+s22+$0x0], $0xffff  }
0x28d: {  	v1 =	vor.u32 $0x3F, v1;
	v28 =	vld.idx.msk [tilespmem:v25+s22+$0x0], $0xffff;
	v4 =	vadd.f32 v37, v4;
	v5 =	vadd.f32 v38, v5  }
0x28e: {  	v18 =	vmul.f32 v21, v56;
	v2 =	vadd.f32 v50, v2;
	v3 =	vadd.f32 v58, v3;
	v30 =	vld.idx.msk [tilespmem:v20+s23+$0x0], $0xffff  }
0x28f: {  	v17 =	vld.idx.msk [tilespmem:v52+s21+$0x0], $0xffff;
	v4 =	vadd.f32 v39, v4;
	v42 =	vmul.f32 v22, v22;
	v5 =	vadd.f32 v40, v5  }
0x290: {  	v9 =	vmul.f32 v54, v51;
	v11 =	vld.idx.msk [tilespmem:v27+s22+$0x0], $0xffff;
	v2 =	vadd.f32 v60, v2;
	v3 =	vadd.f32 v13, v3  }
0x291: {  	v13 =	vld.idx.msk [tilespmem:v27+s23+$0x0], $0xffff;
	v4 =	vadd.f32 v41, v4;
	v5 =	vadd.f32 v42, v5;
	v44 =	vmul.f32 v29, v29  }
0x292: {  	v14 =	vmul.f32 v59, v21;
	v2 =	vadd.f32 v9, v2;
	v9 =	vld.idx.msk [tilespmem:v1+s22+$0x0], $0xffff;
	v46 =	vmul.f32 v28, v28  }
0x293: {  	v4 =	vadd.f32 v43, v4;
	v45 =	vmul.f32 v30, v30;
	v5 =	vadd.f32 v44, v5  }
0x294: {  	v47 =	vmul.f32 v31, v31;
	v52 =	vmul.f32 v17, v17;
	v33 =	vld.idx.msk [tilespmem:v1+s23+$0x0], $0xffff  }
0x295: {  	v54 =	vld.idx.msk [tilespmem:v19+s21+$0x0], $0xffff;
	v48 =	vmul.f32 v11, v11;
	v4 =	vadd.f32 v45, v4;
	v5 =	vadd.f32 v46, v5  }
0x296: {  	v53 =	vmul.f32 v17, v61;
	v49 =	vmul.f32 v13, v13  }
0x297: {  	v50 =	vmul.f32 v9, v9;
	v4 =	vadd.f32 v47, v4;
	v5 =	vadd.f32 v48, v5  }
0x298: {  	v12 =	vmul.f32 v63, v61;
	v60 =	vmul.f32 v17, v63  }
0x299: {  	v51 =	vmul.f32 v33, v33;
	v4 =	vadd.f32 v49, v4;
	v5 =	vadd.f32 v50, v5  }
0x29a: {  	v6 =	vadd.f32 v32, v6;
	v63 =	vmul.f32 v54, v54;
	v35 =	vmul.f32 v54, v23  }
0x29b: {  	v36 =	vmul.f32 v24, v23;
	v4 =	vadd.f32 v51, v4;
	v55 =	vmax.f32 v5, $1.000000020e-24  }
0x29c: {  	v61 =	vld.idx.msk [tilespmem:v16+s21+$0x0], $0xffff;
	v2 =	vadd.f32 v14, v2;
	v56 =	vshrl.u32 v55, $0x1;
	v14 =	vmul.f32 $5.000000000e-01, v55  }
0x29d: {  	v3 =	vadd.f32 v18, v3;
	v57 =	vmax.f32 v4, $1.000000020e-24;
	v18 =	vsub.s32 $0x5F3759DF, v56  }
0x29e: {  	v58 =	vshrl.u32 v57, $0x1;
	v19 =	vmul.f32 $5.000000000e-01, v57;
	v59 =	vmul.f32 v18, v14  }
0x29f: {  	v37 =	vmul.f32 v54, v24;
	v7 =	vadd.f32 v34, v7;
	v21 =	vsub.s32 $0x5F3759DF, v58  }
0x2a0: {  	v62 =	vmul.f32 v21, v19;
	v34 =	vmul.f32 v18, v59  }
0x2a1: {  	v15 =	vmul.f32 v61, v26;
	v6 =	vadd.f32 v52, v6;
	v7 =	vadd.f32 v53, v7  }
0x2a2: {  	v38 =	vld.idx.msk [tilespmem:v20+s21+$0x0], $0xffff;
	v3 =	vadd.f32 v12, v3;
	v16 =	vmul.f32 v21, v62;
	v17 =	vsub.f32 $1.500000000e+00, v34  }
0x2a3: {  	v2 =	vadd.f32 v60, v2;
	v6 =	vadd.f32 v63, v6;
	v40 =	vmul.f32 v61, v61  }
0x2a4: {  	v53 =	vmul.f32 v31, v28;
	v16 =	vsub.f32 $1.500000000e+00, v16;
	v39 =	vmul.f32 v18, v17  }
0x2a5: {  	v7 =	vadd.f32 v35, v7;
	v3 =	vadd.f32 v36, v3;
	v42 =	vmul.f32 v61, v22  }
0x2a6: {  	v2 =	vadd.f32 v37, v2;
	v41 =	vmul.f32 v21, v16;
	v18 =	vmul.f32 v39, v14  }
0x2a7: {  	v6 =	vadd.f32 v40, v6;
	v43 =	vmul.f32 v26, v22;
	v10 =	vmul.f32 v38, v30;
	v44 =	vld.idx.msk [tilespmem:v25+s21+$0x0], $0xffff  }
0x2a8: {  	v2 =	vadd.f32 v15, v2;
	v45 =	vmul.f32 v41, v19;
	v18 =	vmul.f32 v18, v39  }
0x2a9: {  	v7 =	vadd.f32 v42, v7;
	v3 =	vadd.f32 v43, v3;
	v47 =	vmul.f32 v38, v29  }
0x2aa: {  	v2 =	vadd.f32 v10, v2;
	v20 =	vmul.f32 v45, v41;
	v18 =	vsub.f32 $1.500000000e+00, v18  }
0x2ab: {  	v46 =	vmul.f32 v38, v38;
	v48 =	vmul.f32 v30, v29;
	v7 =	vadd.f32 v47, v7  }
0x2ac: {  	v52 =	vmul.f32 v44, v28;
	v51 =	vld.idx.msk [tilespmem:v27+s21+$0x0], $0xffff;
	v49 =	vsub.f32 $1.500000000e+00, v20;
	v12 =	vmul.f32 v18, v39  }
0x2ad: {  	v54 =	vmul.f32 v44, v31;
	v3 =	vadd.f32 v48, v3;
	v50 =	vmul.f32 v44, v44  }
0x2ae: {  	v1 =	vld.idx.msk [tilespmem:v1+s21+$0x0], $0xffff;
	v6 =	vadd.f32 v46, v6;
	v8 =	vmul.f32 v49, v41;
	v14 =	vmul.f32 v12, v14  }
0x2af: {  	v7 =	vadd.f32 v52, v7;
	v3 =	vadd.f32 v53, v3;
	v56 =	vmul.f32 v13, v11  }
0x2b0: {  	v2 =	vadd.f32 v54, v2;
	v55 =	vmul.f32 v8, v19;
	v14 =	vmul.f32 v14, v12  }
0x2b1: {  	v6 =	vadd.f32 v50, v6;
	v57 =	vmul.f32 v51, v11;
	v3 =	vadd.f32 v56, v3  }
0x2b2: {  	v59 =	vmul.f32 v33, v9;
	v58 =	vmul.f32 v55, v8;
	v14 =	vsub.f32 $1.500000000e+00, v14  }
0x2b3: {  	v60 =	vmul.f32 v51, v13;
	v7 =	vadd.f32 v57, v7;
	v9 =	vmul.f32 v1, v9  }
0x2b4: {  	v3 =	vadd.f32 v59, v3;
	v11 =	vsub.f32 $1.500000000e+00, v58;
	v12 =	vmul.f32 v14, v12  }
0x2b5: {  	v61 =	vmul.f32 v51, v51;
	v2 =	vadd.f32 v60, v2;
	v62 =	vmul.f32 v1, v33  }
0x2b6: {  	v7 =	vadd.f32 v9, v7;
	v8 =	vmul.f32 v11, v8;
	v3 =	vmul.f32 v12, v3  }
0x2b7: {  	v6 =	vadd.f32 v61, v6;
	v1 =	vmul.f32 v1, v1;
	v5 =	vmul.f32 v12, v5  }
0x2b8: {  	v2 =	vadd.f32 v62, v2;
	v7 =	vmul.f32 v12, v7;
	v3 =	vmul.f32 v8, v3  }
0x2b9: {  	v1 =	vadd.f32 v1, v6;
	v4 =	vmul.f32 v8, v4  }
0x2ba: {  	v2 =	vmul.f32 v8, v2;
	v5 =	vmul.f32 v5, v12;
	v3 =	vsub.f32 v7, v3;
	_ =	sdelay $0x1  }
0x2bb: {  	v4 =	vmul.f32 v4, v8;
	v1 =	vadd.f32 v5, v1;
	v2 =	vsub.f32 v3, v2;
	_ =	sdelay $0x1  }
0x2bc: {  	v1 =	vadd.f32 v4, v1;
	v2 =	vadd.f32 v2, v2;
	_ =	sdelay $0x1  }
0x2bd: {  	v1 =	vadd.f32 v2, v1;
	_ =	sdelay $0x1  }
0x2be: {  	v2 =	vmax.f32 v1, $1.000000020e-24  }
0x2bf: {  	v3 =	vshrl.u32 v2, $0x1;
	v2 =	vmul.f32 $5.000000000e-01, v2  }
0x2c0: {  	v3 =	vsub.s32 $0x5F3759DF, v3  }
0x2c1: {  	v63 =	vmul.f32 v3, v2;
	_ =	sdelay $0x1  }
0x2c2: {  	v4 =	vmul.f32 v3, v63;
	_ =	sdelay $0x1  }
0x2c3: {  	v4 =	vsub.f32 $1.500000000e+00, v4;
	_ =	sdelay $0x1  }
0x2c4: {  	v3 =	vmul.f32 v3, v4;
	_ =	sdelay $0x1  }
0x2c5: {  	v4 =	vmul.f32 v3, v2;
	_ =	sdelay $0x1  }
0x2c6: {  	v4 =	vmul.f32 v4, v3;
	_ =	sdelay $0x1  }
0x2c7: {  	v4 =	vsub.f32 $1.500000000e+00, v4;
	_ =	sdelay $0x1  }
0x2c8: {  	v3 =	vmul.f32 v4, v3;
	_ =	sdelay $0x1  }
0x2c9: {  	v2 =	vmul.f32 v3, v2;
	_ =	sdelay $0x1  }
0x2ca: {  	v2 =	vmul.f32 v2, v3;
	_ =	sdelay $0x1  }
0x2cb: {  	v2 =	vsub.f32 $1.500000000e+00, v2;
	_ =	sdelay $0x1  }
0x2cc: {  	v2 =	vmul.f32 v2, v3  }
0x2cd: {  	p0 =	sne.s32 s2, $0x70;
	v1 =	vmax.f32 v1, $0.0e+00  }
.Ltmp1:
0x2ce: {  	v1 =	vmul.f32 v2, v1;
	(pc) =	sbr.rel @p0 .LBB2_5-.Ltmp1, $3  }
0x2cf: {  	_ = 	snop  }
0x2d0: {  	v1 =	vsub.f32 $0.0e+00, v1;
	_ =	sdelay $0x1  }
0x2d1: {  	s2 =	sadd.s32 $0x10, s2;
	[tilespmem:s31+$0x0] =	vst v1;
	s31 =	sadd.s32 $0x10, s31  }
0x2d2: {  	s0 =	sadd.s32 $0x1, s0  }
0x2d3: {  	p0 =	sne.s32 s0, $0x4  }
.Ltmp2:
0x2d4: {  	_ = 	snop;
	(pc) =	sbr.rel @p0 .LBB2_2-.Ltmp2, $2  }
0x2d5: {  	_ =	sdelay $0x2  }
0x2d6: {  	s14 =	sadd.s32 $0x80, s14;
	s30 =	sadd.s32 $0x80, s30  }
0x2d7: {  	[hbm4b:s10+s1] =	stream.linear.scatter [tilespmem:s26], [sflag:$0x3], $0x200, $0x38;
	[tilespmem:$0xAE00] =	vst v63  }
0x2d8: {  	s29 =	sadd.s32 $0x1, s29;
	_ =	swait.ge [sflag:s13], $0x200  }
0x2d9: {  	p0 =	sne.s32 s29, s12;
	[sflag:s13] =	ssyncset.done $0x0  }
.Ltmp3:
0x2da: {  	[sflag:s13] =	ssyncadd.s32 $0xFFFFFE00;
	(pc) =	sbr.rel @p0 .LBB2_1-.Ltmp3, $4  }
0x2db: {  	[hbm4b:s11+s1] =	stream.linear.scatter [tilespmem:s28], [sflag:$0x3], $0x200, $0x38;
	[tilespmem:$0xAE00] =	vst v63  }
0x2dc: {  	_ =	swait.ge [sflag:s13], $0x200  }
0x2dd: {  	[sflag:s13] =	ssyncset.done $0x0  }
0x2de: {  	[sflag:s13] =	ssyncadd.s32 $0xFFFFFE00  }
0x2df: {  	_ =	sfence.sel $0x180000  }
0x2e0: {  	[bflag:$0x0] =	sbarrier.arrive $0xFFFF  }
0x2e1: {  	_ =	strace $0x90000047  }
0x2e2: {  	s0 =	stileid.u32;
	[bflag:$0x2] =	sbarrier.arrive $0xFFFF  }
0x2e3: {  	p0 =	sne.s32 s0, $0x0;
	s0 =	rddreg [dreg:$0x8]  }
0x2e4: {  	s0 =	sadd.s32 @!p0 $0x100000, s0  }
0x2e5: {  	[sflag:s0] =	ssyncadd.tile.s32 @!p0 $0x1;
	_ =	shalt  }
.Lfunc_end2:
_tile_overlayer_lowered:
.L_overlay_start_2:
0x2e6: {  	(tag) =	ssettag $0x2  }
0x2e7: {  	s0 =	rddreg [dreg:$0x0];
	s2 =	stileid.u32  }
0x2e8: {  	s1 =	rddreg [dreg:$0x1];
	p0 =	sne.s32 s2, $0x0  }
0x2e9: {  	s3 =	rddreg [dreg:$0x2];
	[bflag:$0x3] =	sbarrier.arrive $0xFFFF;
	s2 =	simm.s32 @!p0 $0x1C03  }
0x2ea: {  	[timem:s3], [sflag:s2] =	dma.local @!p0 [hbm:s0], s1  }
0x2eb: {  	s0 =	simm.s32 @!p0 $0x3  }
0x2ec: {  	_ =	swait.ge @!p0 [sflag:s0], s1  }
0x2ed: {  	s1 =	ssub.s32 @!p0 $0x0, s1;
	[sflag:s0] =	ssyncset.done @!p0 $0x0  }
0x2ee: {  	[sflag:s0] =	ssyncadd.s32 @!p0 s1  }
0x2ef: {  	[bflag:$0x3] =	sbarrier.arrive $0xFFFF  }
0x2f0: {  	_ =	shalt  }

</sc_bundles>
